<compile_context>
chip_gen: v7x
topology: tpu7x:2x2x1
jax: 0.10.2.dev20260603
libtpu: 0.0.44.dev20260713+nightly
codegen_flags: <defaults>
</compile_context>

<pallas_src>
import dataclasses

import jax
import jax.numpy as jnp
from jax import lax
from jax.experimental import pallas as pl
from jax.experimental.pallas import tpu as pltpu
from jax.experimental.pallas import tpu_sc as plsc

B = 16384
F = 64
L = 16
NC, NS = 2, 16
NW = NC * NS
BPW = B // NW
SR = 8
CH = 16
NCHUNK = BPW // CH


def _cf_body(users_hbm, items_hbm, ue_hbm, ub_hbm, ie_hbm, ib_hbm, out_hbm,
             uidx_v, iidx_v, ue_v, ie_v, ub_v, ib_v, out_v,
             sem_u, sem_i, sem_ub, sem_ib):
    wid = lax.axis_index("s") * NC + lax.axis_index("c")
    base = wid * BPW

    pltpu.sync_copy(users_hbm.at[pl.ds(base, BPW)], uidx_v)
    pltpu.sync_copy(items_hbm.at[pl.ds(base, BPW)], iidx_v)

    cub = pltpu.async_copy(ub_hbm.at[uidx_v], ub_v, sem_ub)
    cib = pltpu.async_copy(ib_hbm.at[iidx_v], ib_v, sem_ib)

    lane = lax.broadcasted_iota(jnp.int32, (L,), 0)
    nc = F // L

    def enqueue_chunk(tc, buf):
        b0 = tc * CH
        for g in range(0, CH, L):
            uvec = uidx_v[pl.ds(b0 + g, L)]
            ivec = iidx_v[pl.ds(b0 + g, L)]
            for j in range(L):
                ru = uvec[j] >> 3
                ri = ivec[j] >> 3
                pltpu.async_copy(ue_hbm.at[ru], ue_v.at[buf, g + j], sem_u)
                pltpu.async_copy(ie_hbm.at[ri], ie_v.at[buf, g + j], sem_i)

    enqueue_chunk(0, 0)
    enqueue_chunk(1, 1)
    cub.wait()
    cib.wait()

    @pl.loop(0, NCHUNK)
    def _(t):
        b0 = t * CH
        cb = t % 3

        @pl.when(t + 2 < NCHUNK)
        def _():
            enqueue_chunk(t + 2, (t + 2) % 3)

        pltpu.make_async_copy(ue_hbm.at[pl.ds(0, CH)], ue_v.at[0],
                              sem_u).wait()
        pltpu.make_async_copy(ie_hbm.at[pl.ds(0, CH)], ie_v.at[0],
                              sem_i).wait()

        for g in range(0, CH, L):
            uvec = uidx_v[pl.ds(b0 + g, L)]
            ivec = iidx_v[pl.ds(b0 + g, L)]
            ur = uvec & (SR - 1)
            ir = ivec & (SR - 1)

            res = ub_v[pl.ds(b0 + g, L)] + ib_v[pl.ds(b0 + g, L)]
            for j in range(L):
                su = ur[j]
                si = ir[j]
                acc = (ue_v[cb, g + j, su, pl.ds(0, L)]
                       * ie_v[cb, g + j, si, pl.ds(0, L)])
                for c in range(1, nc):
                    acc = acc + (ue_v[cb, g + j, su, pl.ds(c * L, L)]
                                 * ie_v[cb, g + j, si, pl.ds(c * L, L)])
                res = jnp.where(lane == j, res + jnp.sum(acc), res)
            out_v[pl.ds(b0 + g, L)] = res

    pltpu.sync_copy(out_v, out_hbm.at[pl.ds(base, BPW)])


def kernel(users, items, user_emb, user_bias, item_emb, item_bias):
    mesh = plsc.VectorSubcoreMesh(core_axis_name="c", subcore_axis_name="s")
    cp = pltpu.CompilerParams()
    if "needs_layout_passes" in pltpu.CompilerParams.__dataclass_fields__:
        cp = dataclasses.replace(cp, needs_layout_passes=False)
    k = pl.kernel(
        _cf_body,
        out_type=jax.ShapeDtypeStruct((B,), jnp.float32),
        mesh=mesh,
        compiler_params=cp,
        scratch_types=[
            pltpu.VMEM((BPW,), jnp.int32),
            pltpu.VMEM((BPW,), jnp.int32),
            pltpu.VMEM((3, CH, SR, F), jnp.float32),
            pltpu.VMEM((3, CH, SR, F), jnp.float32),
            pltpu.VMEM((BPW,), jnp.float32),
            pltpu.VMEM((BPW,), jnp.float32),
            pltpu.VMEM((BPW,), jnp.float32),
            pltpu.SemaphoreType.DMA,
            pltpu.SemaphoreType.DMA,
            pltpu.SemaphoreType.DMA,
            pltpu.SemaphoreType.DMA,
        ],
    )
    n_users = user_emb.shape[0]
    n_items = item_emb.shape[0]
    return k(users.astype(jnp.int32), items.astype(jnp.int32),
             user_emb.reshape(n_users // SR, SR, F), user_bias.reshape(-1),
             item_emb.reshape(n_items // SR, SR, F), item_bias.reshape(-1))

# --- scband reference (transcript-rebuilt; emitter-appended) ---
"""Pipeline reference for scband-simple-cfwith-bias-16423954940292 (READ-ONLY COPY).

The authoritative reference and input builder live on the scoring server;
editing this copy changes nothing except your own understanding.
"""

import jax, jax.numpy as jnp
import numpy as np

N_USERS = 1000000
N_ITEMS = 1000000
N_FACTORS = 64
BATCH = 16384


def setup_inputs(seed: int = 0) -> dict:
    key = jax.random.key(seed)
    k1, k2, k3, k4, k5, k6 = jax.random.split(key, 6)
    users = jax.random.randint(k1, (BATCH,), 0, N_USERS, dtype=jnp.int64 if jax.config.jax_enable_x64 else jnp.int32)
    items = jax.random.randint(k2, (BATCH,), 0, N_ITEMS, dtype=jnp.int64 if jax.config.jax_enable_x64 else jnp.int32)
    # nn.init.normal_ default: mean=0, std=1
    user_emb = jax.random.normal(k3, (N_USERS, N_FACTORS), dtype=jnp.float32)
    user_bias = jax.random.normal(k4, (N_USERS, 1), dtype=jnp.float32)
    item_emb = jax.random.normal(k5, (N_ITEMS, N_FACTORS), dtype=jnp.float32)
    item_bias = jax.random.normal(k6, (N_ITEMS, 1), dtype=jnp.float32)
    return {
        "users": users,
        "items": items,
        "user_emb": user_emb,
        "user_bias": user_bias,
        "item_emb": item_emb,
        "item_bias": item_bias,
    }


def reference(users, items, user_emb, user_bias, item_emb, item_bias):
    # dropout_p = 0 -> dropout is identity
    ues = jnp.take(user_emb, users, axis=0)            # [B, F]
    uis = jnp.take(item_emb, items, axis=0)            # [B, F]
    preds = jnp.take(user_bias, users, axis=0)         # [B, 1]
    preds = preds + jnp.take(item_bias, items, axis=0) # [B, 1]
    preds = preds + jnp.sum(ues * uis, axis=1, keepdims=True)
    return jnp.squeeze(preds)                          # [B]

if __name__ == "__main__":
    import jax
    _d = setup_inputs()
    print(jax.jit(kernel)(*tuple(_d.values())))

</pallas_src>

<mosaic_0001>
#map = affine_map<(d0, d1) -> (0)>
#map1 = affine_map<(d0, d1) -> (0, 0, 0)>
module attributes {stable_mosaic.version = 14 : i64} {
  func.func @_cf_body(%arg0: i32, %arg1: i32, %arg2: memref<16384xi32, #tpu.memory_space<hbm>>, %arg3: memref<16384xi32, #tpu.memory_space<hbm>>, %arg4: memref<125000x8x64xf32, #tpu.memory_space<hbm>>, %arg5: memref<1000000xf32, #tpu.memory_space<hbm>>, %arg6: memref<125000x8x64xf32, #tpu.memory_space<hbm>>, %arg7: memref<1000000xf32, #tpu.memory_space<hbm>>, %arg8: memref<16384xf32, #tpu.memory_space<hbm>>, %arg9: memref<512xi32, #tpu.memory_space<vmem>>, %arg10: memref<512xi32, #tpu.memory_space<vmem>>, %arg11: memref<3x16x8x64xf32, #tpu.memory_space<vmem>>, %arg12: memref<3x16x8x64xf32, #tpu.memory_space<vmem>>, %arg13: memref<512xf32, #tpu.memory_space<vmem>>, %arg14: memref<512xf32, #tpu.memory_space<vmem>>, %arg15: memref<512xf32, #tpu.memory_space<vmem>>, %arg16: memref<!tpu.dma_semaphore, #tpu.memory_space<semaphore_mem>>, %arg17: memref<!tpu.dma_semaphore, #tpu.memory_space<semaphore_mem>>, %arg18: memref<!tpu.dma_semaphore, #tpu.memory_space<semaphore_mem>>, %arg19: memref<!tpu.dma_semaphore, #tpu.memory_space<semaphore_mem>>) attributes {dimension_semantics = [#tpu.dimension_semantics<core_parallel>, #tpu.dimension_semantics<subcore_parallel>], iteration_bounds = array<i64: 2, 16>, scalar_prefetch = 0 : i64, scratch_operands = 11 : i64, tpu.core_type = #tpu.core_type<sc_vector_subcore>, window_params = [{transform_indices = #map}, {transform_indices = #map}, {transform_indices = #map1}, {transform_indices = #map}, {transform_indices = #map1}, {transform_indices = #map}, {transform_indices = #map}]} {
    %mul3A = arith.constant 2 : i32
    %mul3A_0 = arith.muli %arg1, %mul3A : i32
    %add3A = arith.addi %mul3A_0, %arg0 : i32
    %mul3A_1 = arith.constant 512 : i32
    %mul3A_2 = arith.muli %add3A, %mul3A_1 : i32
    "tpu.region"() ({
      %run_scoped3A = tpu.sem_alloc : memref<!tpu.dma_semaphore, #tpu.memory_space<semaphore_mem>>
      %dma_start3A_1425 = tpu.memref_slice %arg2[%mul3A_2] : memref<16384xi32, #tpu.memory_space<hbm>> -> memref<512xi32, #tpu.memory_space<hbm>>
      %dma_start3A_1426 = tpu.memref_slice %arg2[%mul3A_2] : memref<16384xi32, #tpu.memory_space<hbm>> -> memref<512xi32, #tpu.memory_space<hbm>>
      tpu.enqueue_dma source(%dma_start3A_1426 : memref<512xi32, #tpu.memory_space<hbm>>) target(%arg9 : memref<512xi32, #tpu.memory_space<vmem>>) target_semaphore(%run_scoped3A : memref<!tpu.dma_semaphore, #tpu.memory_space<semaphore_mem>>)
      %dma_wait3A_1427 = tpu.memref_slice %arg2[%mul3A_2] : memref<16384xi32, #tpu.memory_space<hbm>> -> memref<512xi32, #tpu.memory_space<hbm>>
      %dma_wait3A_1428 = tpu.memref_slice %arg2[%mul3A_2] : memref<16384xi32, #tpu.memory_space<hbm>> -> memref<512xi32, #tpu.memory_space<hbm>>
      tpu.wait_dma2 semaphore(%run_scoped3A : memref<!tpu.dma_semaphore, #tpu.memory_space<semaphore_mem>>) src(%dma_wait3A_1428 : memref<512xi32, #tpu.memory_space<hbm>>) dst(%arg9 : memref<512xi32, #tpu.memory_space<vmem>>)
      tpu.yield
    }) : () -> ()
    "tpu.region"() ({
      %run_scoped3A = tpu.sem_alloc : memref<!tpu.dma_semaphore, #tpu.memory_space<semaphore_mem>>
      %dma_start3A_1425 = tpu.memref_slice %arg3[%mul3A_2] : memref<16384xi32, #tpu.memory_space<hbm>> -> memref<512xi32, #tpu.memory_space<hbm>>
      %dma_start3A_1426 = tpu.memref_slice %arg3[%mul3A_2] : memref<16384xi32, #tpu.memory_space<hbm>> -> memref<512xi32, #tpu.memory_space<hbm>>
      tpu.enqueue_dma source(%dma_start3A_1426 : memref<512xi32, #tpu.memory_space<hbm>>) target(%arg10 : memref<512xi32, #tpu.memory_space<vmem>>) target_semaphore(%run_scoped3A : memref<!tpu.dma_semaphore, #tpu.memory_space<semaphore_mem>>)
      %dma_wait3A_1427 = tpu.memref_slice %arg3[%mul3A_2] : memref<16384xi32, #tpu.memory_space<hbm>> -> memref<512xi32, #tpu.memory_space<hbm>>
      %dma_wait3A_1428 = tpu.memref_slice %arg3[%mul3A_2] : memref<16384xi32, #tpu.memory_space<hbm>> -> memref<512xi32, #tpu.memory_space<hbm>>
      tpu.wait_dma2 semaphore(%run_scoped3A : memref<!tpu.dma_semaphore, #tpu.memory_space<semaphore_mem>>) src(%dma_wait3A_1428 : memref<512xi32, #tpu.memory_space<hbm>>) dst(%arg10 : memref<512xi32, #tpu.memory_space<vmem>>)
      tpu.yield
    }) : () -> ()
    %dma_start3A = arith.constant 0 : i32
    %dma_start3A_3 = tpu.memref_slice %arg5[%dma_start3A] : memref<1000000xf32, #tpu.memory_space<hbm>> -> memref<1000000xf32, #tpu.memory_space<hbm>>
    tpu.enqueue_indirect_dma source(%dma_start3A_3 : memref<1000000xf32, #tpu.memory_space<hbm>>) target(%arg13 : memref<512xf32, #tpu.memory_space<vmem>>) offsets(%arg9 : memref<512xi32, #tpu.memory_space<vmem>>) semaphore(%arg18 : memref<!tpu.dma_semaphore, #tpu.memory_space<semaphore_mem>>)
    %dma_start3A_4 = arith.constant 0 : i32
    %dma_start3A_5 = tpu.memref_slice %arg7[%dma_start3A_4] : memref<1000000xf32, #tpu.memory_space<hbm>> -> memref<1000000xf32, #tpu.memory_space<hbm>>
    tpu.enqueue_indirect_dma source(%dma_start3A_5 : memref<1000000xf32, #tpu.memory_space<hbm>>) target(%arg14 : memref<512xf32, #tpu.memory_space<vmem>>) offsets(%arg10 : memref<512xi32, #tpu.memory_space<vmem>>) semaphore(%arg19 : memref<!tpu.dma_semaphore, #tpu.memory_space<semaphore_mem>>)
    %iota3A = tpu.iota {dimensions = array<i32: 0>} : vector<16xi32>
    %get3A = arith.constant 0 : index
    %get3A_6 = tpu.vector_load %arg9[%get3A] {strides = array<i32>} : memref<512xi32, #tpu.memory_space<vmem>>, vector<16xi32>,
    %get3A_7 = arith.constant 0 : index
    %get3A_8 = tpu.vector_load %arg10[%get3A_7] {strides = array<i32>} : memref<512xi32, #tpu.memory_space<vmem>>, vector<16xi32>,
    %slice3A = vector.extract_strided_slice %get3A_6 {offsets = [0], sizes = [1], strides = [1]} : vector<16xi32> to vector<1xi32>
    %squeeze3A = vector.extract %slice3A[0] : i32 from vector<1xi32>
    %shift_right_arithmetic3A = arith.constant 3 : i32
    %shift_right_arithmetic3A_9 = arith.shrsi %squeeze3A, %shift_right_arithmetic3A : i32
    %slice3A_10 = vector.extract_strided_slice %get3A_8 {offsets = [0], sizes = [1], strides = [1]} : vector<16xi32> to vector<1xi32>
    %squeeze3A_11 = vector.extract %slice3A_10[0] : i32 from vector<1xi32>
    %shift_right_arithmetic3A_12 = arith.constant 3 : i32
    %shift_right_arithmetic3A_13 = arith.shrsi %squeeze3A_11, %shift_right_arithmetic3A_12 : i32
    %dma_start3A_14 = arith.constant 0 : i32
    %dma_start3A_15 = arith.constant 0 : i32
    %dma_start3A_16 = arith.constant 0 : i32
    %dma_start3A_17 = arith.constant 0 : i32
    %dma_start3A_18 = tpu.memref_slice %arg11[%dma_start3A_14, %dma_start3A_15, %dma_start3A_16, %dma_start3A_17] : memref<3x16x8x64xf32, #tpu.memory_space<vmem>> -> memref<1x1x8x64xf32, #tpu.memory_space<vmem>>
    %dma_start3A_19 = tpu.memref_squeeze %dma_start3A_18 : memref<1x1x8x64xf32, #tpu.memory_space<vmem>> -> memref<8x64xf32, #tpu.memory_space<vmem>>
    %dma_start3A_20 = arith.constant 0 : i32
    %dma_start3A_21 = arith.constant 0 : i32
    %dma_start3A_22 = tpu.memref_slice %arg4[%shift_right_arithmetic3A_9, %dma_start3A_20, %dma_start3A_21] : memref<125000x8x64xf32, #tpu.memory_space<hbm>> -> memref<1x8x64xf32, #tpu.memory_space<hbm>>
    %dma_start3A_23 = tpu.memref_squeeze %dma_start3A_22 : memref<1x8x64xf32, #tpu.memory_space<hbm>> -> memref<8x64xf32, #tpu.memory_space<hbm>>
    %dma_start3A_24 = arith.constant 0 : i32
    %dma_start3A_25 = arith.constant 0 : i32
    %dma_start3A_26 = tpu.memref_slice %arg11[%dma_start3A_14, %dma_start3A_15, %dma_start3A_24, %dma_start3A_25] : memref<3x16x8x64xf32, #tpu.memory_space<vmem>> -> memref<1x1x8x64xf32, #tpu.memory_space<vmem>>
    %dma_start3A_27 = tpu.memref_squeeze %dma_start3A_26 : memref<1x1x8x64xf32, #tpu.memory_space<vmem>> -> memref<8x64xf32, #tpu.memory_space<vmem>>
    %dma_start3A_28 = arith.constant 0 : i32
    %dma_start3A_29 = arith.constant 0 : i32
    %dma_start3A_30 = tpu.memref_slice %arg4[%shift_right_arithmetic3A_9, %dma_start3A_28, %dma_start3A_29] : memref<125000x8x64xf32, #tpu.memory_space<hbm>> -> memref<1x8x64xf32, #tpu.memory_space<hbm>>
    %dma_start3A_31 = tpu.memref_squeeze %dma_start3A_30 : memref<1x8x64xf32, #tpu.memory_space<hbm>> -> memref<8x64xf32, #tpu.memory_space<hbm>>
    tpu.enqueue_dma source(%dma_start3A_31 : memref<8x64xf32, #tpu.memory_space<hbm>>) target(%dma_start3A_27 : memref<8x64xf32, #tpu.memory_space<vmem>>) target_semaphore(%arg16 : memref<!tpu.dma_semaphore, #tpu.memory_space<semaphore_mem>>)
    %dma_start3A_32 = arith.constant 0 : i32
    %dma_start3A_33 = arith.constant 0 : i32
    %dma_start3A_34 = arith.constant 0 : i32
    %dma_start3A_35 = arith.constant 0 : i32
    %dma_start3A_36 = tpu.memref_slice %arg12[%dma_start3A_32, %dma_start3A_33, %dma_start3A_34, %dma_start3A_35] : memref<3x16x8x64xf32, #tpu.memory_space<vmem>> -> memref<1x1x8x64xf32, #tpu.memory_space<vmem>>
    %dma_start3A_37 = tpu.memref_squeeze %dma_start3A_36 : memref<1x1x8x64xf32, #tpu.memory_space<vmem>> -> memref<8x64xf32, #tpu.memory_space<vmem>>
    %dma_start3A_38 = arith.constant 0 : i32
    %dma_start3A_39 = arith.constant 0 : i32
    %dma_start3A_40 = tpu.memref_slice %arg6[%shift_right_arithmetic3A_13, %dma_start3A_38, %dma_start3A_39] : memref<125000x8x64xf32, #tpu.memory_space<hbm>> -> memref<1x8x64xf32, #tpu.memory_space<hbm>>
    %dma_start3A_41 = tpu.memref_squeeze %dma_start3A_40 : memref<1x8x64xf32, #tpu.memory_space<hbm>> -> memref<8x64xf32, #tpu.memory_space<hbm>>
    %dma_start3A_42 = arith.constant 0 : i32
    %dma_start3A_43 = arith.constant 0 : i32
    %dma_start3A_44 = tpu.memref_slice %arg12[%dma_start3A_32, %dma_start3A_33, %dma_start3A_42, %dma_start3A_43] : memref<3x16x8x64xf32, #tpu.memory_space<vmem>> -> memref<1x1x8x64xf32, #tpu.memory_space<vmem>>
    %dma_start3A_45 = tpu.memref_squeeze %dma_start3A_44 : memref<1x1x8x64xf32, #tpu.memory_space<vmem>> -> memref<8x64xf32, #tpu.memory_space<vmem>>
    %dma_start3A_46 = arith.constant 0 : i32
    %dma_start3A_47 = arith.constant 0 : i32
    %dma_start3A_48 = tpu.memref_slice %arg6[%shift_right_arithmetic3A_13, %dma_start3A_46, %dma_start3A_47] : memref<125000x8x64xf32, #tpu.memory_space<hbm>> -> memref<1x8x64xf32, #tpu.memory_space<hbm>>
    %dma_start3A_49 = tpu.memref_squeeze %dma_start3A_48 : memref<1x8x64xf32, #tpu.memory_space<hbm>> -> memref<8x64xf32, #tpu.memory_space<hbm>>
    tpu.enqueue_dma source(%dma_start3A_49 : memref<8x64xf32, #tpu.memory_space<hbm>>) target(%dma_start3A_45 : memref<8x64xf32, #tpu.memory_space<vmem>>) target_semaphore(%arg17 : memref<!tpu.dma_semaphore, #tpu.memory_space<semaphore_mem>>)
    %slice3A_50 = vector.extract_strided_slice %get3A_6 {offsets = [1], sizes = [1], strides = [1]} : vector<16xi32> to vector<1xi32>
    %squeeze3A_51 = vector.extract %slice3A_50[0] : i32 from vector<1xi32>
    %shift_right_arithmetic3A_52 = arith.constant 3 : i32
    %shift_right_arithmetic3A_53 = arith.shrsi %squeeze3A_51, %shift_right_arithmetic3A_52 : i32
    %slice3A_54 = vector.extract_strided_slice %get3A_8 {offsets = [1], sizes = [1], strides = [1]} : vector<16xi32> to vector<1xi32>
    %squeeze3A_55 = vector.extract %slice3A_54[0] : i32 from vector<1xi32>
    %shift_right_arithmetic3A_56 = arith.constant 3 : i32
    %shift_right_arithmetic3A_57 = arith.shrsi %squeeze3A_55, %shift_right_arithmetic3A_56 : i32
    %dma_start3A_58 = arith.constant 0 : i32
    %dma_start3A_59 = arith.constant 1 : i32
    %dma_start3A_60 = arith.constant 0 : i32
    %dma_start3A_61 = arith.constant 0 : i32
    %dma_start3A_62 = tpu.memref_slice %arg11[%dma_start3A_58, %dma_start3A_59, %dma_start3A_60, %dma_start3A_61] : memref<3x16x8x64xf32, #tpu.memory_space<vmem>> -> memref<1x1x8x64xf32, #tpu.memory_space<vmem>>
    %dma_start3A_63 = tpu.memref_squeeze %dma_start3A_62 : memref<1x1x8x64xf32, #tpu.memory_space<vmem>> -> memref<8x64xf32, #tpu.memory_space<vmem>>
    %dma_start3A_64 = arith.constant 0 : i32
    %dma_start3A_65 = arith.constant 0 : i32
    %dma_start3A_66 = tpu.memref_slice %arg4[%shift_right_arithmetic3A_53, %dma_start3A_64, %dma_start3A_65] : memref<125000x8x64xf32, #tpu.memory_space<hbm>> -> memref<1x8x64xf32, #tpu.memory_space<hbm>>
    %dma_start3A_67 = tpu.memref_squeeze %dma_start3A_66 : memref<1x8x64xf32, #tpu.memory_space<hbm>> -> memref<8x64xf32, #tpu.memory_space<hbm>>
    %dma_start3A_68 = arith.constant 0 : i32
    %dma_start3A_69 = arith.constant 0 : i32
    %dma_start3A_70 = tpu.memref_slice %arg11[%dma_start3A_58, %dma_start3A_59, %dma_start3A_68, %dma_start3A_69] : memref<3x16x8x64xf32, #tpu.memory_space<vmem>> -> memref<1x1x8x64xf32, #tpu.memory_space<vmem>>
    %dma_start3A_71 = tpu.memref_squeeze %dma_start3A_70 : memref<1x1x8x64xf32, #tpu.memory_space<vmem>> -> memref<8x64xf32, #tpu.memory_space<vmem>>
    %dma_start3A_72 = arith.constant 0 : i32
    %dma_start3A_73 = arith.constant 0 : i32
    %dma_start3A_74 = tpu.memref_slice %arg4[%shift_right_arithmetic3A_53, %dma_start3A_72, %dma_start3A_73] : memref<125000x8x64xf32, #tpu.memory_space<hbm>> -> memref<1x8x64xf32, #tpu.memory_space<hbm>>
    %dma_start3A_75 = tpu.memref_squeeze %dma_start3A_74 : memref<1x8x64xf32, #tpu.memory_space<hbm>> -> memref<8x64xf32, #tpu.memory_space<hbm>>
    tpu.enqueue_dma source(%dma_start3A_75 : memref<8x64xf32, #tpu.memory_space<hbm>>) target(%dma_start3A_71 : memref<8x64xf32, #tpu.memory_space<vmem>>) target_semaphore(%arg16 : memref<!tpu.dma_semaphore, #tpu.memory_space<semaphore_mem>>)
    %dma_start3A_76 = arith.constant 0 : i32
    %dma_start3A_77 = arith.constant 1 : i32
    %dma_start3A_78 = arith.constant 0 : i32
    %dma_start3A_79 = arith.constant 0 : i32
    %dma_start3A_80 = tpu.memref_slice %arg12[%dma_start3A_76, %dma_start3A_77, %dma_start3A_78, %dma_start3A_79] : memref<3x16x8x64xf32, #tpu.memory_space<vmem>> -> memref<1x1x8x64xf32, #tpu.memory_space<vmem>>
    %dma_start3A_81 = tpu.memref_squeeze %dma_start3A_80 : memref<1x1x8x64xf32, #tpu.memory_space<vmem>> -> memref<8x64xf32, #tpu.memory_space<vmem>>
    %dma_start3A_82 = arith.constant 0 : i32
    %dma_start3A_83 = arith.constant 0 : i32
    %dma_start3A_84 = tpu.memref_slice %arg6[%shift_right_arithmetic3A_57, %dma_start3A_82, %dma_start3A_83] : memref<125000x8x64xf32, #tpu.memory_space<hbm>> -> memref<1x8x64xf32, #tpu.memory_space<hbm>>
    %dma_start3A_85 = tpu.memref_squeeze %dma_start3A_84 : memref<1x8x64xf32, #tpu.memory_space<hbm>> -> memref<8x64xf32, #tpu.memory_space<hbm>>
    %dma_start3A_86 = arith.constant 0 : i32
    %dma_start3A_87 = arith.constant 0 : i32
    %dma_start3A_88 = tpu.memref_slice %arg12[%dma_start3A_76, %dma_start3A_77, %dma_start3A_86, %dma_start3A_87] : memref<3x16x8x64xf32, #tpu.memory_space<vmem>> -> memref<1x1x8x64xf32, #tpu.memory_space<vmem>>
    %dma_start3A_89 = tpu.memref_squeeze %dma_start3A_88 : memref<1x1x8x64xf32, #tpu.memory_space<vmem>> -> memref<8x64xf32, #tpu.memory_space<vmem>>
    %dma_start3A_90 = arith.constant 0 : i32
    %dma_start3A_91 = arith.constant 0 : i32
    %dma_start3A_92 = tpu.memref_slice %arg6[%shift_right_arithmetic3A_57, %dma_start3A_90, %dma_start3A_91] : memref<125000x8x64xf32, #tpu.memory_space<hbm>> -> memref<1x8x64xf32, #tpu.memory_space<hbm>>
    %dma_start3A_93 = tpu.memref_squeeze %dma_start3A_92 : memref<1x8x64xf32, #tpu.memory_space<hbm>> -> memref<8x64xf32, #tpu.memory_space<hbm>>
    tpu.enqueue_dma source(%dma_start3A_93 : memref<8x64xf32, #tpu.memory_space<hbm>>) target(%dma_start3A_89 : memref<8x64xf32, #tpu.memory_space<vmem>>) target_semaphore(%arg17 : memref<!tpu.dma_semaphore, #tpu.memory_space<semaphore_mem>>)
    %slice3A_94 = vector.extract_strided_slice %get3A_6 {offsets = [2], sizes = [1], strides = [1]} : vector<16xi32> to vector<1xi32>
    %squeeze3A_95 = vector.extract %slice3A_94[0] : i32 from vector<1xi32>
    %shift_right_arithmetic3A_96 = arith.constant 3 : i32
    %shift_right_arithmetic3A_97 = arith.shrsi %squeeze3A_95, %shift_right_arithmetic3A_96 : i32
    %slice3A_98 = vector.extract_strided_slice %get3A_8 {offsets = [2], sizes = [1], strides = [1]} : vector<16xi32> to vector<1xi32>
    %squeeze3A_99 = vector.extract %slice3A_98[0] : i32 from vector<1xi32>
    %shift_right_arithmetic3A_100 = arith.constant 3 : i32
    %shift_right_arithmetic3A_101 = arith.shrsi %squeeze3A_99, %shift_right_arithmetic3A_100 : i32
    %dma_start3A_102 = arith.constant 0 : i32
    %dma_start3A_103 = arith.constant 2 : i32
    %dma_start3A_104 = arith.constant 0 : i32
    %dma_start3A_105 = arith.constant 0 : i32
    %dma_start3A_106 = tpu.memref_slice %arg11[%dma_start3A_102, %dma_start3A_103, %dma_start3A_104, %dma_start3A_105] : memref<3x16x8x64xf32, #tpu.memory_space<vmem>> -> memref<1x1x8x64xf32, #tpu.memory_space<vmem>>
    %dma_start3A_107 = tpu.memref_squeeze %dma_start3A_106 : memref<1x1x8x64xf32, #tpu.memory_space<vmem>> -> memref<8x64xf32, #tpu.memory_space<vmem>>
    %dma_start3A_108 = arith.constant 0 : i32
    %dma_start3A_109 = arith.constant 0 : i32
    %dma_start3A_110 = tpu.memref_slice %arg4[%shift_right_arithmetic3A_97, %dma_start3A_108, %dma_start3A_109] : memref<125000x8x64xf32, #tpu.memory_space<hbm>> -> memref<1x8x64xf32, #tpu.memory_space<hbm>>
    %dma_start3A_111 = tpu.memref_squeeze %dma_start3A_110 : memref<1x8x64xf32, #tpu.memory_space<hbm>> -> memref<8x64xf32, #tpu.memory_space<hbm>>
    %dma_start3A_112 = arith.constant 0 : i32
    %dma_start3A_113 = arith.constant 0 : i32
    %dma_start3A_114 = tpu.memref_slice %arg11[%dma_start3A_102, %dma_start3A_103, %dma_start3A_112, %dma_start3A_113] : memref<3x16x8x64xf32, #tpu.memory_space<vmem>> -> memref<1x1x8x64xf32, #tpu.memory_space<vmem>>
    %dma_start3A_115 = tpu.memref_squeeze %dma_start3A_114 : memref<1x1x8x64xf32, #tpu.memory_space<vmem>> -> memref<8x64xf32, #tpu.memory_space<vmem>>
    %dma_start3A_116 = arith.constant 0 : i32
    %dma_start3A_117 = arith.constant 0 : i32
    %dma_start3A_118 = tpu.memref_slice %arg4[%shift_right_arithmetic3A_97, %dma_start3A_116, %dma_start3A_117] : memref<125000x8x64xf32, #tpu.memory_space<hbm>> -> memref<1x8x64xf32, #tpu.memory_space<hbm>>
    %dma_start3A_119 = tpu.memref_squeeze %dma_start3A_118 : memref<1x8x64xf32, #tpu.memory_space<hbm>> -> memref<8x64xf32, #tpu.memory_space<hbm>>
    tpu.enqueue_dma source(%dma_start3A_119 : memref<8x64xf32, #tpu.memory_space<hbm>>) target(%dma_start3A_115 : memref<8x64xf32, #tpu.memory_space<vmem>>) target_semaphore(%arg16 : memref<!tpu.dma_semaphore, #tpu.memory_space<semaphore_mem>>)
    %dma_start3A_120 = arith.constant 0 : i32
    %dma_start3A_121 = arith.constant 2 : i32
    %dma_start3A_122 = arith.constant 0 : i32
    %dma_start3A_123 = arith.constant 0 : i32
    %dma_start3A_124 = tpu.memref_slice %arg12[%dma_start3A_120, %dma_start3A_121, %dma_start3A_122, %dma_start3A_123] : memref<3x16x8x64xf32, #tpu.memory_space<vmem>> -> memref<1x1x8x64xf32, #tpu.memory_space<vmem>>
    %dma_start3A_125 = tpu.memref_squeeze %dma_start3A_124 : memref<1x1x8x64xf32, #tpu.memory_space<vmem>> -> memref<8x64xf32, #tpu.memory_space<vmem>>
    %dma_start3A_126 = arith.constant 0 : i32
    %dma_start3A_127 = arith.constant 0 : i32
    %dma_start3A_128 = tpu.memref_slice %arg6[%shift_right_arithmetic3A_101, %dma_start3A_126, %dma_start3A_127] : memref<125000x8x64xf32, #tpu.memory_space<hbm>> -> memref<1x8x64xf32, #tpu.memory_space<hbm>>
    %dma_start3A_129 = tpu.memref_squeeze %dma_start3A_128 : memref<1x8x64xf32, #tpu.memory_space<hbm>> -> memref<8x64xf32, #tpu.memory_space<hbm>>
    %dma_start3A_130 = arith.constant 0 : i32
    %dma_start3A_131 = arith.constant 0 : i32
    %dma_start3A_132 = tpu.memref_slice %arg12[%dma_start3A_120, %dma_start3A_121, %dma_start3A_130, %dma_start3A_131] : memref<3x16x8x64xf32, #tpu.memory_space<vmem>> -> memref<1x1x8x64xf32, #tpu.memory_space<vmem>>
    %dma_start3A_133 = tpu.memref_squeeze %dma_start3A_132 : memref<1x1x8x64xf32, #tpu.memory_space<vmem>> -> memref<8x64xf32, #tpu.memory_space<vmem>>
    %dma_start3A_134 = arith.constant 0 : i32
    %dma_start3A_135 = arith.constant 0 : i32
    %dma_start3A_136 = tpu.memref_slice %arg6[%shift_right_arithmetic3A_101, %dma_start3A_134, %dma_start3A_135] : memref<125000x8x64xf32, #tpu.memory_space<hbm>> -> memref<1x8x64xf32, #tpu.memory_space<hbm>>
    %dma_start3A_137 = tpu.memref_squeeze %dma_start3A_136 : memref<1x8x64xf32, #tpu.memory_space<hbm>> -> memref<8x64xf32, #tpu.memory_space<hbm>>
    tpu.enqueue_dma source(%dma_start3A_137 : memref<8x64xf32, #tpu.memory_space<hbm>>) target(%dma_start3A_133 : memref<8x64xf32, #tpu.memory_space<vmem>>) target_semaphore(%arg17 : memref<!tpu.dma_semaphore, #tpu.memory_space<semaphore_mem>>)
    %slice3A_138 = vector.extract_strided_slice %get3A_6 {offsets = [3], sizes = [1], strides = [1]} : vector<16xi32> to vector<1xi32>
    %squeeze3A_139 = vector.extract %slice3A_138[0] : i32 from vector<1xi32>
    %shift_right_arithmetic3A_140 = arith.constant 3 : i32
    %shift_right_arithmetic3A_141 = arith.shrsi %squeeze3A_139, %shift_right_arithmetic3A_140 : i32
    %slice3A_142 = vector.extract_strided_slice %get3A_8 {offsets = [3], sizes = [1], strides = [1]} : vector<16xi32> to vector<1xi32>
    %squeeze3A_143 = vector.extract %slice3A_142[0] : i32 from vector<1xi32>
    %shift_right_arithmetic3A_144 = arith.constant 3 : i32
    %shift_right_arithmetic3A_145 = arith.shrsi %squeeze3A_143, %shift_right_arithmetic3A_144 : i32
    %dma_start3A_146 = arith.constant 0 : i32
    %dma_start3A_147 = arith.constant 3 : i32
    %dma_start3A_148 = arith.constant 0 : i32
    %dma_start3A_149 = arith.constant 0 : i32
    %dma_start3A_150 = tpu.memref_slice %arg11[%dma_start3A_146, %dma_start3A_147, %dma_start3A_148, %dma_start3A_149] : memref<3x16x8x64xf32, #tpu.memory_space<vmem>> -> memref<1x1x8x64xf32, #tpu.memory_space<vmem>>
    %dma_start3A_151 = tpu.memref_squeeze %dma_start3A_150 : memref<1x1x8x64xf32, #tpu.memory_space<vmem>> -> memref<8x64xf32, #tpu.memory_space<vmem>>
    %dma_start3A_152 = arith.constant 0 : i32
    %dma_start3A_153 = arith.constant 0 : i32
    %dma_start3A_154 = tpu.memref_slice %arg4[%shift_right_arithmetic3A_141, %dma_start3A_152, %dma_start3A_153] : memref<125000x8x64xf32, #tpu.memory_space<hbm>> -> memref<1x8x64xf32, #tpu.memory_space<hbm>>
    %dma_start3A_155 = tpu.memref_squeeze %dma_start3A_154 : memref<1x8x64xf32, #tpu.memory_space<hbm>> -> memref<8x64xf32, #tpu.memory_space<hbm>>
    %dma_start3A_156 = arith.constant 0 : i32
    %dma_start3A_157 = arith.constant 0 : i32
    %dma_start3A_158 = tpu.memref_slice %arg11[%dma_start3A_146, %dma_start3A_147, %dma_start3A_156, %dma_start3A_157] : memref<3x16x8x64xf32, #tpu.memory_space<vmem>> -> memref<1x1x8x64xf32, #tpu.memory_space<vmem>>
    %dma_start3A_159 = tpu.memref_squeeze %dma_start3A_158 : memref<1x1x8x64xf32, #tpu.memory_space<vmem>> -> memref<8x64xf32, #tpu.memory_space<vmem>>
    %dma_start3A_160 = arith.constant 0 : i32
    %dma_start3A_161 = arith.constant 0 : i32
    %dma_start3A_162 = tpu.memref_slice %arg4[%shift_right_arithmetic3A_141, %dma_start3A_160, %dma_start3A_161] : memref<125000x8x64xf32, #tpu.memory_space<hbm>> -> memref<1x8x64xf32, #tpu.memory_space<hbm>>
    %dma_start3A_163 = tpu.memref_squeeze %dma_start3A_162 : memref<1x8x64xf32, #tpu.memory_space<hbm>> -> memref<8x64xf32, #tpu.memory_space<hbm>>
    tpu.enqueue_dma source(%dma_start3A_163 : memref<8x64xf32, #tpu.memory_space<hbm>>) target(%dma_start3A_159 : memref<8x64xf32, #tpu.memory_space<vmem>>) target_semaphore(%arg16 : memref<!tpu.dma_semaphore, #tpu.memory_space<semaphore_mem>>)
    %dma_start3A_164 = arith.constant 0 : i32
    %dma_start3A_165 = arith.constant 3 : i32
    %dma_start3A_166 = arith.constant 0 : i32
    %dma_start3A_167 = arith.constant 0 : i32
    %dma_start3A_168 = tpu.memref_slice %arg12[%dma_start3A_164, %dma_start3A_165, %dma_start3A_166, %dma_start3A_167] : memref<3x16x8x64xf32, #tpu.memory_space<vmem>> -> memref<1x1x8x64xf32, #tpu.memory_space<vmem>>
    %dma_start3A_169 = tpu.memref_squeeze %dma_start3A_168 : memref<1x1x8x64xf32, #tpu.memory_space<vmem>> -> memref<8x64xf32, #tpu.memory_space<vmem>>
    %dma_start3A_170 = arith.constant 0 : i32
    %dma_start3A_171 = arith.constant 0 : i32
    %dma_start3A_172 = tpu.memref_slice %arg6[%shift_right_arithmetic3A_145, %dma_start3A_170, %dma_start3A_171] : memref<125000x8x64xf32, #tpu.memory_space<hbm>> -> memref<1x8x64xf32, #tpu.memory_space<hbm>>
    %dma_start3A_173 = tpu.memref_squeeze %dma_start3A_172 : memref<1x8x64xf32, #tpu.memory_space<hbm>> -> memref<8x64xf32, #tpu.memory_space<hbm>>
    %dma_start3A_174 = arith.constant 0 : i32
    %dma_start3A_175 = arith.constant 0 : i32
    %dma_start3A_176 = tpu.memref_slice %arg12[%dma_start3A_164, %dma_start3A_165, %dma_start3A_174, %dma_start3A_175] : memref<3x16x8x64xf32, #tpu.memory_space<vmem>> -> memref<1x1x8x64xf32, #tpu.memory_space<vmem>>
    %dma_start3A_177 = tpu.memref_squeeze %dma_start3A_176 : memref<1x1x8x64xf32, #tpu.memory_space<vmem>> -> memref<8x64xf32, #tpu.memory_space<vmem>>
    %dma_start3A_178 = arith.constant 0 : i32
    %dma_start3A_179 = arith.constant 0 : i32
    %dma_start3A_180 = tpu.memref_slice %arg6[%shift_right_arithmetic3A_145, %dma_start3A_178, %dma_start3A_179] : memref<125000x8x64xf32, #tpu.memory_space<hbm>> -> memref<1x8x64xf32, #tpu.memory_space<hbm>>
    %dma_start3A_181 = tpu.memref_squeeze %dma_start3A_180 : memref<1x8x64xf32, #tpu.memory_space<hbm>> -> memref<8x64xf32, #tpu.memory_space<hbm>>
    tpu.enqueue_dma source(%dma_start3A_181 : memref<8x64xf32, #tpu.memory_space<hbm>>) target(%dma_start3A_177 : memref<8x64xf32, #tpu.memory_space<vmem>>) target_semaphore(%arg17 : memref<!tpu.dma_semaphore, #tpu.memory_space<semaphore_mem>>)
    %slice3A_182 = vector.extract_strided_slice %get3A_6 {offsets = [4], sizes = [1], strides = [1]} : vector<16xi32> to vector<1xi32>
    %squeeze3A_183 = vector.extract %slice3A_182[0] : i32 from vector<1xi32>
    %shift_right_arithmetic3A_184 = arith.constant 3 : i32
    %shift_right_arithmetic3A_185 = arith.shrsi %squeeze3A_183, %shift_right_arithmetic3A_184 : i32
    %slice3A_186 = vector.extract_strided_slice %get3A_8 {offsets = [4], sizes = [1], strides = [1]} : vector<16xi32> to vector<1xi32>
    %squeeze3A_187 = vector.extract %slice3A_186[0] : i32 from vector<1xi32>
    %shift_right_arithmetic3A_188 = arith.constant 3 : i32
    %shift_right_arithmetic3A_189 = arith.shrsi %squeeze3A_187, %shift_right_arithmetic3A_188 : i32
    %dma_start3A_190 = arith.constant 0 : i32
    %dma_start3A_191 = arith.constant 4 : i32
    %dma_start3A_192 = arith.constant 0 : i32
    %dma_start3A_193 = arith.constant 0 : i32
    %dma_start3A_194 = tpu.memref_slice %arg11[%dma_start3A_190, %dma_start3A_191, %dma_start3A_192, %dma_start3A_193] : memref<3x16x8x64xf32, #tpu.memory_space<vmem>> -> memref<1x1x8x64xf32, #tpu.memory_space<vmem>>
    %dma_start3A_195 = tpu.memref_squeeze %dma_start3A_194 : memref<1x1x8x64xf32, #tpu.memory_space<vmem>> -> memref<8x64xf32, #tpu.memory_space<vmem>>
    %dma_start3A_196 = arith.constant 0 : i32
    %dma_start3A_197 = arith.constant 0 : i32
    %dma_start3A_198 = tpu.memref_slice %arg4[%shift_right_arithmetic3A_185, %dma_start3A_196, %dma_start3A_197] : memref<125000x8x64xf32, #tpu.memory_space<hbm>> -> memref<1x8x64xf32, #tpu.memory_space<hbm>>
    %dma_start3A_199 = tpu.memref_squeeze %dma_start3A_198 : memref<1x8x64xf32, #tpu.memory_space<hbm>> -> memref<8x64xf32, #tpu.memory_space<hbm>>
    %dma_start3A_200 = arith.constant 0 : i32
    %dma_start3A_201 = arith.constant 0 : i32
    %dma_start3A_202 = tpu.memref_slice %arg11[%dma_start3A_190, %dma_start3A_191, %dma_start3A_200, %dma_start3A_201] : memref<3x16x8x64xf32, #tpu.memory_space<vmem>> -> memref<1x1x8x64xf32, #tpu.memory_space<vmem>>
    %dma_start3A_203 = tpu.memref_squeeze %dma_start3A_202 : memref<1x1x8x64xf32, #tpu.memory_space<vmem>> -> memref<8x64xf32, #tpu.memory_space<vmem>>
    %dma_start3A_204 = arith.constant 0 : i32
    %dma_start3A_205 = arith.constant 0 : i32
    %dma_start3A_206 = tpu.memref_slice %arg4[%shift_right_arithmetic3A_185, %dma_start3A_204, %dma_start3A_205] : memref<125000x8x64xf32, #tpu.memory_space<hbm>> -> memref<1x8x64xf32, #tpu.memory_space<hbm>>
    %dma_start3A_207 = tpu.memref_squeeze %dma_start3A_206 : memref<1x8x64xf32, #tpu.memory_space<hbm>> -> memref<8x64xf32, #tpu.memory_space<hbm>>
    tpu.enqueue_dma source(%dma_start3A_207 : memref<8x64xf32, #tpu.memory_space<hbm>>) target(%dma_start3A_203 : memref<8x64xf32, #tpu.memory_space<vmem>>) target_semaphore(%arg16 : memref<!tpu.dma_semaphore, #tpu.memory_space<semaphore_mem>>)
    %dma_start3A_208 = arith.constant 0 : i32
    %dma_start3A_209 = arith.constant 4 : i32
    %dma_start3A_210 = arith.constant 0 : i32
    %dma_start3A_211 = arith.constant 0 : i32
    %dma_start3A_212 = tpu.memref_slice %arg12[%dma_start3A_208, %dma_start3A_209, %dma_start3A_210, %dma_start3A_211] : memref<3x16x8x64xf32, #tpu.memory_space<vmem>> -> memref<1x1x8x64xf32, #tpu.memory_space<vmem>>
    %dma_start3A_213 = tpu.memref_squeeze %dma_start3A_212 : memref<1x1x8x64xf32, #tpu.memory_space<vmem>> -> memref<8x64xf32, #tpu.memory_space<vmem>>
    %dma_start3A_214 = arith.constant 0 : i32
    %dma_start3A_215 = arith.constant 0 : i32
    %dma_start3A_216 = tpu.memref_slice %arg6[%shift_right_arithmetic3A_189, %dma_start3A_214, %dma_start3A_215] : memref<125000x8x64xf32, #tpu.memory_space<hbm>> -> memref<1x8x64xf32, #tpu.memory_space<hbm>>
    %dma_start3A_217 = tpu.memref_squeeze %dma_start3A_216 : memref<1x8x64xf32, #tpu.memory_space<hbm>> -> memref<8x64xf32, #tpu.memory_space<hbm>>
    %dma_start3A_218 = arith.constant 0 : i32
    %dma_start3A_219 = arith.constant 0 : i32
    %dma_start3A_220 = tpu.memref_slice %arg12[%dma_start3A_208, %dma_start3A_209, %dma_start3A_218, %dma_start3A_219] : memref<3x16x8x64xf32, #tpu.memory_space<vmem>> -> memref<1x1x8x64xf32, #tpu.memory_space<vmem>>
    %dma_start3A_221 = tpu.memref_squeeze %dma_start3A_220 : memref<1x1x8x64xf32, #tpu.memory_space<vmem>> -> memref<8x64xf32, #tpu.memory_space<vmem>>
    %dma_start3A_222 = arith.constant 0 : i32
    %dma_start3A_223 = arith.constant 0 : i32
    %dma_start3A_224 = tpu.memref_slice %arg6[%shift_right_arithmetic3A_189, %dma_start3A_222, %dma_start3A_223] : memref<125000x8x64xf32, #tpu.memory_space<hbm>> -> memref<1x8x64xf32, #tpu.memory_space<hbm>>
    %dma_start3A_225 = tpu.memref_squeeze %dma_start3A_224 : memref<1x8x64xf32, #tpu.memory_space<hbm>> -> memref<8x64xf32, #tpu.memory_space<hbm>>
    tpu.enqueue_dma source(%dma_start3A_225 : memref<8x64xf32, #tpu.memory_space<hbm>>) target(%dma_start3A_221 : memref<8x64xf32, #tpu.memory_space<vmem>>) target_semaphore(%arg17 : memref<!tpu.dma_semaphore, #tpu.memory_space<semaphore_mem>>)
    %slice3A_226 = vector.extract_strided_slice %get3A_6 {offsets = [5], sizes = [1], strides = [1]} : vector<16xi32> to vector<1xi32>
    %squeeze3A_227 = vector.extract %slice3A_226[0] : i32 from vector<1xi32>
    %shift_right_arithmetic3A_228 = arith.constant 3 : i32
    %shift_right_arithmetic3A_229 = arith.shrsi %squeeze3A_227, %shift_right_arithmetic3A_228 : i32
    %slice3A_230 = vector.extract_strided_slice %get3A_8 {offsets = [5], sizes = [1], strides = [1]} : vector<16xi32> to vector<1xi32>
    %squeeze3A_231 = vector.extract %slice3A_230[0] : i32 from vector<1xi32>
    %shift_right_arithmetic3A_232 = arith.constant 3 : i32
    %shift_right_arithmetic3A_233 = arith.shrsi %squeeze3A_231, %shift_right_arithmetic3A_232 : i32
    %dma_start3A_234 = arith.constant 0 : i32
    %dma_start3A_235 = arith.constant 5 : i32
    %dma_start3A_236 = arith.constant 0 : i32
    %dma_start3A_237 = arith.constant 0 : i32
    %dma_start3A_238 = tpu.memref_slice %arg11[%dma_start3A_234, %dma_start3A_235, %dma_start3A_236, %dma_start3A_237] : memref<3x16x8x64xf32, #tpu.memory_space<vmem>> -> memref<1x1x8x64xf32, #tpu.memory_space<vmem>>
    %dma_start3A_239 = tpu.memref_squeeze %dma_start3A_238 : memref<1x1x8x64xf32, #tpu.memory_space<vmem>> -> memref<8x64xf32, #tpu.memory_space<vmem>>
    %dma_start3A_240 = arith.constant 0 : i32
    %dma_start3A_241 = arith.constant 0 : i32
    %dma_start3A_242 = tpu.memref_slice %arg4[%shift_right_arithmetic3A_229, %dma_start3A_240, %dma_start3A_241] : memref<125000x8x64xf32, #tpu.memory_space<hbm>> -> memref<1x8x64xf32, #tpu.memory_space<hbm>>
    %dma_start3A_243 = tpu.memref_squeeze %dma_start3A_242 : memref<1x8x64xf32, #tpu.memory_space<hbm>> -> memref<8x64xf32, #tpu.memory_space<hbm>>
    %dma_start3A_244 = arith.constant 0 : i32
    %dma_start3A_245 = arith.constant 0 : i32
    %dma_start3A_246 = tpu.memref_slice %arg11[%dma_start3A_234, %dma_start3A_235, %dma_start3A_244, %dma_start3A_245] : memref<3x16x8x64xf32, #tpu.memory_space<vmem>> -> memref<1x1x8x64xf32, #tpu.memory_space<vmem>>
    %dma_start3A_247 = tpu.memref_squeeze %dma_start3A_246 : memref<1x1x8x64xf32, #tpu.memory_space<vmem>> -> memref<8x64xf32, #tpu.memory_space<vmem>>
    %dma_start3A_248 = arith.constant 0 : i32
    %dma_start3A_249 = arith.constant 0 : i32
    %dma_start3A_250 = tpu.memref_slice %arg4[%shift_right_arithmetic3A_229, %dma_start3A_248, %dma_start3A_249] : memref<125000x8x64xf32, #tpu.memory_space<hbm>> -> memref<1x8x64xf32, #tpu.memory_space<hbm>>
    %dma_start3A_251 = tpu.memref_squeeze %dma_start3A_250 : memref<1x8x64xf32, #tpu.memory_space<hbm>> -> memref<8x64xf32, #tpu.memory_space<hbm>>
    tpu.enqueue_dma source(%dma_start3A_251 : memref<8x64xf32, #tpu.memory_space<hbm>>) target(%dma_start3A_247 : memref<8x64xf32, #tpu.memory_space<vmem>>) target_semaphore(%arg16 : memref<!tpu.dma_semaphore, #tpu.memory_space<semaphore_mem>>)
    %dma_start3A_252 = arith.constant 0 : i32
    %dma_start3A_253 = arith.constant 5 : i32
    %dma_start3A_254 = arith.constant 0 : i32
    %dma_start3A_255 = arith.constant 0 : i32
    %dma_start3A_256 = tpu.memref_slice %arg12[%dma_start3A_252, %dma_start3A_253, %dma_start3A_254, %dma_start3A_255] : memref<3x16x8x64xf32, #tpu.memory_space<vmem>> -> memref<1x1x8x64xf32, #tpu.memory_space<vmem>>
    %dma_start3A_257 = tpu.memref_squeeze %dma_start3A_256 : memref<1x1x8x64xf32, #tpu.memory_space<vmem>> -> memref<8x64xf32, #tpu.memory_space<vmem>>
    %dma_start3A_258 = arith.constant 0 : i32
    %dma_start3A_259 = arith.constant 0 : i32
    %dma_start3A_260 = tpu.memref_slice %arg6[%shift_right_arithmetic3A_233, %dma_start3A_258, %dma_start3A_259] : memref<125000x8x64xf32, #tpu.memory_space<hbm>> -> memref<1x8x64xf32, #tpu.memory_space<hbm>>
    %dma_start3A_261 = tpu.memref_squeeze %dma_start3A_260 : memref<1x8x64xf32, #tpu.memory_space<hbm>> -> memref<8x64xf32, #tpu.memory_space<hbm>>
    %dma_start3A_262 = arith.constant 0 : i32
    %dma_start3A_263 = arith.constant 0 : i32
    %dma_start3A_264 = tpu.memref_slice %arg12[%dma_start3A_252, %dma_start3A_253, %dma_start3A_262, %dma_start3A_263] : memref<3x16x8x64xf32, #tpu.memory_space<vmem>> -> memref<1x1x8x64xf32, #tpu.memory_space<vmem>>
    %dma_start3A_265 = tpu.memref_squeeze %dma_start3A_264 : memref<1x1x8x64xf32, #tpu.memory_space<vmem>> -> memref<8x64xf32, #tpu.memory_space<vmem>>
    %dma_start3A_266 = arith.constant 0 : i32
    %dma_start3A_267 = arith.constant 0 : i32
    %dma_start3A_268 = tpu.memref_slice %arg6[%shift_right_arithmetic3A_233, %dma_start3A_266, %dma_start3A_267] : memref<125000x8x64xf32, #tpu.memory_space<hbm>> -> memref<1x8x64xf32, #tpu.memory_space<hbm>>
    %dma_start3A_269 = tpu.memref_squeeze %dma_start3A_268 : memref<1x8x64xf32, #tpu.memory_space<hbm>> -> memref<8x64xf32, #tpu.memory_space<hbm>>
    tpu.enqueue_dma source(%dma_start3A_269 : memref<8x64xf32, #tpu.memory_space<hbm>>) target(%dma_start3A_265 : memref<8x64xf32, #tpu.memory_space<vmem>>) target_semaphore(%arg17 : memref<!tpu.dma_semaphore, #tpu.memory_space<semaphore_mem>>)
    %slice3A_270 = vector.extract_strided_slice %get3A_6 {offsets = [6], sizes = [1], strides = [1]} : vector<16xi32> to vector<1xi32>
    %squeeze3A_271 = vector.extract %slice3A_270[0] : i32 from vector<1xi32>
    %shift_right_arithmetic3A_272 = arith.constant 3 : i32
    %shift_right_arithmetic3A_273 = arith.shrsi %squeeze3A_271, %shift_right_arithmetic3A_272 : i32
    %slice3A_274 = vector.extract_strided_slice %get3A_8 {offsets = [6], sizes = [1], strides = [1]} : vector<16xi32> to vector<1xi32>
    %squeeze3A_275 = vector.extract %slice3A_274[0] : i32 from vector<1xi32>
    %shift_right_arithmetic3A_276 = arith.constant 3 : i32
    %shift_right_arithmetic3A_277 = arith.shrsi %squeeze3A_275, %shift_right_arithmetic3A_276 : i32
    %dma_start3A_278 = arith.constant 0 : i32
    %dma_start3A_279 = arith.constant 6 : i32
    %dma_start3A_280 = arith.constant 0 : i32
    %dma_start3A_281 = arith.constant 0 : i32
    %dma_start3A_282 = tpu.memref_slice %arg11[%dma_start3A_278, %dma_start3A_279, %dma_start3A_280, %dma_start3A_281] : memref<3x16x8x64xf32, #tpu.memory_space<vmem>> -> memref<1x1x8x64xf32, #tpu.memory_space<vmem>>
    %dma_start3A_283 = tpu.memref_squeeze %dma_start3A_282 : memref<1x1x8x64xf32, #tpu.memory_space<vmem>> -> memref<8x64xf32, #tpu.memory_space<vmem>>
    %dma_start3A_284 = arith.constant 0 : i32
    %dma_start3A_285 = arith.constant 0 : i32
    %dma_start3A_286 = tpu.memref_slice %arg4[%shift_right_arithmetic3A_273, %dma_start3A_284, %dma_start3A_285] : memref<125000x8x64xf32, #tpu.memory_space<hbm>> -> memref<1x8x64xf32, #tpu.memory_space<hbm>>
    %dma_start3A_287 = tpu.memref_squeeze %dma_start3A_286 : memref<1x8x64xf32, #tpu.memory_space<hbm>> -> memref<8x64xf32, #tpu.memory_space<hbm>>
    %dma_start3A_288 = arith.constant 0 : i32
    %dma_start3A_289 = arith.constant 0 : i32
    %dma_start3A_290 = tpu.memref_slice %arg11[%dma_start3A_278, %dma_start3A_279, %dma_start3A_288, %dma_start3A_289] : memref<3x16x8x64xf32, #tpu.memory_space<vmem>> -> memref<1x1x8x64xf32, #tpu.memory_space<vmem>>
    %dma_start3A_291 = tpu.memref_squeeze %dma_start3A_290 : memref<1x1x8x64xf32, #tpu.memory_space<vmem>> -> memref<8x64xf32, #tpu.memory_space<vmem>>
    %dma_start3A_292 = arith.constant 0 : i32
    %dma_start3A_293 = arith.constant 0 : i32
    %dma_start3A_294 = tpu.memref_slice %arg4[%shift_right_arithmetic3A_273, %dma_start3A_292, %dma_start3A_293] : memref<125000x8x64xf32, #tpu.memory_space<hbm>> -> memref<1x8x64xf32, #tpu.memory_space<hbm>>
    %dma_start3A_295 = tpu.memref_squeeze %dma_start3A_294 : memref<1x8x64xf32, #tpu.memory_space<hbm>> -> memref<8x64xf32, #tpu.memory_space<hbm>>
    tpu.enqueue_dma source(%dma_start3A_295 : memref<8x64xf32, #tpu.memory_space<hbm>>) target(%dma_start3A_291 : memref<8x64xf32, #tpu.memory_space<vmem>>) target_semaphore(%arg16 : memref<!tpu.dma_semaphore, #tpu.memory_space<semaphore_mem>>)
    %dma_start3A_296 = arith.constant 0 : i32
    %dma_start3A_297 = arith.constant 6 : i32
    %dma_start3A_298 = arith.constant 0 : i32
    %dma_start3A_299 = arith.constant 0 : i32
    %dma_start3A_300 = tpu.memref_slice %arg12[%dma_start3A_296, %dma_start3A_297, %dma_start3A_298, %dma_start3A_299] : memref<3x16x8x64xf32, #tpu.memory_space<vmem>> -> memref<1x1x8x64xf32, #tpu.memory_space<vmem>>
    %dma_start3A_301 = tpu.memref_squeeze %dma_start3A_300 : memref<1x1x8x64xf32, #tpu.memory_space<vmem>> -> memref<8x64xf32, #tpu.memory_space<vmem>>
    %dma_start3A_302 = arith.constant 0 : i32
    %dma_start3A_303 = arith.constant 0 : i32
    %dma_start3A_304 = tpu.memref_slice %arg6[%shift_right_arithmetic3A_277, %dma_start3A_302, %dma_start3A_303] : memref<125000x8x64xf32, #tpu.memory_space<hbm>> -> memref<1x8x64xf32, #tpu.memory_space<hbm>>
    %dma_start3A_305 = tpu.memref_squeeze %dma_start3A_304 : memref<1x8x64xf32, #tpu.memory_space<hbm>> -> memref<8x64xf32, #tpu.memory_space<hbm>>
    %dma_start3A_306 = arith.constant 0 : i32
    %dma_start3A_307 = arith.constant 0 : i32
    %dma_start3A_308 = tpu.memref_slice %arg12[%dma_start3A_296, %dma_start3A_297, %dma_start3A_306, %dma_start3A_307] : memref<3x16x8x64xf32, #tpu.memory_space<vmem>> -> memref<1x1x8x64xf32, #tpu.memory_space<vmem>>
    %dma_start3A_309 = tpu.memref_squeeze %dma_start3A_308 : memref<1x1x8x64xf32, #tpu.memory_space<vmem>> -> memref<8x64xf32, #tpu.memory_space<vmem>>
    %dma_start3A_310 = arith.constant 0 : i32
    %dma_start3A_311 = arith.constant 0 : i32
    %dma_start3A_312 = tpu.memref_slice %arg6[%shift_right_arithmetic3A_277, %dma_start3A_310, %dma_start3A_311] : memref<125000x8x64xf32, #tpu.memory_space<hbm>> -> memref<1x8x64xf32, #tpu.memory_space<hbm>>
    %dma_start3A_313 = tpu.memref_squeeze %dma_start3A_312 : memref<1x8x64xf32, #tpu.memory_space<hbm>> -> memref<8x64xf32, #tpu.memory_space<hbm>>
    tpu.enqueue_dma source(%dma_start3A_313 : memref<8x64xf32, #tpu.memory_space<hbm>>) target(%dma_start3A_309 : memref<8x64xf32, #tpu.memory_space<vmem>>) target_semaphore(%arg17 : memref<!tpu.dma_semaphore, #tpu.memory_space<semaphore_mem>>)
    %slice3A_314 = vector.extract_strided_slice %get3A_6 {offsets = [7], sizes = [1], strides = [1]} : vector<16xi32> to vector<1xi32>
    %squeeze3A_315 = vector.extract %slice3A_314[0] : i32 from vector<1xi32>
    %shift_right_arithmetic3A_316 = arith.constant 3 : i32
    %shift_right_arithmetic3A_317 = arith.shrsi %squeeze3A_315, %shift_right_arithmetic3A_316 : i32
    %slice3A_318 = vector.extract_strided_slice %get3A_8 {offsets = [7], sizes = [1], strides = [1]} : vector<16xi32> to vector<1xi32>
    %squeeze3A_319 = vector.extract %slice3A_318[0] : i32 from vector<1xi32>
    %shift_right_arithmetic3A_320 = arith.constant 3 : i32
    %shift_right_arithmetic3A_321 = arith.shrsi %squeeze3A_319, %shift_right_arithmetic3A_320 : i32
    %dma_start3A_322 = arith.constant 0 : i32
    %dma_start3A_323 = arith.constant 7 : i32
    %dma_start3A_324 = arith.constant 0 : i32
    %dma_start3A_325 = arith.constant 0 : i32
    %dma_start3A_326 = tpu.memref_slice %arg11[%dma_start3A_322, %dma_start3A_323, %dma_start3A_324, %dma_start3A_325] : memref<3x16x8x64xf32, #tpu.memory_space<vmem>> -> memref<1x1x8x64xf32, #tpu.memory_space<vmem>>
    %dma_start3A_327 = tpu.memref_squeeze %dma_start3A_326 : memref<1x1x8x64xf32, #tpu.memory_space<vmem>> -> memref<8x64xf32, #tpu.memory_space<vmem>>
    %dma_start3A_328 = arith.constant 0 : i32
    %dma_start3A_329 = arith.constant 0 : i32
    %dma_start3A_330 = tpu.memref_slice %arg4[%shift_right_arithmetic3A_317, %dma_start3A_328, %dma_start3A_329] : memref<125000x8x64xf32, #tpu.memory_space<hbm>> -> memref<1x8x64xf32, #tpu.memory_space<hbm>>
    %dma_start3A_331 = tpu.memref_squeeze %dma_start3A_330 : memref<1x8x64xf32, #tpu.memory_space<hbm>> -> memref<8x64xf32, #tpu.memory_space<hbm>>
    %dma_start3A_332 = arith.constant 0 : i32
    %dma_start3A_333 = arith.constant 0 : i32
    %dma_start3A_334 = tpu.memref_slice %arg11[%dma_start3A_322, %dma_start3A_323, %dma_start3A_332, %dma_start3A_333] : memref<3x16x8x64xf32, #tpu.memory_space<vmem>> -> memref<1x1x8x64xf32, #tpu.memory_space<vmem>>
    %dma_start3A_335 = tpu.memref_squeeze %dma_start3A_334 : memref<1x1x8x64xf32, #tpu.memory_space<vmem>> -> memref<8x64xf32, #tpu.memory_space<vmem>>
    %dma_start3A_336 = arith.constant 0 : i32
    %dma_start3A_337 = arith.constant 0 : i32
    %dma_start3A_338 = tpu.memref_slice %arg4[%shift_right_arithmetic3A_317, %dma_start3A_336, %dma_start3A_337] : memref<125000x8x64xf32, #tpu.memory_space<hbm>> -> memref<1x8x64xf32, #tpu.memory_space<hbm>>
    %dma_start3A_339 = tpu.memref_squeeze %dma_start3A_338 : memref<1x8x64xf32, #tpu.memory_space<hbm>> -> memref<8x64xf32, #tpu.memory_space<hbm>>
    tpu.enqueue_dma source(%dma_start3A_339 : memref<8x64xf32, #tpu.memory_space<hbm>>) target(%dma_start3A_335 : memref<8x64xf32, #tpu.memory_space<vmem>>) target_semaphore(%arg16 : memref<!tpu.dma_semaphore, #tpu.memory_space<semaphore_mem>>)
    %dma_start3A_340 = arith.constant 0 : i32
    %dma_start3A_341 = arith.constant 7 : i32
    %dma_start3A_342 = arith.constant 0 : i32
    %dma_start3A_343 = arith.constant 0 : i32
    %dma_start3A_344 = tpu.memref_slice %arg12[%dma_start3A_340, %dma_start3A_341, %dma_start3A_342, %dma_start3A_343] : memref<3x16x8x64xf32, #tpu.memory_space<vmem>> -> memref<1x1x8x64xf32, #tpu.memory_space<vmem>>
    %dma_start3A_345 = tpu.memref_squeeze %dma_start3A_344 : memref<1x1x8x64xf32, #tpu.memory_space<vmem>> -> memref<8x64xf32, #tpu.memory_space<vmem>>
    %dma_start3A_346 = arith.constant 0 : i32
    %dma_start3A_347 = arith.constant 0 : i32
    %dma_start3A_348 = tpu.memref_slice %arg6[%shift_right_arithmetic3A_321, %dma_start3A_346, %dma_start3A_347] : memref<125000x8x64xf32, #tpu.memory_space<hbm>> -> memref<1x8x64xf32, #tpu.memory_space<hbm>>
    %dma_start3A_349 = tpu.memref_squeeze %dma_start3A_348 : memref<1x8x64xf32, #tpu.memory_space<hbm>> -> memref<8x64xf32, #tpu.memory_space<hbm>>
    %dma_start3A_350 = arith.constant 0 : i32
    %dma_start3A_351 = arith.constant 0 : i32
    %dma_start3A_352 = tpu.memref_slice %arg12[%dma_start3A_340, %dma_start3A_341, %dma_start3A_350, %dma_start3A_351] : memref<3x16x8x64xf32, #tpu.memory_space<vmem>> -> memref<1x1x8x64xf32, #tpu.memory_space<vmem>>
    %dma_start3A_353 = tpu.memref_squeeze %dma_start3A_352 : memref<1x1x8x64xf32, #tpu.memory_space<vmem>> -> memref<8x64xf32, #tpu.memory_space<vmem>>
    %dma_start3A_354 = arith.constant 0 : i32
    %dma_start3A_355 = arith.constant 0 : i32
    %dma_start3A_356 = tpu.memref_slice %arg6[%shift_right_arithmetic3A_321, %dma_start3A_354, %dma_start3A_355] : memref<125000x8x64xf32, #tpu.memory_space<hbm>> -> memref<1x8x64xf32, #tpu.memory_space<hbm>>
    %dma_start3A_357 = tpu.memref_squeeze %dma_start3A_356 : memref<1x8x64xf32, #tpu.memory_space<hbm>> -> memref<8x64xf32, #tpu.memory_space<hbm>>
    tpu.enqueue_dma source(%dma_start3A_357 : memref<8x64xf32, #tpu.memory_space<hbm>>) target(%dma_start3A_353 : memref<8x64xf32, #tpu.memory_space<vmem>>) target_semaphore(%arg17 : memref<!tpu.dma_semaphore, #tpu.memory_space<semaphore_mem>>)
    %slice3A_358 = vector.extract_strided_slice %get3A_6 {offsets = [8], sizes = [1], strides = [1]} : vector<16xi32> to vector<1xi32>
    %squeeze3A_359 = vector.extract %slice3A_358[0] : i32 from vector<1xi32>
    %shift_right_arithmetic3A_360 = arith.constant 3 : i32
    %shift_right_arithmetic3A_361 = arith.shrsi %squeeze3A_359, %shift_right_arithmetic3A_360 : i32
    %slice3A_362 = vector.extract_strided_slice %get3A_8 {offsets = [8], sizes = [1], strides = [1]} : vector<16xi32> to vector<1xi32>
    %squeeze3A_363 = vector.extract %slice3A_362[0] : i32 from vector<1xi32>
    %shift_right_arithmetic3A_364 = arith.constant 3 : i32
    %shift_right_arithmetic3A_365 = arith.shrsi %squeeze3A_363, %shift_right_arithmetic3A_364 : i32
    %dma_start3A_366 = arith.constant 0 : i32
    %dma_start3A_367 = arith.constant 8 : i32
    %dma_start3A_368 = arith.constant 0 : i32
    %dma_start3A_369 = arith.constant 0 : i32
    %dma_start3A_370 = tpu.memref_slice %arg11[%dma_start3A_366, %dma_start3A_367, %dma_start3A_368, %dma_start3A_369] : memref<3x16x8x64xf32, #tpu.memory_space<vmem>> -> memref<1x1x8x64xf32, #tpu.memory_space<vmem>>
    %dma_start3A_371 = tpu.memref_squeeze %dma_start3A_370 : memref<1x1x8x64xf32, #tpu.memory_space<vmem>> -> memref<8x64xf32, #tpu.memory_space<vmem>>
    %dma_start3A_372 = arith.constant 0 : i32
    %dma_start3A_373 = arith.constant 0 : i32
    %dma_start3A_374 = tpu.memref_slice %arg4[%shift_right_arithmetic3A_361, %dma_start3A_372, %dma_start3A_373] : memref<125000x8x64xf32, #tpu.memory_space<hbm>> -> memref<1x8x64xf32, #tpu.memory_space<hbm>>
    %dma_start3A_375 = tpu.memref_squeeze %dma_start3A_374 : memref<1x8x64xf32, #tpu.memory_space<hbm>> -> memref<8x64xf32, #tpu.memory_space<hbm>>
    %dma_start3A_376 = arith.constant 0 : i32
    %dma_start3A_377 = arith.constant 0 : i32
    %dma_start3A_378 = tpu.memref_slice %arg11[%dma_start3A_366, %dma_start3A_367, %dma_start3A_376, %dma_start3A_377] : memref<3x16x8x64xf32, #tpu.memory_space<vmem>> -> memref<1x1x8x64xf32, #tpu.memory_space<vmem>>
    %dma_start3A_379 = tpu.memref_squeeze %dma_start3A_378 : memref<1x1x8x64xf32, #tpu.memory_space<vmem>> -> memref<8x64xf32, #tpu.memory_space<vmem>>
    %dma_start3A_380 = arith.constant 0 : i32
    %dma_start3A_381 = arith.constant 0 : i32
    %dma_start3A_382 = tpu.memref_slice %arg4[%shift_right_arithmetic3A_361, %dma_start3A_380, %dma_start3A_381] : memref<125000x8x64xf32, #tpu.memory_space<hbm>> -> memref<1x8x64xf32, #tpu.memory_space<hbm>>
    %dma_start3A_383 = tpu.memref_squeeze %dma_start3A_382 : memref<1x8x64xf32, #tpu.memory_space<hbm>> -> memref<8x64xf32, #tpu.memory_space<hbm>>
    tpu.enqueue_dma source(%dma_start3A_383 : memref<8x64xf32, #tpu.memory_space<hbm>>) target(%dma_start3A_379 : memref<8x64xf32, #tpu.memory_space<vmem>>) target_semaphore(%arg16 : memref<!tpu.dma_semaphore, #tpu.memory_space<semaphore_mem>>)
    %dma_start3A_384 = arith.constant 0 : i32
    %dma_start3A_385 = arith.constant 8 : i32
    %dma_start3A_386 = arith.constant 0 : i32
    %dma_start3A_387 = arith.constant 0 : i32
    %dma_start3A_388 = tpu.memref_slice %arg12[%dma_start3A_384, %dma_start3A_385, %dma_start3A_386, %dma_start3A_387] : memref<3x16x8x64xf32, #tpu.memory_space<vmem>> -> memref<1x1x8x64xf32, #tpu.memory_space<vmem>>
    %dma_start3A_389 = tpu.memref_squeeze %dma_start3A_388 : memref<1x1x8x64xf32, #tpu.memory_space<vmem>> -> memref<8x64xf32, #tpu.memory_space<vmem>>
    %dma_start3A_390 = arith.constant 0 : i32
    %dma_start3A_391 = arith.constant 0 : i32
    %dma_start3A_392 = tpu.memref_slice %arg6[%shift_right_arithmetic3A_365, %dma_start3A_390, %dma_start3A_391] : memref<125000x8x64xf32, #tpu.memory_space<hbm>> -> memref<1x8x64xf32, #tpu.memory_space<hbm>>
    %dma_start3A_393 = tpu.memref_squeeze %dma_start3A_392 : memref<1x8x64xf32, #tpu.memory_space<hbm>> -> memref<8x64xf32, #tpu.memory_space<hbm>>
    %dma_start3A_394 = arith.constant 0 : i32
    %dma_start3A_395 = arith.constant 0 : i32
    %dma_start3A_396 = tpu.memref_slice %arg12[%dma_start3A_384, %dma_start3A_385, %dma_start3A_394, %dma_start3A_395] : memref<3x16x8x64xf32, #tpu.memory_space<vmem>> -> memref<1x1x8x64xf32, #tpu.memory_space<vmem>>
    %dma_start3A_397 = tpu.memref_squeeze %dma_start3A_396 : memref<1x1x8x64xf32, #tpu.memory_space<vmem>> -> memref<8x64xf32, #tpu.memory_space<vmem>>
    %dma_start3A_398 = arith.constant 0 : i32
    %dma_start3A_399 = arith.constant 0 : i32
    %dma_start3A_400 = tpu.memref_slice %arg6[%shift_right_arithmetic3A_365, %dma_start3A_398, %dma_start3A_399] : memref<125000x8x64xf32, #tpu.memory_space<hbm>> -> memref<1x8x64xf32, #tpu.memory_space<hbm>>
    %dma_start3A_401 = tpu.memref_squeeze %dma_start3A_400 : memref<1x8x64xf32, #tpu.memory_space<hbm>> -> memref<8x64xf32, #tpu.memory_space<hbm>>
    tpu.enqueue_dma source(%dma_start3A_401 : memref<8x64xf32, #tpu.memory_space<hbm>>) target(%dma_start3A_397 : memref<8x64xf32, #tpu.memory_space<vmem>>) target_semaphore(%arg17 : memref<!tpu.dma_semaphore, #tpu.memory_space<semaphore_mem>>)
    %slice3A_402 = vector.extract_strided_slice %get3A_6 {offsets = [9], sizes = [1], strides = [1]} : vector<16xi32> to vector<1xi32>
    %squeeze3A_403 = vector.extract %slice3A_402[0] : i32 from vector<1xi32>
    %shift_right_arithmetic3A_404 = arith.constant 3 : i32
    %shift_right_arithmetic3A_405 = arith.shrsi %squeeze3A_403, %shift_right_arithmetic3A_404 : i32
    %slice3A_406 = vector.extract_strided_slice %get3A_8 {offsets = [9], sizes = [1], strides = [1]} : vector<16xi32> to vector<1xi32>
    %squeeze3A_407 = vector.extract %slice3A_406[0] : i32 from vector<1xi32>
    %shift_right_arithmetic3A_408 = arith.constant 3 : i32
    %shift_right_arithmetic3A_409 = arith.shrsi %squeeze3A_407, %shift_right_arithmetic3A_408 : i32
    %dma_start3A_410 = arith.constant 0 : i32
    %dma_start3A_411 = arith.constant 9 : i32
    %dma_start3A_412 = arith.constant 0 : i32
    %dma_start3A_413 = arith.constant 0 : i32
    %dma_start3A_414 = tpu.memref_slice %arg11[%dma_start3A_410, %dma_start3A_411, %dma_start3A_412, %dma_start3A_413] : memref<3x16x8x64xf32, #tpu.memory_space<vmem>> -> memref<1x1x8x64xf32, #tpu.memory_space<vmem>>
    %dma_start3A_415 = tpu.memref_squeeze %dma_start3A_414 : memref<1x1x8x64xf32, #tpu.memory_space<vmem>> -> memref<8x64xf32, #tpu.memory_space<vmem>>
    %dma_start3A_416 = arith.constant 0 : i32
    %dma_start3A_417 = arith.constant 0 : i32
    %dma_start3A_418 = tpu.memref_slice %arg4[%shift_right_arithmetic3A_405, %dma_start3A_416, %dma_start3A_417] : memref<125000x8x64xf32, #tpu.memory_space<hbm>> -> memref<1x8x64xf32, #tpu.memory_space<hbm>>
    %dma_start3A_419 = tpu.memref_squeeze %dma_start3A_418 : memref<1x8x64xf32, #tpu.memory_space<hbm>> -> memref<8x64xf32, #tpu.memory_space<hbm>>
    %dma_start3A_420 = arith.constant 0 : i32
    %dma_start3A_421 = arith.constant 0 : i32
    %dma_start3A_422 = tpu.memref_slice %arg11[%dma_start3A_410, %dma_start3A_411, %dma_start3A_420, %dma_start3A_421] : memref<3x16x8x64xf32, #tpu.memory_space<vmem>> -> memref<1x1x8x64xf32, #tpu.memory_space<vmem>>
    %dma_start3A_423 = tpu.memref_squeeze %dma_start3A_422 : memref<1x1x8x64xf32, #tpu.memory_space<vmem>> -> memref<8x64xf32, #tpu.memory_space<vmem>>
    %dma_start3A_424 = arith.constant 0 : i32
    %dma_start3A_425 = arith.constant 0 : i32
    %dma_start3A_426 = tpu.memref_slice %arg4[%shift_right_arithmetic3A_405, %dma_start3A_424, %dma_start3A_425] : memref<125000x8x64xf32, #tpu.memory_space<hbm>> -> memref<1x8x64xf32, #tpu.memory_space<hbm>>
    %dma_start3A_427 = tpu.memref_squeeze %dma_start3A_426 : memref<1x8x64xf32, #tpu.memory_space<hbm>> -> memref<8x64xf32, #tpu.memory_space<hbm>>
    tpu.enqueue_dma source(%dma_start3A_427 : memref<8x64xf32, #tpu.memory_space<hbm>>) target(%dma_start3A_423 : memref<8x64xf32, #tpu.memory_space<vmem>>) target_semaphore(%arg16 : memref<!tpu.dma_semaphore, #tpu.memory_space<semaphore_mem>>)
    %dma_start3A_428 = arith.constant 0 : i32
    %dma_start3A_429 = arith.constant 9 : i32
    %dma_start3A_430 = arith.constant 0 : i32
    %dma_start3A_431 = arith.constant 0 : i32
    %dma_start3A_432 = tpu.memref_slice %arg12[%dma_start3A_428, %dma_start3A_429, %dma_start3A_430, %dma_start3A_431] : memref<3x16x8x64xf32, #tpu.memory_space<vmem>> -> memref<1x1x8x64xf32, #tpu.memory_space<vmem>>
    %dma_start3A_433 = tpu.memref_squeeze %dma_start3A_432 : memref<1x1x8x64xf32, #tpu.memory_space<vmem>> -> memref<8x64xf32, #tpu.memory_space<vmem>>
    %dma_start3A_434 = arith.constant 0 : i32
    %dma_start3A_435 = arith.constant 0 : i32
    %dma_start3A_436 = tpu.memref_slice %arg6[%shift_right_arithmetic3A_409, %dma_start3A_434, %dma_start3A_435] : memref<125000x8x64xf32, #tpu.memory_space<hbm>> -> memref<1x8x64xf32, #tpu.memory_space<hbm>>
    %dma_start3A_437 = tpu.memref_squeeze %dma_start3A_436 : memref<1x8x64xf32, #tpu.memory_space<hbm>> -> memref<8x64xf32, #tpu.memory_space<hbm>>
    %dma_start3A_438 = arith.constant 0 : i32
    %dma_start3A_439 = arith.constant 0 : i32
    %dma_start3A_440 = tpu.memref_slice %arg12[%dma_start3A_428, %dma_start3A_429, %dma_start3A_438, %dma_start3A_439] : memref<3x16x8x64xf32, #tpu.memory_space<vmem>> -> memref<1x1x8x64xf32, #tpu.memory_space<vmem>>
    %dma_start3A_441 = tpu.memref_squeeze %dma_start3A_440 : memref<1x1x8x64xf32, #tpu.memory_space<vmem>> -> memref<8x64xf32, #tpu.memory_space<vmem>>
    %dma_start3A_442 = arith.constant 0 : i32
    %dma_start3A_443 = arith.constant 0 : i32
    %dma_start3A_444 = tpu.memref_slice %arg6[%shift_right_arithmetic3A_409, %dma_start3A_442, %dma_start3A_443] : memref<125000x8x64xf32, #tpu.memory_space<hbm>> -> memref<1x8x64xf32, #tpu.memory_space<hbm>>
    %dma_start3A_445 = tpu.memref_squeeze %dma_start3A_444 : memref<1x8x64xf32, #tpu.memory_space<hbm>> -> memref<8x64xf32, #tpu.memory_space<hbm>>
    tpu.enqueue_dma source(%dma_start3A_445 : memref<8x64xf32, #tpu.memory_space<hbm>>) target(%dma_start3A_441 : memref<8x64xf32, #tpu.memory_space<vmem>>) target_semaphore(%arg17 : memref<!tpu.dma_semaphore, #tpu.memory_space<semaphore_mem>>)
    %slice3A_446 = vector.extract_strided_slice %get3A_6 {offsets = [10], sizes = [1], strides = [1]} : vector<16xi32> to vector<1xi32>
    %squeeze3A_447 = vector.extract %slice3A_446[0] : i32 from vector<1xi32>
    %shift_right_arithmetic3A_448 = arith.constant 3 : i32
    %shift_right_arithmetic3A_449 = arith.shrsi %squeeze3A_447, %shift_right_arithmetic3A_448 : i32
    %slice3A_450 = vector.extract_strided_slice %get3A_8 {offsets = [10], sizes = [1], strides = [1]} : vector<16xi32> to vector<1xi32>
    %squeeze3A_451 = vector.extract %slice3A_450[0] : i32 from vector<1xi32>
    %shift_right_arithmetic3A_452 = arith.constant 3 : i32
    %shift_right_arithmetic3A_453 = arith.shrsi %squeeze3A_451, %shift_right_arithmetic3A_452 : i32
    %dma_start3A_454 = arith.constant 0 : i32
    %dma_start3A_455 = arith.constant 10 : i32
    %dma_start3A_456 = arith.constant 0 : i32
    %dma_start3A_457 = arith.constant 0 : i32
    %dma_start3A_458 = tpu.memref_slice %arg11[%dma_start3A_454, %dma_start3A_455, %dma_start3A_456, %dma_start3A_457] : memref<3x16x8x64xf32, #tpu.memory_space<vmem>> -> memref<1x1x8x64xf32, #tpu.memory_space<vmem>>
    %dma_start3A_459 = tpu.memref_squeeze %dma_start3A_458 : memref<1x1x8x64xf32, #tpu.memory_space<vmem>> -> memref<8x64xf32, #tpu.memory_space<vmem>>
    %dma_start3A_460 = arith.constant 0 : i32
    %dma_start3A_461 = arith.constant 0 : i32
    %dma_start3A_462 = tpu.memref_slice %arg4[%shift_right_arithmetic3A_449, %dma_start3A_460, %dma_start3A_461] : memref<125000x8x64xf32, #tpu.memory_space<hbm>> -> memref<1x8x64xf32, #tpu.memory_space<hbm>>
    %dma_start3A_463 = tpu.memref_squeeze %dma_start3A_462 : memref<1x8x64xf32, #tpu.memory_space<hbm>> -> memref<8x64xf32, #tpu.memory_space<hbm>>
    %dma_start3A_464 = arith.constant 0 : i32
    %dma_start3A_465 = arith.constant 0 : i32
    %dma_start3A_466 = tpu.memref_slice %arg11[%dma_start3A_454, %dma_start3A_455, %dma_start3A_464, %dma_start3A_465] : memref<3x16x8x64xf32, #tpu.memory_space<vmem>> -> memref<1x1x8x64xf32, #tpu.memory_space<vmem>>
    %dma_start3A_467 = tpu.memref_squeeze %dma_start3A_466 : memref<1x1x8x64xf32, #tpu.memory_space<vmem>> -> memref<8x64xf32, #tpu.memory_space<vmem>>
    %dma_start3A_468 = arith.constant 0 : i32
    %dma_start3A_469 = arith.constant 0 : i32
    %dma_start3A_470 = tpu.memref_slice %arg4[%shift_right_arithmetic3A_449, %dma_start3A_468, %dma_start3A_469] : memref<125000x8x64xf32, #tpu.memory_space<hbm>> -> memref<1x8x64xf32, #tpu.memory_space<hbm>>
    %dma_start3A_471 = tpu.memref_squeeze %dma_start3A_470 : memref<1x8x64xf32, #tpu.memory_space<hbm>> -> memref<8x64xf32, #tpu.memory_space<hbm>>
    tpu.enqueue_dma source(%dma_start3A_471 : memref<8x64xf32, #tpu.memory_space<hbm>>) target(%dma_start3A_467 : memref<8x64xf32, #tpu.memory_space<vmem>>) target_semaphore(%arg16 : memref<!tpu.dma_semaphore, #tpu.memory_space<semaphore_mem>>)
    %dma_start3A_472 = arith.constant 0 : i32
    %dma_start3A_473 = arith.constant 10 : i32
    %dma_start3A_474 = arith.constant 0 : i32
    %dma_start3A_475 = arith.constant 0 : i32
    %dma_start3A_476 = tpu.memref_slice %arg12[%dma_start3A_472, %dma_start3A_473, %dma_start3A_474, %dma_start3A_475] : memref<3x16x8x64xf32, #tpu.memory_space<vmem>> -> memref<1x1x8x64xf32, #tpu.memory_space<vmem>>
    %dma_start3A_477 = tpu.memref_squeeze %dma_start3A_476 : memref<1x1x8x64xf32, #tpu.memory_space<vmem>> -> memref<8x64xf32, #tpu.memory_space<vmem>>
    %dma_start3A_478 = arith.constant 0 : i32
    %dma_start3A_479 = arith.constant 0 : i32
    %dma_start3A_480 = tpu.memref_slice %arg6[%shift_right_arithmetic3A_453, %dma_start3A_478, %dma_start3A_479] : memref<125000x8x64xf32, #tpu.memory_space<hbm>> -> memref<1x8x64xf32, #tpu.memory_space<hbm>>
    %dma_start3A_481 = tpu.memref_squeeze %dma_start3A_480 : memref<1x8x64xf32, #tpu.memory_space<hbm>> -> memref<8x64xf32, #tpu.memory_space<hbm>>
    %dma_start3A_482 = arith.constant 0 : i32
    %dma_start3A_483 = arith.constant 0 : i32
    %dma_start3A_484 = tpu.memref_slice %arg12[%dma_start3A_472, %dma_start3A_473, %dma_start3A_482, %dma_start3A_483] : memref<3x16x8x64xf32, #tpu.memory_space<vmem>> -> memref<1x1x8x64xf32, #tpu.memory_space<vmem>>
    %dma_start3A_485 = tpu.memref_squeeze %dma_start3A_484 : memref<1x1x8x64xf32, #tpu.memory_space<vmem>> -> memref<8x64xf32, #tpu.memory_space<vmem>>
    %dma_start3A_486 = arith.constant 0 : i32
    %dma_start3A_487 = arith.constant 0 : i32
    %dma_start3A_488 = tpu.memref_slice %arg6[%shift_right_arithmetic3A_453, %dma_start3A_486, %dma_start3A_487] : memref<125000x8x64xf32, #tpu.memory_space<hbm>> -> memref<1x8x64xf32, #tpu.memory_space<hbm>>
    %dma_start3A_489 = tpu.memref_squeeze %dma_start3A_488 : memref<1x8x64xf32, #tpu.memory_space<hbm>> -> memref<8x64xf32, #tpu.memory_space<hbm>>
    tpu.enqueue_dma source(%dma_start3A_489 : memref<8x64xf32, #tpu.memory_space<hbm>>) target(%dma_start3A_485 : memref<8x64xf32, #tpu.memory_space<vmem>>) target_semaphore(%arg17 : memref<!tpu.dma_semaphore, #tpu.memory_space<semaphore_mem>>)
    %slice3A_490 = vector.extract_strided_slice %get3A_6 {offsets = [11], sizes = [1], strides = [1]} : vector<16xi32> to vector<1xi32>
    %squeeze3A_491 = vector.extract %slice3A_490[0] : i32 from vector<1xi32>
    %shift_right_arithmetic3A_492 = arith.constant 3 : i32
    %shift_right_arithmetic3A_493 = arith.shrsi %squeeze3A_491, %shift_right_arithmetic3A_492 : i32
    %slice3A_494 = vector.extract_strided_slice %get3A_8 {offsets = [11], sizes = [1], strides = [1]} : vector<16xi32> to vector<1xi32>
    %squeeze3A_495 = vector.extract %slice3A_494[0] : i32 from vector<1xi32>
    %shift_right_arithmetic3A_496 = arith.constant 3 : i32
    %shift_right_arithmetic3A_497 = arith.shrsi %squeeze3A_495, %shift_right_arithmetic3A_496 : i32
    %dma_start3A_498 = arith.constant 0 : i32
    %dma_start3A_499 = arith.constant 11 : i32
    %dma_start3A_500 = arith.constant 0 : i32
    %dma_start3A_501 = arith.constant 0 : i32
    %dma_start3A_502 = tpu.memref_slice %arg11[%dma_start3A_498, %dma_start3A_499, %dma_start3A_500, %dma_start3A_501] : memref<3x16x8x64xf32, #tpu.memory_space<vmem>> -> memref<1x1x8x64xf32, #tpu.memory_space<vmem>>
    %dma_start3A_503 = tpu.memref_squeeze %dma_start3A_502 : memref<1x1x8x64xf32, #tpu.memory_space<vmem>> -> memref<8x64xf32, #tpu.memory_space<vmem>>
    %dma_start3A_504 = arith.constant 0 : i32
    %dma_start3A_505 = arith.constant 0 : i32
    %dma_start3A_506 = tpu.memref_slice %arg4[%shift_right_arithmetic3A_493, %dma_start3A_504, %dma_start3A_505] : memref<125000x8x64xf32, #tpu.memory_space<hbm>> -> memref<1x8x64xf32, #tpu.memory_space<hbm>>
    %dma_start3A_507 = tpu.memref_squeeze %dma_start3A_506 : memref<1x8x64xf32, #tpu.memory_space<hbm>> -> memref<8x64xf32, #tpu.memory_space<hbm>>
    %dma_start3A_508 = arith.constant 0 : i32
    %dma_start3A_509 = arith.constant 0 : i32
    %dma_start3A_510 = tpu.memref_slice %arg11[%dma_start3A_498, %dma_start3A_499, %dma_start3A_508, %dma_start3A_509] : memref<3x16x8x64xf32, #tpu.memory_space<vmem>> -> memref<1x1x8x64xf32, #tpu.memory_space<vmem>>
    %dma_start3A_511 = tpu.memref_squeeze %dma_start3A_510 : memref<1x1x8x64xf32, #tpu.memory_space<vmem>> -> memref<8x64xf32, #tpu.memory_space<vmem>>
    %dma_start3A_512 = arith.constant 0 : i32
    %dma_start3A_513 = arith.constant 0 : i32
    %dma_start3A_514 = tpu.memref_slice %arg4[%shift_right_arithmetic3A_493, %dma_start3A_512, %dma_start3A_513] : memref<125000x8x64xf32, #tpu.memory_space<hbm>> -> memref<1x8x64xf32, #tpu.memory_space<hbm>>
    %dma_start3A_515 = tpu.memref_squeeze %dma_start3A_514 : memref<1x8x64xf32, #tpu.memory_space<hbm>> -> memref<8x64xf32, #tpu.memory_space<hbm>>
    tpu.enqueue_dma source(%dma_start3A_515 : memref<8x64xf32, #tpu.memory_space<hbm>>) target(%dma_start3A_511 : memref<8x64xf32, #tpu.memory_space<vmem>>) target_semaphore(%arg16 : memref<!tpu.dma_semaphore, #tpu.memory_space<semaphore_mem>>)
    %dma_start3A_516 = arith.constant 0 : i32
    %dma_start3A_517 = arith.constant 11 : i32
    %dma_start3A_518 = arith.constant 0 : i32
    %dma_start3A_519 = arith.constant 0 : i32
    %dma_start3A_520 = tpu.memref_slice %arg12[%dma_start3A_516, %dma_start3A_517, %dma_start3A_518, %dma_start3A_519] : memref<3x16x8x64xf32, #tpu.memory_space<vmem>> -> memref<1x1x8x64xf32, #tpu.memory_space<vmem>>
    %dma_start3A_521 = tpu.memref_squeeze %dma_start3A_520 : memref<1x1x8x64xf32, #tpu.memory_space<vmem>> -> memref<8x64xf32, #tpu.memory_space<vmem>>
    %dma_start3A_522 = arith.constant 0 : i32
    %dma_start3A_523 = arith.constant 0 : i32
    %dma_start3A_524 = tpu.memref_slice %arg6[%shift_right_arithmetic3A_497, %dma_start3A_522, %dma_start3A_523] : memref<125000x8x64xf32, #tpu.memory_space<hbm>> -> memref<1x8x64xf32, #tpu.memory_space<hbm>>
    %dma_start3A_525 = tpu.memref_squeeze %dma_start3A_524 : memref<1x8x64xf32, #tpu.memory_space<hbm>> -> memref<8x64xf32, #tpu.memory_space<hbm>>
    %dma_start3A_526 = arith.constant 0 : i32
    %dma_start3A_527 = arith.constant 0 : i32
    %dma_start3A_528 = tpu.memref_slice %arg12[%dma_start3A_516, %dma_start3A_517, %dma_start3A_526, %dma_start3A_527] : memref<3x16x8x64xf32, #tpu.memory_space<vmem>> -> memref<1x1x8x64xf32, #tpu.memory_space<vmem>>
    %dma_start3A_529 = tpu.memref_squeeze %dma_start3A_528 : memref<1x1x8x64xf32, #tpu.memory_space<vmem>> -> memref<8x64xf32, #tpu.memory_space<vmem>>
    %dma_start3A_530 = arith.constant 0 : i32
    %dma_start3A_531 = arith.constant 0 : i32
    %dma_start3A_532 = tpu.memref_slice %arg6[%shift_right_arithmetic3A_497, %dma_start3A_530, %dma_start3A_531] : memref<125000x8x64xf32, #tpu.memory_space<hbm>> -> memref<1x8x64xf32, #tpu.memory_space<hbm>>
    %dma_start3A_533 = tpu.memref_squeeze %dma_start3A_532 : memref<1x8x64xf32, #tpu.memory_space<hbm>> -> memref<8x64xf32, #tpu.memory_space<hbm>>
    tpu.enqueue_dma source(%dma_start3A_533 : memref<8x64xf32, #tpu.memory_space<hbm>>) target(%dma_start3A_529 : memref<8x64xf32, #tpu.memory_space<vmem>>) target_semaphore(%arg17 : memref<!tpu.dma_semaphore, #tpu.memory_space<semaphore_mem>>)
    %slice3A_534 = vector.extract_strided_slice %get3A_6 {offsets = [12], sizes = [1], strides = [1]} : vector<16xi32> to vector<1xi32>
    %squeeze3A_535 = vector.extract %slice3A_534[0] : i32 from vector<1xi32>
    %shift_right_arithmetic3A_536 = arith.constant 3 : i32
    %shift_right_arithmetic3A_537 = arith.shrsi %squeeze3A_535, %shift_right_arithmetic3A_536 : i32
    %slice3A_538 = vector.extract_strided_slice %get3A_8 {offsets = [12], sizes = [1], strides = [1]} : vector<16xi32> to vector<1xi32>
    %squeeze3A_539 = vector.extract %slice3A_538[0] : i32 from vector<1xi32>
    %shift_right_arithmetic3A_540 = arith.constant 3 : i32
    %shift_right_arithmetic3A_541 = arith.shrsi %squeeze3A_539, %shift_right_arithmetic3A_540 : i32
    %dma_start3A_542 = arith.constant 0 : i32
    %dma_start3A_543 = arith.constant 12 : i32
    %dma_start3A_544 = arith.constant 0 : i32
    %dma_start3A_545 = arith.constant 0 : i32
    %dma_start3A_546 = tpu.memref_slice %arg11[%dma_start3A_542, %dma_start3A_543, %dma_start3A_544, %dma_start3A_545] : memref<3x16x8x64xf32, #tpu.memory_space<vmem>> -> memref<1x1x8x64xf32, #tpu.memory_space<vmem>>
    %dma_start3A_547 = tpu.memref_squeeze %dma_start3A_546 : memref<1x1x8x64xf32, #tpu.memory_space<vmem>> -> memref<8x64xf32, #tpu.memory_space<vmem>>
    %dma_start3A_548 = arith.constant 0 : i32
    %dma_start3A_549 = arith.constant 0 : i32
    %dma_start3A_550 = tpu.memref_slice %arg4[%shift_right_arithmetic3A_537, %dma_start3A_548, %dma_start3A_549] : memref<125000x8x64xf32, #tpu.memory_space<hbm>> -> memref<1x8x64xf32, #tpu.memory_space<hbm>>
    %dma_start3A_551 = tpu.memref_squeeze %dma_start3A_550 : memref<1x8x64xf32, #tpu.memory_space<hbm>> -> memref<8x64xf32, #tpu.memory_space<hbm>>
    %dma_start3A_552 = arith.constant 0 : i32
    %dma_start3A_553 = arith.constant 0 : i32
    %dma_start3A_554 = tpu.memref_slice %arg11[%dma_start3A_542, %dma_start3A_543, %dma_start3A_552, %dma_start3A_553] : memref<3x16x8x64xf32, #tpu.memory_space<vmem>> -> memref<1x1x8x64xf32, #tpu.memory_space<vmem>>
    %dma_start3A_555 = tpu.memref_squeeze %dma_start3A_554 : memref<1x1x8x64xf32, #tpu.memory_space<vmem>> -> memref<8x64xf32, #tpu.memory_space<vmem>>
    %dma_start3A_556 = arith.constant 0 : i32
    %dma_start3A_557 = arith.constant 0 : i32
    %dma_start3A_558 = tpu.memref_slice %arg4[%shift_right_arithmetic3A_537, %dma_start3A_556, %dma_start3A_557] : memref<125000x8x64xf32, #tpu.memory_space<hbm>> -> memref<1x8x64xf32, #tpu.memory_space<hbm>>
    %dma_start3A_559 = tpu.memref_squeeze %dma_start3A_558 : memref<1x8x64xf32, #tpu.memory_space<hbm>> -> memref<8x64xf32, #tpu.memory_space<hbm>>
    tpu.enqueue_dma source(%dma_start3A_559 : memref<8x64xf32, #tpu.memory_space<hbm>>) target(%dma_start3A_555 : memref<8x64xf32, #tpu.memory_space<vmem>>) target_semaphore(%arg16 : memref<!tpu.dma_semaphore, #tpu.memory_space<semaphore_mem>>)
    %dma_start3A_560 = arith.constant 0 : i32
    %dma_start3A_561 = arith.constant 12 : i32
    %dma_start3A_562 = arith.constant 0 : i32
    %dma_start3A_563 = arith.constant 0 : i32
    %dma_start3A_564 = tpu.memref_slice %arg12[%dma_start3A_560, %dma_start3A_561, %dma_start3A_562, %dma_start3A_563] : memref<3x16x8x64xf32, #tpu.memory_space<vmem>> -> memref<1x1x8x64xf32, #tpu.memory_space<vmem>>
    %dma_start3A_565 = tpu.memref_squeeze %dma_start3A_564 : memref<1x1x8x64xf32, #tpu.memory_space<vmem>> -> memref<8x64xf32, #tpu.memory_space<vmem>>
    %dma_start3A_566 = arith.constant 0 : i32
    %dma_start3A_567 = arith.constant 0 : i32
    %dma_start3A_568 = tpu.memref_slice %arg6[%shift_right_arithmetic3A_541, %dma_start3A_566, %dma_start3A_567] : memref<125000x8x64xf32, #tpu.memory_space<hbm>> -> memref<1x8x64xf32, #tpu.memory_space<hbm>>
    %dma_start3A_569 = tpu.memref_squeeze %dma_start3A_568 : memref<1x8x64xf32, #tpu.memory_space<hbm>> -> memref<8x64xf32, #tpu.memory_space<hbm>>
    %dma_start3A_570 = arith.constant 0 : i32
    %dma_start3A_571 = arith.constant 0 : i32
    %dma_start3A_572 = tpu.memref_slice %arg12[%dma_start3A_560, %dma_start3A_561, %dma_start3A_570, %dma_start3A_571] : memref<3x16x8x64xf32, #tpu.memory_space<vmem>> -> memref<1x1x8x64xf32, #tpu.memory_space<vmem>>
    %dma_start3A_573 = tpu.memref_squeeze %dma_start3A_572 : memref<1x1x8x64xf32, #tpu.memory_space<vmem>> -> memref<8x64xf32, #tpu.memory_space<vmem>>
    %dma_start3A_574 = arith.constant 0 : i32
    %dma_start3A_575 = arith.constant 0 : i32
    %dma_start3A_576 = tpu.memref_slice %arg6[%shift_right_arithmetic3A_541, %dma_start3A_574, %dma_start3A_575] : memref<125000x8x64xf32, #tpu.memory_space<hbm>> -> memref<1x8x64xf32, #tpu.memory_space<hbm>>
    %dma_start3A_577 = tpu.memref_squeeze %dma_start3A_576 : memref<1x8x64xf32, #tpu.memory_space<hbm>> -> memref<8x64xf32, #tpu.memory_space<hbm>>
    tpu.enqueue_dma source(%dma_start3A_577 : memref<8x64xf32, #tpu.memory_space<hbm>>) target(%dma_start3A_573 : memref<8x64xf32, #tpu.memory_space<vmem>>) target_semaphore(%arg17 : memref<!tpu.dma_semaphore, #tpu.memory_space<semaphore_mem>>)
    %slice3A_578 = vector.extract_strided_slice %get3A_6 {offsets = [13], sizes = [1], strides = [1]} : vector<16xi32> to vector<1xi32>
    %squeeze3A_579 = vector.extract %slice3A_578[0] : i32 from vector<1xi32>
    %shift_right_arithmetic3A_580 = arith.constant 3 : i32
    %shift_right_arithmetic3A_581 = arith.shrsi %squeeze3A_579, %shift_right_arithmetic3A_580 : i32
    %slice3A_582 = vector.extract_strided_slice %get3A_8 {offsets = [13], sizes = [1], strides = [1]} : vector<16xi32> to vector<1xi32>
    %squeeze3A_583 = vector.extract %slice3A_582[0] : i32 from vector<1xi32>
    %shift_right_arithmetic3A_584 = arith.constant 3 : i32
    %shift_right_arithmetic3A_585 = arith.shrsi %squeeze3A_583, %shift_right_arithmetic3A_584 : i32
    %dma_start3A_586 = arith.constant 0 : i32
    %dma_start3A_587 = arith.constant 13 : i32
    %dma_start3A_588 = arith.constant 0 : i32
    %dma_start3A_589 = arith.constant 0 : i32
    %dma_start3A_590 = tpu.memref_slice %arg11[%dma_start3A_586, %dma_start3A_587, %dma_start3A_588, %dma_start3A_589] : memref<3x16x8x64xf32, #tpu.memory_space<vmem>> -> memref<1x1x8x64xf32, #tpu.memory_space<vmem>>
    %dma_start3A_591 = tpu.memref_squeeze %dma_start3A_590 : memref<1x1x8x64xf32, #tpu.memory_space<vmem>> -> memref<8x64xf32, #tpu.memory_space<vmem>>
    %dma_start3A_592 = arith.constant 0 : i32
    %dma_start3A_593 = arith.constant 0 : i32
    %dma_start3A_594 = tpu.memref_slice %arg4[%shift_right_arithmetic3A_581, %dma_start3A_592, %dma_start3A_593] : memref<125000x8x64xf32, #tpu.memory_space<hbm>> -> memref<1x8x64xf32, #tpu.memory_space<hbm>>
    %dma_start3A_595 = tpu.memref_squeeze %dma_start3A_594 : memref<1x8x64xf32, #tpu.memory_space<hbm>> -> memref<8x64xf32, #tpu.memory_space<hbm>>
    %dma_start3A_596 = arith.constant 0 : i32
    %dma_start3A_597 = arith.constant 0 : i32
    %dma_start3A_598 = tpu.memref_slice %arg11[%dma_start3A_586, %dma_start3A_587, %dma_start3A_596, %dma_start3A_597] : memref<3x16x8x64xf32, #tpu.memory_space<vmem>> -> memref<1x1x8x64xf32, #tpu.memory_space<vmem>>
    %dma_start3A_599 = tpu.memref_squeeze %dma_start3A_598 : memref<1x1x8x64xf32, #tpu.memory_space<vmem>> -> memref<8x64xf32, #tpu.memory_space<vmem>>
    %dma_start3A_600 = arith.constant 0 : i32
    %dma_start3A_601 = arith.constant 0 : i32
    %dma_start3A_602 = tpu.memref_slice %arg4[%shift_right_arithmetic3A_581, %dma_start3A_600, %dma_start3A_601] : memref<125000x8x64xf32, #tpu.memory_space<hbm>> -> memref<1x8x64xf32, #tpu.memory_space<hbm>>
    %dma_start3A_603 = tpu.memref_squeeze %dma_start3A_602 : memref<1x8x64xf32, #tpu.memory_space<hbm>> -> memref<8x64xf32, #tpu.memory_space<hbm>>
    tpu.enqueue_dma source(%dma_start3A_603 : memref<8x64xf32, #tpu.memory_space<hbm>>) target(%dma_start3A_599 : memref<8x64xf32, #tpu.memory_space<vmem>>) target_semaphore(%arg16 : memref<!tpu.dma_semaphore, #tpu.memory_space<semaphore_mem>>)
    %dma_start3A_604 = arith.constant 0 : i32
    %dma_start3A_605 = arith.constant 13 : i32
    %dma_start3A_606 = arith.constant 0 : i32
    %dma_start3A_607 = arith.constant 0 : i32
    %dma_start3A_608 = tpu.memref_slice %arg12[%dma_start3A_604, %dma_start3A_605, %dma_start3A_606, %dma_start3A_607] : memref<3x16x8x64xf32, #tpu.memory_space<vmem>> -> memref<1x1x8x64xf32, #tpu.memory_space<vmem>>
    %dma_start3A_609 = tpu.memref_squeeze %dma_start3A_608 : memref<1x1x8x64xf32, #tpu.memory_space<vmem>> -> memref<8x64xf32, #tpu.memory_space<vmem>>
    %dma_start3A_610 = arith.constant 0 : i32
    %dma_start3A_611 = arith.constant 0 : i32
    %dma_start3A_612 = tpu.memref_slice %arg6[%shift_right_arithmetic3A_585, %dma_start3A_610, %dma_start3A_611] : memref<125000x8x64xf32, #tpu.memory_space<hbm>> -> memref<1x8x64xf32, #tpu.memory_space<hbm>>
    %dma_start3A_613 = tpu.memref_squeeze %dma_start3A_612 : memref<1x8x64xf32, #tpu.memory_space<hbm>> -> memref<8x64xf32, #tpu.memory_space<hbm>>
    %dma_start3A_614 = arith.constant 0 : i32
    %dma_start3A_615 = arith.constant 0 : i32
    %dma_start3A_616 = tpu.memref_slice %arg12[%dma_start3A_604, %dma_start3A_605, %dma_start3A_614, %dma_start3A_615] : memref<3x16x8x64xf32, #tpu.memory_space<vmem>> -> memref<1x1x8x64xf32, #tpu.memory_space<vmem>>
    %dma_start3A_617 = tpu.memref_squeeze %dma_start3A_616 : memref<1x1x8x64xf32, #tpu.memory_space<vmem>> -> memref<8x64xf32, #tpu.memory_space<vmem>>
    %dma_start3A_618 = arith.constant 0 : i32
    %dma_start3A_619 = arith.constant 0 : i32
    %dma_start3A_620 = tpu.memref_slice %arg6[%shift_right_arithmetic3A_585, %dma_start3A_618, %dma_start3A_619] : memref<125000x8x64xf32, #tpu.memory_space<hbm>> -> memref<1x8x64xf32, #tpu.memory_space<hbm>>
    %dma_start3A_621 = tpu.memref_squeeze %dma_start3A_620 : memref<1x8x64xf32, #tpu.memory_space<hbm>> -> memref<8x64xf32, #tpu.memory_space<hbm>>
    tpu.enqueue_dma source(%dma_start3A_621 : memref<8x64xf32, #tpu.memory_space<hbm>>) target(%dma_start3A_617 : memref<8x64xf32, #tpu.memory_space<vmem>>) target_semaphore(%arg17 : memref<!tpu.dma_semaphore, #tpu.memory_space<semaphore_mem>>)
    %slice3A_622 = vector.extract_strided_slice %get3A_6 {offsets = [14], sizes = [1], strides = [1]} : vector<16xi32> to vector<1xi32>
    %squeeze3A_623 = vector.extract %slice3A_622[0] : i32 from vector<1xi32>
    %shift_right_arithmetic3A_624 = arith.constant 3 : i32
    %shift_right_arithmetic3A_625 = arith.shrsi %squeeze3A_623, %shift_right_arithmetic3A_624 : i32
    %slice3A_626 = vector.extract_strided_slice %get3A_8 {offsets = [14], sizes = [1], strides = [1]} : vector<16xi32> to vector<1xi32>
    %squeeze3A_627 = vector.extract %slice3A_626[0] : i32 from vector<1xi32>
    %shift_right_arithmetic3A_628 = arith.constant 3 : i32
    %shift_right_arithmetic3A_629 = arith.shrsi %squeeze3A_627, %shift_right_arithmetic3A_628 : i32
    %dma_start3A_630 = arith.constant 0 : i32
    %dma_start3A_631 = arith.constant 14 : i32
    %dma_start3A_632 = arith.constant 0 : i32
    %dma_start3A_633 = arith.constant 0 : i32
    %dma_start3A_634 = tpu.memref_slice %arg11[%dma_start3A_630, %dma_start3A_631, %dma_start3A_632, %dma_start3A_633] : memref<3x16x8x64xf32, #tpu.memory_space<vmem>> -> memref<1x1x8x64xf32, #tpu.memory_space<vmem>>
    %dma_start3A_635 = tpu.memref_squeeze %dma_start3A_634 : memref<1x1x8x64xf32, #tpu.memory_space<vmem>> -> memref<8x64xf32, #tpu.memory_space<vmem>>
    %dma_start3A_636 = arith.constant 0 : i32
    %dma_start3A_637 = arith.constant 0 : i32
    %dma_start3A_638 = tpu.memref_slice %arg4[%shift_right_arithmetic3A_625, %dma_start3A_636, %dma_start3A_637] : memref<125000x8x64xf32, #tpu.memory_space<hbm>> -> memref<1x8x64xf32, #tpu.memory_space<hbm>>
    %dma_start3A_639 = tpu.memref_squeeze %dma_start3A_638 : memref<1x8x64xf32, #tpu.memory_space<hbm>> -> memref<8x64xf32, #tpu.memory_space<hbm>>
    %dma_start3A_640 = arith.constant 0 : i32
    %dma_start3A_641 = arith.constant 0 : i32
    %dma_start3A_642 = tpu.memref_slice %arg11[%dma_start3A_630, %dma_start3A_631, %dma_start3A_640, %dma_start3A_641] : memref<3x16x8x64xf32, #tpu.memory_space<vmem>> -> memref<1x1x8x64xf32, #tpu.memory_space<vmem>>
    %dma_start3A_643 = tpu.memref_squeeze %dma_start3A_642 : memref<1x1x8x64xf32, #tpu.memory_space<vmem>> -> memref<8x64xf32, #tpu.memory_space<vmem>>
    %dma_start3A_644 = arith.constant 0 : i32
    %dma_start3A_645 = arith.constant 0 : i32
    %dma_start3A_646 = tpu.memref_slice %arg4[%shift_right_arithmetic3A_625, %dma_start3A_644, %dma_start3A_645] : memref<125000x8x64xf32, #tpu.memory_space<hbm>> -> memref<1x8x64xf32, #tpu.memory_space<hbm>>
    %dma_start3A_647 = tpu.memref_squeeze %dma_start3A_646 : memref<1x8x64xf32, #tpu.memory_space<hbm>> -> memref<8x64xf32, #tpu.memory_space<hbm>>
    tpu.enqueue_dma source(%dma_start3A_647 : memref<8x64xf32, #tpu.memory_space<hbm>>) target(%dma_start3A_643 : memref<8x64xf32, #tpu.memory_space<vmem>>) target_semaphore(%arg16 : memref<!tpu.dma_semaphore, #tpu.memory_space<semaphore_mem>>)
    %dma_start3A_648 = arith.constant 0 : i32
    %dma_start3A_649 = arith.constant 14 : i32
    %dma_start3A_650 = arith.constant 0 : i32
    %dma_start3A_651 = arith.constant 0 : i32
    %dma_start3A_652 = tpu.memref_slice %arg12[%dma_start3A_648, %dma_start3A_649, %dma_start3A_650, %dma_start3A_651] : memref<3x16x8x64xf32, #tpu.memory_space<vmem>> -> memref<1x1x8x64xf32, #tpu.memory_space<vmem>>
    %dma_start3A_653 = tpu.memref_squeeze %dma_start3A_652 : memref<1x1x8x64xf32, #tpu.memory_space<vmem>> -> memref<8x64xf32, #tpu.memory_space<vmem>>
    %dma_start3A_654 = arith.constant 0 : i32
    %dma_start3A_655 = arith.constant 0 : i32
    %dma_start3A_656 = tpu.memref_slice %arg6[%shift_right_arithmetic3A_629, %dma_start3A_654, %dma_start3A_655] : memref<125000x8x64xf32, #tpu.memory_space<hbm>> -> memref<1x8x64xf32, #tpu.memory_space<hbm>>
    %dma_start3A_657 = tpu.memref_squeeze %dma_start3A_656 : memref<1x8x64xf32, #tpu.memory_space<hbm>> -> memref<8x64xf32, #tpu.memory_space<hbm>>
    %dma_start3A_658 = arith.constant 0 : i32
    %dma_start3A_659 = arith.constant 0 : i32
    %dma_start3A_660 = tpu.memref_slice %arg12[%dma_start3A_648, %dma_start3A_649, %dma_start3A_658, %dma_start3A_659] : memref<3x16x8x64xf32, #tpu.memory_space<vmem>> -> memref<1x1x8x64xf32, #tpu.memory_space<vmem>>
    %dma_start3A_661 = tpu.memref_squeeze %dma_start3A_660 : memref<1x1x8x64xf32, #tpu.memory_space<vmem>> -> memref<8x64xf32, #tpu.memory_space<vmem>>
    %dma_start3A_662 = arith.constant 0 : i32
    %dma_start3A_663 = arith.constant 0 : i32
    %dma_start3A_664 = tpu.memref_slice %arg6[%shift_right_arithmetic3A_629, %dma_start3A_662, %dma_start3A_663] : memref<125000x8x64xf32, #tpu.memory_space<hbm>> -> memref<1x8x64xf32, #tpu.memory_space<hbm>>
    %dma_start3A_665 = tpu.memref_squeeze %dma_start3A_664 : memref<1x8x64xf32, #tpu.memory_space<hbm>> -> memref<8x64xf32, #tpu.memory_space<hbm>>
    tpu.enqueue_dma source(%dma_start3A_665 : memref<8x64xf32, #tpu.memory_space<hbm>>) target(%dma_start3A_661 : memref<8x64xf32, #tpu.memory_space<vmem>>) target_semaphore(%arg17 : memref<!tpu.dma_semaphore, #tpu.memory_space<semaphore_mem>>)
    %slice3A_666 = vector.extract_strided_slice %get3A_6 {offsets = [15], sizes = [1], strides = [1]} : vector<16xi32> to vector<1xi32>
    %squeeze3A_667 = vector.extract %slice3A_666[0] : i32 from vector<1xi32>
    %shift_right_arithmetic3A_668 = arith.constant 3 : i32
    %shift_right_arithmetic3A_669 = arith.shrsi %squeeze3A_667, %shift_right_arithmetic3A_668 : i32
    %slice3A_670 = vector.extract_strided_slice %get3A_8 {offsets = [15], sizes = [1], strides = [1]} : vector<16xi32> to vector<1xi32>
    %squeeze3A_671 = vector.extract %slice3A_670[0] : i32 from vector<1xi32>
    %shift_right_arithmetic3A_672 = arith.constant 3 : i32
    %shift_right_arithmetic3A_673 = arith.shrsi %squeeze3A_671, %shift_right_arithmetic3A_672 : i32
    %dma_start3A_674 = arith.constant 0 : i32
    %dma_start3A_675 = arith.constant 15 : i32
    %dma_start3A_676 = arith.constant 0 : i32
    %dma_start3A_677 = arith.constant 0 : i32
    %dma_start3A_678 = tpu.memref_slice %arg11[%dma_start3A_674, %dma_start3A_675, %dma_start3A_676, %dma_start3A_677] : memref<3x16x8x64xf32, #tpu.memory_space<vmem>> -> memref<1x1x8x64xf32, #tpu.memory_space<vmem>>
    %dma_start3A_679 = tpu.memref_squeeze %dma_start3A_678 : memref<1x1x8x64xf32, #tpu.memory_space<vmem>> -> memref<8x64xf32, #tpu.memory_space<vmem>>
    %dma_start3A_680 = arith.constant 0 : i32
    %dma_start3A_681 = arith.constant 0 : i32
    %dma_start3A_682 = tpu.memref_slice %arg4[%shift_right_arithmetic3A_669, %dma_start3A_680, %dma_start3A_681] : memref<125000x8x64xf32, #tpu.memory_space<hbm>> -> memref<1x8x64xf32, #tpu.memory_space<hbm>>
    %dma_start3A_683 = tpu.memref_squeeze %dma_start3A_682 : memref<1x8x64xf32, #tpu.memory_space<hbm>> -> memref<8x64xf32, #tpu.memory_space<hbm>>
    %dma_start3A_684 = arith.constant 0 : i32
    %dma_start3A_685 = arith.constant 0 : i32
    %dma_start3A_686 = tpu.memref_slice %arg11[%dma_start3A_674, %dma_start3A_675, %dma_start3A_684, %dma_start3A_685] : memref<3x16x8x64xf32, #tpu.memory_space<vmem>> -> memref<1x1x8x64xf32, #tpu.memory_space<vmem>>
    %dma_start3A_687 = tpu.memref_squeeze %dma_start3A_686 : memref<1x1x8x64xf32, #tpu.memory_space<vmem>> -> memref<8x64xf32, #tpu.memory_space<vmem>>
    %dma_start3A_688 = arith.constant 0 : i32
    %dma_start3A_689 = arith.constant 0 : i32
    %dma_start3A_690 = tpu.memref_slice %arg4[%shift_right_arithmetic3A_669, %dma_start3A_688, %dma_start3A_689] : memref<125000x8x64xf32, #tpu.memory_space<hbm>> -> memref<1x8x64xf32, #tpu.memory_space<hbm>>
    %dma_start3A_691 = tpu.memref_squeeze %dma_start3A_690 : memref<1x8x64xf32, #tpu.memory_space<hbm>> -> memref<8x64xf32, #tpu.memory_space<hbm>>
    tpu.enqueue_dma source(%dma_start3A_691 : memref<8x64xf32, #tpu.memory_space<hbm>>) target(%dma_start3A_687 : memref<8x64xf32, #tpu.memory_space<vmem>>) target_semaphore(%arg16 : memref<!tpu.dma_semaphore, #tpu.memory_space<semaphore_mem>>)
    %dma_start3A_692 = arith.constant 0 : i32
    %dma_start3A_693 = arith.constant 15 : i32
    %dma_start3A_694 = arith.constant 0 : i32
    %dma_start3A_695 = arith.constant 0 : i32
    %dma_start3A_696 = tpu.memref_slice %arg12[%dma_start3A_692, %dma_start3A_693, %dma_start3A_694, %dma_start3A_695] : memref<3x16x8x64xf32, #tpu.memory_space<vmem>> -> memref<1x1x8x64xf32, #tpu.memory_space<vmem>>
    %dma_start3A_697 = tpu.memref_squeeze %dma_start3A_696 : memref<1x1x8x64xf32, #tpu.memory_space<vmem>> -> memref<8x64xf32, #tpu.memory_space<vmem>>
    %dma_start3A_698 = arith.constant 0 : i32
    %dma_start3A_699 = arith.constant 0 : i32
    %dma_start3A_700 = tpu.memref_slice %arg6[%shift_right_arithmetic3A_673, %dma_start3A_698, %dma_start3A_699] : memref<125000x8x64xf32, #tpu.memory_space<hbm>> -> memref<1x8x64xf32, #tpu.memory_space<hbm>>
    %dma_start3A_701 = tpu.memref_squeeze %dma_start3A_700 : memref<1x8x64xf32, #tpu.memory_space<hbm>> -> memref<8x64xf32, #tpu.memory_space<hbm>>
    %dma_start3A_702 = arith.constant 0 : i32
    %dma_start3A_703 = arith.constant 0 : i32
    %dma_start3A_704 = tpu.memref_slice %arg12[%dma_start3A_692, %dma_start3A_693, %dma_start3A_702, %dma_start3A_703] : memref<3x16x8x64xf32, #tpu.memory_space<vmem>> -> memref<1x1x8x64xf32, #tpu.memory_space<vmem>>
    %dma_start3A_705 = tpu.memref_squeeze %dma_start3A_704 : memref<1x1x8x64xf32, #tpu.memory_space<vmem>> -> memref<8x64xf32, #tpu.memory_space<vmem>>
    %dma_start3A_706 = arith.constant 0 : i32
    %dma_start3A_707 = arith.constant 0 : i32
    %dma_start3A_708 = tpu.memref_slice %arg6[%shift_right_arithmetic3A_673, %dma_start3A_706, %dma_start3A_707] : memref<125000x8x64xf32, #tpu.memory_space<hbm>> -> memref<1x8x64xf32, #tpu.memory_space<hbm>>
    %dma_start3A_709 = tpu.memref_squeeze %dma_start3A_708 : memref<1x8x64xf32, #tpu.memory_space<hbm>> -> memref<8x64xf32, #tpu.memory_space<hbm>>
    tpu.enqueue_dma source(%dma_start3A_709 : memref<8x64xf32, #tpu.memory_space<hbm>>) target(%dma_start3A_705 : memref<8x64xf32, #tpu.memory_space<vmem>>) target_semaphore(%arg17 : memref<!tpu.dma_semaphore, #tpu.memory_space<semaphore_mem>>)
    %get3A_710 = arith.constant 16 : index
    %get3A_711 = tpu.vector_load %arg9[%get3A_710] {strides = array<i32>} : memref<512xi32, #tpu.memory_space<vmem>>, vector<16xi32>,
    %get3A_712 = arith.constant 16 : index
    %get3A_713 = tpu.vector_load %arg10[%get3A_712] {strides = array<i32>} : memref<512xi32, #tpu.memory_space<vmem>>, vector<16xi32>,
    %slice3A_714 = vector.extract_strided_slice %get3A_711 {offsets = [0], sizes = [1], strides = [1]} : vector<16xi32> to vector<1xi32>
    %squeeze3A_715 = vector.extract %slice3A_714[0] : i32 from vector<1xi32>
    %shift_right_arithmetic3A_716 = arith.constant 3 : i32
    %shift_right_arithmetic3A_717 = arith.shrsi %squeeze3A_715, %shift_right_arithmetic3A_716 : i32
    %slice3A_718 = vector.extract_strided_slice %get3A_713 {offsets = [0], sizes = [1], strides = [1]} : vector<16xi32> to vector<1xi32>
    %squeeze3A_719 = vector.extract %slice3A_718[0] : i32 from vector<1xi32>
    %shift_right_arithmetic3A_720 = arith.constant 3 : i32
    %shift_right_arithmetic3A_721 = arith.shrsi %squeeze3A_719, %shift_right_arithmetic3A_720 : i32
    %dma_start3A_722 = arith.constant 1 : i32
    %dma_start3A_723 = arith.constant 0 : i32
    %dma_start3A_724 = arith.constant 0 : i32
    %dma_start3A_725 = arith.constant 0 : i32
    %dma_start3A_726 = tpu.memref_slice %arg11[%dma_start3A_722, %dma_start3A_723, %dma_start3A_724, %dma_start3A_725] : memref<3x16x8x64xf32, #tpu.memory_space<vmem>> -> memref<1x1x8x64xf32, #tpu.memory_space<vmem>>
    %dma_start3A_727 = tpu.memref_squeeze %dma_start3A_726 : memref<1x1x8x64xf32, #tpu.memory_space<vmem>> -> memref<8x64xf32, #tpu.memory_space<vmem>>
    %dma_start3A_728 = arith.constant 0 : i32
    %dma_start3A_729 = arith.constant 0 : i32
    %dma_start3A_730 = tpu.memref_slice %arg4[%shift_right_arithmetic3A_717, %dma_start3A_728, %dma_start3A_729] : memref<125000x8x64xf32, #tpu.memory_space<hbm>> -> memref<1x8x64xf32, #tpu.memory_space<hbm>>
    %dma_start3A_731 = tpu.memref_squeeze %dma_start3A_730 : memref<1x8x64xf32, #tpu.memory_space<hbm>> -> memref<8x64xf32, #tpu.memory_space<hbm>>
    %dma_start3A_732 = arith.constant 0 : i32
    %dma_start3A_733 = arith.constant 0 : i32
    %dma_start3A_734 = tpu.memref_slice %arg11[%dma_start3A_722, %dma_start3A_723, %dma_start3A_732, %dma_start3A_733] : memref<3x16x8x64xf32, #tpu.memory_space<vmem>> -> memref<1x1x8x64xf32, #tpu.memory_space<vmem>>
    %dma_start3A_735 = tpu.memref_squeeze %dma_start3A_734 : memref<1x1x8x64xf32, #tpu.memory_space<vmem>> -> memref<8x64xf32, #tpu.memory_space<vmem>>
    %dma_start3A_736 = arith.constant 0 : i32
    %dma_start3A_737 = arith.constant 0 : i32
    %dma_start3A_738 = tpu.memref_slice %arg4[%shift_right_arithmetic3A_717, %dma_start3A_736, %dma_start3A_737] : memref<125000x8x64xf32, #tpu.memory_space<hbm>> -> memref<1x8x64xf32, #tpu.memory_space<hbm>>
    %dma_start3A_739 = tpu.memref_squeeze %dma_start3A_738 : memref<1x8x64xf32, #tpu.memory_space<hbm>> -> memref<8x64xf32, #tpu.memory_space<hbm>>
    tpu.enqueue_dma source(%dma_start3A_739 : memref<8x64xf32, #tpu.memory_space<hbm>>) target(%dma_start3A_735 : memref<8x64xf32, #tpu.memory_space<vmem>>) target_semaphore(%arg16 : memref<!tpu.dma_semaphore, #tpu.memory_space<semaphore_mem>>)
    %dma_start3A_740 = arith.constant 1 : i32
    %dma_start3A_741 = arith.constant 0 : i32
    %dma_start3A_742 = arith.constant 0 : i32
    %dma_start3A_743 = arith.constant 0 : i32
    %dma_start3A_744 = tpu.memref_slice %arg12[%dma_start3A_740, %dma_start3A_741, %dma_start3A_742, %dma_start3A_743] : memref<3x16x8x64xf32, #tpu.memory_space<vmem>> -> memref<1x1x8x64xf32, #tpu.memory_space<vmem>>
    %dma_start3A_745 = tpu.memref_squeeze %dma_start3A_744 : memref<1x1x8x64xf32, #tpu.memory_space<vmem>> -> memref<8x64xf32, #tpu.memory_space<vmem>>
    %dma_start3A_746 = arith.constant 0 : i32
    %dma_start3A_747 = arith.constant 0 : i32
    %dma_start3A_748 = tpu.memref_slice %arg6[%shift_right_arithmetic3A_721, %dma_start3A_746, %dma_start3A_747] : memref<125000x8x64xf32, #tpu.memory_space<hbm>> -> memref<1x8x64xf32, #tpu.memory_space<hbm>>
    %dma_start3A_749 = tpu.memref_squeeze %dma_start3A_748 : memref<1x8x64xf32, #tpu.memory_space<hbm>> -> memref<8x64xf32, #tpu.memory_space<hbm>>
    %dma_start3A_750 = arith.constant 0 : i32
    %dma_start3A_751 = arith.constant 0 : i32
    %dma_start3A_752 = tpu.memref_slice %arg12[%dma_start3A_740, %dma_start3A_741, %dma_start3A_750, %dma_start3A_751] : memref<3x16x8x64xf32, #tpu.memory_space<vmem>> -> memref<1x1x8x64xf32, #tpu.memory_space<vmem>>
    %dma_start3A_753 = tpu.memref_squeeze %dma_start3A_752 : memref<1x1x8x64xf32, #tpu.memory_space<vmem>> -> memref<8x64xf32, #tpu.memory_space<vmem>>
    %dma_start3A_754 = arith.constant 0 : i32
    %dma_start3A_755 = arith.constant 0 : i32
    %dma_start3A_756 = tpu.memref_slice %arg6[%shift_right_arithmetic3A_721, %dma_start3A_754, %dma_start3A_755] : memref<125000x8x64xf32, #tpu.memory_space<hbm>> -> memref<1x8x64xf32, #tpu.memory_space<hbm>>
    %dma_start3A_757 = tpu.memref_squeeze %dma_start3A_756 : memref<1x8x64xf32, #tpu.memory_space<hbm>> -> memref<8x64xf32, #tpu.memory_space<hbm>>
    tpu.enqueue_dma source(%dma_start3A_757 : memref<8x64xf32, #tpu.memory_space<hbm>>) target(%dma_start3A_753 : memref<8x64xf32, #tpu.memory_space<vmem>>) target_semaphore(%arg17 : memref<!tpu.dma_semaphore, #tpu.memory_space<semaphore_mem>>)
    %slice3A_758 = vector.extract_strided_slice %get3A_711 {offsets = [1], sizes = [1], strides = [1]} : vector<16xi32> to vector<1xi32>
    %squeeze3A_759 = vector.extract %slice3A_758[0] : i32 from vector<1xi32>
    %shift_right_arithmetic3A_760 = arith.constant 3 : i32
    %shift_right_arithmetic3A_761 = arith.shrsi %squeeze3A_759, %shift_right_arithmetic3A_760 : i32
    %slice3A_762 = vector.extract_strided_slice %get3A_713 {offsets = [1], sizes = [1], strides = [1]} : vector<16xi32> to vector<1xi32>
    %squeeze3A_763 = vector.extract %slice3A_762[0] : i32 from vector<1xi32>
    %shift_right_arithmetic3A_764 = arith.constant 3 : i32
    %shift_right_arithmetic3A_765 = arith.shrsi %squeeze3A_763, %shift_right_arithmetic3A_764 : i32
    %dma_start3A_766 = arith.constant 1 : i32
    %dma_start3A_767 = arith.constant 1 : i32
    %dma_start3A_768 = arith.constant 0 : i32
    %dma_start3A_769 = arith.constant 0 : i32
    %dma_start3A_770 = tpu.memref_slice %arg11[%dma_start3A_766, %dma_start3A_767, %dma_start3A_768, %dma_start3A_769] : memref<3x16x8x64xf32, #tpu.memory_space<vmem>> -> memref<1x1x8x64xf32, #tpu.memory_space<vmem>>
    %dma_start3A_771 = tpu.memref_squeeze %dma_start3A_770 : memref<1x1x8x64xf32, #tpu.memory_space<vmem>> -> memref<8x64xf32, #tpu.memory_space<vmem>>
    %dma_start3A_772 = arith.constant 0 : i32
    %dma_start3A_773 = arith.constant 0 : i32
    %dma_start3A_774 = tpu.memref_slice %arg4[%shift_right_arithmetic3A_761, %dma_start3A_772, %dma_start3A_773] : memref<125000x8x64xf32, #tpu.memory_space<hbm>> -> memref<1x8x64xf32, #tpu.memory_space<hbm>>
    %dma_start3A_775 = tpu.memref_squeeze %dma_start3A_774 : memref<1x8x64xf32, #tpu.memory_space<hbm>> -> memref<8x64xf32, #tpu.memory_space<hbm>>
    %dma_start3A_776 = arith.constant 0 : i32
    %dma_start3A_777 = arith.constant 0 : i32
    %dma_start3A_778 = tpu.memref_slice %arg11[%dma_start3A_766, %dma_start3A_767, %dma_start3A_776, %dma_start3A_777] : memref<3x16x8x64xf32, #tpu.memory_space<vmem>> -> memref<1x1x8x64xf32, #tpu.memory_space<vmem>>
    %dma_start3A_779 = tpu.memref_squeeze %dma_start3A_778 : memref<1x1x8x64xf32, #tpu.memory_space<vmem>> -> memref<8x64xf32, #tpu.memory_space<vmem>>
    %dma_start3A_780 = arith.constant 0 : i32
    %dma_start3A_781 = arith.constant 0 : i32
    %dma_start3A_782 = tpu.memref_slice %arg4[%shift_right_arithmetic3A_761, %dma_start3A_780, %dma_start3A_781] : memref<125000x8x64xf32, #tpu.memory_space<hbm>> -> memref<1x8x64xf32, #tpu.memory_space<hbm>>
    %dma_start3A_783 = tpu.memref_squeeze %dma_start3A_782 : memref<1x8x64xf32, #tpu.memory_space<hbm>> -> memref<8x64xf32, #tpu.memory_space<hbm>>
    tpu.enqueue_dma source(%dma_start3A_783 : memref<8x64xf32, #tpu.memory_space<hbm>>) target(%dma_start3A_779 : memref<8x64xf32, #tpu.memory_space<vmem>>) target_semaphore(%arg16 : memref<!tpu.dma_semaphore, #tpu.memory_space<semaphore_mem>>)
    %dma_start3A_784 = arith.constant 1 : i32
    %dma_start3A_785 = arith.constant 1 : i32
    %dma_start3A_786 = arith.constant 0 : i32
    %dma_start3A_787 = arith.constant 0 : i32
    %dma_start3A_788 = tpu.memref_slice %arg12[%dma_start3A_784, %dma_start3A_785, %dma_start3A_786, %dma_start3A_787] : memref<3x16x8x64xf32, #tpu.memory_space<vmem>> -> memref<1x1x8x64xf32, #tpu.memory_space<vmem>>
    %dma_start3A_789 = tpu.memref_squeeze %dma_start3A_788 : memref<1x1x8x64xf32, #tpu.memory_space<vmem>> -> memref<8x64xf32, #tpu.memory_space<vmem>>
    %dma_start3A_790 = arith.constant 0 : i32
    %dma_start3A_791 = arith.constant 0 : i32
    %dma_start3A_792 = tpu.memref_slice %arg6[%shift_right_arithmetic3A_765, %dma_start3A_790, %dma_start3A_791] : memref<125000x8x64xf32, #tpu.memory_space<hbm>> -> memref<1x8x64xf32, #tpu.memory_space<hbm>>
    %dma_start3A_793 = tpu.memref_squeeze %dma_start3A_792 : memref<1x8x64xf32, #tpu.memory_space<hbm>> -> memref<8x64xf32, #tpu.memory_space<hbm>>
    %dma_start3A_794 = arith.constant 0 : i32
    %dma_start3A_795 = arith.constant 0 : i32
    %dma_start3A_796 = tpu.memref_slice %arg12[%dma_start3A_784, %dma_start3A_785, %dma_start3A_794, %dma_start3A_795] : memref<3x16x8x64xf32, #tpu.memory_space<vmem>> -> memref<1x1x8x64xf32, #tpu.memory_space<vmem>>
    %dma_start3A_797 = tpu.memref_squeeze %dma_start3A_796 : memref<1x1x8x64xf32, #tpu.memory_space<vmem>> -> memref<8x64xf32, #tpu.memory_space<vmem>>
    %dma_start3A_798 = arith.constant 0 : i32
    %dma_start3A_799 = arith.constant 0 : i32
    %dma_start3A_800 = tpu.memref_slice %arg6[%shift_right_arithmetic3A_765, %dma_start3A_798, %dma_start3A_799] : memref<125000x8x64xf32, #tpu.memory_space<hbm>> -> memref<1x8x64xf32, #tpu.memory_space<hbm>>
    %dma_start3A_801 = tpu.memref_squeeze %dma_start3A_800 : memref<1x8x64xf32, #tpu.memory_space<hbm>> -> memref<8x64xf32, #tpu.memory_space<hbm>>
    tpu.enqueue_dma source(%dma_start3A_801 : memref<8x64xf32, #tpu.memory_space<hbm>>) target(%dma_start3A_797 : memref<8x64xf32, #tpu.memory_space<vmem>>) target_semaphore(%arg17 : memref<!tpu.dma_semaphore, #tpu.memory_space<semaphore_mem>>)
    %slice3A_802 = vector.extract_strided_slice %get3A_711 {offsets = [2], sizes = [1], strides = [1]} : vector<16xi32> to vector<1xi32>
    %squeeze3A_803 = vector.extract %slice3A_802[0] : i32 from vector<1xi32>
    %shift_right_arithmetic3A_804 = arith.constant 3 : i32
    %shift_right_arithmetic3A_805 = arith.shrsi %squeeze3A_803, %shift_right_arithmetic3A_804 : i32
    %slice3A_806 = vector.extract_strided_slice %get3A_713 {offsets = [2], sizes = [1], strides = [1]} : vector<16xi32> to vector<1xi32>
    %squeeze3A_807 = vector.extract %slice3A_806[0] : i32 from vector<1xi32>
    %shift_right_arithmetic3A_808 = arith.constant 3 : i32
    %shift_right_arithmetic3A_809 = arith.shrsi %squeeze3A_807, %shift_right_arithmetic3A_808 : i32
    %dma_start3A_810 = arith.constant 1 : i32
    %dma_start3A_811 = arith.constant 2 : i32
    %dma_start3A_812 = arith.constant 0 : i32
    %dma_start3A_813 = arith.constant 0 : i32
    %dma_start3A_814 = tpu.memref_slice %arg11[%dma_start3A_810, %dma_start3A_811, %dma_start3A_812, %dma_start3A_813] : memref<3x16x8x64xf32, #tpu.memory_space<vmem>> -> memref<1x1x8x64xf32, #tpu.memory_space<vmem>>
    %dma_start3A_815 = tpu.memref_squeeze %dma_start3A_814 : memref<1x1x8x64xf32, #tpu.memory_space<vmem>> -> memref<8x64xf32, #tpu.memory_space<vmem>>
    %dma_start3A_816 = arith.constant 0 : i32
    %dma_start3A_817 = arith.constant 0 : i32
    %dma_start3A_818 = tpu.memref_slice %arg4[%shift_right_arithmetic3A_805, %dma_start3A_816, %dma_start3A_817] : memref<125000x8x64xf32, #tpu.memory_space<hbm>> -> memref<1x8x64xf32, #tpu.memory_space<hbm>>
    %dma_start3A_819 = tpu.memref_squeeze %dma_start3A_818 : memref<1x8x64xf32, #tpu.memory_space<hbm>> -> memref<8x64xf32, #tpu.memory_space<hbm>>
    %dma_start3A_820 = arith.constant 0 : i32
    %dma_start3A_821 = arith.constant 0 : i32
    %dma_start3A_822 = tpu.memref_slice %arg11[%dma_start3A_810, %dma_start3A_811, %dma_start3A_820, %dma_start3A_821] : memref<3x16x8x64xf32, #tpu.memory_space<vmem>> -> memref<1x1x8x64xf32, #tpu.memory_space<vmem>>
    %dma_start3A_823 = tpu.memref_squeeze %dma_start3A_822 : memref<1x1x8x64xf32, #tpu.memory_space<vmem>> -> memref<8x64xf32, #tpu.memory_space<vmem>>
    %dma_start3A_824 = arith.constant 0 : i32
    %dma_start3A_825 = arith.constant 0 : i32
    %dma_start3A_826 = tpu.memref_slice %arg4[%shift_right_arithmetic3A_805, %dma_start3A_824, %dma_start3A_825] : memref<125000x8x64xf32, #tpu.memory_space<hbm>> -> memref<1x8x64xf32, #tpu.memory_space<hbm>>
    %dma_start3A_827 = tpu.memref_squeeze %dma_start3A_826 : memref<1x8x64xf32, #tpu.memory_space<hbm>> -> memref<8x64xf32, #tpu.memory_space<hbm>>
    tpu.enqueue_dma source(%dma_start3A_827 : memref<8x64xf32, #tpu.memory_space<hbm>>) target(%dma_start3A_823 : memref<8x64xf32, #tpu.memory_space<vmem>>) target_semaphore(%arg16 : memref<!tpu.dma_semaphore, #tpu.memory_space<semaphore_mem>>)
    %dma_start3A_828 = arith.constant 1 : i32
    %dma_start3A_829 = arith.constant 2 : i32
    %dma_start3A_830 = arith.constant 0 : i32
    %dma_start3A_831 = arith.constant 0 : i32
    %dma_start3A_832 = tpu.memref_slice %arg12[%dma_start3A_828, %dma_start3A_829, %dma_start3A_830, %dma_start3A_831] : memref<3x16x8x64xf32, #tpu.memory_space<vmem>> -> memref<1x1x8x64xf32, #tpu.memory_space<vmem>>
    %dma_start3A_833 = tpu.memref_squeeze %dma_start3A_832 : memref<1x1x8x64xf32, #tpu.memory_space<vmem>> -> memref<8x64xf32, #tpu.memory_space<vmem>>
    %dma_start3A_834 = arith.constant 0 : i32
    %dma_start3A_835 = arith.constant 0 : i32
    %dma_start3A_836 = tpu.memref_slice %arg6[%shift_right_arithmetic3A_809, %dma_start3A_834, %dma_start3A_835] : memref<125000x8x64xf32, #tpu.memory_space<hbm>> -> memref<1x8x64xf32, #tpu.memory_space<hbm>>
    %dma_start3A_837 = tpu.memref_squeeze %dma_start3A_836 : memref<1x8x64xf32, #tpu.memory_space<hbm>> -> memref<8x64xf32, #tpu.memory_space<hbm>>
    %dma_start3A_838 = arith.constant 0 : i32
    %dma_start3A_839 = arith.constant 0 : i32
    %dma_start3A_840 = tpu.memref_slice %arg12[%dma_start3A_828, %dma_start3A_829, %dma_start3A_838, %dma_start3A_839] : memref<3x16x8x64xf32, #tpu.memory_space<vmem>> -> memref<1x1x8x64xf32, #tpu.memory_space<vmem>>
    %dma_start3A_841 = tpu.memref_squeeze %dma_start3A_840 : memref<1x1x8x64xf32, #tpu.memory_space<vmem>> -> memref<8x64xf32, #tpu.memory_space<vmem>>
    %dma_start3A_842 = arith.constant 0 : i32
    %dma_start3A_843 = arith.constant 0 : i32
    %dma_start3A_844 = tpu.memref_slice %arg6[%shift_right_arithmetic3A_809, %dma_start3A_842, %dma_start3A_843] : memref<125000x8x64xf32, #tpu.memory_space<hbm>> -> memref<1x8x64xf32, #tpu.memory_space<hbm>>
    %dma_start3A_845 = tpu.memref_squeeze %dma_start3A_844 : memref<1x8x64xf32, #tpu.memory_space<hbm>> -> memref<8x64xf32, #tpu.memory_space<hbm>>
    tpu.enqueue_dma source(%dma_start3A_845 : memref<8x64xf32, #tpu.memory_space<hbm>>) target(%dma_start3A_841 : memref<8x64xf32, #tpu.memory_space<vmem>>) target_semaphore(%arg17 : memref<!tpu.dma_semaphore, #tpu.memory_space<semaphore_mem>>)
    %slice3A_846 = vector.extract_strided_slice %get3A_711 {offsets = [3], sizes = [1], strides = [1]} : vector<16xi32> to vector<1xi32>
    %squeeze3A_847 = vector.extract %slice3A_846[0] : i32 from vector<1xi32>
    %shift_right_arithmetic3A_848 = arith.constant 3 : i32
    %shift_right_arithmetic3A_849 = arith.shrsi %squeeze3A_847, %shift_right_arithmetic3A_848 : i32
    %slice3A_850 = vector.extract_strided_slice %get3A_713 {offsets = [3], sizes = [1], strides = [1]} : vector<16xi32> to vector<1xi32>
    %squeeze3A_851 = vector.extract %slice3A_850[0] : i32 from vector<1xi32>
    %shift_right_arithmetic3A_852 = arith.constant 3 : i32
    %shift_right_arithmetic3A_853 = arith.shrsi %squeeze3A_851, %shift_right_arithmetic3A_852 : i32
    %dma_start3A_854 = arith.constant 1 : i32
    %dma_start3A_855 = arith.constant 3 : i32
    %dma_start3A_856 = arith.constant 0 : i32
    %dma_start3A_857 = arith.constant 0 : i32
    %dma_start3A_858 = tpu.memref_slice %arg11[%dma_start3A_854, %dma_start3A_855, %dma_start3A_856, %dma_start3A_857] : memref<3x16x8x64xf32, #tpu.memory_space<vmem>> -> memref<1x1x8x64xf32, #tpu.memory_space<vmem>>
    %dma_start3A_859 = tpu.memref_squeeze %dma_start3A_858 : memref<1x1x8x64xf32, #tpu.memory_space<vmem>> -> memref<8x64xf32, #tpu.memory_space<vmem>>
    %dma_start3A_860 = arith.constant 0 : i32
    %dma_start3A_861 = arith.constant 0 : i32
    %dma_start3A_862 = tpu.memref_slice %arg4[%shift_right_arithmetic3A_849, %dma_start3A_860, %dma_start3A_861] : memref<125000x8x64xf32, #tpu.memory_space<hbm>> -> memref<1x8x64xf32, #tpu.memory_space<hbm>>
    %dma_start3A_863 = tpu.memref_squeeze %dma_start3A_862 : memref<1x8x64xf32, #tpu.memory_space<hbm>> -> memref<8x64xf32, #tpu.memory_space<hbm>>
    %dma_start3A_864 = arith.constant 0 : i32
    %dma_start3A_865 = arith.constant 0 : i32
    %dma_start3A_866 = tpu.memref_slice %arg11[%dma_start3A_854, %dma_start3A_855, %dma_start3A_864, %dma_start3A_865] : memref<3x16x8x64xf32, #tpu.memory_space<vmem>> -> memref<1x1x8x64xf32, #tpu.memory_space<vmem>>
    %dma_start3A_867 = tpu.memref_squeeze %dma_start3A_866 : memref<1x1x8x64xf32, #tpu.memory_space<vmem>> -> memref<8x64xf32, #tpu.memory_space<vmem>>
    %dma_start3A_868 = arith.constant 0 : i32
    %dma_start3A_869 = arith.constant 0 : i32
    %dma_start3A_870 = tpu.memref_slice %arg4[%shift_right_arithmetic3A_849, %dma_start3A_868, %dma_start3A_869] : memref<125000x8x64xf32, #tpu.memory_space<hbm>> -> memref<1x8x64xf32, #tpu.memory_space<hbm>>
    %dma_start3A_871 = tpu.memref_squeeze %dma_start3A_870 : memref<1x8x64xf32, #tpu.memory_space<hbm>> -> memref<8x64xf32, #tpu.memory_space<hbm>>
    tpu.enqueue_dma source(%dma_start3A_871 : memref<8x64xf32, #tpu.memory_space<hbm>>) target(%dma_start3A_867 : memref<8x64xf32, #tpu.memory_space<vmem>>) target_semaphore(%arg16 : memref<!tpu.dma_semaphore, #tpu.memory_space<semaphore_mem>>)
    %dma_start3A_872 = arith.constant 1 : i32
    %dma_start3A_873 = arith.constant 3 : i32
    %dma_start3A_874 = arith.constant 0 : i32
    %dma_start3A_875 = arith.constant 0 : i32
    %dma_start3A_876 = tpu.memref_slice %arg12[%dma_start3A_872, %dma_start3A_873, %dma_start3A_874, %dma_start3A_875] : memref<3x16x8x64xf32, #tpu.memory_space<vmem>> -> memref<1x1x8x64xf32, #tpu.memory_space<vmem>>
    %dma_start3A_877 = tpu.memref_squeeze %dma_start3A_876 : memref<1x1x8x64xf32, #tpu.memory_space<vmem>> -> memref<8x64xf32, #tpu.memory_space<vmem>>
    %dma_start3A_878 = arith.constant 0 : i32
    %dma_start3A_879 = arith.constant 0 : i32
    %dma_start3A_880 = tpu.memref_slice %arg6[%shift_right_arithmetic3A_853, %dma_start3A_878, %dma_start3A_879] : memref<125000x8x64xf32, #tpu.memory_space<hbm>> -> memref<1x8x64xf32, #tpu.memory_space<hbm>>
    %dma_start3A_881 = tpu.memref_squeeze %dma_start3A_880 : memref<1x8x64xf32, #tpu.memory_space<hbm>> -> memref<8x64xf32, #tpu.memory_space<hbm>>
    %dma_start3A_882 = arith.constant 0 : i32
    %dma_start3A_883 = arith.constant 0 : i32
    %dma_start3A_884 = tpu.memref_slice %arg12[%dma_start3A_872, %dma_start3A_873, %dma_start3A_882, %dma_start3A_883] : memref<3x16x8x64xf32, #tpu.memory_space<vmem>> -> memref<1x1x8x64xf32, #tpu.memory_space<vmem>>
    %dma_start3A_885 = tpu.memref_squeeze %dma_start3A_884 : memref<1x1x8x64xf32, #tpu.memory_space<vmem>> -> memref<8x64xf32, #tpu.memory_space<vmem>>
    %dma_start3A_886 = arith.constant 0 : i32
    %dma_start3A_887 = arith.constant 0 : i32
    %dma_start3A_888 = tpu.memref_slice %arg6[%shift_right_arithmetic3A_853, %dma_start3A_886, %dma_start3A_887] : memref<125000x8x64xf32, #tpu.memory_space<hbm>> -> memref<1x8x64xf32, #tpu.memory_space<hbm>>
    %dma_start3A_889 = tpu.memref_squeeze %dma_start3A_888 : memref<1x8x64xf32, #tpu.memory_space<hbm>> -> memref<8x64xf32, #tpu.memory_space<hbm>>
    tpu.enqueue_dma source(%dma_start3A_889 : memref<8x64xf32, #tpu.memory_space<hbm>>) target(%dma_start3A_885 : memref<8x64xf32, #tpu.memory_space<vmem>>) target_semaphore(%arg17 : memref<!tpu.dma_semaphore, #tpu.memory_space<semaphore_mem>>)
    %slice3A_890 = vector.extract_strided_slice %get3A_711 {offsets = [4], sizes = [1], strides = [1]} : vector<16xi32> to vector<1xi32>
    %squeeze3A_891 = vector.extract %slice3A_890[0] : i32 from vector<1xi32>
    %shift_right_arithmetic3A_892 = arith.constant 3 : i32
    %shift_right_arithmetic3A_893 = arith.shrsi %squeeze3A_891, %shift_right_arithmetic3A_892 : i32
    %slice3A_894 = vector.extract_strided_slice %get3A_713 {offsets = [4], sizes = [1], strides = [1]} : vector<16xi32> to vector<1xi32>
    %squeeze3A_895 = vector.extract %slice3A_894[0] : i32 from vector<1xi32>
    %shift_right_arithmetic3A_896 = arith.constant 3 : i32
    %shift_right_arithmetic3A_897 = arith.shrsi %squeeze3A_895, %shift_right_arithmetic3A_896 : i32
    %dma_start3A_898 = arith.constant 1 : i32
    %dma_start3A_899 = arith.constant 4 : i32
    %dma_start3A_900 = arith.constant 0 : i32
    %dma_start3A_901 = arith.constant 0 : i32
    %dma_start3A_902 = tpu.memref_slice %arg11[%dma_start3A_898, %dma_start3A_899, %dma_start3A_900, %dma_start3A_901] : memref<3x16x8x64xf32, #tpu.memory_space<vmem>> -> memref<1x1x8x64xf32, #tpu.memory_space<vmem>>
    %dma_start3A_903 = tpu.memref_squeeze %dma_start3A_902 : memref<1x1x8x64xf32, #tpu.memory_space<vmem>> -> memref<8x64xf32, #tpu.memory_space<vmem>>
    %dma_start3A_904 = arith.constant 0 : i32
    %dma_start3A_905 = arith.constant 0 : i32
    %dma_start3A_906 = tpu.memref_slice %arg4[%shift_right_arithmetic3A_893, %dma_start3A_904, %dma_start3A_905] : memref<125000x8x64xf32, #tpu.memory_space<hbm>> -> memref<1x8x64xf32, #tpu.memory_space<hbm>>
    %dma_start3A_907 = tpu.memref_squeeze %dma_start3A_906 : memref<1x8x64xf32, #tpu.memory_space<hbm>> -> memref<8x64xf32, #tpu.memory_space<hbm>>
    %dma_start3A_908 = arith.constant 0 : i32
    %dma_start3A_909 = arith.constant 0 : i32
    %dma_start3A_910 = tpu.memref_slice %arg11[%dma_start3A_898, %dma_start3A_899, %dma_start3A_908, %dma_start3A_909] : memref<3x16x8x64xf32, #tpu.memory_space<vmem>> -> memref<1x1x8x64xf32, #tpu.memory_space<vmem>>
    %dma_start3A_911 = tpu.memref_squeeze %dma_start3A_910 : memref<1x1x8x64xf32, #tpu.memory_space<vmem>> -> memref<8x64xf32, #tpu.memory_space<vmem>>
    %dma_start3A_912 = arith.constant 0 : i32
    %dma_start3A_913 = arith.constant 0 : i32
    %dma_start3A_914 = tpu.memref_slice %arg4[%shift_right_arithmetic3A_893, %dma_start3A_912, %dma_start3A_913] : memref<125000x8x64xf32, #tpu.memory_space<hbm>> -> memref<1x8x64xf32, #tpu.memory_space<hbm>>
    %dma_start3A_915 = tpu.memref_squeeze %dma_start3A_914 : memref<1x8x64xf32, #tpu.memory_space<hbm>> -> memref<8x64xf32, #tpu.memory_space<hbm>>
    tpu.enqueue_dma source(%dma_start3A_915 : memref<8x64xf32, #tpu.memory_space<hbm>>) target(%dma_start3A_911 : memref<8x64xf32, #tpu.memory_space<vmem>>) target_semaphore(%arg16 : memref<!tpu.dma_semaphore, #tpu.memory_space<semaphore_mem>>)
    %dma_start3A_916 = arith.constant 1 : i32
    %dma_start3A_917 = arith.constant 4 : i32
    %dma_start3A_918 = arith.constant 0 : i32
    %dma_start3A_919 = arith.constant 0 : i32
    %dma_start3A_920 = tpu.memref_slice %arg12[%dma_start3A_916, %dma_start3A_917, %dma_start3A_918, %dma_start3A_919] : memref<3x16x8x64xf32, #tpu.memory_space<vmem>> -> memref<1x1x8x64xf32, #tpu.memory_space<vmem>>
    %dma_start3A_921 = tpu.memref_squeeze %dma_start3A_920 : memref<1x1x8x64xf32, #tpu.memory_space<vmem>> -> memref<8x64xf32, #tpu.memory_space<vmem>>
    %dma_start3A_922 = arith.constant 0 : i32
    %dma_start3A_923 = arith.constant 0 : i32
    %dma_start3A_924 = tpu.memref_slice %arg6[%shift_right_arithmetic3A_897, %dma_start3A_922, %dma_start3A_923] : memref<125000x8x64xf32, #tpu.memory_space<hbm>> -> memref<1x8x64xf32, #tpu.memory_space<hbm>>
    %dma_start3A_925 = tpu.memref_squeeze %dma_start3A_924 : memref<1x8x64xf32, #tpu.memory_space<hbm>> -> memref<8x64xf32, #tpu.memory_space<hbm>>
    %dma_start3A_926 = arith.constant 0 : i32
    %dma_start3A_927 = arith.constant 0 : i32
    %dma_start3A_928 = tpu.memref_slice %arg12[%dma_start3A_916, %dma_start3A_917, %dma_start3A_926, %dma_start3A_927] : memref<3x16x8x64xf32, #tpu.memory_space<vmem>> -> memref<1x1x8x64xf32, #tpu.memory_space<vmem>>
    %dma_start3A_929 = tpu.memref_squeeze %dma_start3A_928 : memref<1x1x8x64xf32, #tpu.memory_space<vmem>> -> memref<8x64xf32, #tpu.memory_space<vmem>>
    %dma_start3A_930 = arith.constant 0 : i32
    %dma_start3A_931 = arith.constant 0 : i32
    %dma_start3A_932 = tpu.memref_slice %arg6[%shift_right_arithmetic3A_897, %dma_start3A_930, %dma_start3A_931] : memref<125000x8x64xf32, #tpu.memory_space<hbm>> -> memref<1x8x64xf32, #tpu.memory_space<hbm>>
    %dma_start3A_933 = tpu.memref_squeeze %dma_start3A_932 : memref<1x8x64xf32, #tpu.memory_space<hbm>> -> memref<8x64xf32, #tpu.memory_space<hbm>>
    tpu.enqueue_dma source(%dma_start3A_933 : memref<8x64xf32, #tpu.memory_space<hbm>>) target(%dma_start3A_929 : memref<8x64xf32, #tpu.memory_space<vmem>>) target_semaphore(%arg17 : memref<!tpu.dma_semaphore, #tpu.memory_space<semaphore_mem>>)
    %slice3A_934 = vector.extract_strided_slice %get3A_711 {offsets = [5], sizes = [1], strides = [1]} : vector<16xi32> to vector<1xi32>
    %squeeze3A_935 = vector.extract %slice3A_934[0] : i32 from vector<1xi32>
    %shift_right_arithmetic3A_936 = arith.constant 3 : i32
    %shift_right_arithmetic3A_937 = arith.shrsi %squeeze3A_935, %shift_right_arithmetic3A_936 : i32
    %slice3A_938 = vector.extract_strided_slice %get3A_713 {offsets = [5], sizes = [1], strides = [1]} : vector<16xi32> to vector<1xi32>
    %squeeze3A_939 = vector.extract %slice3A_938[0] : i32 from vector<1xi32>
    %shift_right_arithmetic3A_940 = arith.constant 3 : i32
    %shift_right_arithmetic3A_941 = arith.shrsi %squeeze3A_939, %shift_right_arithmetic3A_940 : i32
    %dma_start3A_942 = arith.constant 1 : i32
    %dma_start3A_943 = arith.constant 5 : i32
    %dma_start3A_944 = arith.constant 0 : i32
    %dma_start3A_945 = arith.constant 0 : i32
    %dma_start3A_946 = tpu.memref_slice %arg11[%dma_start3A_942, %dma_start3A_943, %dma_start3A_944, %dma_start3A_945] : memref<3x16x8x64xf32, #tpu.memory_space<vmem>> -> memref<1x1x8x64xf32, #tpu.memory_space<vmem>>
    %dma_start3A_947 = tpu.memref_squeeze %dma_start3A_946 : memref<1x1x8x64xf32, #tpu.memory_space<vmem>> -> memref<8x64xf32, #tpu.memory_space<vmem>>
    %dma_start3A_948 = arith.constant 0 : i32
    %dma_start3A_949 = arith.constant 0 : i32
    %dma_start3A_950 = tpu.memref_slice %arg4[%shift_right_arithmetic3A_937, %dma_start3A_948, %dma_start3A_949] : memref<125000x8x64xf32, #tpu.memory_space<hbm>> -> memref<1x8x64xf32, #tpu.memory_space<hbm>>
    %dma_start3A_951 = tpu.memref_squeeze %dma_start3A_950 : memref<1x8x64xf32, #tpu.memory_space<hbm>> -> memref<8x64xf32, #tpu.memory_space<hbm>>
    %dma_start3A_952 = arith.constant 0 : i32
    %dma_start3A_953 = arith.constant 0 : i32
    %dma_start3A_954 = tpu.memref_slice %arg11[%dma_start3A_942, %dma_start3A_943, %dma_start3A_952, %dma_start3A_953] : memref<3x16x8x64xf32, #tpu.memory_space<vmem>> -> memref<1x1x8x64xf32, #tpu.memory_space<vmem>>
    %dma_start3A_955 = tpu.memref_squeeze %dma_start3A_954 : memref<1x1x8x64xf32, #tpu.memory_space<vmem>> -> memref<8x64xf32, #tpu.memory_space<vmem>>
    %dma_start3A_956 = arith.constant 0 : i32
    %dma_start3A_957 = arith.constant 0 : i32
    %dma_start3A_958 = tpu.memref_slice %arg4[%shift_right_arithmetic3A_937, %dma_start3A_956, %dma_start3A_957] : memref<125000x8x64xf32, #tpu.memory_space<hbm>> -> memref<1x8x64xf32, #tpu.memory_space<hbm>>
    %dma_start3A_959 = tpu.memref_squeeze %dma_start3A_958 : memref<1x8x64xf32, #tpu.memory_space<hbm>> -> memref<8x64xf32, #tpu.memory_space<hbm>>
    tpu.enqueue_dma source(%dma_start3A_959 : memref<8x64xf32, #tpu.memory_space<hbm>>) target(%dma_start3A_955 : memref<8x64xf32, #tpu.memory_space<vmem>>) target_semaphore(%arg16 : memref<!tpu.dma_semaphore, #tpu.memory_space<semaphore_mem>>)
    %dma_start3A_960 = arith.constant 1 : i32
    %dma_start3A_961 = arith.constant 5 : i32
    %dma_start3A_962 = arith.constant 0 : i32
    %dma_start3A_963 = arith.constant 0 : i32
    %dma_start3A_964 = tpu.memref_slice %arg12[%dma_start3A_960, %dma_start3A_961, %dma_start3A_962, %dma_start3A_963] : memref<3x16x8x64xf32, #tpu.memory_space<vmem>> -> memref<1x1x8x64xf32, #tpu.memory_space<vmem>>
    %dma_start3A_965 = tpu.memref_squeeze %dma_start3A_964 : memref<1x1x8x64xf32, #tpu.memory_space<vmem>> -> memref<8x64xf32, #tpu.memory_space<vmem>>
    %dma_start3A_966 = arith.constant 0 : i32
    %dma_start3A_967 = arith.constant 0 : i32
    %dma_start3A_968 = tpu.memref_slice %arg6[%shift_right_arithmetic3A_941, %dma_start3A_966, %dma_start3A_967] : memref<125000x8x64xf32, #tpu.memory_space<hbm>> -> memref<1x8x64xf32, #tpu.memory_space<hbm>>
    %dma_start3A_969 = tpu.memref_squeeze %dma_start3A_968 : memref<1x8x64xf32, #tpu.memory_space<hbm>> -> memref<8x64xf32, #tpu.memory_space<hbm>>
    %dma_start3A_970 = arith.constant 0 : i32
    %dma_start3A_971 = arith.constant 0 : i32
    %dma_start3A_972 = tpu.memref_slice %arg12[%dma_start3A_960, %dma_start3A_961, %dma_start3A_970, %dma_start3A_971] : memref<3x16x8x64xf32, #tpu.memory_space<vmem>> -> memref<1x1x8x64xf32, #tpu.memory_space<vmem>>
    %dma_start3A_973 = tpu.memref_squeeze %dma_start3A_972 : memref<1x1x8x64xf32, #tpu.memory_space<vmem>> -> memref<8x64xf32, #tpu.memory_space<vmem>>
    %dma_start3A_974 = arith.constant 0 : i32
    %dma_start3A_975 = arith.constant 0 : i32
    %dma_start3A_976 = tpu.memref_slice %arg6[%shift_right_arithmetic3A_941, %dma_start3A_974, %dma_start3A_975] : memref<125000x8x64xf32, #tpu.memory_space<hbm>> -> memref<1x8x64xf32, #tpu.memory_space<hbm>>
    %dma_start3A_977 = tpu.memref_squeeze %dma_start3A_976 : memref<1x8x64xf32, #tpu.memory_space<hbm>> -> memref<8x64xf32, #tpu.memory_space<hbm>>
    tpu.enqueue_dma source(%dma_start3A_977 : memref<8x64xf32, #tpu.memory_space<hbm>>) target(%dma_start3A_973 : memref<8x64xf32, #tpu.memory_space<vmem>>) target_semaphore(%arg17 : memref<!tpu.dma_semaphore, #tpu.memory_space<semaphore_mem>>)
    %slice3A_978 = vector.extract_strided_slice %get3A_711 {offsets = [6], sizes = [1], strides = [1]} : vector<16xi32> to vector<1xi32>
    %squeeze3A_979 = vector.extract %slice3A_978[0] : i32 from vector<1xi32>
    %shift_right_arithmetic3A_980 = arith.constant 3 : i32
    %shift_right_arithmetic3A_981 = arith.shrsi %squeeze3A_979, %shift_right_arithmetic3A_980 : i32
    %slice3A_982 = vector.extract_strided_slice %get3A_713 {offsets = [6], sizes = [1], strides = [1]} : vector<16xi32> to vector<1xi32>
    %squeeze3A_983 = vector.extract %slice3A_982[0] : i32 from vector<1xi32>
    %shift_right_arithmetic3A_984 = arith.constant 3 : i32
    %shift_right_arithmetic3A_985 = arith.shrsi %squeeze3A_983, %shift_right_arithmetic3A_984 : i32
    %dma_start3A_986 = arith.constant 1 : i32
    %dma_start3A_987 = arith.constant 6 : i32
    %dma_start3A_988 = arith.constant 0 : i32
    %dma_start3A_989 = arith.constant 0 : i32
    %dma_start3A_990 = tpu.memref_slice %arg11[%dma_start3A_986, %dma_start3A_987, %dma_start3A_988, %dma_start3A_989] : memref<3x16x8x64xf32, #tpu.memory_space<vmem>> -> memref<1x1x8x64xf32, #tpu.memory_space<vmem>>
    %dma_start3A_991 = tpu.memref_squeeze %dma_start3A_990 : memref<1x1x8x64xf32, #tpu.memory_space<vmem>> -> memref<8x64xf32, #tpu.memory_space<vmem>>
    %dma_start3A_992 = arith.constant 0 : i32
    %dma_start3A_993 = arith.constant 0 : i32
    %dma_start3A_994 = tpu.memref_slice %arg4[%shift_right_arithmetic3A_981, %dma_start3A_992, %dma_start3A_993] : memref<125000x8x64xf32, #tpu.memory_space<hbm>> -> memref<1x8x64xf32, #tpu.memory_space<hbm>>
    %dma_start3A_995 = tpu.memref_squeeze %dma_start3A_994 : memref<1x8x64xf32, #tpu.memory_space<hbm>> -> memref<8x64xf32, #tpu.memory_space<hbm>>
    %dma_start3A_996 = arith.constant 0 : i32
    %dma_start3A_997 = arith.constant 0 : i32
    %dma_start3A_998 = tpu.memref_slice %arg11[%dma_start3A_986, %dma_start3A_987, %dma_start3A_996, %dma_start3A_997] : memref<3x16x8x64xf32, #tpu.memory_space<vmem>> -> memref<1x1x8x64xf32, #tpu.memory_space<vmem>>
    %dma_start3A_999 = tpu.memref_squeeze %dma_start3A_998 : memref<1x1x8x64xf32, #tpu.memory_space<vmem>> -> memref<8x64xf32, #tpu.memory_space<vmem>>
    %dma_start3A_1000 = arith.constant 0 : i32
    %dma_start3A_1001 = arith.constant 0 : i32
    %dma_start3A_1002 = tpu.memref_slice %arg4[%shift_right_arithmetic3A_981, %dma_start3A_1000, %dma_start3A_1001] : memref<125000x8x64xf32, #tpu.memory_space<hbm>> -> memref<1x8x64xf32, #tpu.memory_space<hbm>>
    %dma_start3A_1003 = tpu.memref_squeeze %dma_start3A_1002 : memref<1x8x64xf32, #tpu.memory_space<hbm>> -> memref<8x64xf32, #tpu.memory_space<hbm>>
    tpu.enqueue_dma source(%dma_start3A_1003 : memref<8x64xf32, #tpu.memory_space<hbm>>) target(%dma_start3A_999 : memref<8x64xf32, #tpu.memory_space<vmem>>) target_semaphore(%arg16 : memref<!tpu.dma_semaphore, #tpu.memory_space<semaphore_mem>>)
    %dma_start3A_1004 = arith.constant 1 : i32
    %dma_start3A_1005 = arith.constant 6 : i32
    %dma_start3A_1006 = arith.constant 0 : i32
    %dma_start3A_1007 = arith.constant 0 : i32
    %dma_start3A_1008 = tpu.memref_slice %arg12[%dma_start3A_1004, %dma_start3A_1005, %dma_start3A_1006, %dma_start3A_1007] : memref<3x16x8x64xf32, #tpu.memory_space<vmem>> -> memref<1x1x8x64xf32, #tpu.memory_space<vmem>>
    %dma_start3A_1009 = tpu.memref_squeeze %dma_start3A_1008 : memref<1x1x8x64xf32, #tpu.memory_space<vmem>> -> memref<8x64xf32, #tpu.memory_space<vmem>>
    %dma_start3A_1010 = arith.constant 0 : i32
    %dma_start3A_1011 = arith.constant 0 : i32
    %dma_start3A_1012 = tpu.memref_slice %arg6[%shift_right_arithmetic3A_985, %dma_start3A_1010, %dma_start3A_1011] : memref<125000x8x64xf32, #tpu.memory_space<hbm>> -> memref<1x8x64xf32, #tpu.memory_space<hbm>>
    %dma_start3A_1013 = tpu.memref_squeeze %dma_start3A_1012 : memref<1x8x64xf32, #tpu.memory_space<hbm>> -> memref<8x64xf32, #tpu.memory_space<hbm>>
    %dma_start3A_1014 = arith.constant 0 : i32
    %dma_start3A_1015 = arith.constant 0 : i32
    %dma_start3A_1016 = tpu.memref_slice %arg12[%dma_start3A_1004, %dma_start3A_1005, %dma_start3A_1014, %dma_start3A_1015] : memref<3x16x8x64xf32, #tpu.memory_space<vmem>> -> memref<1x1x8x64xf32, #tpu.memory_space<vmem>>
    %dma_start3A_1017 = tpu.memref_squeeze %dma_start3A_1016 : memref<1x1x8x64xf32, #tpu.memory_space<vmem>> -> memref<8x64xf32, #tpu.memory_space<vmem>>
    %dma_start3A_1018 = arith.constant 0 : i32
    %dma_start3A_1019 = arith.constant 0 : i32
    %dma_start3A_1020 = tpu.memref_slice %arg6[%shift_right_arithmetic3A_985, %dma_start3A_1018, %dma_start3A_1019] : memref<125000x8x64xf32, #tpu.memory_space<hbm>> -> memref<1x8x64xf32, #tpu.memory_space<hbm>>
    %dma_start3A_1021 = tpu.memref_squeeze %dma_start3A_1020 : memref<1x8x64xf32, #tpu.memory_space<hbm>> -> memref<8x64xf32, #tpu.memory_space<hbm>>
    tpu.enqueue_dma source(%dma_start3A_1021 : memref<8x64xf32, #tpu.memory_space<hbm>>) target(%dma_start3A_1017 : memref<8x64xf32, #tpu.memory_space<vmem>>) target_semaphore(%arg17 : memref<!tpu.dma_semaphore, #tpu.memory_space<semaphore_mem>>)
    %slice3A_1022 = vector.extract_strided_slice %get3A_711 {offsets = [7], sizes = [1], strides = [1]} : vector<16xi32> to vector<1xi32>
    %squeeze3A_1023 = vector.extract %slice3A_1022[0] : i32 from vector<1xi32>
    %shift_right_arithmetic3A_1024 = arith.constant 3 : i32
    %shift_right_arithmetic3A_1025 = arith.shrsi %squeeze3A_1023, %shift_right_arithmetic3A_1024 : i32
    %slice3A_1026 = vector.extract_strided_slice %get3A_713 {offsets = [7], sizes = [1], strides = [1]} : vector<16xi32> to vector<1xi32>
    %squeeze3A_1027 = vector.extract %slice3A_1026[0] : i32 from vector<1xi32>
    %shift_right_arithmetic3A_1028 = arith.constant 3 : i32
    %shift_right_arithmetic3A_1029 = arith.shrsi %squeeze3A_1027, %shift_right_arithmetic3A_1028 : i32
    %dma_start3A_1030 = arith.constant 1 : i32
    %dma_start3A_1031 = arith.constant 7 : i32
    %dma_start3A_1032 = arith.constant 0 : i32
    %dma_start3A_1033 = arith.constant 0 : i32
    %dma_start3A_1034 = tpu.memref_slice %arg11[%dma_start3A_1030, %dma_start3A_1031, %dma_start3A_1032, %dma_start3A_1033] : memref<3x16x8x64xf32, #tpu.memory_space<vmem>> -> memref<1x1x8x64xf32, #tpu.memory_space<vmem>>
    %dma_start3A_1035 = tpu.memref_squeeze %dma_start3A_1034 : memref<1x1x8x64xf32, #tpu.memory_space<vmem>> -> memref<8x64xf32, #tpu.memory_space<vmem>>
    %dma_start3A_1036 = arith.constant 0 : i32
    %dma_start3A_1037 = arith.constant 0 : i32
    %dma_start3A_1038 = tpu.memref_slice %arg4[%shift_right_arithmetic3A_1025, %dma_start3A_1036, %dma_start3A_1037] : memref<125000x8x64xf32, #tpu.memory_space<hbm>> -> memref<1x8x64xf32, #tpu.memory_space<hbm>>
    %dma_start3A_1039 = tpu.memref_squeeze %dma_start3A_1038 : memref<1x8x64xf32, #tpu.memory_space<hbm>> -> memref<8x64xf32, #tpu.memory_space<hbm>>
    %dma_start3A_1040 = arith.constant 0 : i32
    %dma_start3A_1041 = arith.constant 0 : i32
    %dma_start3A_1042 = tpu.memref_slice %arg11[%dma_start3A_1030, %dma_start3A_1031, %dma_start3A_1040, %dma_start3A_1041] : memref<3x16x8x64xf32, #tpu.memory_space<vmem>> -> memref<1x1x8x64xf32, #tpu.memory_space<vmem>>
    %dma_start3A_1043 = tpu.memref_squeeze %dma_start3A_1042 : memref<1x1x8x64xf32, #tpu.memory_space<vmem>> -> memref<8x64xf32, #tpu.memory_space<vmem>>
    %dma_start3A_1044 = arith.constant 0 : i32
    %dma_start3A_1045 = arith.constant 0 : i32
    %dma_start3A_1046 = tpu.memref_slice %arg4[%shift_right_arithmetic3A_1025, %dma_start3A_1044, %dma_start3A_1045] : memref<125000x8x64xf32, #tpu.memory_space<hbm>> -> memref<1x8x64xf32, #tpu.memory_space<hbm>>
    %dma_start3A_1047 = tpu.memref_squeeze %dma_start3A_1046 : memref<1x8x64xf32, #tpu.memory_space<hbm>> -> memref<8x64xf32, #tpu.memory_space<hbm>>
    tpu.enqueue_dma source(%dma_start3A_1047 : memref<8x64xf32, #tpu.memory_space<hbm>>) target(%dma_start3A_1043 : memref<8x64xf32, #tpu.memory_space<vmem>>) target_semaphore(%arg16 : memref<!tpu.dma_semaphore, #tpu.memory_space<semaphore_mem>>)
    %dma_start3A_1048 = arith.constant 1 : i32
    %dma_start3A_1049 = arith.constant 7 : i32
    %dma_start3A_1050 = arith.constant 0 : i32
    %dma_start3A_1051 = arith.constant 0 : i32
    %dma_start3A_1052 = tpu.memref_slice %arg12[%dma_start3A_1048, %dma_start3A_1049, %dma_start3A_1050, %dma_start3A_1051] : memref<3x16x8x64xf32, #tpu.memory_space<vmem>> -> memref<1x1x8x64xf32, #tpu.memory_space<vmem>>
    %dma_start3A_1053 = tpu.memref_squeeze %dma_start3A_1052 : memref<1x1x8x64xf32, #tpu.memory_space<vmem>> -> memref<8x64xf32, #tpu.memory_space<vmem>>
    %dma_start3A_1054 = arith.constant 0 : i32
    %dma_start3A_1055 = arith.constant 0 : i32
    %dma_start3A_1056 = tpu.memref_slice %arg6[%shift_right_arithmetic3A_1029, %dma_start3A_1054, %dma_start3A_1055] : memref<125000x8x64xf32, #tpu.memory_space<hbm>> -> memref<1x8x64xf32, #tpu.memory_space<hbm>>
    %dma_start3A_1057 = tpu.memref_squeeze %dma_start3A_1056 : memref<1x8x64xf32, #tpu.memory_space<hbm>> -> memref<8x64xf32, #tpu.memory_space<hbm>>
    %dma_start3A_1058 = arith.constant 0 : i32
    %dma_start3A_1059 = arith.constant 0 : i32
    %dma_start3A_1060 = tpu.memref_slice %arg12[%dma_start3A_1048, %dma_start3A_1049, %dma_start3A_1058, %dma_start3A_1059] : memref<3x16x8x64xf32, #tpu.memory_space<vmem>> -> memref<1x1x8x64xf32, #tpu.memory_space<vmem>>
    %dma_start3A_1061 = tpu.memref_squeeze %dma_start3A_1060 : memref<1x1x8x64xf32, #tpu.memory_space<vmem>> -> memref<8x64xf32, #tpu.memory_space<vmem>>
    %dma_start3A_1062 = arith.constant 0 : i32
    %dma_start3A_1063 = arith.constant 0 : i32
    %dma_start3A_1064 = tpu.memref_slice %arg6[%shift_right_arithmetic3A_1029, %dma_start3A_1062, %dma_start3A_1063] : memref<125000x8x64xf32, #tpu.memory_space<hbm>> -> memref<1x8x64xf32, #tpu.memory_space<hbm>>
    %dma_start3A_1065 = tpu.memref_squeeze %dma_start3A_1064 : memref<1x8x64xf32, #tpu.memory_space<hbm>> -> memref<8x64xf32, #tpu.memory_space<hbm>>
    tpu.enqueue_dma source(%dma_start3A_1065 : memref<8x64xf32, #tpu.memory_space<hbm>>) target(%dma_start3A_1061 : memref<8x64xf32, #tpu.memory_space<vmem>>) target_semaphore(%arg17 : memref<!tpu.dma_semaphore, #tpu.memory_space<semaphore_mem>>)
    %slice3A_1066 = vector.extract_strided_slice %get3A_711 {offsets = [8], sizes = [1], strides = [1]} : vector<16xi32> to vector<1xi32>
    %squeeze3A_1067 = vector.extract %slice3A_1066[0] : i32 from vector<1xi32>
    %shift_right_arithmetic3A_1068 = arith.constant 3 : i32
    %shift_right_arithmetic3A_1069 = arith.shrsi %squeeze3A_1067, %shift_right_arithmetic3A_1068 : i32
    %slice3A_1070 = vector.extract_strided_slice %get3A_713 {offsets = [8], sizes = [1], strides = [1]} : vector<16xi32> to vector<1xi32>
    %squeeze3A_1071 = vector.extract %slice3A_1070[0] : i32 from vector<1xi32>
    %shift_right_arithmetic3A_1072 = arith.constant 3 : i32
    %shift_right_arithmetic3A_1073 = arith.shrsi %squeeze3A_1071, %shift_right_arithmetic3A_1072 : i32
    %dma_start3A_1074 = arith.constant 1 : i32
    %dma_start3A_1075 = arith.constant 8 : i32
    %dma_start3A_1076 = arith.constant 0 : i32
    %dma_start3A_1077 = arith.constant 0 : i32
    %dma_start3A_1078 = tpu.memref_slice %arg11[%dma_start3A_1074, %dma_start3A_1075, %dma_start3A_1076, %dma_start3A_1077] : memref<3x16x8x64xf32, #tpu.memory_space<vmem>> -> memref<1x1x8x64xf32, #tpu.memory_space<vmem>>
    %dma_start3A_1079 = tpu.memref_squeeze %dma_start3A_1078 : memref<1x1x8x64xf32, #tpu.memory_space<vmem>> -> memref<8x64xf32, #tpu.memory_space<vmem>>
    %dma_start3A_1080 = arith.constant 0 : i32
    %dma_start3A_1081 = arith.constant 0 : i32
    %dma_start3A_1082 = tpu.memref_slice %arg4[%shift_right_arithmetic3A_1069, %dma_start3A_1080, %dma_start3A_1081] : memref<125000x8x64xf32, #tpu.memory_space<hbm>> -> memref<1x8x64xf32, #tpu.memory_space<hbm>>
    %dma_start3A_1083 = tpu.memref_squeeze %dma_start3A_1082 : memref<1x8x64xf32, #tpu.memory_space<hbm>> -> memref<8x64xf32, #tpu.memory_space<hbm>>
    %dma_start3A_1084 = arith.constant 0 : i32
    %dma_start3A_1085 = arith.constant 0 : i32
    %dma_start3A_1086 = tpu.memref_slice %arg11[%dma_start3A_1074, %dma_start3A_1075, %dma_start3A_1084, %dma_start3A_1085] : memref<3x16x8x64xf32, #tpu.memory_space<vmem>> -> memref<1x1x8x64xf32, #tpu.memory_space<vmem>>
    %dma_start3A_1087 = tpu.memref_squeeze %dma_start3A_1086 : memref<1x1x8x64xf32, #tpu.memory_space<vmem>> -> memref<8x64xf32, #tpu.memory_space<vmem>>
    %dma_start3A_1088 = arith.constant 0 : i32
    %dma_start3A_1089 = arith.constant 0 : i32
    %dma_start3A_1090 = tpu.memref_slice %arg4[%shift_right_arithmetic3A_1069, %dma_start3A_1088, %dma_start3A_1089] : memref<125000x8x64xf32, #tpu.memory_space<hbm>> -> memref<1x8x64xf32, #tpu.memory_space<hbm>>
    %dma_start3A_1091 = tpu.memref_squeeze %dma_start3A_1090 : memref<1x8x64xf32, #tpu.memory_space<hbm>> -> memref<8x64xf32, #tpu.memory_space<hbm>>
    tpu.enqueue_dma source(%dma_start3A_1091 : memref<8x64xf32, #tpu.memory_space<hbm>>) target(%dma_start3A_1087 : memref<8x64xf32, #tpu.memory_space<vmem>>) target_semaphore(%arg16 : memref<!tpu.dma_semaphore, #tpu.memory_space<semaphore_mem>>)
    %dma_start3A_1092 = arith.constant 1 : i32
    %dma_start3A_1093 = arith.constant 8 : i32
    %dma_start3A_1094 = arith.constant 0 : i32
    %dma_start3A_1095 = arith.constant 0 : i32
    %dma_start3A_1096 = tpu.memref_slice %arg12[%dma_start3A_1092, %dma_start3A_1093, %dma_start3A_1094, %dma_start3A_1095] : memref<3x16x8x64xf32, #tpu.memory_space<vmem>> -> memref<1x1x8x64xf32, #tpu.memory_space<vmem>>
    %dma_start3A_1097 = tpu.memref_squeeze %dma_start3A_1096 : memref<1x1x8x64xf32, #tpu.memory_space<vmem>> -> memref<8x64xf32, #tpu.memory_space<vmem>>
    %dma_start3A_1098 = arith.constant 0 : i32
    %dma_start3A_1099 = arith.constant 0 : i32
    %dma_start3A_1100 = tpu.memref_slice %arg6[%shift_right_arithmetic3A_1073, %dma_start3A_1098, %dma_start3A_1099] : memref<125000x8x64xf32, #tpu.memory_space<hbm>> -> memref<1x8x64xf32, #tpu.memory_space<hbm>>
    %dma_start3A_1101 = tpu.memref_squeeze %dma_start3A_1100 : memref<1x8x64xf32, #tpu.memory_space<hbm>> -> memref<8x64xf32, #tpu.memory_space<hbm>>
    %dma_start3A_1102 = arith.constant 0 : i32
    %dma_start3A_1103 = arith.constant 0 : i32
    %dma_start3A_1104 = tpu.memref_slice %arg12[%dma_start3A_1092, %dma_start3A_1093, %dma_start3A_1102, %dma_start3A_1103] : memref<3x16x8x64xf32, #tpu.memory_space<vmem>> -> memref<1x1x8x64xf32, #tpu.memory_space<vmem>>
    %dma_start3A_1105 = tpu.memref_squeeze %dma_start3A_1104 : memref<1x1x8x64xf32, #tpu.memory_space<vmem>> -> memref<8x64xf32, #tpu.memory_space<vmem>>
    %dma_start3A_1106 = arith.constant 0 : i32
    %dma_start3A_1107 = arith.constant 0 : i32
    %dma_start3A_1108 = tpu.memref_slice %arg6[%shift_right_arithmetic3A_1073, %dma_start3A_1106, %dma_start3A_1107] : memref<125000x8x64xf32, #tpu.memory_space<hbm>> -> memref<1x8x64xf32, #tpu.memory_space<hbm>>
    %dma_start3A_1109 = tpu.memref_squeeze %dma_start3A_1108 : memref<1x8x64xf32, #tpu.memory_space<hbm>> -> memref<8x64xf32, #tpu.memory_space<hbm>>
    tpu.enqueue_dma source(%dma_start3A_1109 : memref<8x64xf32, #tpu.memory_space<hbm>>) target(%dma_start3A_1105 : memref<8x64xf32, #tpu.memory_space<vmem>>) target_semaphore(%arg17 : memref<!tpu.dma_semaphore, #tpu.memory_space<semaphore_mem>>)
    %slice3A_1110 = vector.extract_strided_slice %get3A_711 {offsets = [9], sizes = [1], strides = [1]} : vector<16xi32> to vector<1xi32>
    %squeeze3A_1111 = vector.extract %slice3A_1110[0] : i32 from vector<1xi32>
    %shift_right_arithmetic3A_1112 = arith.constant 3 : i32
    %shift_right_arithmetic3A_1113 = arith.shrsi %squeeze3A_1111, %shift_right_arithmetic3A_1112 : i32
    %slice3A_1114 = vector.extract_strided_slice %get3A_713 {offsets = [9], sizes = [1], strides = [1]} : vector<16xi32> to vector<1xi32>
    %squeeze3A_1115 = vector.extract %slice3A_1114[0] : i32 from vector<1xi32>
    %shift_right_arithmetic3A_1116 = arith.constant 3 : i32
    %shift_right_arithmetic3A_1117 = arith.shrsi %squeeze3A_1115, %shift_right_arithmetic3A_1116 : i32
    %dma_start3A_1118 = arith.constant 1 : i32
    %dma_start3A_1119 = arith.constant 9 : i32
    %dma_start3A_1120 = arith.constant 0 : i32
    %dma_start3A_1121 = arith.constant 0 : i32
    %dma_start3A_1122 = tpu.memref_slice %arg11[%dma_start3A_1118, %dma_start3A_1119, %dma_start3A_1120, %dma_start3A_1121] : memref<3x16x8x64xf32, #tpu.memory_space<vmem>> -> memref<1x1x8x64xf32, #tpu.memory_space<vmem>>
    %dma_start3A_1123 = tpu.memref_squeeze %dma_start3A_1122 : memref<1x1x8x64xf32, #tpu.memory_space<vmem>> -> memref<8x64xf32, #tpu.memory_space<vmem>>
    %dma_start3A_1124 = arith.constant 0 : i32
    %dma_start3A_1125 = arith.constant 0 : i32
    %dma_start3A_1126 = tpu.memref_slice %arg4[%shift_right_arithmetic3A_1113, %dma_start3A_1124, %dma_start3A_1125] : memref<125000x8x64xf32, #tpu.memory_space<hbm>> -> memref<1x8x64xf32, #tpu.memory_space<hbm>>
    %dma_start3A_1127 = tpu.memref_squeeze %dma_start3A_1126 : memref<1x8x64xf32, #tpu.memory_space<hbm>> -> memref<8x64xf32, #tpu.memory_space<hbm>>
    %dma_start3A_1128 = arith.constant 0 : i32
    %dma_start3A_1129 = arith.constant 0 : i32
    %dma_start3A_1130 = tpu.memref_slice %arg11[%dma_start3A_1118, %dma_start3A_1119, %dma_start3A_1128, %dma_start3A_1129] : memref<3x16x8x64xf32, #tpu.memory_space<vmem>> -> memref<1x1x8x64xf32, #tpu.memory_space<vmem>>
    %dma_start3A_1131 = tpu.memref_squeeze %dma_start3A_1130 : memref<1x1x8x64xf32, #tpu.memory_space<vmem>> -> memref<8x64xf32, #tpu.memory_space<vmem>>
    %dma_start3A_1132 = arith.constant 0 : i32
    %dma_start3A_1133 = arith.constant 0 : i32
    %dma_start3A_1134 = tpu.memref_slice %arg4[%shift_right_arithmetic3A_1113, %dma_start3A_1132, %dma_start3A_1133] : memref<125000x8x64xf32, #tpu.memory_space<hbm>> -> memref<1x8x64xf32, #tpu.memory_space<hbm>>
    %dma_start3A_1135 = tpu.memref_squeeze %dma_start3A_1134 : memref<1x8x64xf32, #tpu.memory_space<hbm>> -> memref<8x64xf32, #tpu.memory_space<hbm>>
    tpu.enqueue_dma source(%dma_start3A_1135 : memref<8x64xf32, #tpu.memory_space<hbm>>) target(%dma_start3A_1131 : memref<8x64xf32, #tpu.memory_space<vmem>>) target_semaphore(%arg16 : memref<!tpu.dma_semaphore, #tpu.memory_space<semaphore_mem>>)
    %dma_start3A_1136 = arith.constant 1 : i32
    %dma_start3A_1137 = arith.constant 9 : i32
    %dma_start3A_1138 = arith.constant 0 : i32
    %dma_start3A_1139 = arith.constant 0 : i32
    %dma_start3A_1140 = tpu.memref_slice %arg12[%dma_start3A_1136, %dma_start3A_1137, %dma_start3A_1138, %dma_start3A_1139] : memref<3x16x8x64xf32, #tpu.memory_space<vmem>> -> memref<1x1x8x64xf32, #tpu.memory_space<vmem>>
    %dma_start3A_1141 = tpu.memref_squeeze %dma_start3A_1140 : memref<1x1x8x64xf32, #tpu.memory_space<vmem>> -> memref<8x64xf32, #tpu.memory_space<vmem>>
    %dma_start3A_1142 = arith.constant 0 : i32
    %dma_start3A_1143 = arith.constant 0 : i32
    %dma_start3A_1144 = tpu.memref_slice %arg6[%shift_right_arithmetic3A_1117, %dma_start3A_1142, %dma_start3A_1143] : memref<125000x8x64xf32, #tpu.memory_space<hbm>> -> memref<1x8x64xf32, #tpu.memory_space<hbm>>
    %dma_start3A_1145 = tpu.memref_squeeze %dma_start3A_1144 : memref<1x8x64xf32, #tpu.memory_space<hbm>> -> memref<8x64xf32, #tpu.memory_space<hbm>>
    %dma_start3A_1146 = arith.constant 0 : i32
    %dma_start3A_1147 = arith.constant 0 : i32
    %dma_start3A_1148 = tpu.memref_slice %arg12[%dma_start3A_1136, %dma_start3A_1137, %dma_start3A_1146, %dma_start3A_1147] : memref<3x16x8x64xf32, #tpu.memory_space<vmem>> -> memref<1x1x8x64xf32, #tpu.memory_space<vmem>>
    %dma_start3A_1149 = tpu.memref_squeeze %dma_start3A_1148 : memref<1x1x8x64xf32, #tpu.memory_space<vmem>> -> memref<8x64xf32, #tpu.memory_space<vmem>>
    %dma_start3A_1150 = arith.constant 0 : i32
    %dma_start3A_1151 = arith.constant 0 : i32
    %dma_start3A_1152 = tpu.memref_slice %arg6[%shift_right_arithmetic3A_1117, %dma_start3A_1150, %dma_start3A_1151] : memref<125000x8x64xf32, #tpu.memory_space<hbm>> -> memref<1x8x64xf32, #tpu.memory_space<hbm>>
    %dma_start3A_1153 = tpu.memref_squeeze %dma_start3A_1152 : memref<1x8x64xf32, #tpu.memory_space<hbm>> -> memref<8x64xf32, #tpu.memory_space<hbm>>
    tpu.enqueue_dma source(%dma_start3A_1153 : memref<8x64xf32, #tpu.memory_space<hbm>>) target(%dma_start3A_1149 : memref<8x64xf32, #tpu.memory_space<vmem>>) target_semaphore(%arg17 : memref<!tpu.dma_semaphore, #tpu.memory_space<semaphore_mem>>)
    %slice3A_1154 = vector.extract_strided_slice %get3A_711 {offsets = [10], sizes = [1], strides = [1]} : vector<16xi32> to vector<1xi32>
    %squeeze3A_1155 = vector.extract %slice3A_1154[0] : i32 from vector<1xi32>
    %shift_right_arithmetic3A_1156 = arith.constant 3 : i32
    %shift_right_arithmetic3A_1157 = arith.shrsi %squeeze3A_1155, %shift_right_arithmetic3A_1156 : i32
    %slice3A_1158 = vector.extract_strided_slice %get3A_713 {offsets = [10], sizes = [1], strides = [1]} : vector<16xi32> to vector<1xi32>
    %squeeze3A_1159 = vector.extract %slice3A_1158[0] : i32 from vector<1xi32>
    %shift_right_arithmetic3A_1160 = arith.constant 3 : i32
    %shift_right_arithmetic3A_1161 = arith.shrsi %squeeze3A_1159, %shift_right_arithmetic3A_1160 : i32
    %dma_start3A_1162 = arith.constant 1 : i32
    %dma_start3A_1163 = arith.constant 10 : i32
    %dma_start3A_1164 = arith.constant 0 : i32
    %dma_start3A_1165 = arith.constant 0 : i32
    %dma_start3A_1166 = tpu.memref_slice %arg11[%dma_start3A_1162, %dma_start3A_1163, %dma_start3A_1164, %dma_start3A_1165] : memref<3x16x8x64xf32, #tpu.memory_space<vmem>> -> memref<1x1x8x64xf32, #tpu.memory_space<vmem>>
    %dma_start3A_1167 = tpu.memref_squeeze %dma_start3A_1166 : memref<1x1x8x64xf32, #tpu.memory_space<vmem>> -> memref<8x64xf32, #tpu.memory_space<vmem>>
    %dma_start3A_1168 = arith.constant 0 : i32
    %dma_start3A_1169 = arith.constant 0 : i32
    %dma_start3A_1170 = tpu.memref_slice %arg4[%shift_right_arithmetic3A_1157, %dma_start3A_1168, %dma_start3A_1169] : memref<125000x8x64xf32, #tpu.memory_space<hbm>> -> memref<1x8x64xf32, #tpu.memory_space<hbm>>
    %dma_start3A_1171 = tpu.memref_squeeze %dma_start3A_1170 : memref<1x8x64xf32, #tpu.memory_space<hbm>> -> memref<8x64xf32, #tpu.memory_space<hbm>>
    %dma_start3A_1172 = arith.constant 0 : i32
    %dma_start3A_1173 = arith.constant 0 : i32
    %dma_start3A_1174 = tpu.memref_slice %arg11[%dma_start3A_1162, %dma_start3A_1163, %dma_start3A_1172, %dma_start3A_1173] : memref<3x16x8x64xf32, #tpu.memory_space<vmem>> -> memref<1x1x8x64xf32, #tpu.memory_space<vmem>>
    %dma_start3A_1175 = tpu.memref_squeeze %dma_start3A_1174 : memref<1x1x8x64xf32, #tpu.memory_space<vmem>> -> memref<8x64xf32, #tpu.memory_space<vmem>>
    %dma_start3A_1176 = arith.constant 0 : i32
    %dma_start3A_1177 = arith.constant 0 : i32
    %dma_start3A_1178 = tpu.memref_slice %arg4[%shift_right_arithmetic3A_1157, %dma_start3A_1176, %dma_start3A_1177] : memref<125000x8x64xf32, #tpu.memory_space<hbm>> -> memref<1x8x64xf32, #tpu.memory_space<hbm>>
    %dma_start3A_1179 = tpu.memref_squeeze %dma_start3A_1178 : memref<1x8x64xf32, #tpu.memory_space<hbm>> -> memref<8x64xf32, #tpu.memory_space<hbm>>
    tpu.enqueue_dma source(%dma_start3A_1179 : memref<8x64xf32, #tpu.memory_space<hbm>>) target(%dma_start3A_1175 : memref<8x64xf32, #tpu.memory_space<vmem>>) target_semaphore(%arg16 : memref<!tpu.dma_semaphore, #tpu.memory_space<semaphore_mem>>)
    %dma_start3A_1180 = arith.constant 1 : i32
    %dma_start3A_1181 = arith.constant 10 : i32
    %dma_start3A_1182 = arith.constant 0 : i32
    %dma_start3A_1183 = arith.constant 0 : i32
    %dma_start3A_1184 = tpu.memref_slice %arg12[%dma_start3A_1180, %dma_start3A_1181, %dma_start3A_1182, %dma_start3A_1183] : memref<3x16x8x64xf32, #tpu.memory_space<vmem>> -> memref<1x1x8x64xf32, #tpu.memory_space<vmem>>
    %dma_start3A_1185 = tpu.memref_squeeze %dma_start3A_1184 : memref<1x1x8x64xf32, #tpu.memory_space<vmem>> -> memref<8x64xf32, #tpu.memory_space<vmem>>
    %dma_start3A_1186 = arith.constant 0 : i32
    %dma_start3A_1187 = arith.constant 0 : i32
    %dma_start3A_1188 = tpu.memref_slice %arg6[%shift_right_arithmetic3A_1161, %dma_start3A_1186, %dma_start3A_1187] : memref<125000x8x64xf32, #tpu.memory_space<hbm>> -> memref<1x8x64xf32, #tpu.memory_space<hbm>>
    %dma_start3A_1189 = tpu.memref_squeeze %dma_start3A_1188 : memref<1x8x64xf32, #tpu.memory_space<hbm>> -> memref<8x64xf32, #tpu.memory_space<hbm>>
    %dma_start3A_1190 = arith.constant 0 : i32
    %dma_start3A_1191 = arith.constant 0 : i32
    %dma_start3A_1192 = tpu.memref_slice %arg12[%dma_start3A_1180, %dma_start3A_1181, %dma_start3A_1190, %dma_start3A_1191] : memref<3x16x8x64xf32, #tpu.memory_space<vmem>> -> memref<1x1x8x64xf32, #tpu.memory_space<vmem>>
    %dma_start3A_1193 = tpu.memref_squeeze %dma_start3A_1192 : memref<1x1x8x64xf32, #tpu.memory_space<vmem>> -> memref<8x64xf32, #tpu.memory_space<vmem>>
    %dma_start3A_1194 = arith.constant 0 : i32
    %dma_start3A_1195 = arith.constant 0 : i32
    %dma_start3A_1196 = tpu.memref_slice %arg6[%shift_right_arithmetic3A_1161, %dma_start3A_1194, %dma_start3A_1195] : memref<125000x8x64xf32, #tpu.memory_space<hbm>> -> memref<1x8x64xf32, #tpu.memory_space<hbm>>
    %dma_start3A_1197 = tpu.memref_squeeze %dma_start3A_1196 : memref<1x8x64xf32, #tpu.memory_space<hbm>> -> memref<8x64xf32, #tpu.memory_space<hbm>>
    tpu.enqueue_dma source(%dma_start3A_1197 : memref<8x64xf32, #tpu.memory_space<hbm>>) target(%dma_start3A_1193 : memref<8x64xf32, #tpu.memory_space<vmem>>) target_semaphore(%arg17 : memref<!tpu.dma_semaphore, #tpu.memory_space<semaphore_mem>>)
    %slice3A_1198 = vector.extract_strided_slice %get3A_711 {offsets = [11], sizes = [1], strides = [1]} : vector<16xi32> to vector<1xi32>
    %squeeze3A_1199 = vector.extract %slice3A_1198[0] : i32 from vector<1xi32>
    %shift_right_arithmetic3A_1200 = arith.constant 3 : i32
    %shift_right_arithmetic3A_1201 = arith.shrsi %squeeze3A_1199, %shift_right_arithmetic3A_1200 : i32
    %slice3A_1202 = vector.extract_strided_slice %get3A_713 {offsets = [11], sizes = [1], strides = [1]} : vector<16xi32> to vector<1xi32>
    %squeeze3A_1203 = vector.extract %slice3A_1202[0] : i32 from vector<1xi32>
    %shift_right_arithmetic3A_1204 = arith.constant 3 : i32
    %shift_right_arithmetic3A_1205 = arith.shrsi %squeeze3A_1203, %shift_right_arithmetic3A_1204 : i32
    %dma_start3A_1206 = arith.constant 1 : i32
    %dma_start3A_1207 = arith.constant 11 : i32
    %dma_start3A_1208 = arith.constant 0 : i32
    %dma_start3A_1209 = arith.constant 0 : i32
    %dma_start3A_1210 = tpu.memref_slice %arg11[%dma_start3A_1206, %dma_start3A_1207, %dma_start3A_1208, %dma_start3A_1209] : memref<3x16x8x64xf32, #tpu.memory_space<vmem>> -> memref<1x1x8x64xf32, #tpu.memory_space<vmem>>
    %dma_start3A_1211 = tpu.memref_squeeze %dma_start3A_1210 : memref<1x1x8x64xf32, #tpu.memory_space<vmem>> -> memref<8x64xf32, #tpu.memory_space<vmem>>
    %dma_start3A_1212 = arith.constant 0 : i32
    %dma_start3A_1213 = arith.constant 0 : i32
    %dma_start3A_1214 = tpu.memref_slice %arg4[%shift_right_arithmetic3A_1201, %dma_start3A_1212, %dma_start3A_1213] : memref<125000x8x64xf32, #tpu.memory_space<hbm>> -> memref<1x8x64xf32, #tpu.memory_space<hbm>>
    %dma_start3A_1215 = tpu.memref_squeeze %dma_start3A_1214 : memref<1x8x64xf32, #tpu.memory_space<hbm>> -> memref<8x64xf32, #tpu.memory_space<hbm>>
    %dma_start3A_1216 = arith.constant 0 : i32
    %dma_start3A_1217 = arith.constant 0 : i32
    %dma_start3A_1218 = tpu.memref_slice %arg11[%dma_start3A_1206, %dma_start3A_1207, %dma_start3A_1216, %dma_start3A_1217] : memref<3x16x8x64xf32, #tpu.memory_space<vmem>> -> memref<1x1x8x64xf32, #tpu.memory_space<vmem>>
    %dma_start3A_1219 = tpu.memref_squeeze %dma_start3A_1218 : memref<1x1x8x64xf32, #tpu.memory_space<vmem>> -> memref<8x64xf32, #tpu.memory_space<vmem>>
    %dma_start3A_1220 = arith.constant 0 : i32
    %dma_start3A_1221 = arith.constant 0 : i32
    %dma_start3A_1222 = tpu.memref_slice %arg4[%shift_right_arithmetic3A_1201, %dma_start3A_1220, %dma_start3A_1221] : memref<125000x8x64xf32, #tpu.memory_space<hbm>> -> memref<1x8x64xf32, #tpu.memory_space<hbm>>
    %dma_start3A_1223 = tpu.memref_squeeze %dma_start3A_1222 : memref<1x8x64xf32, #tpu.memory_space<hbm>> -> memref<8x64xf32, #tpu.memory_space<hbm>>
    tpu.enqueue_dma source(%dma_start3A_1223 : memref<8x64xf32, #tpu.memory_space<hbm>>) target(%dma_start3A_1219 : memref<8x64xf32, #tpu.memory_space<vmem>>) target_semaphore(%arg16 : memref<!tpu.dma_semaphore, #tpu.memory_space<semaphore_mem>>)
    %dma_start3A_1224 = arith.constant 1 : i32
    %dma_start3A_1225 = arith.constant 11 : i32
    %dma_start3A_1226 = arith.constant 0 : i32
    %dma_start3A_1227 = arith.constant 0 : i32
    %dma_start3A_1228 = tpu.memref_slice %arg12[%dma_start3A_1224, %dma_start3A_1225, %dma_start3A_1226, %dma_start3A_1227] : memref<3x16x8x64xf32, #tpu.memory_space<vmem>> -> memref<1x1x8x64xf32, #tpu.memory_space<vmem>>
    %dma_start3A_1229 = tpu.memref_squeeze %dma_start3A_1228 : memref<1x1x8x64xf32, #tpu.memory_space<vmem>> -> memref<8x64xf32, #tpu.memory_space<vmem>>
    %dma_start3A_1230 = arith.constant 0 : i32
    %dma_start3A_1231 = arith.constant 0 : i32
    %dma_start3A_1232 = tpu.memref_slice %arg6[%shift_right_arithmetic3A_1205, %dma_start3A_1230, %dma_start3A_1231] : memref<125000x8x64xf32, #tpu.memory_space<hbm>> -> memref<1x8x64xf32, #tpu.memory_space<hbm>>
    %dma_start3A_1233 = tpu.memref_squeeze %dma_start3A_1232 : memref<1x8x64xf32, #tpu.memory_space<hbm>> -> memref<8x64xf32, #tpu.memory_space<hbm>>
    %dma_start3A_1234 = arith.constant 0 : i32
    %dma_start3A_1235 = arith.constant 0 : i32
    %dma_start3A_1236 = tpu.memref_slice %arg12[%dma_start3A_1224, %dma_start3A_1225, %dma_start3A_1234, %dma_start3A_1235] : memref<3x16x8x64xf32, #tpu.memory_space<vmem>> -> memref<1x1x8x64xf32, #tpu.memory_space<vmem>>
    %dma_start3A_1237 = tpu.memref_squeeze %dma_start3A_1236 : memref<1x1x8x64xf32, #tpu.memory_space<vmem>> -> memref<8x64xf32, #tpu.memory_space<vmem>>
    %dma_start3A_1238 = arith.constant 0 : i32
    %dma_start3A_1239 = arith.constant 0 : i32
    %dma_start3A_1240 = tpu.memref_slice %arg6[%shift_right_arithmetic3A_1205, %dma_start3A_1238, %dma_start3A_1239] : memref<125000x8x64xf32, #tpu.memory_space<hbm>> -> memref<1x8x64xf32, #tpu.memory_space<hbm>>
    %dma_start3A_1241 = tpu.memref_squeeze %dma_start3A_1240 : memref<1x8x64xf32, #tpu.memory_space<hbm>> -> memref<8x64xf32, #tpu.memory_space<hbm>>
    tpu.enqueue_dma source(%dma_start3A_1241 : memref<8x64xf32, #tpu.memory_space<hbm>>) target(%dma_start3A_1237 : memref<8x64xf32, #tpu.memory_space<vmem>>) target_semaphore(%arg17 : memref<!tpu.dma_semaphore, #tpu.memory_space<semaphore_mem>>)
    %slice3A_1242 = vector.extract_strided_slice %get3A_711 {offsets = [12], sizes = [1], strides = [1]} : vector<16xi32> to vector<1xi32>
    %squeeze3A_1243 = vector.extract %slice3A_1242[0] : i32 from vector<1xi32>
    %shift_right_arithmetic3A_1244 = arith.constant 3 : i32
    %shift_right_arithmetic3A_1245 = arith.shrsi %squeeze3A_1243, %shift_right_arithmetic3A_1244 : i32
    %slice3A_1246 = vector.extract_strided_slice %get3A_713 {offsets = [12], sizes = [1], strides = [1]} : vector<16xi32> to vector<1xi32>
    %squeeze3A_1247 = vector.extract %slice3A_1246[0] : i32 from vector<1xi32>
    %shift_right_arithmetic3A_1248 = arith.constant 3 : i32
    %shift_right_arithmetic3A_1249 = arith.shrsi %squeeze3A_1247, %shift_right_arithmetic3A_1248 : i32
    %dma_start3A_1250 = arith.constant 1 : i32
    %dma_start3A_1251 = arith.constant 12 : i32
    %dma_start3A_1252 = arith.constant 0 : i32
    %dma_start3A_1253 = arith.constant 0 : i32
    %dma_start3A_1254 = tpu.memref_slice %arg11[%dma_start3A_1250, %dma_start3A_1251, %dma_start3A_1252, %dma_start3A_1253] : memref<3x16x8x64xf32, #tpu.memory_space<vmem>> -> memref<1x1x8x64xf32, #tpu.memory_space<vmem>>
    %dma_start3A_1255 = tpu.memref_squeeze %dma_start3A_1254 : memref<1x1x8x64xf32, #tpu.memory_space<vmem>> -> memref<8x64xf32, #tpu.memory_space<vmem>>
    %dma_start3A_1256 = arith.constant 0 : i32
    %dma_start3A_1257 = arith.constant 0 : i32
    %dma_start3A_1258 = tpu.memref_slice %arg4[%shift_right_arithmetic3A_1245, %dma_start3A_1256, %dma_start3A_1257] : memref<125000x8x64xf32, #tpu.memory_space<hbm>> -> memref<1x8x64xf32, #tpu.memory_space<hbm>>
    %dma_start3A_1259 = tpu.memref_squeeze %dma_start3A_1258 : memref<1x8x64xf32, #tpu.memory_space<hbm>> -> memref<8x64xf32, #tpu.memory_space<hbm>>
    %dma_start3A_1260 = arith.constant 0 : i32
    %dma_start3A_1261 = arith.constant 0 : i32
    %dma_start3A_1262 = tpu.memref_slice %arg11[%dma_start3A_1250, %dma_start3A_1251, %dma_start3A_1260, %dma_start3A_1261] : memref<3x16x8x64xf32, #tpu.memory_space<vmem>> -> memref<1x1x8x64xf32, #tpu.memory_space<vmem>>
    %dma_start3A_1263 = tpu.memref_squeeze %dma_start3A_1262 : memref<1x1x8x64xf32, #tpu.memory_space<vmem>> -> memref<8x64xf32, #tpu.memory_space<vmem>>
    %dma_start3A_1264 = arith.constant 0 : i32
    %dma_start3A_1265 = arith.constant 0 : i32
    %dma_start3A_1266 = tpu.memref_slice %arg4[%shift_right_arithmetic3A_1245, %dma_start3A_1264, %dma_start3A_1265] : memref<125000x8x64xf32, #tpu.memory_space<hbm>> -> memref<1x8x64xf32, #tpu.memory_space<hbm>>
    %dma_start3A_1267 = tpu.memref_squeeze %dma_start3A_1266 : memref<1x8x64xf32, #tpu.memory_space<hbm>> -> memref<8x64xf32, #tpu.memory_space<hbm>>
    tpu.enqueue_dma source(%dma_start3A_1267 : memref<8x64xf32, #tpu.memory_space<hbm>>) target(%dma_start3A_1263 : memref<8x64xf32, #tpu.memory_space<vmem>>) target_semaphore(%arg16 : memref<!tpu.dma_semaphore, #tpu.memory_space<semaphore_mem>>)
    %dma_start3A_1268 = arith.constant 1 : i32
    %dma_start3A_1269 = arith.constant 12 : i32
    %dma_start3A_1270 = arith.constant 0 : i32
    %dma_start3A_1271 = arith.constant 0 : i32
    %dma_start3A_1272 = tpu.memref_slice %arg12[%dma_start3A_1268, %dma_start3A_1269, %dma_start3A_1270, %dma_start3A_1271] : memref<3x16x8x64xf32, #tpu.memory_space<vmem>> -> memref<1x1x8x64xf32, #tpu.memory_space<vmem>>
    %dma_start3A_1273 = tpu.memref_squeeze %dma_start3A_1272 : memref<1x1x8x64xf32, #tpu.memory_space<vmem>> -> memref<8x64xf32, #tpu.memory_space<vmem>>
    %dma_start3A_1274 = arith.constant 0 : i32
    %dma_start3A_1275 = arith.constant 0 : i32
    %dma_start3A_1276 = tpu.memref_slice %arg6[%shift_right_arithmetic3A_1249, %dma_start3A_1274, %dma_start3A_1275] : memref<125000x8x64xf32, #tpu.memory_space<hbm>> -> memref<1x8x64xf32, #tpu.memory_space<hbm>>
    %dma_start3A_1277 = tpu.memref_squeeze %dma_start3A_1276 : memref<1x8x64xf32, #tpu.memory_space<hbm>> -> memref<8x64xf32, #tpu.memory_space<hbm>>
    %dma_start3A_1278 = arith.constant 0 : i32
    %dma_start3A_1279 = arith.constant 0 : i32
    %dma_start3A_1280 = tpu.memref_slice %arg12[%dma_start3A_1268, %dma_start3A_1269, %dma_start3A_1278, %dma_start3A_1279] : memref<3x16x8x64xf32, #tpu.memory_space<vmem>> -> memref<1x1x8x64xf32, #tpu.memory_space<vmem>>
    %dma_start3A_1281 = tpu.memref_squeeze %dma_start3A_1280 : memref<1x1x8x64xf32, #tpu.memory_space<vmem>> -> memref<8x64xf32, #tpu.memory_space<vmem>>
    %dma_start3A_1282 = arith.constant 0 : i32
    %dma_start3A_1283 = arith.constant 0 : i32
    %dma_start3A_1284 = tpu.memref_slice %arg6[%shift_right_arithmetic3A_1249, %dma_start3A_1282, %dma_start3A_1283] : memref<125000x8x64xf32, #tpu.memory_space<hbm>> -> memref<1x8x64xf32, #tpu.memory_space<hbm>>
    %dma_start3A_1285 = tpu.memref_squeeze %dma_start3A_1284 : memref<1x8x64xf32, #tpu.memory_space<hbm>> -> memref<8x64xf32, #tpu.memory_space<hbm>>
    tpu.enqueue_dma source(%dma_start3A_1285 : memref<8x64xf32, #tpu.memory_space<hbm>>) target(%dma_start3A_1281 : memref<8x64xf32, #tpu.memory_space<vmem>>) target_semaphore(%arg17 : memref<!tpu.dma_semaphore, #tpu.memory_space<semaphore_mem>>)
    %slice3A_1286 = vector.extract_strided_slice %get3A_711 {offsets = [13], sizes = [1], strides = [1]} : vector<16xi32> to vector<1xi32>
    %squeeze3A_1287 = vector.extract %slice3A_1286[0] : i32 from vector<1xi32>
    %shift_right_arithmetic3A_1288 = arith.constant 3 : i32
    %shift_right_arithmetic3A_1289 = arith.shrsi %squeeze3A_1287, %shift_right_arithmetic3A_1288 : i32
    %slice3A_1290 = vector.extract_strided_slice %get3A_713 {offsets = [13], sizes = [1], strides = [1]} : vector<16xi32> to vector<1xi32>
    %squeeze3A_1291 = vector.extract %slice3A_1290[0] : i32 from vector<1xi32>
    %shift_right_arithmetic3A_1292 = arith.constant 3 : i32
    %shift_right_arithmetic3A_1293 = arith.shrsi %squeeze3A_1291, %shift_right_arithmetic3A_1292 : i32
    %dma_start3A_1294 = arith.constant 1 : i32
    %dma_start3A_1295 = arith.constant 13 : i32
    %dma_start3A_1296 = arith.constant 0 : i32
    %dma_start3A_1297 = arith.constant 0 : i32
    %dma_start3A_1298 = tpu.memref_slice %arg11[%dma_start3A_1294, %dma_start3A_1295, %dma_start3A_1296, %dma_start3A_1297] : memref<3x16x8x64xf32, #tpu.memory_space<vmem>> -> memref<1x1x8x64xf32, #tpu.memory_space<vmem>>
    %dma_start3A_1299 = tpu.memref_squeeze %dma_start3A_1298 : memref<1x1x8x64xf32, #tpu.memory_space<vmem>> -> memref<8x64xf32, #tpu.memory_space<vmem>>
    %dma_start3A_1300 = arith.constant 0 : i32
    %dma_start3A_1301 = arith.constant 0 : i32
    %dma_start3A_1302 = tpu.memref_slice %arg4[%shift_right_arithmetic3A_1289, %dma_start3A_1300, %dma_start3A_1301] : memref<125000x8x64xf32, #tpu.memory_space<hbm>> -> memref<1x8x64xf32, #tpu.memory_space<hbm>>
    %dma_start3A_1303 = tpu.memref_squeeze %dma_start3A_1302 : memref<1x8x64xf32, #tpu.memory_space<hbm>> -> memref<8x64xf32, #tpu.memory_space<hbm>>
    %dma_start3A_1304 = arith.constant 0 : i32
    %dma_start3A_1305 = arith.constant 0 : i32
    %dma_start3A_1306 = tpu.memref_slice %arg11[%dma_start3A_1294, %dma_start3A_1295, %dma_start3A_1304, %dma_start3A_1305] : memref<3x16x8x64xf32, #tpu.memory_space<vmem>> -> memref<1x1x8x64xf32, #tpu.memory_space<vmem>>
    %dma_start3A_1307 = tpu.memref_squeeze %dma_start3A_1306 : memref<1x1x8x64xf32, #tpu.memory_space<vmem>> -> memref<8x64xf32, #tpu.memory_space<vmem>>
    %dma_start3A_1308 = arith.constant 0 : i32
    %dma_start3A_1309 = arith.constant 0 : i32
    %dma_start3A_1310 = tpu.memref_slice %arg4[%shift_right_arithmetic3A_1289, %dma_start3A_1308, %dma_start3A_1309] : memref<125000x8x64xf32, #tpu.memory_space<hbm>> -> memref<1x8x64xf32, #tpu.memory_space<hbm>>
    %dma_start3A_1311 = tpu.memref_squeeze %dma_start3A_1310 : memref<1x8x64xf32, #tpu.memory_space<hbm>> -> memref<8x64xf32, #tpu.memory_space<hbm>>
    tpu.enqueue_dma source(%dma_start3A_1311 : memref<8x64xf32, #tpu.memory_space<hbm>>) target(%dma_start3A_1307 : memref<8x64xf32, #tpu.memory_space<vmem>>) target_semaphore(%arg16 : memref<!tpu.dma_semaphore, #tpu.memory_space<semaphore_mem>>)
    %dma_start3A_1312 = arith.constant 1 : i32
    %dma_start3A_1313 = arith.constant 13 : i32
    %dma_start3A_1314 = arith.constant 0 : i32
    %dma_start3A_1315 = arith.constant 0 : i32
    %dma_start3A_1316 = tpu.memref_slice %arg12[%dma_start3A_1312, %dma_start3A_1313, %dma_start3A_1314, %dma_start3A_1315] : memref<3x16x8x64xf32, #tpu.memory_space<vmem>> -> memref<1x1x8x64xf32, #tpu.memory_space<vmem>>
    %dma_start3A_1317 = tpu.memref_squeeze %dma_start3A_1316 : memref<1x1x8x64xf32, #tpu.memory_space<vmem>> -> memref<8x64xf32, #tpu.memory_space<vmem>>
    %dma_start3A_1318 = arith.constant 0 : i32
    %dma_start3A_1319 = arith.constant 0 : i32
    %dma_start3A_1320 = tpu.memref_slice %arg6[%shift_right_arithmetic3A_1293, %dma_start3A_1318, %dma_start3A_1319] : memref<125000x8x64xf32, #tpu.memory_space<hbm>> -> memref<1x8x64xf32, #tpu.memory_space<hbm>>
    %dma_start3A_1321 = tpu.memref_squeeze %dma_start3A_1320 : memref<1x8x64xf32, #tpu.memory_space<hbm>> -> memref<8x64xf32, #tpu.memory_space<hbm>>
    %dma_start3A_1322 = arith.constant 0 : i32
    %dma_start3A_1323 = arith.constant 0 : i32
    %dma_start3A_1324 = tpu.memref_slice %arg12[%dma_start3A_1312, %dma_start3A_1313, %dma_start3A_1322, %dma_start3A_1323] : memref<3x16x8x64xf32, #tpu.memory_space<vmem>> -> memref<1x1x8x64xf32, #tpu.memory_space<vmem>>
    %dma_start3A_1325 = tpu.memref_squeeze %dma_start3A_1324 : memref<1x1x8x64xf32, #tpu.memory_space<vmem>> -> memref<8x64xf32, #tpu.memory_space<vmem>>
    %dma_start3A_1326 = arith.constant 0 : i32
    %dma_start3A_1327 = arith.constant 0 : i32
    %dma_start3A_1328 = tpu.memref_slice %arg6[%shift_right_arithmetic3A_1293, %dma_start3A_1326, %dma_start3A_1327] : memref<125000x8x64xf32, #tpu.memory_space<hbm>> -> memref<1x8x64xf32, #tpu.memory_space<hbm>>
    %dma_start3A_1329 = tpu.memref_squeeze %dma_start3A_1328 : memref<1x8x64xf32, #tpu.memory_space<hbm>> -> memref<8x64xf32, #tpu.memory_space<hbm>>
    tpu.enqueue_dma source(%dma_start3A_1329 : memref<8x64xf32, #tpu.memory_space<hbm>>) target(%dma_start3A_1325 : memref<8x64xf32, #tpu.memory_space<vmem>>) target_semaphore(%arg17 : memref<!tpu.dma_semaphore, #tpu.memory_space<semaphore_mem>>)
    %slice3A_1330 = vector.extract_strided_slice %get3A_711 {offsets = [14], sizes = [1], strides = [1]} : vector<16xi32> to vector<1xi32>
    %squeeze3A_1331 = vector.extract %slice3A_1330[0] : i32 from vector<1xi32>
    %shift_right_arithmetic3A_1332 = arith.constant 3 : i32
    %shift_right_arithmetic3A_1333 = arith.shrsi %squeeze3A_1331, %shift_right_arithmetic3A_1332 : i32
    %slice3A_1334 = vector.extract_strided_slice %get3A_713 {offsets = [14], sizes = [1], strides = [1]} : vector<16xi32> to vector<1xi32>
    %squeeze3A_1335 = vector.extract %slice3A_1334[0] : i32 from vector<1xi32>
    %shift_right_arithmetic3A_1336 = arith.constant 3 : i32
    %shift_right_arithmetic3A_1337 = arith.shrsi %squeeze3A_1335, %shift_right_arithmetic3A_1336 : i32
    %dma_start3A_1338 = arith.constant 1 : i32
    %dma_start3A_1339 = arith.constant 14 : i32
    %dma_start3A_1340 = arith.constant 0 : i32
    %dma_start3A_1341 = arith.constant 0 : i32
    %dma_start3A_1342 = tpu.memref_slice %arg11[%dma_start3A_1338, %dma_start3A_1339, %dma_start3A_1340, %dma_start3A_1341] : memref<3x16x8x64xf32, #tpu.memory_space<vmem>> -> memref<1x1x8x64xf32, #tpu.memory_space<vmem>>
    %dma_start3A_1343 = tpu.memref_squeeze %dma_start3A_1342 : memref<1x1x8x64xf32, #tpu.memory_space<vmem>> -> memref<8x64xf32, #tpu.memory_space<vmem>>
    %dma_start3A_1344 = arith.constant 0 : i32
    %dma_start3A_1345 = arith.constant 0 : i32
    %dma_start3A_1346 = tpu.memref_slice %arg4[%shift_right_arithmetic3A_1333, %dma_start3A_1344, %dma_start3A_1345] : memref<125000x8x64xf32, #tpu.memory_space<hbm>> -> memref<1x8x64xf32, #tpu.memory_space<hbm>>
    %dma_start3A_1347 = tpu.memref_squeeze %dma_start3A_1346 : memref<1x8x64xf32, #tpu.memory_space<hbm>> -> memref<8x64xf32, #tpu.memory_space<hbm>>
    %dma_start3A_1348 = arith.constant 0 : i32
    %dma_start3A_1349 = arith.constant 0 : i32
    %dma_start3A_1350 = tpu.memref_slice %arg11[%dma_start3A_1338, %dma_start3A_1339, %dma_start3A_1348, %dma_start3A_1349] : memref<3x16x8x64xf32, #tpu.memory_space<vmem>> -> memref<1x1x8x64xf32, #tpu.memory_space<vmem>>
    %dma_start3A_1351 = tpu.memref_squeeze %dma_start3A_1350 : memref<1x1x8x64xf32, #tpu.memory_space<vmem>> -> memref<8x64xf32, #tpu.memory_space<vmem>>
    %dma_start3A_1352 = arith.constant 0 : i32
    %dma_start3A_1353 = arith.constant 0 : i32
    %dma_start3A_1354 = tpu.memref_slice %arg4[%shift_right_arithmetic3A_1333, %dma_start3A_1352, %dma_start3A_1353] : memref<125000x8x64xf32, #tpu.memory_space<hbm>> -> memref<1x8x64xf32, #tpu.memory_space<hbm>>
    %dma_start3A_1355 = tpu.memref_squeeze %dma_start3A_1354 : memref<1x8x64xf32, #tpu.memory_space<hbm>> -> memref<8x64xf32, #tpu.memory_space<hbm>>
    tpu.enqueue_dma source(%dma_start3A_1355 : memref<8x64xf32, #tpu.memory_space<hbm>>) target(%dma_start3A_1351 : memref<8x64xf32, #tpu.memory_space<vmem>>) target_semaphore(%arg16 : memref<!tpu.dma_semaphore, #tpu.memory_space<semaphore_mem>>)
    %dma_start3A_1356 = arith.constant 1 : i32
    %dma_start3A_1357 = arith.constant 14 : i32
    %dma_start3A_1358 = arith.constant 0 : i32
    %dma_start3A_1359 = arith.constant 0 : i32
    %dma_start3A_1360 = tpu.memref_slice %arg12[%dma_start3A_1356, %dma_start3A_1357, %dma_start3A_1358, %dma_start3A_1359] : memref<3x16x8x64xf32, #tpu.memory_space<vmem>> -> memref<1x1x8x64xf32, #tpu.memory_space<vmem>>
    %dma_start3A_1361 = tpu.memref_squeeze %dma_start3A_1360 : memref<1x1x8x64xf32, #tpu.memory_space<vmem>> -> memref<8x64xf32, #tpu.memory_space<vmem>>
    %dma_start3A_1362 = arith.constant 0 : i32
    %dma_start3A_1363 = arith.constant 0 : i32
    %dma_start3A_1364 = tpu.memref_slice %arg6[%shift_right_arithmetic3A_1337, %dma_start3A_1362, %dma_start3A_1363] : memref<125000x8x64xf32, #tpu.memory_space<hbm>> -> memref<1x8x64xf32, #tpu.memory_space<hbm>>
    %dma_start3A_1365 = tpu.memref_squeeze %dma_start3A_1364 : memref<1x8x64xf32, #tpu.memory_space<hbm>> -> memref<8x64xf32, #tpu.memory_space<hbm>>
    %dma_start3A_1366 = arith.constant 0 : i32
    %dma_start3A_1367 = arith.constant 0 : i32
    %dma_start3A_1368 = tpu.memref_slice %arg12[%dma_start3A_1356, %dma_start3A_1357, %dma_start3A_1366, %dma_start3A_1367] : memref<3x16x8x64xf32, #tpu.memory_space<vmem>> -> memref<1x1x8x64xf32, #tpu.memory_space<vmem>>
    %dma_start3A_1369 = tpu.memref_squeeze %dma_start3A_1368 : memref<1x1x8x64xf32, #tpu.memory_space<vmem>> -> memref<8x64xf32, #tpu.memory_space<vmem>>
    %dma_start3A_1370 = arith.constant 0 : i32
    %dma_start3A_1371 = arith.constant 0 : i32
    %dma_start3A_1372 = tpu.memref_slice %arg6[%shift_right_arithmetic3A_1337, %dma_start3A_1370, %dma_start3A_1371] : memref<125000x8x64xf32, #tpu.memory_space<hbm>> -> memref<1x8x64xf32, #tpu.memory_space<hbm>>
    %dma_start3A_1373 = tpu.memref_squeeze %dma_start3A_1372 : memref<1x8x64xf32, #tpu.memory_space<hbm>> -> memref<8x64xf32, #tpu.memory_space<hbm>>
    tpu.enqueue_dma source(%dma_start3A_1373 : memref<8x64xf32, #tpu.memory_space<hbm>>) target(%dma_start3A_1369 : memref<8x64xf32, #tpu.memory_space<vmem>>) target_semaphore(%arg17 : memref<!tpu.dma_semaphore, #tpu.memory_space<semaphore_mem>>)
    %slice3A_1374 = vector.extract_strided_slice %get3A_711 {offsets = [15], sizes = [1], strides = [1]} : vector<16xi32> to vector<1xi32>
    %squeeze3A_1375 = vector.extract %slice3A_1374[0] : i32 from vector<1xi32>
    %shift_right_arithmetic3A_1376 = arith.constant 3 : i32
    %shift_right_arithmetic3A_1377 = arith.shrsi %squeeze3A_1375, %shift_right_arithmetic3A_1376 : i32
    %slice3A_1378 = vector.extract_strided_slice %get3A_713 {offsets = [15], sizes = [1], strides = [1]} : vector<16xi32> to vector<1xi32>
    %squeeze3A_1379 = vector.extract %slice3A_1378[0] : i32 from vector<1xi32>
    %shift_right_arithmetic3A_1380 = arith.constant 3 : i32
    %shift_right_arithmetic3A_1381 = arith.shrsi %squeeze3A_1379, %shift_right_arithmetic3A_1380 : i32
    %dma_start3A_1382 = arith.constant 1 : i32
    %dma_start3A_1383 = arith.constant 15 : i32
    %dma_start3A_1384 = arith.constant 0 : i32
    %dma_start3A_1385 = arith.constant 0 : i32
    %dma_start3A_1386 = tpu.memref_slice %arg11[%dma_start3A_1382, %dma_start3A_1383, %dma_start3A_1384, %dma_start3A_1385] : memref<3x16x8x64xf32, #tpu.memory_space<vmem>> -> memref<1x1x8x64xf32, #tpu.memory_space<vmem>>
    %dma_start3A_1387 = tpu.memref_squeeze %dma_start3A_1386 : memref<1x1x8x64xf32, #tpu.memory_space<vmem>> -> memref<8x64xf32, #tpu.memory_space<vmem>>
    %dma_start3A_1388 = arith.constant 0 : i32
    %dma_start3A_1389 = arith.constant 0 : i32
    %dma_start3A_1390 = tpu.memref_slice %arg4[%shift_right_arithmetic3A_1377, %dma_start3A_1388, %dma_start3A_1389] : memref<125000x8x64xf32, #tpu.memory_space<hbm>> -> memref<1x8x64xf32, #tpu.memory_space<hbm>>
    %dma_start3A_1391 = tpu.memref_squeeze %dma_start3A_1390 : memref<1x8x64xf32, #tpu.memory_space<hbm>> -> memref<8x64xf32, #tpu.memory_space<hbm>>
    %dma_start3A_1392 = arith.constant 0 : i32
    %dma_start3A_1393 = arith.constant 0 : i32
    %dma_start3A_1394 = tpu.memref_slice %arg11[%dma_start3A_1382, %dma_start3A_1383, %dma_start3A_1392, %dma_start3A_1393] : memref<3x16x8x64xf32, #tpu.memory_space<vmem>> -> memref<1x1x8x64xf32, #tpu.memory_space<vmem>>
    %dma_start3A_1395 = tpu.memref_squeeze %dma_start3A_1394 : memref<1x1x8x64xf32, #tpu.memory_space<vmem>> -> memref<8x64xf32, #tpu.memory_space<vmem>>
    %dma_start3A_1396 = arith.constant 0 : i32
    %dma_start3A_1397 = arith.constant 0 : i32
    %dma_start3A_1398 = tpu.memref_slice %arg4[%shift_right_arithmetic3A_1377, %dma_start3A_1396, %dma_start3A_1397] : memref<125000x8x64xf32, #tpu.memory_space<hbm>> -> memref<1x8x64xf32, #tpu.memory_space<hbm>>
    %dma_start3A_1399 = tpu.memref_squeeze %dma_start3A_1398 : memref<1x8x64xf32, #tpu.memory_space<hbm>> -> memref<8x64xf32, #tpu.memory_space<hbm>>
    tpu.enqueue_dma source(%dma_start3A_1399 : memref<8x64xf32, #tpu.memory_space<hbm>>) target(%dma_start3A_1395 : memref<8x64xf32, #tpu.memory_space<vmem>>) target_semaphore(%arg16 : memref<!tpu.dma_semaphore, #tpu.memory_space<semaphore_mem>>)
    %dma_start3A_1400 = arith.constant 1 : i32
    %dma_start3A_1401 = arith.constant 15 : i32
    %dma_start3A_1402 = arith.constant 0 : i32
    %dma_start3A_1403 = arith.constant 0 : i32
    %dma_start3A_1404 = tpu.memref_slice %arg12[%dma_start3A_1400, %dma_start3A_1401, %dma_start3A_1402, %dma_start3A_1403] : memref<3x16x8x64xf32, #tpu.memory_space<vmem>> -> memref<1x1x8x64xf32, #tpu.memory_space<vmem>>
    %dma_start3A_1405 = tpu.memref_squeeze %dma_start3A_1404 : memref<1x1x8x64xf32, #tpu.memory_space<vmem>> -> memref<8x64xf32, #tpu.memory_space<vmem>>
    %dma_start3A_1406 = arith.constant 0 : i32
    %dma_start3A_1407 = arith.constant 0 : i32
    %dma_start3A_1408 = tpu.memref_slice %arg6[%shift_right_arithmetic3A_1381, %dma_start3A_1406, %dma_start3A_1407] : memref<125000x8x64xf32, #tpu.memory_space<hbm>> -> memref<1x8x64xf32, #tpu.memory_space<hbm>>
    %dma_start3A_1409 = tpu.memref_squeeze %dma_start3A_1408 : memref<1x8x64xf32, #tpu.memory_space<hbm>> -> memref<8x64xf32, #tpu.memory_space<hbm>>
    %dma_start3A_1410 = arith.constant 0 : i32
    %dma_start3A_1411 = arith.constant 0 : i32
    %dma_start3A_1412 = tpu.memref_slice %arg12[%dma_start3A_1400, %dma_start3A_1401, %dma_start3A_1410, %dma_start3A_1411] : memref<3x16x8x64xf32, #tpu.memory_space<vmem>> -> memref<1x1x8x64xf32, #tpu.memory_space<vmem>>
    %dma_start3A_1413 = tpu.memref_squeeze %dma_start3A_1412 : memref<1x1x8x64xf32, #tpu.memory_space<vmem>> -> memref<8x64xf32, #tpu.memory_space<vmem>>
    %dma_start3A_1414 = arith.constant 0 : i32
    %dma_start3A_1415 = arith.constant 0 : i32
    %dma_start3A_1416 = tpu.memref_slice %arg6[%shift_right_arithmetic3A_1381, %dma_start3A_1414, %dma_start3A_1415] : memref<125000x8x64xf32, #tpu.memory_space<hbm>> -> memref<1x8x64xf32, #tpu.memory_space<hbm>>
    %dma_start3A_1417 = tpu.memref_squeeze %dma_start3A_1416 : memref<1x8x64xf32, #tpu.memory_space<hbm>> -> memref<8x64xf32, #tpu.memory_space<hbm>>
    tpu.enqueue_dma source(%dma_start3A_1417 : memref<8x64xf32, #tpu.memory_space<hbm>>) target(%dma_start3A_1413 : memref<8x64xf32, #tpu.memory_space<vmem>>) target_semaphore(%arg17 : memref<!tpu.dma_semaphore, #tpu.memory_space<semaphore_mem>>)
    %dma_wait3A = arith.constant 0 : i32
    %dma_wait3A_1418 = tpu.memref_slice %arg5[%dma_wait3A] : memref<1000000xf32, #tpu.memory_space<hbm>> -> memref<1000000xf32, #tpu.memory_space<hbm>>
    tpu.wait_indirect_dma semaphore(%arg18 : memref<!tpu.dma_semaphore, #tpu.memory_space<semaphore_mem>>) src(%dma_wait3A_1418 : memref<1000000xf32, #tpu.memory_space<hbm>>) dst(%arg13 : memref<512xf32, #tpu.memory_space<vmem>>)
    %dma_wait3A_1419 = arith.constant 0 : i32
    %dma_wait3A_1420 = tpu.memref_slice %arg7[%dma_wait3A_1419] : memref<1000000xf32, #tpu.memory_space<hbm>> -> memref<1000000xf32, #tpu.memory_space<hbm>>
    tpu.wait_indirect_dma semaphore(%arg19 : memref<!tpu.dma_semaphore, #tpu.memory_space<semaphore_mem>>) src(%dma_wait3A_1420 : memref<1000000xf32, #tpu.memory_space<hbm>>) dst(%arg14 : memref<512xf32, #tpu.memory_space<vmem>>)
    %scan3A = arith.constant 0 : i32
    %scan3A_1421 = arith.constant 32 : i32
    %scan3A_1422 = arith.addi %scan3A, %scan3A_1421 : i32
    %scan3A_1423 = arith.constant 1 : i32
    scf.for %scan3A_1425 = %scan3A to %scan3A_1422 step %scan3A_1423  : i32 {
      %mul3A_1426 = arith.constant 1 : i32
      %mul3A_1427 = arith.muli %scan3A_1425, %mul3A_1426 : i32
      %add3A_1428 = arith.constant 0 : i32
      %add3A_1429 = arith.addi %add3A_1428, %mul3A_1427 : i32
      %mul3A_1430 = arith.constant 16 : i32
      %mul3A_1431 = arith.muli %add3A_1429, %mul3A_1430 : i32
      %jit3A = arith.constant 3 : i32
      %eq3A = arith.constant 0 : i32
      %eq3A_1432 = arith.cmpi eq, %jit3A, %eq3A : i32
      %jit3A_1433 = arith.constant 1 : i32
      %select_n3A = arith.select %eq3A_1432, %jit3A_1433, %jit3A : i32
      %rem3A = arith.remsi %add3A_1429, %select_n3A : i32
      %ne3A = arith.constant 0 : i32
      %ne3A_1434 = arith.cmpi ne, %rem3A, %ne3A : i32
      %lt3A = arith.constant 0 : i32
      %lt3A_1435 = arith.cmpi slt, %rem3A, %lt3A : i32
      %lt3A_1436 = arith.constant 0 : i32
      %lt3A_1437 = arith.cmpi slt, %select_n3A, %lt3A_1436 : i32
      %ne3A_1438 = arith.xori %lt3A_1435, %lt3A_1437 : i1
      %and3A = arith.andi %ne3A_1438, %ne3A_1434 : i1
      %add3A_1439 = arith.addi %rem3A, %select_n3A : i32
      %select_n3A_1440 = arith.select %and3A, %add3A_1439, %rem3A : i32
      %add3A_1441 = arith.constant 2 : i32
      %add3A_1442 = arith.addi %add3A_1429, %add3A_1441 : i32
      %lt3A_1443 = arith.constant 32 : i32
      %lt3A_1444 = arith.cmpi slt, %add3A_1442, %lt3A_1443 : i32
      %convert_element_type3A = arith.extui %lt3A_1444 : i1 to i32
      %cond3A = arith.constant 0 : i32
      %cond3A_1445 = arith.cmpi ne, %convert_element_type3A, %cond3A : i32
      scf.if %cond3A_1445 {
        %add3A_2613 = arith.constant 2 : i32
        %add3A_2614 = arith.addi %add3A_1429, %add3A_2613 : i32
        %add3A_2615 = arith.constant 2 : i32
        %add3A_2616 = arith.addi %add3A_1429, %add3A_2615 : i32
        %jit3A_2617 = arith.constant 3 : i32
        %eq3A_2618 = arith.constant 0 : i32
        %eq3A_2619 = arith.cmpi eq, %jit3A_2617, %eq3A_2618 : i32
        %jit3A_2620 = arith.constant 1 : i32
        %select_n3A_2621 = arith.select %eq3A_2619, %jit3A_2620, %jit3A_2617 : i32
        %rem3A_2622 = arith.remsi %add3A_2616, %select_n3A_2621 : i32
        %ne3A_2623 = arith.constant 0 : i32
        %ne3A_2624 = arith.cmpi ne, %rem3A_2622, %ne3A_2623 : i32
        %lt3A_2625 = arith.constant 0 : i32
        %lt3A_2626 = arith.cmpi slt, %rem3A_2622, %lt3A_2625 : i32
        %lt3A_2627 = arith.constant 0 : i32
        %lt3A_2628 = arith.cmpi slt, %select_n3A_2621, %lt3A_2627 : i32
        %ne3A_2629 = arith.xori %lt3A_2626, %lt3A_2628 : i1
        %and3A_2630 = arith.andi %ne3A_2629, %ne3A_2624 : i1
        %add3A_2631 = arith.addi %rem3A_2622, %select_n3A_2621 : i32
        %select_n3A_2632 = arith.select %and3A_2630, %add3A_2631, %rem3A_2622 : i32
        %mul3A_2633 = arith.constant 16 : i32
        %mul3A_2634 = arith.muli %add3A_2614, %mul3A_2633 : i32
        %add3A_2635 = arith.constant 0 : i32
        %add3A_2636 = arith.addi %mul3A_2634, %add3A_2635 : i32
        %get3A_2637 = arith.index_cast %add3A_2636 : i32 to index
        %get3A_2638 = tpu.vector_load %arg9[%get3A_2637] {strides = array<i32>} : memref<512xi32, #tpu.memory_space<vmem>>, vector<16xi32>,
        %add3A_2639 = arith.constant 0 : i32
        %add3A_2640 = arith.addi %mul3A_2634, %add3A_2639 : i32
        %get3A_2641 = arith.index_cast %add3A_2640 : i32 to index
        %get3A_2642 = tpu.vector_load %arg10[%get3A_2641] {strides = array<i32>} : memref<512xi32, #tpu.memory_space<vmem>>, vector<16xi32>,
        %slice3A_2643 = vector.extract_strided_slice %get3A_2638 {offsets = [0], sizes = [1], strides = [1]} : vector<16xi32> to vector<1xi32>
        %squeeze3A_2644 = vector.extract %slice3A_2643[0] : i32 from vector<1xi32>
        %shift_right_arithmetic3A_2645 = arith.constant 3 : i32
        %shift_right_arithmetic3A_2646 = arith.shrsi %squeeze3A_2644, %shift_right_arithmetic3A_2645 : i32
        %slice3A_2647 = vector.extract_strided_slice %get3A_2642 {offsets = [0], sizes = [1], strides = [1]} : vector<16xi32> to vector<1xi32>
        %squeeze3A_2648 = vector.extract %slice3A_2647[0] : i32 from vector<1xi32>
        %shift_right_arithmetic3A_2649 = arith.constant 3 : i32
        %shift_right_arithmetic3A_2650 = arith.shrsi %squeeze3A_2648, %shift_right_arithmetic3A_2649 : i32
        %dma_start3A_2651 = arith.constant 0 : i32
        %dma_start3A_2652 = arith.constant 0 : i32
        %dma_start3A_2653 = arith.constant 0 : i32
        %dma_start3A_2654 = tpu.memref_slice %arg11[%select_n3A_2632, %dma_start3A_2651, %dma_start3A_2652, %dma_start3A_2653] : memref<3x16x8x64xf32, #tpu.memory_space<vmem>> -> memref<1x1x8x64xf32, #tpu.memory_space<vmem>>
        %dma_start3A_2655 = tpu.memref_squeeze %dma_start3A_2654 : memref<1x1x8x64xf32, #tpu.memory_space<vmem>> -> memref<8x64xf32, #tpu.memory_space<vmem>>
        %dma_start3A_2656 = arith.constant 0 : i32
        %dma_start3A_2657 = arith.constant 0 : i32
        %dma_start3A_2658 = tpu.memref_slice %arg4[%shift_right_arithmetic3A_2646, %dma_start3A_2656, %dma_start3A_2657] : memref<125000x8x64xf32, #tpu.memory_space<hbm>> -> memref<1x8x64xf32, #tpu.memory_space<hbm>>
        %dma_start3A_2659 = tpu.memref_squeeze %dma_start3A_2658 : memref<1x8x64xf32, #tpu.memory_space<hbm>> -> memref<8x64xf32, #tpu.memory_space<hbm>>
        %dma_start3A_2660 = arith.constant 0 : i32
        %dma_start3A_2661 = arith.constant 0 : i32
        %dma_start3A_2662 = tpu.memref_slice %arg11[%select_n3A_2632, %dma_start3A_2651, %dma_start3A_2660, %dma_start3A_2661] : memref<3x16x8x64xf32, #tpu.memory_space<vmem>> -> memref<1x1x8x64xf32, #tpu.memory_space<vmem>>
        %dma_start3A_2663 = tpu.memref_squeeze %dma_start3A_2662 : memref<1x1x8x64xf32, #tpu.memory_space<vmem>> -> memref<8x64xf32, #tpu.memory_space<vmem>>
        %dma_start3A_2664 = arith.constant 0 : i32
        %dma_start3A_2665 = arith.constant 0 : i32
        %dma_start3A_2666 = tpu.memref_slice %arg4[%shift_right_arithmetic3A_2646, %dma_start3A_2664, %dma_start3A_2665] : memref<125000x8x64xf32, #tpu.memory_space<hbm>> -> memref<1x8x64xf32, #tpu.memory_space<hbm>>
        %dma_start3A_2667 = tpu.memref_squeeze %dma_start3A_2666 : memref<1x8x64xf32, #tpu.memory_space<hbm>> -> memref<8x64xf32, #tpu.memory_space<hbm>>
        tpu.enqueue_dma source(%dma_start3A_2667 : memref<8x64xf32, #tpu.memory_space<hbm>>) target(%dma_start3A_2663 : memref<8x64xf32, #tpu.memory_space<vmem>>) target_semaphore(%arg16 : memref<!tpu.dma_semaphore, #tpu.memory_space<semaphore_mem>>)
        %dma_start3A_2668 = arith.constant 0 : i32
        %dma_start3A_2669 = arith.constant 0 : i32
        %dma_start3A_2670 = arith.constant 0 : i32
        %dma_start3A_2671 = tpu.memref_slice %arg12[%select_n3A_2632, %dma_start3A_2668, %dma_start3A_2669, %dma_start3A_2670] : memref<3x16x8x64xf32, #tpu.memory_space<vmem>> -> memref<1x1x8x64xf32, #tpu.memory_space<vmem>>
        %dma_start3A_2672 = tpu.memref_squeeze %dma_start3A_2671 : memref<1x1x8x64xf32, #tpu.memory_space<vmem>> -> memref<8x64xf32, #tpu.memory_space<vmem>>
        %dma_start3A_2673 = arith.constant 0 : i32
        %dma_start3A_2674 = arith.constant 0 : i32
        %dma_start3A_2675 = tpu.memref_slice %arg6[%shift_right_arithmetic3A_2650, %dma_start3A_2673, %dma_start3A_2674] : memref<125000x8x64xf32, #tpu.memory_space<hbm>> -> memref<1x8x64xf32, #tpu.memory_space<hbm>>
        %dma_start3A_2676 = tpu.memref_squeeze %dma_start3A_2675 : memref<1x8x64xf32, #tpu.memory_space<hbm>> -> memref<8x64xf32, #tpu.memory_space<hbm>>
        %dma_start3A_2677 = arith.constant 0 : i32
        %dma_start3A_2678 = arith.constant 0 : i32
        %dma_start3A_2679 = tpu.memref_slice %arg12[%select_n3A_2632, %dma_start3A_2668, %dma_start3A_2677, %dma_start3A_2678] : memref<3x16x8x64xf32, #tpu.memory_space<vmem>> -> memref<1x1x8x64xf32, #tpu.memory_space<vmem>>
        %dma_start3A_2680 = tpu.memref_squeeze %dma_start3A_2679 : memref<1x1x8x64xf32, #tpu.memory_space<vmem>> -> memref<8x64xf32, #tpu.memory_space<vmem>>
        %dma_start3A_2681 = arith.constant 0 : i32
        %dma_start3A_2682 = arith.constant 0 : i32
        %dma_start3A_2683 = tpu.memref_slice %arg6[%shift_right_arithmetic3A_2650, %dma_start3A_2681, %dma_start3A_2682] : memref<125000x8x64xf32, #tpu.memory_space<hbm>> -> memref<1x8x64xf32, #tpu.memory_space<hbm>>
        %dma_start3A_2684 = tpu.memref_squeeze %dma_start3A_2683 : memref<1x8x64xf32, #tpu.memory_space<hbm>> -> memref<8x64xf32, #tpu.memory_space<hbm>>
        tpu.enqueue_dma source(%dma_start3A_2684 : memref<8x64xf32, #tpu.memory_space<hbm>>) target(%dma_start3A_2680 : memref<8x64xf32, #tpu.memory_space<vmem>>) target_semaphore(%arg17 : memref<!tpu.dma_semaphore, #tpu.memory_space<semaphore_mem>>)
        %slice3A_2685 = vector.extract_strided_slice %get3A_2638 {offsets = [1], sizes = [1], strides = [1]} : vector<16xi32> to vector<1xi32>
        %squeeze3A_2686 = vector.extract %slice3A_2685[0] : i32 from vector<1xi32>
        %shift_right_arithmetic3A_2687 = arith.constant 3 : i32
        %shift_right_arithmetic3A_2688 = arith.shrsi %squeeze3A_2686, %shift_right_arithmetic3A_2687 : i32
        %slice3A_2689 = vector.extract_strided_slice %get3A_2642 {offsets = [1], sizes = [1], strides = [1]} : vector<16xi32> to vector<1xi32>
        %squeeze3A_2690 = vector.extract %slice3A_2689[0] : i32 from vector<1xi32>
        %shift_right_arithmetic3A_2691 = arith.constant 3 : i32
        %shift_right_arithmetic3A_2692 = arith.shrsi %squeeze3A_2690, %shift_right_arithmetic3A_2691 : i32
        %dma_start3A_2693 = arith.constant 1 : i32
        %dma_start3A_2694 = arith.constant 0 : i32
        %dma_start3A_2695 = arith.constant 0 : i32
        %dma_start3A_2696 = tpu.memref_slice %arg11[%select_n3A_2632, %dma_start3A_2693, %dma_start3A_2694, %dma_start3A_2695] : memref<3x16x8x64xf32, #tpu.memory_space<vmem>> -> memref<1x1x8x64xf32, #tpu.memory_space<vmem>>
        %dma_start3A_2697 = tpu.memref_squeeze %dma_start3A_2696 : memref<1x1x8x64xf32, #tpu.memory_space<vmem>> -> memref<8x64xf32, #tpu.memory_space<vmem>>
        %dma_start3A_2698 = arith.constant 0 : i32
        %dma_start3A_2699 = arith.constant 0 : i32
        %dma_start3A_2700 = tpu.memref_slice %arg4[%shift_right_arithmetic3A_2688, %dma_start3A_2698, %dma_start3A_2699] : memref<125000x8x64xf32, #tpu.memory_space<hbm>> -> memref<1x8x64xf32, #tpu.memory_space<hbm>>
        %dma_start3A_2701 = tpu.memref_squeeze %dma_start3A_2700 : memref<1x8x64xf32, #tpu.memory_space<hbm>> -> memref<8x64xf32, #tpu.memory_space<hbm>>
        %dma_start3A_2702 = arith.constant 0 : i32
        %dma_start3A_2703 = arith.constant 0 : i32
        %dma_start3A_2704 = tpu.memref_slice %arg11[%select_n3A_2632, %dma_start3A_2693, %dma_start3A_2702, %dma_start3A_2703] : memref<3x16x8x64xf32, #tpu.memory_space<vmem>> -> memref<1x1x8x64xf32, #tpu.memory_space<vmem>>
        %dma_start3A_2705 = tpu.memref_squeeze %dma_start3A_2704 : memref<1x1x8x64xf32, #tpu.memory_space<vmem>> -> memref<8x64xf32, #tpu.memory_space<vmem>>
        %dma_start3A_2706 = arith.constant 0 : i32
        %dma_start3A_2707 = arith.constant 0 : i32
        %dma_start3A_2708 = tpu.memref_slice %arg4[%shift_right_arithmetic3A_2688, %dma_start3A_2706, %dma_start3A_2707] : memref<125000x8x64xf32, #tpu.memory_space<hbm>> -> memref<1x8x64xf32, #tpu.memory_space<hbm>>
        %dma_start3A_2709 = tpu.memref_squeeze %dma_start3A_2708 : memref<1x8x64xf32, #tpu.memory_space<hbm>> -> memref<8x64xf32, #tpu.memory_space<hbm>>
        tpu.enqueue_dma source(%dma_start3A_2709 : memref<8x64xf32, #tpu.memory_space<hbm>>) target(%dma_start3A_2705 : memref<8x64xf32, #tpu.memory_space<vmem>>) target_semaphore(%arg16 : memref<!tpu.dma_semaphore, #tpu.memory_space<semaphore_mem>>)
        %dma_start3A_2710 = arith.constant 1 : i32
        %dma_start3A_2711 = arith.constant 0 : i32
        %dma_start3A_2712 = arith.constant 0 : i32
        %dma_start3A_2713 = tpu.memref_slice %arg12[%select_n3A_2632, %dma_start3A_2710, %dma_start3A_2711, %dma_start3A_2712] : memref<3x16x8x64xf32, #tpu.memory_space<vmem>> -> memref<1x1x8x64xf32, #tpu.memory_space<vmem>>
        %dma_start3A_2714 = tpu.memref_squeeze %dma_start3A_2713 : memref<1x1x8x64xf32, #tpu.memory_space<vmem>> -> memref<8x64xf32, #tpu.memory_space<vmem>>
        %dma_start3A_2715 = arith.constant 0 : i32
        %dma_start3A_2716 = arith.constant 0 : i32
        %dma_start3A_2717 = tpu.memref_slice %arg6[%shift_right_arithmetic3A_2692, %dma_start3A_2715, %dma_start3A_2716] : memref<125000x8x64xf32, #tpu.memory_space<hbm>> -> memref<1x8x64xf32, #tpu.memory_space<hbm>>
        %dma_start3A_2718 = tpu.memref_squeeze %dma_start3A_2717 : memref<1x8x64xf32, #tpu.memory_space<hbm>> -> memref<8x64xf32, #tpu.memory_space<hbm>>
        %dma_start3A_2719 = arith.constant 0 : i32
        %dma_start3A_2720 = arith.constant 0 : i32
        %dma_start3A_2721 = tpu.memref_slice %arg12[%select_n3A_2632, %dma_start3A_2710, %dma_start3A_2719, %dma_start3A_2720] : memref<3x16x8x64xf32, #tpu.memory_space<vmem>> -> memref<1x1x8x64xf32, #tpu.memory_space<vmem>>
        %dma_start3A_2722 = tpu.memref_squeeze %dma_start3A_2721 : memref<1x1x8x64xf32, #tpu.memory_space<vmem>> -> memref<8x64xf32, #tpu.memory_space<vmem>>
        %dma_start3A_2723 = arith.constant 0 : i32
        %dma_start3A_2724 = arith.constant 0 : i32
        %dma_start3A_2725 = tpu.memref_slice %arg6[%shift_right_arithmetic3A_2692, %dma_start3A_2723, %dma_start3A_2724] : memref<125000x8x64xf32, #tpu.memory_space<hbm>> -> memref<1x8x64xf32, #tpu.memory_space<hbm>>
        %dma_start3A_2726 = tpu.memref_squeeze %dma_start3A_2725 : memref<1x8x64xf32, #tpu.memory_space<hbm>> -> memref<8x64xf32, #tpu.memory_space<hbm>>
        tpu.enqueue_dma source(%dma_start3A_2726 : memref<8x64xf32, #tpu.memory_space<hbm>>) target(%dma_start3A_2722 : memref<8x64xf32, #tpu.memory_space<vmem>>) target_semaphore(%arg17 : memref<!tpu.dma_semaphore, #tpu.memory_space<semaphore_mem>>)
        %slice3A_2727 = vector.extract_strided_slice %get3A_2638 {offsets = [2], sizes = [1], strides = [1]} : vector<16xi32> to vector<1xi32>
        %squeeze3A_2728 = vector.extract %slice3A_2727[0] : i32 from vector<1xi32>
        %shift_right_arithmetic3A_2729 = arith.constant 3 : i32
        %shift_right_arithmetic3A_2730 = arith.shrsi %squeeze3A_2728, %shift_right_arithmetic3A_2729 : i32
        %slice3A_2731 = vector.extract_strided_slice %get3A_2642 {offsets = [2], sizes = [1], strides = [1]} : vector<16xi32> to vector<1xi32>
        %squeeze3A_2732 = vector.extract %slice3A_2731[0] : i32 from vector<1xi32>
        %shift_right_arithmetic3A_2733 = arith.constant 3 : i32
        %shift_right_arithmetic3A_2734 = arith.shrsi %squeeze3A_2732, %shift_right_arithmetic3A_2733 : i32
        %dma_start3A_2735 = arith.constant 2 : i32
        %dma_start3A_2736 = arith.constant 0 : i32
        %dma_start3A_2737 = arith.constant 0 : i32
        %dma_start3A_2738 = tpu.memref_slice %arg11[%select_n3A_2632, %dma_start3A_2735, %dma_start3A_2736, %dma_start3A_2737] : memref<3x16x8x64xf32, #tpu.memory_space<vmem>> -> memref<1x1x8x64xf32, #tpu.memory_space<vmem>>
        %dma_start3A_2739 = tpu.memref_squeeze %dma_start3A_2738 : memref<1x1x8x64xf32, #tpu.memory_space<vmem>> -> memref<8x64xf32, #tpu.memory_space<vmem>>
        %dma_start3A_2740 = arith.constant 0 : i32
        %dma_start3A_2741 = arith.constant 0 : i32
        %dma_start3A_2742 = tpu.memref_slice %arg4[%shift_right_arithmetic3A_2730, %dma_start3A_2740, %dma_start3A_2741] : memref<125000x8x64xf32, #tpu.memory_space<hbm>> -> memref<1x8x64xf32, #tpu.memory_space<hbm>>
        %dma_start3A_2743 = tpu.memref_squeeze %dma_start3A_2742 : memref<1x8x64xf32, #tpu.memory_space<hbm>> -> memref<8x64xf32, #tpu.memory_space<hbm>>
        %dma_start3A_2744 = arith.constant 0 : i32
        %dma_start3A_2745 = arith.constant 0 : i32
        %dma_start3A_2746 = tpu.memref_slice %arg11[%select_n3A_2632, %dma_start3A_2735, %dma_start3A_2744, %dma_start3A_2745] : memref<3x16x8x64xf32, #tpu.memory_space<vmem>> -> memref<1x1x8x64xf32, #tpu.memory_space<vmem>>
        %dma_start3A_2747 = tpu.memref_squeeze %dma_start3A_2746 : memref<1x1x8x64xf32, #tpu.memory_space<vmem>> -> memref<8x64xf32, #tpu.memory_space<vmem>>
        %dma_start3A_2748 = arith.constant 0 : i32
        %dma_start3A_2749 = arith.constant 0 : i32
        %dma_start3A_2750 = tpu.memref_slice %arg4[%shift_right_arithmetic3A_2730, %dma_start3A_2748, %dma_start3A_2749] : memref<125000x8x64xf32, #tpu.memory_space<hbm>> -> memref<1x8x64xf32, #tpu.memory_space<hbm>>
        %dma_start3A_2751 = tpu.memref_squeeze %dma_start3A_2750 : memref<1x8x64xf32, #tpu.memory_space<hbm>> -> memref<8x64xf32, #tpu.memory_space<hbm>>
        tpu.enqueue_dma source(%dma_start3A_2751 : memref<8x64xf32, #tpu.memory_space<hbm>>) target(%dma_start3A_2747 : memref<8x64xf32, #tpu.memory_space<vmem>>) target_semaphore(%arg16 : memref<!tpu.dma_semaphore, #tpu.memory_space<semaphore_mem>>)
        %dma_start3A_2752 = arith.constant 2 : i32
        %dma_start3A_2753 = arith.constant 0 : i32
        %dma_start3A_2754 = arith.constant 0 : i32
        %dma_start3A_2755 = tpu.memref_slice %arg12[%select_n3A_2632, %dma_start3A_2752, %dma_start3A_2753, %dma_start3A_2754] : memref<3x16x8x64xf32, #tpu.memory_space<vmem>> -> memref<1x1x8x64xf32, #tpu.memory_space<vmem>>
        %dma_start3A_2756 = tpu.memref_squeeze %dma_start3A_2755 : memref<1x1x8x64xf32, #tpu.memory_space<vmem>> -> memref<8x64xf32, #tpu.memory_space<vmem>>
        %dma_start3A_2757 = arith.constant 0 : i32
        %dma_start3A_2758 = arith.constant 0 : i32
        %dma_start3A_2759 = tpu.memref_slice %arg6[%shift_right_arithmetic3A_2734, %dma_start3A_2757, %dma_start3A_2758] : memref<125000x8x64xf32, #tpu.memory_space<hbm>> -> memref<1x8x64xf32, #tpu.memory_space<hbm>>
        %dma_start3A_2760 = tpu.memref_squeeze %dma_start3A_2759 : memref<1x8x64xf32, #tpu.memory_space<hbm>> -> memref<8x64xf32, #tpu.memory_space<hbm>>
        %dma_start3A_2761 = arith.constant 0 : i32
        %dma_start3A_2762 = arith.constant 0 : i32
        %dma_start3A_2763 = tpu.memref_slice %arg12[%select_n3A_2632, %dma_start3A_2752, %dma_start3A_2761, %dma_start3A_2762] : memref<3x16x8x64xf32, #tpu.memory_space<vmem>> -> memref<1x1x8x64xf32, #tpu.memory_space<vmem>>
        %dma_start3A_2764 = tpu.memref_squeeze %dma_start3A_2763 : memref<1x1x8x64xf32, #tpu.memory_space<vmem>> -> memref<8x64xf32, #tpu.memory_space<vmem>>
        %dma_start3A_2765 = arith.constant 0 : i32
        %dma_start3A_2766 = arith.constant 0 : i32
        %dma_start3A_2767 = tpu.memref_slice %arg6[%shift_right_arithmetic3A_2734, %dma_start3A_2765, %dma_start3A_2766] : memref<125000x8x64xf32, #tpu.memory_space<hbm>> -> memref<1x8x64xf32, #tpu.memory_space<hbm>>
        %dma_start3A_2768 = tpu.memref_squeeze %dma_start3A_2767 : memref<1x8x64xf32, #tpu.memory_space<hbm>> -> memref<8x64xf32, #tpu.memory_space<hbm>>
        tpu.enqueue_dma source(%dma_start3A_2768 : memref<8x64xf32, #tpu.memory_space<hbm>>) target(%dma_start3A_2764 : memref<8x64xf32, #tpu.memory_space<vmem>>) target_semaphore(%arg17 : memref<!tpu.dma_semaphore, #tpu.memory_space<semaphore_mem>>)
        %slice3A_2769 = vector.extract_strided_slice %get3A_2638 {offsets = [3], sizes = [1], strides = [1]} : vector<16xi32> to vector<1xi32>
        %squeeze3A_2770 = vector.extract %slice3A_2769[0] : i32 from vector<1xi32>
        %shift_right_arithmetic3A_2771 = arith.constant 3 : i32
        %shift_right_arithmetic3A_2772 = arith.shrsi %squeeze3A_2770, %shift_right_arithmetic3A_2771 : i32
        %slice3A_2773 = vector.extract_strided_slice %get3A_2642 {offsets = [3], sizes = [1], strides = [1]} : vector<16xi32> to vector<1xi32>
        %squeeze3A_2774 = vector.extract %slice3A_2773[0] : i32 from vector<1xi32>
        %shift_right_arithmetic3A_2775 = arith.constant 3 : i32
        %shift_right_arithmetic3A_2776 = arith.shrsi %squeeze3A_2774, %shift_right_arithmetic3A_2775 : i32
        %dma_start3A_2777 = arith.constant 3 : i32
        %dma_start3A_2778 = arith.constant 0 : i32
        %dma_start3A_2779 = arith.constant 0 : i32
        %dma_start3A_2780 = tpu.memref_slice %arg11[%select_n3A_2632, %dma_start3A_2777, %dma_start3A_2778, %dma_start3A_2779] : memref<3x16x8x64xf32, #tpu.memory_space<vmem>> -> memref<1x1x8x64xf32, #tpu.memory_space<vmem>>
        %dma_start3A_2781 = tpu.memref_squeeze %dma_start3A_2780 : memref<1x1x8x64xf32, #tpu.memory_space<vmem>> -> memref<8x64xf32, #tpu.memory_space<vmem>>
        %dma_start3A_2782 = arith.constant 0 : i32
        %dma_start3A_2783 = arith.constant 0 : i32
        %dma_start3A_2784 = tpu.memref_slice %arg4[%shift_right_arithmetic3A_2772, %dma_start3A_2782, %dma_start3A_2783] : memref<125000x8x64xf32, #tpu.memory_space<hbm>> -> memref<1x8x64xf32, #tpu.memory_space<hbm>>
        %dma_start3A_2785 = tpu.memref_squeeze %dma_start3A_2784 : memref<1x8x64xf32, #tpu.memory_space<hbm>> -> memref<8x64xf32, #tpu.memory_space<hbm>>
        %dma_start3A_2786 = arith.constant 0 : i32
        %dma_start3A_2787 = arith.constant 0 : i32
        %dma_start3A_2788 = tpu.memref_slice %arg11[%select_n3A_2632, %dma_start3A_2777, %dma_start3A_2786, %dma_start3A_2787] : memref<3x16x8x64xf32, #tpu.memory_space<vmem>> -> memref<1x1x8x64xf32, #tpu.memory_space<vmem>>
        %dma_start3A_2789 = tpu.memref_squeeze %dma_start3A_2788 : memref<1x1x8x64xf32, #tpu.memory_space<vmem>> -> memref<8x64xf32, #tpu.memory_space<vmem>>
        %dma_start3A_2790 = arith.constant 0 : i32
        %dma_start3A_2791 = arith.constant 0 : i32
        %dma_start3A_2792 = tpu.memref_slice %arg4[%shift_right_arithmetic3A_2772, %dma_start3A_2790, %dma_start3A_2791] : memref<125000x8x64xf32, #tpu.memory_space<hbm>> -> memref<1x8x64xf32, #tpu.memory_space<hbm>>
        %dma_start3A_2793 = tpu.memref_squeeze %dma_start3A_2792 : memref<1x8x64xf32, #tpu.memory_space<hbm>> -> memref<8x64xf32, #tpu.memory_space<hbm>>
        tpu.enqueue_dma source(%dma_start3A_2793 : memref<8x64xf32, #tpu.memory_space<hbm>>) target(%dma_start3A_2789 : memref<8x64xf32, #tpu.memory_space<vmem>>) target_semaphore(%arg16 : memref<!tpu.dma_semaphore, #tpu.memory_space<semaphore_mem>>)
        %dma_start3A_2794 = arith.constant 3 : i32
        %dma_start3A_2795 = arith.constant 0 : i32
        %dma_start3A_2796 = arith.constant 0 : i32
        %dma_start3A_2797 = tpu.memref_slice %arg12[%select_n3A_2632, %dma_start3A_2794, %dma_start3A_2795, %dma_start3A_2796] : memref<3x16x8x64xf32, #tpu.memory_space<vmem>> -> memref<1x1x8x64xf32, #tpu.memory_space<vmem>>
        %dma_start3A_2798 = tpu.memref_squeeze %dma_start3A_2797 : memref<1x1x8x64xf32, #tpu.memory_space<vmem>> -> memref<8x64xf32, #tpu.memory_space<vmem>>
        %dma_start3A_2799 = arith.constant 0 : i32
        %dma_start3A_2800 = arith.constant 0 : i32
        %dma_start3A_2801 = tpu.memref_slice %arg6[%shift_right_arithmetic3A_2776, %dma_start3A_2799, %dma_start3A_2800] : memref<125000x8x64xf32, #tpu.memory_space<hbm>> -> memref<1x8x64xf32, #tpu.memory_space<hbm>>
        %dma_start3A_2802 = tpu.memref_squeeze %dma_start3A_2801 : memref<1x8x64xf32, #tpu.memory_space<hbm>> -> memref<8x64xf32, #tpu.memory_space<hbm>>
        %dma_start3A_2803 = arith.constant 0 : i32
        %dma_start3A_2804 = arith.constant 0 : i32
        %dma_start3A_2805 = tpu.memref_slice %arg12[%select_n3A_2632, %dma_start3A_2794, %dma_start3A_2803, %dma_start3A_2804] : memref<3x16x8x64xf32, #tpu.memory_space<vmem>> -> memref<1x1x8x64xf32, #tpu.memory_space<vmem>>
        %dma_start3A_2806 = tpu.memref_squeeze %dma_start3A_2805 : memref<1x1x8x64xf32, #tpu.memory_space<vmem>> -> memref<8x64xf32, #tpu.memory_space<vmem>>
        %dma_start3A_2807 = arith.constant 0 : i32
        %dma_start3A_2808 = arith.constant 0 : i32
        %dma_start3A_2809 = tpu.memref_slice %arg6[%shift_right_arithmetic3A_2776, %dma_start3A_2807, %dma_start3A_2808] : memref<125000x8x64xf32, #tpu.memory_space<hbm>> -> memref<1x8x64xf32, #tpu.memory_space<hbm>>
        %dma_start3A_2810 = tpu.memref_squeeze %dma_start3A_2809 : memref<1x8x64xf32, #tpu.memory_space<hbm>> -> memref<8x64xf32, #tpu.memory_space<hbm>>
        tpu.enqueue_dma source(%dma_start3A_2810 : memref<8x64xf32, #tpu.memory_space<hbm>>) target(%dma_start3A_2806 : memref<8x64xf32, #tpu.memory_space<vmem>>) target_semaphore(%arg17 : memref<!tpu.dma_semaphore, #tpu.memory_space<semaphore_mem>>)
        %slice3A_2811 = vector.extract_strided_slice %get3A_2638 {offsets = [4], sizes = [1], strides = [1]} : vector<16xi32> to vector<1xi32>
        %squeeze3A_2812 = vector.extract %slice3A_2811[0] : i32 from vector<1xi32>
        %shift_right_arithmetic3A_2813 = arith.constant 3 : i32
        %shift_right_arithmetic3A_2814 = arith.shrsi %squeeze3A_2812, %shift_right_arithmetic3A_2813 : i32
        %slice3A_2815 = vector.extract_strided_slice %get3A_2642 {offsets = [4], sizes = [1], strides = [1]} : vector<16xi32> to vector<1xi32>
        %squeeze3A_2816 = vector.extract %slice3A_2815[0] : i32 from vector<1xi32>
        %shift_right_arithmetic3A_2817 = arith.constant 3 : i32
        %shift_right_arithmetic3A_2818 = arith.shrsi %squeeze3A_2816, %shift_right_arithmetic3A_2817 : i32
        %dma_start3A_2819 = arith.constant 4 : i32
        %dma_start3A_2820 = arith.constant 0 : i32
        %dma_start3A_2821 = arith.constant 0 : i32
        %dma_start3A_2822 = tpu.memref_slice %arg11[%select_n3A_2632, %dma_start3A_2819, %dma_start3A_2820, %dma_start3A_2821] : memref<3x16x8x64xf32, #tpu.memory_space<vmem>> -> memref<1x1x8x64xf32, #tpu.memory_space<vmem>>
        %dma_start3A_2823 = tpu.memref_squeeze %dma_start3A_2822 : memref<1x1x8x64xf32, #tpu.memory_space<vmem>> -> memref<8x64xf32, #tpu.memory_space<vmem>>
        %dma_start3A_2824 = arith.constant 0 : i32
        %dma_start3A_2825 = arith.constant 0 : i32
        %dma_start3A_2826 = tpu.memref_slice %arg4[%shift_right_arithmetic3A_2814, %dma_start3A_2824, %dma_start3A_2825] : memref<125000x8x64xf32, #tpu.memory_space<hbm>> -> memref<1x8x64xf32, #tpu.memory_space<hbm>>
        %dma_start3A_2827 = tpu.memref_squeeze %dma_start3A_2826 : memref<1x8x64xf32, #tpu.memory_space<hbm>> -> memref<8x64xf32, #tpu.memory_space<hbm>>
        %dma_start3A_2828 = arith.constant 0 : i32
        %dma_start3A_2829 = arith.constant 0 : i32
        %dma_start3A_2830 = tpu.memref_slice %arg11[%select_n3A_2632, %dma_start3A_2819, %dma_start3A_2828, %dma_start3A_2829] : memref<3x16x8x64xf32, #tpu.memory_space<vmem>> -> memref<1x1x8x64xf32, #tpu.memory_space<vmem>>
        %dma_start3A_2831 = tpu.memref_squeeze %dma_start3A_2830 : memref<1x1x8x64xf32, #tpu.memory_space<vmem>> -> memref<8x64xf32, #tpu.memory_space<vmem>>
        %dma_start3A_2832 = arith.constant 0 : i32
        %dma_start3A_2833 = arith.constant 0 : i32
        %dma_start3A_2834 = tpu.memref_slice %arg4[%shift_right_arithmetic3A_2814, %dma_start3A_2832, %dma_start3A_2833] : memref<125000x8x64xf32, #tpu.memory_space<hbm>> -> memref<1x8x64xf32, #tpu.memory_space<hbm>>
        %dma_start3A_2835 = tpu.memref_squeeze %dma_start3A_2834 : memref<1x8x64xf32, #tpu.memory_space<hbm>> -> memref<8x64xf32, #tpu.memory_space<hbm>>
        tpu.enqueue_dma source(%dma_start3A_2835 : memref<8x64xf32, #tpu.memory_space<hbm>>) target(%dma_start3A_2831 : memref<8x64xf32, #tpu.memory_space<vmem>>) target_semaphore(%arg16 : memref<!tpu.dma_semaphore, #tpu.memory_space<semaphore_mem>>)
        %dma_start3A_2836 = arith.constant 4 : i32
        %dma_start3A_2837 = arith.constant 0 : i32
        %dma_start3A_2838 = arith.constant 0 : i32
        %dma_start3A_2839 = tpu.memref_slice %arg12[%select_n3A_2632, %dma_start3A_2836, %dma_start3A_2837, %dma_start3A_2838] : memref<3x16x8x64xf32, #tpu.memory_space<vmem>> -> memref<1x1x8x64xf32, #tpu.memory_space<vmem>>
        %dma_start3A_2840 = tpu.memref_squeeze %dma_start3A_2839 : memref<1x1x8x64xf32, #tpu.memory_space<vmem>> -> memref<8x64xf32, #tpu.memory_space<vmem>>
        %dma_start3A_2841 = arith.constant 0 : i32
        %dma_start3A_2842 = arith.constant 0 : i32
        %dma_start3A_2843 = tpu.memref_slice %arg6[%shift_right_arithmetic3A_2818, %dma_start3A_2841, %dma_start3A_2842] : memref<125000x8x64xf32, #tpu.memory_space<hbm>> -> memref<1x8x64xf32, #tpu.memory_space<hbm>>
        %dma_start3A_2844 = tpu.memref_squeeze %dma_start3A_2843 : memref<1x8x64xf32, #tpu.memory_space<hbm>> -> memref<8x64xf32, #tpu.memory_space<hbm>>
        %dma_start3A_2845 = arith.constant 0 : i32
        %dma_start3A_2846 = arith.constant 0 : i32
        %dma_start3A_2847 = tpu.memref_slice %arg12[%select_n3A_2632, %dma_start3A_2836, %dma_start3A_2845, %dma_start3A_2846] : memref<3x16x8x64xf32, #tpu.memory_space<vmem>> -> memref<1x1x8x64xf32, #tpu.memory_space<vmem>>
        %dma_start3A_2848 = tpu.memref_squeeze %dma_start3A_2847 : memref<1x1x8x64xf32, #tpu.memory_space<vmem>> -> memref<8x64xf32, #tpu.memory_space<vmem>>
        %dma_start3A_2849 = arith.constant 0 : i32
        %dma_start3A_2850 = arith.constant 0 : i32
        %dma_start3A_2851 = tpu.memref_slice %arg6[%shift_right_arithmetic3A_2818, %dma_start3A_2849, %dma_start3A_2850] : memref<125000x8x64xf32, #tpu.memory_space<hbm>> -> memref<1x8x64xf32, #tpu.memory_space<hbm>>
        %dma_start3A_2852 = tpu.memref_squeeze %dma_start3A_2851 : memref<1x8x64xf32, #tpu.memory_space<hbm>> -> memref<8x64xf32, #tpu.memory_space<hbm>>
        tpu.enqueue_dma source(%dma_start3A_2852 : memref<8x64xf32, #tpu.memory_space<hbm>>) target(%dma_start3A_2848 : memref<8x64xf32, #tpu.memory_space<vmem>>) target_semaphore(%arg17 : memref<!tpu.dma_semaphore, #tpu.memory_space<semaphore_mem>>)
        %slice3A_2853 = vector.extract_strided_slice %get3A_2638 {offsets = [5], sizes = [1], strides = [1]} : vector<16xi32> to vector<1xi32>
        %squeeze3A_2854 = vector.extract %slice3A_2853[0] : i32 from vector<1xi32>
        %shift_right_arithmetic3A_2855 = arith.constant 3 : i32
        %shift_right_arithmetic3A_2856 = arith.shrsi %squeeze3A_2854, %shift_right_arithmetic3A_2855 : i32
        %slice3A_2857 = vector.extract_strided_slice %get3A_2642 {offsets = [5], sizes = [1], strides = [1]} : vector<16xi32> to vector<1xi32>
        %squeeze3A_2858 = vector.extract %slice3A_2857[0] : i32 from vector<1xi32>
        %shift_right_arithmetic3A_2859 = arith.constant 3 : i32
        %shift_right_arithmetic3A_2860 = arith.shrsi %squeeze3A_2858, %shift_right_arithmetic3A_2859 : i32
        %dma_start3A_2861 = arith.constant 5 : i32
        %dma_start3A_2862 = arith.constant 0 : i32
        %dma_start3A_2863 = arith.constant 0 : i32
        %dma_start3A_2864 = tpu.memref_slice %arg11[%select_n3A_2632, %dma_start3A_2861, %dma_start3A_2862, %dma_start3A_2863] : memref<3x16x8x64xf32, #tpu.memory_space<vmem>> -> memref<1x1x8x64xf32, #tpu.memory_space<vmem>>
        %dma_start3A_2865 = tpu.memref_squeeze %dma_start3A_2864 : memref<1x1x8x64xf32, #tpu.memory_space<vmem>> -> memref<8x64xf32, #tpu.memory_space<vmem>>
        %dma_start3A_2866 = arith.constant 0 : i32
        %dma_start3A_2867 = arith.constant 0 : i32
        %dma_start3A_2868 = tpu.memref_slice %arg4[%shift_right_arithmetic3A_2856, %dma_start3A_2866, %dma_start3A_2867] : memref<125000x8x64xf32, #tpu.memory_space<hbm>> -> memref<1x8x64xf32, #tpu.memory_space<hbm>>
        %dma_start3A_2869 = tpu.memref_squeeze %dma_start3A_2868 : memref<1x8x64xf32, #tpu.memory_space<hbm>> -> memref<8x64xf32, #tpu.memory_space<hbm>>
        %dma_start3A_2870 = arith.constant 0 : i32
        %dma_start3A_2871 = arith.constant 0 : i32
        %dma_start3A_2872 = tpu.memref_slice %arg11[%select_n3A_2632, %dma_start3A_2861, %dma_start3A_2870, %dma_start3A_2871] : memref<3x16x8x64xf32, #tpu.memory_space<vmem>> -> memref<1x1x8x64xf32, #tpu.memory_space<vmem>>
        %dma_start3A_2873 = tpu.memref_squeeze %dma_start3A_2872 : memref<1x1x8x64xf32, #tpu.memory_space<vmem>> -> memref<8x64xf32, #tpu.memory_space<vmem>>
        %dma_start3A_2874 = arith.constant 0 : i32
        %dma_start3A_2875 = arith.constant 0 : i32
        %dma_start3A_2876 = tpu.memref_slice %arg4[%shift_right_arithmetic3A_2856, %dma_start3A_2874, %dma_start3A_2875] : memref<125000x8x64xf32, #tpu.memory_space<hbm>> -> memref<1x8x64xf32, #tpu.memory_space<hbm>>
        %dma_start3A_2877 = tpu.memref_squeeze %dma_start3A_2876 : memref<1x8x64xf32, #tpu.memory_space<hbm>> -> memref<8x64xf32, #tpu.memory_space<hbm>>
        tpu.enqueue_dma source(%dma_start3A_2877 : memref<8x64xf32, #tpu.memory_space<hbm>>) target(%dma_start3A_2873 : memref<8x64xf32, #tpu.memory_space<vmem>>) target_semaphore(%arg16 : memref<!tpu.dma_semaphore, #tpu.memory_space<semaphore_mem>>)
        %dma_start3A_2878 = arith.constant 5 : i32
        %dma_start3A_2879 = arith.constant 0 : i32
        %dma_start3A_2880 = arith.constant 0 : i32
        %dma_start3A_2881 = tpu.memref_slice %arg12[%select_n3A_2632, %dma_start3A_2878, %dma_start3A_2879, %dma_start3A_2880] : memref<3x16x8x64xf32, #tpu.memory_space<vmem>> -> memref<1x1x8x64xf32, #tpu.memory_space<vmem>>
        %dma_start3A_2882 = tpu.memref_squeeze %dma_start3A_2881 : memref<1x1x8x64xf32, #tpu.memory_space<vmem>> -> memref<8x64xf32, #tpu.memory_space<vmem>>
        %dma_start3A_2883 = arith.constant 0 : i32
        %dma_start3A_2884 = arith.constant 0 : i32
        %dma_start3A_2885 = tpu.memref_slice %arg6[%shift_right_arithmetic3A_2860, %dma_start3A_2883, %dma_start3A_2884] : memref<125000x8x64xf32, #tpu.memory_space<hbm>> -> memref<1x8x64xf32, #tpu.memory_space<hbm>>
        %dma_start3A_2886 = tpu.memref_squeeze %dma_start3A_2885 : memref<1x8x64xf32, #tpu.memory_space<hbm>> -> memref<8x64xf32, #tpu.memory_space<hbm>>
        %dma_start3A_2887 = arith.constant 0 : i32
        %dma_start3A_2888 = arith.constant 0 : i32
        %dma_start3A_2889 = tpu.memref_slice %arg12[%select_n3A_2632, %dma_start3A_2878, %dma_start3A_2887, %dma_start3A_2888] : memref<3x16x8x64xf32, #tpu.memory_space<vmem>> -> memref<1x1x8x64xf32, #tpu.memory_space<vmem>>
        %dma_start3A_2890 = tpu.memref_squeeze %dma_start3A_2889 : memref<1x1x8x64xf32, #tpu.memory_space<vmem>> -> memref<8x64xf32, #tpu.memory_space<vmem>>
        %dma_start3A_2891 = arith.constant 0 : i32
        %dma_start3A_2892 = arith.constant 0 : i32
        %dma_start3A_2893 = tpu.memref_slice %arg6[%shift_right_arithmetic3A_2860, %dma_start3A_2891, %dma_start3A_2892] : memref<125000x8x64xf32, #tpu.memory_space<hbm>> -> memref<1x8x64xf32, #tpu.memory_space<hbm>>
        %dma_start3A_2894 = tpu.memref_squeeze %dma_start3A_2893 : memref<1x8x64xf32, #tpu.memory_space<hbm>> -> memref<8x64xf32, #tpu.memory_space<hbm>>
        tpu.enqueue_dma source(%dma_start3A_2894 : memref<8x64xf32, #tpu.memory_space<hbm>>) target(%dma_start3A_2890 : memref<8x64xf32, #tpu.memory_space<vmem>>) target_semaphore(%arg17 : memref<!tpu.dma_semaphore, #tpu.memory_space<semaphore_mem>>)
        %slice3A_2895 = vector.extract_strided_slice %get3A_2638 {offsets = [6], sizes = [1], strides = [1]} : vector<16xi32> to vector<1xi32>
        %squeeze3A_2896 = vector.extract %slice3A_2895[0] : i32 from vector<1xi32>
        %shift_right_arithmetic3A_2897 = arith.constant 3 : i32
        %shift_right_arithmetic3A_2898 = arith.shrsi %squeeze3A_2896, %shift_right_arithmetic3A_2897 : i32
        %slice3A_2899 = vector.extract_strided_slice %get3A_2642 {offsets = [6], sizes = [1], strides = [1]} : vector<16xi32> to vector<1xi32>
        %squeeze3A_2900 = vector.extract %slice3A_2899[0] : i32 from vector<1xi32>
        %shift_right_arithmetic3A_2901 = arith.constant 3 : i32
        %shift_right_arithmetic3A_2902 = arith.shrsi %squeeze3A_2900, %shift_right_arithmetic3A_2901 : i32
        %dma_start3A_2903 = arith.constant 6 : i32
        %dma_start3A_2904 = arith.constant 0 : i32
        %dma_start3A_2905 = arith.constant 0 : i32
        %dma_start3A_2906 = tpu.memref_slice %arg11[%select_n3A_2632, %dma_start3A_2903, %dma_start3A_2904, %dma_start3A_2905] : memref<3x16x8x64xf32, #tpu.memory_space<vmem>> -> memref<1x1x8x64xf32, #tpu.memory_space<vmem>>
        %dma_start3A_2907 = tpu.memref_squeeze %dma_start3A_2906 : memref<1x1x8x64xf32, #tpu.memory_space<vmem>> -> memref<8x64xf32, #tpu.memory_space<vmem>>
        %dma_start3A_2908 = arith.constant 0 : i32
        %dma_start3A_2909 = arith.constant 0 : i32
        %dma_start3A_2910 = tpu.memref_slice %arg4[%shift_right_arithmetic3A_2898, %dma_start3A_2908, %dma_start3A_2909] : memref<125000x8x64xf32, #tpu.memory_space<hbm>> -> memref<1x8x64xf32, #tpu.memory_space<hbm>>
        %dma_start3A_2911 = tpu.memref_squeeze %dma_start3A_2910 : memref<1x8x64xf32, #tpu.memory_space<hbm>> -> memref<8x64xf32, #tpu.memory_space<hbm>>
        %dma_start3A_2912 = arith.constant 0 : i32
        %dma_start3A_2913 = arith.constant 0 : i32
        %dma_start3A_2914 = tpu.memref_slice %arg11[%select_n3A_2632, %dma_start3A_2903, %dma_start3A_2912, %dma_start3A_2913] : memref<3x16x8x64xf32, #tpu.memory_space<vmem>> -> memref<1x1x8x64xf32, #tpu.memory_space<vmem>>
        %dma_start3A_2915 = tpu.memref_squeeze %dma_start3A_2914 : memref<1x1x8x64xf32, #tpu.memory_space<vmem>> -> memref<8x64xf32, #tpu.memory_space<vmem>>
        %dma_start3A_2916 = arith.constant 0 : i32
        %dma_start3A_2917 = arith.constant 0 : i32
        %dma_start3A_2918 = tpu.memref_slice %arg4[%shift_right_arithmetic3A_2898, %dma_start3A_2916, %dma_start3A_2917] : memref<125000x8x64xf32, #tpu.memory_space<hbm>> -> memref<1x8x64xf32, #tpu.memory_space<hbm>>
        %dma_start3A_2919 = tpu.memref_squeeze %dma_start3A_2918 : memref<1x8x64xf32, #tpu.memory_space<hbm>> -> memref<8x64xf32, #tpu.memory_space<hbm>>
        tpu.enqueue_dma source(%dma_start3A_2919 : memref<8x64xf32, #tpu.memory_space<hbm>>) target(%dma_start3A_2915 : memref<8x64xf32, #tpu.memory_space<vmem>>) target_semaphore(%arg16 : memref<!tpu.dma_semaphore, #tpu.memory_space<semaphore_mem>>)
        %dma_start3A_2920 = arith.constant 6 : i32
        %dma_start3A_2921 = arith.constant 0 : i32
        %dma_start3A_2922 = arith.constant 0 : i32
        %dma_start3A_2923 = tpu.memref_slice %arg12[%select_n3A_2632, %dma_start3A_2920, %dma_start3A_2921, %dma_start3A_2922] : memref<3x16x8x64xf32, #tpu.memory_space<vmem>> -> memref<1x1x8x64xf32, #tpu.memory_space<vmem>>
        %dma_start3A_2924 = tpu.memref_squeeze %dma_start3A_2923 : memref<1x1x8x64xf32, #tpu.memory_space<vmem>> -> memref<8x64xf32, #tpu.memory_space<vmem>>
        %dma_start3A_2925 = arith.constant 0 : i32
        %dma_start3A_2926 = arith.constant 0 : i32
        %dma_start3A_2927 = tpu.memref_slice %arg6[%shift_right_arithmetic3A_2902, %dma_start3A_2925, %dma_start3A_2926] : memref<125000x8x64xf32, #tpu.memory_space<hbm>> -> memref<1x8x64xf32, #tpu.memory_space<hbm>>
        %dma_start3A_2928 = tpu.memref_squeeze %dma_start3A_2927 : memref<1x8x64xf32, #tpu.memory_space<hbm>> -> memref<8x64xf32, #tpu.memory_space<hbm>>
        %dma_start3A_2929 = arith.constant 0 : i32
        %dma_start3A_2930 = arith.constant 0 : i32
        %dma_start3A_2931 = tpu.memref_slice %arg12[%select_n3A_2632, %dma_start3A_2920, %dma_start3A_2929, %dma_start3A_2930] : memref<3x16x8x64xf32, #tpu.memory_space<vmem>> -> memref<1x1x8x64xf32, #tpu.memory_space<vmem>>
        %dma_start3A_2932 = tpu.memref_squeeze %dma_start3A_2931 : memref<1x1x8x64xf32, #tpu.memory_space<vmem>> -> memref<8x64xf32, #tpu.memory_space<vmem>>
        %dma_start3A_2933 = arith.constant 0 : i32
        %dma_start3A_2934 = arith.constant 0 : i32
        %dma_start3A_2935 = tpu.memref_slice %arg6[%shift_right_arithmetic3A_2902, %dma_start3A_2933, %dma_start3A_2934] : memref<125000x8x64xf32, #tpu.memory_space<hbm>> -> memref<1x8x64xf32, #tpu.memory_space<hbm>>
        %dma_start3A_2936 = tpu.memref_squeeze %dma_start3A_2935 : memref<1x8x64xf32, #tpu.memory_space<hbm>> -> memref<8x64xf32, #tpu.memory_space<hbm>>
        tpu.enqueue_dma source(%dma_start3A_2936 : memref<8x64xf32, #tpu.memory_space<hbm>>) target(%dma_start3A_2932 : memref<8x64xf32, #tpu.memory_space<vmem>>) target_semaphore(%arg17 : memref<!tpu.dma_semaphore, #tpu.memory_space<semaphore_mem>>)
        %slice3A_2937 = vector.extract_strided_slice %get3A_2638 {offsets = [7], sizes = [1], strides = [1]} : vector<16xi32> to vector<1xi32>
        %squeeze3A_2938 = vector.extract %slice3A_2937[0] : i32 from vector<1xi32>
        %shift_right_arithmetic3A_2939 = arith.constant 3 : i32
        %shift_right_arithmetic3A_2940 = arith.shrsi %squeeze3A_2938, %shift_right_arithmetic3A_2939 : i32
        %slice3A_2941 = vector.extract_strided_slice %get3A_2642 {offsets = [7], sizes = [1], strides = [1]} : vector<16xi32> to vector<1xi32>
        %squeeze3A_2942 = vector.extract %slice3A_2941[0] : i32 from vector<1xi32>
        %shift_right_arithmetic3A_2943 = arith.constant 3 : i32
        %shift_right_arithmetic3A_2944 = arith.shrsi %squeeze3A_2942, %shift_right_arithmetic3A_2943 : i32
        %dma_start3A_2945 = arith.constant 7 : i32
        %dma_start3A_2946 = arith.constant 0 : i32
        %dma_start3A_2947 = arith.constant 0 : i32
        %dma_start3A_2948 = tpu.memref_slice %arg11[%select_n3A_2632, %dma_start3A_2945, %dma_start3A_2946, %dma_start3A_2947] : memref<3x16x8x64xf32, #tpu.memory_space<vmem>> -> memref<1x1x8x64xf32, #tpu.memory_space<vmem>>
        %dma_start3A_2949 = tpu.memref_squeeze %dma_start3A_2948 : memref<1x1x8x64xf32, #tpu.memory_space<vmem>> -> memref<8x64xf32, #tpu.memory_space<vmem>>
        %dma_start3A_2950 = arith.constant 0 : i32
        %dma_start3A_2951 = arith.constant 0 : i32
        %dma_start3A_2952 = tpu.memref_slice %arg4[%shift_right_arithmetic3A_2940, %dma_start3A_2950, %dma_start3A_2951] : memref<125000x8x64xf32, #tpu.memory_space<hbm>> -> memref<1x8x64xf32, #tpu.memory_space<hbm>>
        %dma_start3A_2953 = tpu.memref_squeeze %dma_start3A_2952 : memref<1x8x64xf32, #tpu.memory_space<hbm>> -> memref<8x64xf32, #tpu.memory_space<hbm>>
        %dma_start3A_2954 = arith.constant 0 : i32
        %dma_start3A_2955 = arith.constant 0 : i32
        %dma_start3A_2956 = tpu.memref_slice %arg11[%select_n3A_2632, %dma_start3A_2945, %dma_start3A_2954, %dma_start3A_2955] : memref<3x16x8x64xf32, #tpu.memory_space<vmem>> -> memref<1x1x8x64xf32, #tpu.memory_space<vmem>>
        %dma_start3A_2957 = tpu.memref_squeeze %dma_start3A_2956 : memref<1x1x8x64xf32, #tpu.memory_space<vmem>> -> memref<8x64xf32, #tpu.memory_space<vmem>>
        %dma_start3A_2958 = arith.constant 0 : i32
        %dma_start3A_2959 = arith.constant 0 : i32
        %dma_start3A_2960 = tpu.memref_slice %arg4[%shift_right_arithmetic3A_2940, %dma_start3A_2958, %dma_start3A_2959] : memref<125000x8x64xf32, #tpu.memory_space<hbm>> -> memref<1x8x64xf32, #tpu.memory_space<hbm>>
        %dma_start3A_2961 = tpu.memref_squeeze %dma_start3A_2960 : memref<1x8x64xf32, #tpu.memory_space<hbm>> -> memref<8x64xf32, #tpu.memory_space<hbm>>
        tpu.enqueue_dma source(%dma_start3A_2961 : memref<8x64xf32, #tpu.memory_space<hbm>>) target(%dma_start3A_2957 : memref<8x64xf32, #tpu.memory_space<vmem>>) target_semaphore(%arg16 : memref<!tpu.dma_semaphore, #tpu.memory_space<semaphore_mem>>)
        %dma_start3A_2962 = arith.constant 7 : i32
        %dma_start3A_2963 = arith.constant 0 : i32
        %dma_start3A_2964 = arith.constant 0 : i32
        %dma_start3A_2965 = tpu.memref_slice %arg12[%select_n3A_2632, %dma_start3A_2962, %dma_start3A_2963, %dma_start3A_2964] : memref<3x16x8x64xf32, #tpu.memory_space<vmem>> -> memref<1x1x8x64xf32, #tpu.memory_space<vmem>>
        %dma_start3A_2966 = tpu.memref_squeeze %dma_start3A_2965 : memref<1x1x8x64xf32, #tpu.memory_space<vmem>> -> memref<8x64xf32, #tpu.memory_space<vmem>>
        %dma_start3A_2967 = arith.constant 0 : i32
        %dma_start3A_2968 = arith.constant 0 : i32
        %dma_start3A_2969 = tpu.memref_slice %arg6[%shift_right_arithmetic3A_2944, %dma_start3A_2967, %dma_start3A_2968] : memref<125000x8x64xf32, #tpu.memory_space<hbm>> -> memref<1x8x64xf32, #tpu.memory_space<hbm>>
        %dma_start3A_2970 = tpu.memref_squeeze %dma_start3A_2969 : memref<1x8x64xf32, #tpu.memory_space<hbm>> -> memref<8x64xf32, #tpu.memory_space<hbm>>
        %dma_start3A_2971 = arith.constant 0 : i32
        %dma_start3A_2972 = arith.constant 0 : i32
        %dma_start3A_2973 = tpu.memref_slice %arg12[%select_n3A_2632, %dma_start3A_2962, %dma_start3A_2971, %dma_start3A_2972] : memref<3x16x8x64xf32, #tpu.memory_space<vmem>> -> memref<1x1x8x64xf32, #tpu.memory_space<vmem>>
        %dma_start3A_2974 = tpu.memref_squeeze %dma_start3A_2973 : memref<1x1x8x64xf32, #tpu.memory_space<vmem>> -> memref<8x64xf32, #tpu.memory_space<vmem>>
        %dma_start3A_2975 = arith.constant 0 : i32
        %dma_start3A_2976 = arith.constant 0 : i32
        %dma_start3A_2977 = tpu.memref_slice %arg6[%shift_right_arithmetic3A_2944, %dma_start3A_2975, %dma_start3A_2976] : memref<125000x8x64xf32, #tpu.memory_space<hbm>> -> memref<1x8x64xf32, #tpu.memory_space<hbm>>
        %dma_start3A_2978 = tpu.memref_squeeze %dma_start3A_2977 : memref<1x8x64xf32, #tpu.memory_space<hbm>> -> memref<8x64xf32, #tpu.memory_space<hbm>>
        tpu.enqueue_dma source(%dma_start3A_2978 : memref<8x64xf32, #tpu.memory_space<hbm>>) target(%dma_start3A_2974 : memref<8x64xf32, #tpu.memory_space<vmem>>) target_semaphore(%arg17 : memref<!tpu.dma_semaphore, #tpu.memory_space<semaphore_mem>>)
        %slice3A_2979 = vector.extract_strided_slice %get3A_2638 {offsets = [8], sizes = [1], strides = [1]} : vector<16xi32> to vector<1xi32>
        %squeeze3A_2980 = vector.extract %slice3A_2979[0] : i32 from vector<1xi32>
        %shift_right_arithmetic3A_2981 = arith.constant 3 : i32
        %shift_right_arithmetic3A_2982 = arith.shrsi %squeeze3A_2980, %shift_right_arithmetic3A_2981 : i32
        %slice3A_2983 = vector.extract_strided_slice %get3A_2642 {offsets = [8], sizes = [1], strides = [1]} : vector<16xi32> to vector<1xi32>
        %squeeze3A_2984 = vector.extract %slice3A_2983[0] : i32 from vector<1xi32>
        %shift_right_arithmetic3A_2985 = arith.constant 3 : i32
        %shift_right_arithmetic3A_2986 = arith.shrsi %squeeze3A_2984, %shift_right_arithmetic3A_2985 : i32
        %dma_start3A_2987 = arith.constant 8 : i32
        %dma_start3A_2988 = arith.constant 0 : i32
        %dma_start3A_2989 = arith.constant 0 : i32
        %dma_start3A_2990 = tpu.memref_slice %arg11[%select_n3A_2632, %dma_start3A_2987, %dma_start3A_2988, %dma_start3A_2989] : memref<3x16x8x64xf32, #tpu.memory_space<vmem>> -> memref<1x1x8x64xf32, #tpu.memory_space<vmem>>
        %dma_start3A_2991 = tpu.memref_squeeze %dma_start3A_2990 : memref<1x1x8x64xf32, #tpu.memory_space<vmem>> -> memref<8x64xf32, #tpu.memory_space<vmem>>
        %dma_start3A_2992 = arith.constant 0 : i32
        %dma_start3A_2993 = arith.constant 0 : i32
        %dma_start3A_2994 = tpu.memref_slice %arg4[%shift_right_arithmetic3A_2982, %dma_start3A_2992, %dma_start3A_2993] : memref<125000x8x64xf32, #tpu.memory_space<hbm>> -> memref<1x8x64xf32, #tpu.memory_space<hbm>>
        %dma_start3A_2995 = tpu.memref_squeeze %dma_start3A_2994 : memref<1x8x64xf32, #tpu.memory_space<hbm>> -> memref<8x64xf32, #tpu.memory_space<hbm>>
        %dma_start3A_2996 = arith.constant 0 : i32
        %dma_start3A_2997 = arith.constant 0 : i32
        %dma_start3A_2998 = tpu.memref_slice %arg11[%select_n3A_2632, %dma_start3A_2987, %dma_start3A_2996, %dma_start3A_2997] : memref<3x16x8x64xf32, #tpu.memory_space<vmem>> -> memref<1x1x8x64xf32, #tpu.memory_space<vmem>>
        %dma_start3A_2999 = tpu.memref_squeeze %dma_start3A_2998 : memref<1x1x8x64xf32, #tpu.memory_space<vmem>> -> memref<8x64xf32, #tpu.memory_space<vmem>>
        %dma_start3A_3000 = arith.constant 0 : i32
        %dma_start3A_3001 = arith.constant 0 : i32
        %dma_start3A_3002 = tpu.memref_slice %arg4[%shift_right_arithmetic3A_2982, %dma_start3A_3000, %dma_start3A_3001] : memref<125000x8x64xf32, #tpu.memory_space<hbm>> -> memref<1x8x64xf32, #tpu.memory_space<hbm>>
        %dma_start3A_3003 = tpu.memref_squeeze %dma_start3A_3002 : memref<1x8x64xf32, #tpu.memory_space<hbm>> -> memref<8x64xf32, #tpu.memory_space<hbm>>
        tpu.enqueue_dma source(%dma_start3A_3003 : memref<8x64xf32, #tpu.memory_space<hbm>>) target(%dma_start3A_2999 : memref<8x64xf32, #tpu.memory_space<vmem>>) target_semaphore(%arg16 : memref<!tpu.dma_semaphore, #tpu.memory_space<semaphore_mem>>)
        %dma_start3A_3004 = arith.constant 8 : i32
        %dma_start3A_3005 = arith.constant 0 : i32
        %dma_start3A_3006 = arith.constant 0 : i32
        %dma_start3A_3007 = tpu.memref_slice %arg12[%select_n3A_2632, %dma_start3A_3004, %dma_start3A_3005, %dma_start3A_3006] : memref<3x16x8x64xf32, #tpu.memory_space<vmem>> -> memref<1x1x8x64xf32, #tpu.memory_space<vmem>>
        %dma_start3A_3008 = tpu.memref_squeeze %dma_start3A_3007 : memref<1x1x8x64xf32, #tpu.memory_space<vmem>> -> memref<8x64xf32, #tpu.memory_space<vmem>>
        %dma_start3A_3009 = arith.constant 0 : i32
        %dma_start3A_3010 = arith.constant 0 : i32
        %dma_start3A_3011 = tpu.memref_slice %arg6[%shift_right_arithmetic3A_2986, %dma_start3A_3009, %dma_start3A_3010] : memref<125000x8x64xf32, #tpu.memory_space<hbm>> -> memref<1x8x64xf32, #tpu.memory_space<hbm>>
        %dma_start3A_3012 = tpu.memref_squeeze %dma_start3A_3011 : memref<1x8x64xf32, #tpu.memory_space<hbm>> -> memref<8x64xf32, #tpu.memory_space<hbm>>
        %dma_start3A_3013 = arith.constant 0 : i32
        %dma_start3A_3014 = arith.constant 0 : i32
        %dma_start3A_3015 = tpu.memref_slice %arg12[%select_n3A_2632, %dma_start3A_3004, %dma_start3A_3013, %dma_start3A_3014] : memref<3x16x8x64xf32, #tpu.memory_space<vmem>> -> memref<1x1x8x64xf32, #tpu.memory_space<vmem>>
        %dma_start3A_3016 = tpu.memref_squeeze %dma_start3A_3015 : memref<1x1x8x64xf32, #tpu.memory_space<vmem>> -> memref<8x64xf32, #tpu.memory_space<vmem>>
        %dma_start3A_3017 = arith.constant 0 : i32
        %dma_start3A_3018 = arith.constant 0 : i32
        %dma_start3A_3019 = tpu.memref_slice %arg6[%shift_right_arithmetic3A_2986, %dma_start3A_3017, %dma_start3A_3018] : memref<125000x8x64xf32, #tpu.memory_space<hbm>> -> memref<1x8x64xf32, #tpu.memory_space<hbm>>
        %dma_start3A_3020 = tpu.memref_squeeze %dma_start3A_3019 : memref<1x8x64xf32, #tpu.memory_space<hbm>> -> memref<8x64xf32, #tpu.memory_space<hbm>>
        tpu.enqueue_dma source(%dma_start3A_3020 : memref<8x64xf32, #tpu.memory_space<hbm>>) target(%dma_start3A_3016 : memref<8x64xf32, #tpu.memory_space<vmem>>) target_semaphore(%arg17 : memref<!tpu.dma_semaphore, #tpu.memory_space<semaphore_mem>>)
        %slice3A_3021 = vector.extract_strided_slice %get3A_2638 {offsets = [9], sizes = [1], strides = [1]} : vector<16xi32> to vector<1xi32>
        %squeeze3A_3022 = vector.extract %slice3A_3021[0] : i32 from vector<1xi32>
        %shift_right_arithmetic3A_3023 = arith.constant 3 : i32
        %shift_right_arithmetic3A_3024 = arith.shrsi %squeeze3A_3022, %shift_right_arithmetic3A_3023 : i32
        %slice3A_3025 = vector.extract_strided_slice %get3A_2642 {offsets = [9], sizes = [1], strides = [1]} : vector<16xi32> to vector<1xi32>
        %squeeze3A_3026 = vector.extract %slice3A_3025[0] : i32 from vector<1xi32>
        %shift_right_arithmetic3A_3027 = arith.constant 3 : i32
        %shift_right_arithmetic3A_3028 = arith.shrsi %squeeze3A_3026, %shift_right_arithmetic3A_3027 : i32
        %dma_start3A_3029 = arith.constant 9 : i32
        %dma_start3A_3030 = arith.constant 0 : i32
        %dma_start3A_3031 = arith.constant 0 : i32
        %dma_start3A_3032 = tpu.memref_slice %arg11[%select_n3A_2632, %dma_start3A_3029, %dma_start3A_3030, %dma_start3A_3031] : memref<3x16x8x64xf32, #tpu.memory_space<vmem>> -> memref<1x1x8x64xf32, #tpu.memory_space<vmem>>
        %dma_start3A_3033 = tpu.memref_squeeze %dma_start3A_3032 : memref<1x1x8x64xf32, #tpu.memory_space<vmem>> -> memref<8x64xf32, #tpu.memory_space<vmem>>
        %dma_start3A_3034 = arith.constant 0 : i32
        %dma_start3A_3035 = arith.constant 0 : i32
        %dma_start3A_3036 = tpu.memref_slice %arg4[%shift_right_arithmetic3A_3024, %dma_start3A_3034, %dma_start3A_3035] : memref<125000x8x64xf32, #tpu.memory_space<hbm>> -> memref<1x8x64xf32, #tpu.memory_space<hbm>>
        %dma_start3A_3037 = tpu.memref_squeeze %dma_start3A_3036 : memref<1x8x64xf32, #tpu.memory_space<hbm>> -> memref<8x64xf32, #tpu.memory_space<hbm>>
        %dma_start3A_3038 = arith.constant 0 : i32
        %dma_start3A_3039 = arith.constant 0 : i32
        %dma_start3A_3040 = tpu.memref_slice %arg11[%select_n3A_2632, %dma_start3A_3029, %dma_start3A_3038, %dma_start3A_3039] : memref<3x16x8x64xf32, #tpu.memory_space<vmem>> -> memref<1x1x8x64xf32, #tpu.memory_space<vmem>>
        %dma_start3A_3041 = tpu.memref_squeeze %dma_start3A_3040 : memref<1x1x8x64xf32, #tpu.memory_space<vmem>> -> memref<8x64xf32, #tpu.memory_space<vmem>>
        %dma_start3A_3042 = arith.constant 0 : i32
        %dma_start3A_3043 = arith.constant 0 : i32
        %dma_start3A_3044 = tpu.memref_slice %arg4[%shift_right_arithmetic3A_3024, %dma_start3A_3042, %dma_start3A_3043] : memref<125000x8x64xf32, #tpu.memory_space<hbm>> -> memref<1x8x64xf32, #tpu.memory_space<hbm>>
        %dma_start3A_3045 = tpu.memref_squeeze %dma_start3A_3044 : memref<1x8x64xf32, #tpu.memory_space<hbm>> -> memref<8x64xf32, #tpu.memory_space<hbm>>
        tpu.enqueue_dma source(%dma_start3A_3045 : memref<8x64xf32, #tpu.memory_space<hbm>>) target(%dma_start3A_3041 : memref<8x64xf32, #tpu.memory_space<vmem>>) target_semaphore(%arg16 : memref<!tpu.dma_semaphore, #tpu.memory_space<semaphore_mem>>)
        %dma_start3A_3046 = arith.constant 9 : i32
        %dma_start3A_3047 = arith.constant 0 : i32
        %dma_start3A_3048 = arith.constant 0 : i32
        %dma_start3A_3049 = tpu.memref_slice %arg12[%select_n3A_2632, %dma_start3A_3046, %dma_start3A_3047, %dma_start3A_3048] : memref<3x16x8x64xf32, #tpu.memory_space<vmem>> -> memref<1x1x8x64xf32, #tpu.memory_space<vmem>>
        %dma_start3A_3050 = tpu.memref_squeeze %dma_start3A_3049 : memref<1x1x8x64xf32, #tpu.memory_space<vmem>> -> memref<8x64xf32, #tpu.memory_space<vmem>>
        %dma_start3A_3051 = arith.constant 0 : i32
        %dma_start3A_3052 = arith.constant 0 : i32
        %dma_start3A_3053 = tpu.memref_slice %arg6[%shift_right_arithmetic3A_3028, %dma_start3A_3051, %dma_start3A_3052] : memref<125000x8x64xf32, #tpu.memory_space<hbm>> -> memref<1x8x64xf32, #tpu.memory_space<hbm>>
        %dma_start3A_3054 = tpu.memref_squeeze %dma_start3A_3053 : memref<1x8x64xf32, #tpu.memory_space<hbm>> -> memref<8x64xf32, #tpu.memory_space<hbm>>
        %dma_start3A_3055 = arith.constant 0 : i32
        %dma_start3A_3056 = arith.constant 0 : i32
        %dma_start3A_3057 = tpu.memref_slice %arg12[%select_n3A_2632, %dma_start3A_3046, %dma_start3A_3055, %dma_start3A_3056] : memref<3x16x8x64xf32, #tpu.memory_space<vmem>> -> memref<1x1x8x64xf32, #tpu.memory_space<vmem>>
        %dma_start3A_3058 = tpu.memref_squeeze %dma_start3A_3057 : memref<1x1x8x64xf32, #tpu.memory_space<vmem>> -> memref<8x64xf32, #tpu.memory_space<vmem>>
        %dma_start3A_3059 = arith.constant 0 : i32
        %dma_start3A_3060 = arith.constant 0 : i32
        %dma_start3A_3061 = tpu.memref_slice %arg6[%shift_right_arithmetic3A_3028, %dma_start3A_3059, %dma_start3A_3060] : memref<125000x8x64xf32, #tpu.memory_space<hbm>> -> memref<1x8x64xf32, #tpu.memory_space<hbm>>
        %dma_start3A_3062 = tpu.memref_squeeze %dma_start3A_3061 : memref<1x8x64xf32, #tpu.memory_space<hbm>> -> memref<8x64xf32, #tpu.memory_space<hbm>>
        tpu.enqueue_dma source(%dma_start3A_3062 : memref<8x64xf32, #tpu.memory_space<hbm>>) target(%dma_start3A_3058 : memref<8x64xf32, #tpu.memory_space<vmem>>) target_semaphore(%arg17 : memref<!tpu.dma_semaphore, #tpu.memory_space<semaphore_mem>>)
        %slice3A_3063 = vector.extract_strided_slice %get3A_2638 {offsets = [10], sizes = [1], strides = [1]} : vector<16xi32> to vector<1xi32>
        %squeeze3A_3064 = vector.extract %slice3A_3063[0] : i32 from vector<1xi32>
        %shift_right_arithmetic3A_3065 = arith.constant 3 : i32
        %shift_right_arithmetic3A_3066 = arith.shrsi %squeeze3A_3064, %shift_right_arithmetic3A_3065 : i32
        %slice3A_3067 = vector.extract_strided_slice %get3A_2642 {offsets = [10], sizes = [1], strides = [1]} : vector<16xi32> to vector<1xi32>
        %squeeze3A_3068 = vector.extract %slice3A_3067[0] : i32 from vector<1xi32>
        %shift_right_arithmetic3A_3069 = arith.constant 3 : i32
        %shift_right_arithmetic3A_3070 = arith.shrsi %squeeze3A_3068, %shift_right_arithmetic3A_3069 : i32
        %dma_start3A_3071 = arith.constant 10 : i32
        %dma_start3A_3072 = arith.constant 0 : i32
        %dma_start3A_3073 = arith.constant 0 : i32
        %dma_start3A_3074 = tpu.memref_slice %arg11[%select_n3A_2632, %dma_start3A_3071, %dma_start3A_3072, %dma_start3A_3073] : memref<3x16x8x64xf32, #tpu.memory_space<vmem>> -> memref<1x1x8x64xf32, #tpu.memory_space<vmem>>
        %dma_start3A_3075 = tpu.memref_squeeze %dma_start3A_3074 : memref<1x1x8x64xf32, #tpu.memory_space<vmem>> -> memref<8x64xf32, #tpu.memory_space<vmem>>
        %dma_start3A_3076 = arith.constant 0 : i32
        %dma_start3A_3077 = arith.constant 0 : i32
        %dma_start3A_3078 = tpu.memref_slice %arg4[%shift_right_arithmetic3A_3066, %dma_start3A_3076, %dma_start3A_3077] : memref<125000x8x64xf32, #tpu.memory_space<hbm>> -> memref<1x8x64xf32, #tpu.memory_space<hbm>>
        %dma_start3A_3079 = tpu.memref_squeeze %dma_start3A_3078 : memref<1x8x64xf32, #tpu.memory_space<hbm>> -> memref<8x64xf32, #tpu.memory_space<hbm>>
        %dma_start3A_3080 = arith.constant 0 : i32
        %dma_start3A_3081 = arith.constant 0 : i32
        %dma_start3A_3082 = tpu.memref_slice %arg11[%select_n3A_2632, %dma_start3A_3071, %dma_start3A_3080, %dma_start3A_3081] : memref<3x16x8x64xf32, #tpu.memory_space<vmem>> -> memref<1x1x8x64xf32, #tpu.memory_space<vmem>>
        %dma_start3A_3083 = tpu.memref_squeeze %dma_start3A_3082 : memref<1x1x8x64xf32, #tpu.memory_space<vmem>> -> memref<8x64xf32, #tpu.memory_space<vmem>>
        %dma_start3A_3084 = arith.constant 0 : i32
        %dma_start3A_3085 = arith.constant 0 : i32
        %dma_start3A_3086 = tpu.memref_slice %arg4[%shift_right_arithmetic3A_3066, %dma_start3A_3084, %dma_start3A_3085] : memref<125000x8x64xf32, #tpu.memory_space<hbm>> -> memref<1x8x64xf32, #tpu.memory_space<hbm>>
        %dma_start3A_3087 = tpu.memref_squeeze %dma_start3A_3086 : memref<1x8x64xf32, #tpu.memory_space<hbm>> -> memref<8x64xf32, #tpu.memory_space<hbm>>
        tpu.enqueue_dma source(%dma_start3A_3087 : memref<8x64xf32, #tpu.memory_space<hbm>>) target(%dma_start3A_3083 : memref<8x64xf32, #tpu.memory_space<vmem>>) target_semaphore(%arg16 : memref<!tpu.dma_semaphore, #tpu.memory_space<semaphore_mem>>)
        %dma_start3A_3088 = arith.constant 10 : i32
        %dma_start3A_3089 = arith.constant 0 : i32
        %dma_start3A_3090 = arith.constant 0 : i32
        %dma_start3A_3091 = tpu.memref_slice %arg12[%select_n3A_2632, %dma_start3A_3088, %dma_start3A_3089, %dma_start3A_3090] : memref<3x16x8x64xf32, #tpu.memory_space<vmem>> -> memref<1x1x8x64xf32, #tpu.memory_space<vmem>>
        %dma_start3A_3092 = tpu.memref_squeeze %dma_start3A_3091 : memref<1x1x8x64xf32, #tpu.memory_space<vmem>> -> memref<8x64xf32, #tpu.memory_space<vmem>>
        %dma_start3A_3093 = arith.constant 0 : i32
        %dma_start3A_3094 = arith.constant 0 : i32
        %dma_start3A_3095 = tpu.memref_slice %arg6[%shift_right_arithmetic3A_3070, %dma_start3A_3093, %dma_start3A_3094] : memref<125000x8x64xf32, #tpu.memory_space<hbm>> -> memref<1x8x64xf32, #tpu.memory_space<hbm>>
        %dma_start3A_3096 = tpu.memref_squeeze %dma_start3A_3095 : memref<1x8x64xf32, #tpu.memory_space<hbm>> -> memref<8x64xf32, #tpu.memory_space<hbm>>
        %dma_start3A_3097 = arith.constant 0 : i32
        %dma_start3A_3098 = arith.constant 0 : i32
        %dma_start3A_3099 = tpu.memref_slice %arg12[%select_n3A_2632, %dma_start3A_3088, %dma_start3A_3097, %dma_start3A_3098] : memref<3x16x8x64xf32, #tpu.memory_space<vmem>> -> memref<1x1x8x64xf32, #tpu.memory_space<vmem>>
        %dma_start3A_3100 = tpu.memref_squeeze %dma_start3A_3099 : memref<1x1x8x64xf32, #tpu.memory_space<vmem>> -> memref<8x64xf32, #tpu.memory_space<vmem>>
        %dma_start3A_3101 = arith.constant 0 : i32
        %dma_start3A_3102 = arith.constant 0 : i32
        %dma_start3A_3103 = tpu.memref_slice %arg6[%shift_right_arithmetic3A_3070, %dma_start3A_3101, %dma_start3A_3102] : memref<125000x8x64xf32, #tpu.memory_space<hbm>> -> memref<1x8x64xf32, #tpu.memory_space<hbm>>
        %dma_start3A_3104 = tpu.memref_squeeze %dma_start3A_3103 : memref<1x8x64xf32, #tpu.memory_space<hbm>> -> memref<8x64xf32, #tpu.memory_space<hbm>>
        tpu.enqueue_dma source(%dma_start3A_3104 : memref<8x64xf32, #tpu.memory_space<hbm>>) target(%dma_start3A_3100 : memref<8x64xf32, #tpu.memory_space<vmem>>) target_semaphore(%arg17 : memref<!tpu.dma_semaphore, #tpu.memory_space<semaphore_mem>>)
        %slice3A_3105 = vector.extract_strided_slice %get3A_2638 {offsets = [11], sizes = [1], strides = [1]} : vector<16xi32> to vector<1xi32>
        %squeeze3A_3106 = vector.extract %slice3A_3105[0] : i32 from vector<1xi32>
        %shift_right_arithmetic3A_3107 = arith.constant 3 : i32
        %shift_right_arithmetic3A_3108 = arith.shrsi %squeeze3A_3106, %shift_right_arithmetic3A_3107 : i32
        %slice3A_3109 = vector.extract_strided_slice %get3A_2642 {offsets = [11], sizes = [1], strides = [1]} : vector<16xi32> to vector<1xi32>
        %squeeze3A_3110 = vector.extract %slice3A_3109[0] : i32 from vector<1xi32>
        %shift_right_arithmetic3A_3111 = arith.constant 3 : i32
        %shift_right_arithmetic3A_3112 = arith.shrsi %squeeze3A_3110, %shift_right_arithmetic3A_3111 : i32
        %dma_start3A_3113 = arith.constant 11 : i32
        %dma_start3A_3114 = arith.constant 0 : i32
        %dma_start3A_3115 = arith.constant 0 : i32
        %dma_start3A_3116 = tpu.memref_slice %arg11[%select_n3A_2632, %dma_start3A_3113, %dma_start3A_3114, %dma_start3A_3115] : memref<3x16x8x64xf32, #tpu.memory_space<vmem>> -> memref<1x1x8x64xf32, #tpu.memory_space<vmem>>
        %dma_start3A_3117 = tpu.memref_squeeze %dma_start3A_3116 : memref<1x1x8x64xf32, #tpu.memory_space<vmem>> -> memref<8x64xf32, #tpu.memory_space<vmem>>
        %dma_start3A_3118 = arith.constant 0 : i32
        %dma_start3A_3119 = arith.constant 0 : i32
        %dma_start3A_3120 = tpu.memref_slice %arg4[%shift_right_arithmetic3A_3108, %dma_start3A_3118, %dma_start3A_3119] : memref<125000x8x64xf32, #tpu.memory_space<hbm>> -> memref<1x8x64xf32, #tpu.memory_space<hbm>>
        %dma_start3A_3121 = tpu.memref_squeeze %dma_start3A_3120 : memref<1x8x64xf32, #tpu.memory_space<hbm>> -> memref<8x64xf32, #tpu.memory_space<hbm>>
        %dma_start3A_3122 = arith.constant 0 : i32
        %dma_start3A_3123 = arith.constant 0 : i32
        %dma_start3A_3124 = tpu.memref_slice %arg11[%select_n3A_2632, %dma_start3A_3113, %dma_start3A_3122, %dma_start3A_3123] : memref<3x16x8x64xf32, #tpu.memory_space<vmem>> -> memref<1x1x8x64xf32, #tpu.memory_space<vmem>>
        %dma_start3A_3125 = tpu.memref_squeeze %dma_start3A_3124 : memref<1x1x8x64xf32, #tpu.memory_space<vmem>> -> memref<8x64xf32, #tpu.memory_space<vmem>>
        %dma_start3A_3126 = arith.constant 0 : i32
        %dma_start3A_3127 = arith.constant 0 : i32
        %dma_start3A_3128 = tpu.memref_slice %arg4[%shift_right_arithmetic3A_3108, %dma_start3A_3126, %dma_start3A_3127] : memref<125000x8x64xf32, #tpu.memory_space<hbm>> -> memref<1x8x64xf32, #tpu.memory_space<hbm>>
        %dma_start3A_3129 = tpu.memref_squeeze %dma_start3A_3128 : memref<1x8x64xf32, #tpu.memory_space<hbm>> -> memref<8x64xf32, #tpu.memory_space<hbm>>
        tpu.enqueue_dma source(%dma_start3A_3129 : memref<8x64xf32, #tpu.memory_space<hbm>>) target(%dma_start3A_3125 : memref<8x64xf32, #tpu.memory_space<vmem>>) target_semaphore(%arg16 : memref<!tpu.dma_semaphore, #tpu.memory_space<semaphore_mem>>)
        %dma_start3A_3130 = arith.constant 11 : i32
        %dma_start3A_3131 = arith.constant 0 : i32
        %dma_start3A_3132 = arith.constant 0 : i32
        %dma_start3A_3133 = tpu.memref_slice %arg12[%select_n3A_2632, %dma_start3A_3130, %dma_start3A_3131, %dma_start3A_3132] : memref<3x16x8x64xf32, #tpu.memory_space<vmem>> -> memref<1x1x8x64xf32, #tpu.memory_space<vmem>>
        %dma_start3A_3134 = tpu.memref_squeeze %dma_start3A_3133 : memref<1x1x8x64xf32, #tpu.memory_space<vmem>> -> memref<8x64xf32, #tpu.memory_space<vmem>>
        %dma_start3A_3135 = arith.constant 0 : i32
        %dma_start3A_3136 = arith.constant 0 : i32
        %dma_start3A_3137 = tpu.memref_slice %arg6[%shift_right_arithmetic3A_3112, %dma_start3A_3135, %dma_start3A_3136] : memref<125000x8x64xf32, #tpu.memory_space<hbm>> -> memref<1x8x64xf32, #tpu.memory_space<hbm>>
        %dma_start3A_3138 = tpu.memref_squeeze %dma_start3A_3137 : memref<1x8x64xf32, #tpu.memory_space<hbm>> -> memref<8x64xf32, #tpu.memory_space<hbm>>
        %dma_start3A_3139 = arith.constant 0 : i32
        %dma_start3A_3140 = arith.constant 0 : i32
        %dma_start3A_3141 = tpu.memref_slice %arg12[%select_n3A_2632, %dma_start3A_3130, %dma_start3A_3139, %dma_start3A_3140] : memref<3x16x8x64xf32, #tpu.memory_space<vmem>> -> memref<1x1x8x64xf32, #tpu.memory_space<vmem>>
        %dma_start3A_3142 = tpu.memref_squeeze %dma_start3A_3141 : memref<1x1x8x64xf32, #tpu.memory_space<vmem>> -> memref<8x64xf32, #tpu.memory_space<vmem>>
        %dma_start3A_3143 = arith.constant 0 : i32
        %dma_start3A_3144 = arith.constant 0 : i32
        %dma_start3A_3145 = tpu.memref_slice %arg6[%shift_right_arithmetic3A_3112, %dma_start3A_3143, %dma_start3A_3144] : memref<125000x8x64xf32, #tpu.memory_space<hbm>> -> memref<1x8x64xf32, #tpu.memory_space<hbm>>
        %dma_start3A_3146 = tpu.memref_squeeze %dma_start3A_3145 : memref<1x8x64xf32, #tpu.memory_space<hbm>> -> memref<8x64xf32, #tpu.memory_space<hbm>>
        tpu.enqueue_dma source(%dma_start3A_3146 : memref<8x64xf32, #tpu.memory_space<hbm>>) target(%dma_start3A_3142 : memref<8x64xf32, #tpu.memory_space<vmem>>) target_semaphore(%arg17 : memref<!tpu.dma_semaphore, #tpu.memory_space<semaphore_mem>>)
        %slice3A_3147 = vector.extract_strided_slice %get3A_2638 {offsets = [12], sizes = [1], strides = [1]} : vector<16xi32> to vector<1xi32>
        %squeeze3A_3148 = vector.extract %slice3A_3147[0] : i32 from vector<1xi32>
        %shift_right_arithmetic3A_3149 = arith.constant 3 : i32
        %shift_right_arithmetic3A_3150 = arith.shrsi %squeeze3A_3148, %shift_right_arithmetic3A_3149 : i32
        %slice3A_3151 = vector.extract_strided_slice %get3A_2642 {offsets = [12], sizes = [1], strides = [1]} : vector<16xi32> to vector<1xi32>
        %squeeze3A_3152 = vector.extract %slice3A_3151[0] : i32 from vector<1xi32>
        %shift_right_arithmetic3A_3153 = arith.constant 3 : i32
        %shift_right_arithmetic3A_3154 = arith.shrsi %squeeze3A_3152, %shift_right_arithmetic3A_3153 : i32
        %dma_start3A_3155 = arith.constant 12 : i32
        %dma_start3A_3156 = arith.constant 0 : i32
        %dma_start3A_3157 = arith.constant 0 : i32
        %dma_start3A_3158 = tpu.memref_slice %arg11[%select_n3A_2632, %dma_start3A_3155, %dma_start3A_3156, %dma_start3A_3157] : memref<3x16x8x64xf32, #tpu.memory_space<vmem>> -> memref<1x1x8x64xf32, #tpu.memory_space<vmem>>
        %dma_start3A_3159 = tpu.memref_squeeze %dma_start3A_3158 : memref<1x1x8x64xf32, #tpu.memory_space<vmem>> -> memref<8x64xf32, #tpu.memory_space<vmem>>
        %dma_start3A_3160 = arith.constant 0 : i32
        %dma_start3A_3161 = arith.constant 0 : i32
        %dma_start3A_3162 = tpu.memref_slice %arg4[%shift_right_arithmetic3A_3150, %dma_start3A_3160, %dma_start3A_3161] : memref<125000x8x64xf32, #tpu.memory_space<hbm>> -> memref<1x8x64xf32, #tpu.memory_space<hbm>>
        %dma_start3A_3163 = tpu.memref_squeeze %dma_start3A_3162 : memref<1x8x64xf32, #tpu.memory_space<hbm>> -> memref<8x64xf32, #tpu.memory_space<hbm>>
        %dma_start3A_3164 = arith.constant 0 : i32
        %dma_start3A_3165 = arith.constant 0 : i32
        %dma_start3A_3166 = tpu.memref_slice %arg11[%select_n3A_2632, %dma_start3A_3155, %dma_start3A_3164, %dma_start3A_3165] : memref<3x16x8x64xf32, #tpu.memory_space<vmem>> -> memref<1x1x8x64xf32, #tpu.memory_space<vmem>>
        %dma_start3A_3167 = tpu.memref_squeeze %dma_start3A_3166 : memref<1x1x8x64xf32, #tpu.memory_space<vmem>> -> memref<8x64xf32, #tpu.memory_space<vmem>>
        %dma_start3A_3168 = arith.constant 0 : i32
        %dma_start3A_3169 = arith.constant 0 : i32
        %dma_start3A_3170 = tpu.memref_slice %arg4[%shift_right_arithmetic3A_3150, %dma_start3A_3168, %dma_start3A_3169] : memref<125000x8x64xf32, #tpu.memory_space<hbm>> -> memref<1x8x64xf32, #tpu.memory_space<hbm>>
        %dma_start3A_3171 = tpu.memref_squeeze %dma_start3A_3170 : memref<1x8x64xf32, #tpu.memory_space<hbm>> -> memref<8x64xf32, #tpu.memory_space<hbm>>
        tpu.enqueue_dma source(%dma_start3A_3171 : memref<8x64xf32, #tpu.memory_space<hbm>>) target(%dma_start3A_3167 : memref<8x64xf32, #tpu.memory_space<vmem>>) target_semaphore(%arg16 : memref<!tpu.dma_semaphore, #tpu.memory_space<semaphore_mem>>)
        %dma_start3A_3172 = arith.constant 12 : i32
        %dma_start3A_3173 = arith.constant 0 : i32
        %dma_start3A_3174 = arith.constant 0 : i32
        %dma_start3A_3175 = tpu.memref_slice %arg12[%select_n3A_2632, %dma_start3A_3172, %dma_start3A_3173, %dma_start3A_3174] : memref<3x16x8x64xf32, #tpu.memory_space<vmem>> -> memref<1x1x8x64xf32, #tpu.memory_space<vmem>>
        %dma_start3A_3176 = tpu.memref_squeeze %dma_start3A_3175 : memref<1x1x8x64xf32, #tpu.memory_space<vmem>> -> memref<8x64xf32, #tpu.memory_space<vmem>>
        %dma_start3A_3177 = arith.constant 0 : i32
        %dma_start3A_3178 = arith.constant 0 : i32
        %dma_start3A_3179 = tpu.memref_slice %arg6[%shift_right_arithmetic3A_3154, %dma_start3A_3177, %dma_start3A_3178] : memref<125000x8x64xf32, #tpu.memory_space<hbm>> -> memref<1x8x64xf32, #tpu.memory_space<hbm>>
        %dma_start3A_3180 = tpu.memref_squeeze %dma_start3A_3179 : memref<1x8x64xf32, #tpu.memory_space<hbm>> -> memref<8x64xf32, #tpu.memory_space<hbm>>
        %dma_start3A_3181 = arith.constant 0 : i32
        %dma_start3A_3182 = arith.constant 0 : i32
        %dma_start3A_3183 = tpu.memref_slice %arg12[%select_n3A_2632, %dma_start3A_3172, %dma_start3A_3181, %dma_start3A_3182] : memref<3x16x8x64xf32, #tpu.memory_space<vmem>> -> memref<1x1x8x64xf32, #tpu.memory_space<vmem>>
        %dma_start3A_3184 = tpu.memref_squeeze %dma_start3A_3183 : memref<1x1x8x64xf32, #tpu.memory_space<vmem>> -> memref<8x64xf32, #tpu.memory_space<vmem>>
        %dma_start3A_3185 = arith.constant 0 : i32
        %dma_start3A_3186 = arith.constant 0 : i32
        %dma_start3A_3187 = tpu.memref_slice %arg6[%shift_right_arithmetic3A_3154, %dma_start3A_3185, %dma_start3A_3186] : memref<125000x8x64xf32, #tpu.memory_space<hbm>> -> memref<1x8x64xf32, #tpu.memory_space<hbm>>
        %dma_start3A_3188 = tpu.memref_squeeze %dma_start3A_3187 : memref<1x8x64xf32, #tpu.memory_space<hbm>> -> memref<8x64xf32, #tpu.memory_space<hbm>>
        tpu.enqueue_dma source(%dma_start3A_3188 : memref<8x64xf32, #tpu.memory_space<hbm>>) target(%dma_start3A_3184 : memref<8x64xf32, #tpu.memory_space<vmem>>) target_semaphore(%arg17 : memref<!tpu.dma_semaphore, #tpu.memory_space<semaphore_mem>>)
        %slice3A_3189 = vector.extract_strided_slice %get3A_2638 {offsets = [13], sizes = [1], strides = [1]} : vector<16xi32> to vector<1xi32>
        %squeeze3A_3190 = vector.extract %slice3A_3189[0] : i32 from vector<1xi32>
        %shift_right_arithmetic3A_3191 = arith.constant 3 : i32
        %shift_right_arithmetic3A_3192 = arith.shrsi %squeeze3A_3190, %shift_right_arithmetic3A_3191 : i32
        %slice3A_3193 = vector.extract_strided_slice %get3A_2642 {offsets = [13], sizes = [1], strides = [1]} : vector<16xi32> to vector<1xi32>
        %squeeze3A_3194 = vector.extract %slice3A_3193[0] : i32 from vector<1xi32>
        %shift_right_arithmetic3A_3195 = arith.constant 3 : i32
        %shift_right_arithmetic3A_3196 = arith.shrsi %squeeze3A_3194, %shift_right_arithmetic3A_3195 : i32
        %dma_start3A_3197 = arith.constant 13 : i32
        %dma_start3A_3198 = arith.constant 0 : i32
        %dma_start3A_3199 = arith.constant 0 : i32
        %dma_start3A_3200 = tpu.memref_slice %arg11[%select_n3A_2632, %dma_start3A_3197, %dma_start3A_3198, %dma_start3A_3199] : memref<3x16x8x64xf32, #tpu.memory_space<vmem>> -> memref<1x1x8x64xf32, #tpu.memory_space<vmem>>
        %dma_start3A_3201 = tpu.memref_squeeze %dma_start3A_3200 : memref<1x1x8x64xf32, #tpu.memory_space<vmem>> -> memref<8x64xf32, #tpu.memory_space<vmem>>
        %dma_start3A_3202 = arith.constant 0 : i32
        %dma_start3A_3203 = arith.constant 0 : i32
        %dma_start3A_3204 = tpu.memref_slice %arg4[%shift_right_arithmetic3A_3192, %dma_start3A_3202, %dma_start3A_3203] : memref<125000x8x64xf32, #tpu.memory_space<hbm>> -> memref<1x8x64xf32, #tpu.memory_space<hbm>>
        %dma_start3A_3205 = tpu.memref_squeeze %dma_start3A_3204 : memref<1x8x64xf32, #tpu.memory_space<hbm>> -> memref<8x64xf32, #tpu.memory_space<hbm>>
        %dma_start3A_3206 = arith.constant 0 : i32
        %dma_start3A_3207 = arith.constant 0 : i32
        %dma_start3A_3208 = tpu.memref_slice %arg11[%select_n3A_2632, %dma_start3A_3197, %dma_start3A_3206, %dma_start3A_3207] : memref<3x16x8x64xf32, #tpu.memory_space<vmem>> -> memref<1x1x8x64xf32, #tpu.memory_space<vmem>>
        %dma_start3A_3209 = tpu.memref_squeeze %dma_start3A_3208 : memref<1x1x8x64xf32, #tpu.memory_space<vmem>> -> memref<8x64xf32, #tpu.memory_space<vmem>>
        %dma_start3A_3210 = arith.constant 0 : i32
        %dma_start3A_3211 = arith.constant 0 : i32
        %dma_start3A_3212 = tpu.memref_slice %arg4[%shift_right_arithmetic3A_3192, %dma_start3A_3210, %dma_start3A_3211] : memref<125000x8x64xf32, #tpu.memory_space<hbm>> -> memref<1x8x64xf32, #tpu.memory_space<hbm>>
        %dma_start3A_3213 = tpu.memref_squeeze %dma_start3A_3212 : memref<1x8x64xf32, #tpu.memory_space<hbm>> -> memref<8x64xf32, #tpu.memory_space<hbm>>
        tpu.enqueue_dma source(%dma_start3A_3213 : memref<8x64xf32, #tpu.memory_space<hbm>>) target(%dma_start3A_3209 : memref<8x64xf32, #tpu.memory_space<vmem>>) target_semaphore(%arg16 : memref<!tpu.dma_semaphore, #tpu.memory_space<semaphore_mem>>)
        %dma_start3A_3214 = arith.constant 13 : i32
        %dma_start3A_3215 = arith.constant 0 : i32
        %dma_start3A_3216 = arith.constant 0 : i32
        %dma_start3A_3217 = tpu.memref_slice %arg12[%select_n3A_2632, %dma_start3A_3214, %dma_start3A_3215, %dma_start3A_3216] : memref<3x16x8x64xf32, #tpu.memory_space<vmem>> -> memref<1x1x8x64xf32, #tpu.memory_space<vmem>>
        %dma_start3A_3218 = tpu.memref_squeeze %dma_start3A_3217 : memref<1x1x8x64xf32, #tpu.memory_space<vmem>> -> memref<8x64xf32, #tpu.memory_space<vmem>>
        %dma_start3A_3219 = arith.constant 0 : i32
        %dma_start3A_3220 = arith.constant 0 : i32
        %dma_start3A_3221 = tpu.memref_slice %arg6[%shift_right_arithmetic3A_3196, %dma_start3A_3219, %dma_start3A_3220] : memref<125000x8x64xf32, #tpu.memory_space<hbm>> -> memref<1x8x64xf32, #tpu.memory_space<hbm>>
        %dma_start3A_3222 = tpu.memref_squeeze %dma_start3A_3221 : memref<1x8x64xf32, #tpu.memory_space<hbm>> -> memref<8x64xf32, #tpu.memory_space<hbm>>
        %dma_start3A_3223 = arith.constant 0 : i32
        %dma_start3A_3224 = arith.constant 0 : i32
        %dma_start3A_3225 = tpu.memref_slice %arg12[%select_n3A_2632, %dma_start3A_3214, %dma_start3A_3223, %dma_start3A_3224] : memref<3x16x8x64xf32, #tpu.memory_space<vmem>> -> memref<1x1x8x64xf32, #tpu.memory_space<vmem>>
        %dma_start3A_3226 = tpu.memref_squeeze %dma_start3A_3225 : memref<1x1x8x64xf32, #tpu.memory_space<vmem>> -> memref<8x64xf32, #tpu.memory_space<vmem>>
        %dma_start3A_3227 = arith.constant 0 : i32
        %dma_start3A_3228 = arith.constant 0 : i32
        %dma_start3A_3229 = tpu.memref_slice %arg6[%shift_right_arithmetic3A_3196, %dma_start3A_3227, %dma_start3A_3228] : memref<125000x8x64xf32, #tpu.memory_space<hbm>> -> memref<1x8x64xf32, #tpu.memory_space<hbm>>
        %dma_start3A_3230 = tpu.memref_squeeze %dma_start3A_3229 : memref<1x8x64xf32, #tpu.memory_space<hbm>> -> memref<8x64xf32, #tpu.memory_space<hbm>>
        tpu.enqueue_dma source(%dma_start3A_3230 : memref<8x64xf32, #tpu.memory_space<hbm>>) target(%dma_start3A_3226 : memref<8x64xf32, #tpu.memory_space<vmem>>) target_semaphore(%arg17 : memref<!tpu.dma_semaphore, #tpu.memory_space<semaphore_mem>>)
        %slice3A_3231 = vector.extract_strided_slice %get3A_2638 {offsets = [14], sizes = [1], strides = [1]} : vector<16xi32> to vector<1xi32>
        %squeeze3A_3232 = vector.extract %slice3A_3231[0] : i32 from vector<1xi32>
        %shift_right_arithmetic3A_3233 = arith.constant 3 : i32
        %shift_right_arithmetic3A_3234 = arith.shrsi %squeeze3A_3232, %shift_right_arithmetic3A_3233 : i32
        %slice3A_3235 = vector.extract_strided_slice %get3A_2642 {offsets = [14], sizes = [1], strides = [1]} : vector<16xi32> to vector<1xi32>
        %squeeze3A_3236 = vector.extract %slice3A_3235[0] : i32 from vector<1xi32>
        %shift_right_arithmetic3A_3237 = arith.constant 3 : i32
        %shift_right_arithmetic3A_3238 = arith.shrsi %squeeze3A_3236, %shift_right_arithmetic3A_3237 : i32
        %dma_start3A_3239 = arith.constant 14 : i32
        %dma_start3A_3240 = arith.constant 0 : i32
        %dma_start3A_3241 = arith.constant 0 : i32
        %dma_start3A_3242 = tpu.memref_slice %arg11[%select_n3A_2632, %dma_start3A_3239, %dma_start3A_3240, %dma_start3A_3241] : memref<3x16x8x64xf32, #tpu.memory_space<vmem>> -> memref<1x1x8x64xf32, #tpu.memory_space<vmem>>
        %dma_start3A_3243 = tpu.memref_squeeze %dma_start3A_3242 : memref<1x1x8x64xf32, #tpu.memory_space<vmem>> -> memref<8x64xf32, #tpu.memory_space<vmem>>
        %dma_start3A_3244 = arith.constant 0 : i32
        %dma_start3A_3245 = arith.constant 0 : i32
        %dma_start3A_3246 = tpu.memref_slice %arg4[%shift_right_arithmetic3A_3234, %dma_start3A_3244, %dma_start3A_3245] : memref<125000x8x64xf32, #tpu.memory_space<hbm>> -> memref<1x8x64xf32, #tpu.memory_space<hbm>>
        %dma_start3A_3247 = tpu.memref_squeeze %dma_start3A_3246 : memref<1x8x64xf32, #tpu.memory_space<hbm>> -> memref<8x64xf32, #tpu.memory_space<hbm>>
        %dma_start3A_3248 = arith.constant 0 : i32
        %dma_start3A_3249 = arith.constant 0 : i32
        %dma_start3A_3250 = tpu.memref_slice %arg11[%select_n3A_2632, %dma_start3A_3239, %dma_start3A_3248, %dma_start3A_3249] : memref<3x16x8x64xf32, #tpu.memory_space<vmem>> -> memref<1x1x8x64xf32, #tpu.memory_space<vmem>>
        %dma_start3A_3251 = tpu.memref_squeeze %dma_start3A_3250 : memref<1x1x8x64xf32, #tpu.memory_space<vmem>> -> memref<8x64xf32, #tpu.memory_space<vmem>>
        %dma_start3A_3252 = arith.constant 0 : i32
        %dma_start3A_3253 = arith.constant 0 : i32
        %dma_start3A_3254 = tpu.memref_slice %arg4[%shift_right_arithmetic3A_3234, %dma_start3A_3252, %dma_start3A_3253] : memref<125000x8x64xf32, #tpu.memory_space<hbm>> -> memref<1x8x64xf32, #tpu.memory_space<hbm>>
        %dma_start3A_3255 = tpu.memref_squeeze %dma_start3A_3254 : memref<1x8x64xf32, #tpu.memory_space<hbm>> -> memref<8x64xf32, #tpu.memory_space<hbm>>
        tpu.enqueue_dma source(%dma_start3A_3255 : memref<8x64xf32, #tpu.memory_space<hbm>>) target(%dma_start3A_3251 : memref<8x64xf32, #tpu.memory_space<vmem>>) target_semaphore(%arg16 : memref<!tpu.dma_semaphore, #tpu.memory_space<semaphore_mem>>)
        %dma_start3A_3256 = arith.constant 14 : i32
        %dma_start3A_3257 = arith.constant 0 : i32
        %dma_start3A_3258 = arith.constant 0 : i32
        %dma_start3A_3259 = tpu.memref_slice %arg12[%select_n3A_2632, %dma_start3A_3256, %dma_start3A_3257, %dma_start3A_3258] : memref<3x16x8x64xf32, #tpu.memory_space<vmem>> -> memref<1x1x8x64xf32, #tpu.memory_space<vmem>>
        %dma_start3A_3260 = tpu.memref_squeeze %dma_start3A_3259 : memref<1x1x8x64xf32, #tpu.memory_space<vmem>> -> memref<8x64xf32, #tpu.memory_space<vmem>>
        %dma_start3A_3261 = arith.constant 0 : i32
        %dma_start3A_3262 = arith.constant 0 : i32
        %dma_start3A_3263 = tpu.memref_slice %arg6[%shift_right_arithmetic3A_3238, %dma_start3A_3261, %dma_start3A_3262] : memref<125000x8x64xf32, #tpu.memory_space<hbm>> -> memref<1x8x64xf32, #tpu.memory_space<hbm>>
        %dma_start3A_3264 = tpu.memref_squeeze %dma_start3A_3263 : memref<1x8x64xf32, #tpu.memory_space<hbm>> -> memref<8x64xf32, #tpu.memory_space<hbm>>
        %dma_start3A_3265 = arith.constant 0 : i32
        %dma_start3A_3266 = arith.constant 0 : i32
        %dma_start3A_3267 = tpu.memref_slice %arg12[%select_n3A_2632, %dma_start3A_3256, %dma_start3A_3265, %dma_start3A_3266] : memref<3x16x8x64xf32, #tpu.memory_space<vmem>> -> memref<1x1x8x64xf32, #tpu.memory_space<vmem>>
        %dma_start3A_3268 = tpu.memref_squeeze %dma_start3A_3267 : memref<1x1x8x64xf32, #tpu.memory_space<vmem>> -> memref<8x64xf32, #tpu.memory_space<vmem>>
        %dma_start3A_3269 = arith.constant 0 : i32
        %dma_start3A_3270 = arith.constant 0 : i32
        %dma_start3A_3271 = tpu.memref_slice %arg6[%shift_right_arithmetic3A_3238, %dma_start3A_3269, %dma_start3A_3270] : memref<125000x8x64xf32, #tpu.memory_space<hbm>> -> memref<1x8x64xf32, #tpu.memory_space<hbm>>
        %dma_start3A_3272 = tpu.memref_squeeze %dma_start3A_3271 : memref<1x8x64xf32, #tpu.memory_space<hbm>> -> memref<8x64xf32, #tpu.memory_space<hbm>>
        tpu.enqueue_dma source(%dma_start3A_3272 : memref<8x64xf32, #tpu.memory_space<hbm>>) target(%dma_start3A_3268 : memref<8x64xf32, #tpu.memory_space<vmem>>) target_semaphore(%arg17 : memref<!tpu.dma_semaphore, #tpu.memory_space<semaphore_mem>>)
        %slice3A_3273 = vector.extract_strided_slice %get3A_2638 {offsets = [15], sizes = [1], strides = [1]} : vector<16xi32> to vector<1xi32>
        %squeeze3A_3274 = vector.extract %slice3A_3273[0] : i32 from vector<1xi32>
        %shift_right_arithmetic3A_3275 = arith.constant 3 : i32
        %shift_right_arithmetic3A_3276 = arith.shrsi %squeeze3A_3274, %shift_right_arithmetic3A_3275 : i32
        %slice3A_3277 = vector.extract_strided_slice %get3A_2642 {offsets = [15], sizes = [1], strides = [1]} : vector<16xi32> to vector<1xi32>
        %squeeze3A_3278 = vector.extract %slice3A_3277[0] : i32 from vector<1xi32>
        %shift_right_arithmetic3A_3279 = arith.constant 3 : i32
        %shift_right_arithmetic3A_3280 = arith.shrsi %squeeze3A_3278, %shift_right_arithmetic3A_3279 : i32
        %dma_start3A_3281 = arith.constant 15 : i32
        %dma_start3A_3282 = arith.constant 0 : i32
        %dma_start3A_3283 = arith.constant 0 : i32
        %dma_start3A_3284 = tpu.memref_slice %arg11[%select_n3A_2632, %dma_start3A_3281, %dma_start3A_3282, %dma_start3A_3283] : memref<3x16x8x64xf32, #tpu.memory_space<vmem>> -> memref<1x1x8x64xf32, #tpu.memory_space<vmem>>
        %dma_start3A_3285 = tpu.memref_squeeze %dma_start3A_3284 : memref<1x1x8x64xf32, #tpu.memory_space<vmem>> -> memref<8x64xf32, #tpu.memory_space<vmem>>
        %dma_start3A_3286 = arith.constant 0 : i32
        %dma_start3A_3287 = arith.constant 0 : i32
        %dma_start3A_3288 = tpu.memref_slice %arg4[%shift_right_arithmetic3A_3276, %dma_start3A_3286, %dma_start3A_3287] : memref<125000x8x64xf32, #tpu.memory_space<hbm>> -> memref<1x8x64xf32, #tpu.memory_space<hbm>>
        %dma_start3A_3289 = tpu.memref_squeeze %dma_start3A_3288 : memref<1x8x64xf32, #tpu.memory_space<hbm>> -> memref<8x64xf32, #tpu.memory_space<hbm>>
        %dma_start3A_3290 = arith.constant 0 : i32
        %dma_start3A_3291 = arith.constant 0 : i32
        %dma_start3A_3292 = tpu.memref_slice %arg11[%select_n3A_2632, %dma_start3A_3281, %dma_start3A_3290, %dma_start3A_3291] : memref<3x16x8x64xf32, #tpu.memory_space<vmem>> -> memref<1x1x8x64xf32, #tpu.memory_space<vmem>>
        %dma_start3A_3293 = tpu.memref_squeeze %dma_start3A_3292 : memref<1x1x8x64xf32, #tpu.memory_space<vmem>> -> memref<8x64xf32, #tpu.memory_space<vmem>>
        %dma_start3A_3294 = arith.constant 0 : i32
        %dma_start3A_3295 = arith.constant 0 : i32
        %dma_start3A_3296 = tpu.memref_slice %arg4[%shift_right_arithmetic3A_3276, %dma_start3A_3294, %dma_start3A_3295] : memref<125000x8x64xf32, #tpu.memory_space<hbm>> -> memref<1x8x64xf32, #tpu.memory_space<hbm>>
        %dma_start3A_3297 = tpu.memref_squeeze %dma_start3A_3296 : memref<1x8x64xf32, #tpu.memory_space<hbm>> -> memref<8x64xf32, #tpu.memory_space<hbm>>
        tpu.enqueue_dma source(%dma_start3A_3297 : memref<8x64xf32, #tpu.memory_space<hbm>>) target(%dma_start3A_3293 : memref<8x64xf32, #tpu.memory_space<vmem>>) target_semaphore(%arg16 : memref<!tpu.dma_semaphore, #tpu.memory_space<semaphore_mem>>)
        %dma_start3A_3298 = arith.constant 15 : i32
        %dma_start3A_3299 = arith.constant 0 : i32
        %dma_start3A_3300 = arith.constant 0 : i32
        %dma_start3A_3301 = tpu.memref_slice %arg12[%select_n3A_2632, %dma_start3A_3298, %dma_start3A_3299, %dma_start3A_3300] : memref<3x16x8x64xf32, #tpu.memory_space<vmem>> -> memref<1x1x8x64xf32, #tpu.memory_space<vmem>>
        %dma_start3A_3302 = tpu.memref_squeeze %dma_start3A_3301 : memref<1x1x8x64xf32, #tpu.memory_space<vmem>> -> memref<8x64xf32, #tpu.memory_space<vmem>>
        %dma_start3A_3303 = arith.constant 0 : i32
        %dma_start3A_3304 = arith.constant 0 : i32
        %dma_start3A_3305 = tpu.memref_slice %arg6[%shift_right_arithmetic3A_3280, %dma_start3A_3303, %dma_start3A_3304] : memref<125000x8x64xf32, #tpu.memory_space<hbm>> -> memref<1x8x64xf32, #tpu.memory_space<hbm>>
        %dma_start3A_3306 = tpu.memref_squeeze %dma_start3A_3305 : memref<1x8x64xf32, #tpu.memory_space<hbm>> -> memref<8x64xf32, #tpu.memory_space<hbm>>
        %dma_start3A_3307 = arith.constant 0 : i32
        %dma_start3A_3308 = arith.constant 0 : i32
        %dma_start3A_3309 = tpu.memref_slice %arg12[%select_n3A_2632, %dma_start3A_3298, %dma_start3A_3307, %dma_start3A_3308] : memref<3x16x8x64xf32, #tpu.memory_space<vmem>> -> memref<1x1x8x64xf32, #tpu.memory_space<vmem>>
        %dma_start3A_3310 = tpu.memref_squeeze %dma_start3A_3309 : memref<1x1x8x64xf32, #tpu.memory_space<vmem>> -> memref<8x64xf32, #tpu.memory_space<vmem>>
        %dma_start3A_3311 = arith.constant 0 : i32
        %dma_start3A_3312 = arith.constant 0 : i32
        %dma_start3A_3313 = tpu.memref_slice %arg6[%shift_right_arithmetic3A_3280, %dma_start3A_3311, %dma_start3A_3312] : memref<125000x8x64xf32, #tpu.memory_space<hbm>> -> memref<1x8x64xf32, #tpu.memory_space<hbm>>
        %dma_start3A_3314 = tpu.memref_squeeze %dma_start3A_3313 : memref<1x8x64xf32, #tpu.memory_space<hbm>> -> memref<8x64xf32, #tpu.memory_space<hbm>>
        tpu.enqueue_dma source(%dma_start3A_3314 : memref<8x64xf32, #tpu.memory_space<hbm>>) target(%dma_start3A_3310 : memref<8x64xf32, #tpu.memory_space<vmem>>) target_semaphore(%arg17 : memref<!tpu.dma_semaphore, #tpu.memory_space<semaphore_mem>>)
      } else {
      }
      %dma_wait3A_1446 = arith.constant 0 : i32
      %dma_wait3A_1447 = arith.constant 0 : i32
      %dma_wait3A_1448 = arith.constant 0 : i32
      %dma_wait3A_1449 = arith.constant 0 : i32
      %dma_wait3A_1450 = tpu.memref_slice %arg11[%dma_wait3A_1446, %dma_wait3A_1447, %dma_wait3A_1448, %dma_wait3A_1449] : memref<3x16x8x64xf32, #tpu.memory_space<vmem>> -> memref<1x16x8x64xf32, #tpu.memory_space<vmem>>
      %dma_wait3A_1451 = tpu.memref_squeeze %dma_wait3A_1450 : memref<1x16x8x64xf32, #tpu.memory_space<vmem>> -> memref<16x8x64xf32, #tpu.memory_space<vmem>>
      %dma_wait3A_1452 = arith.constant 0 : i32
      %dma_wait3A_1453 = arith.constant 0 : i32
      %dma_wait3A_1454 = arith.constant 0 : i32
      %dma_wait3A_1455 = tpu.memref_slice %arg4[%dma_wait3A_1452, %dma_wait3A_1453, %dma_wait3A_1454] : memref<125000x8x64xf32, #tpu.memory_space<hbm>> -> memref<16x8x64xf32, #tpu.memory_space<hbm>>
      %dma_wait3A_1456 = arith.constant 0 : i32
      %dma_wait3A_1457 = arith.constant 0 : i32
      %dma_wait3A_1458 = arith.constant 0 : i32
      %dma_wait3A_1459 = tpu.memref_slice %arg11[%dma_wait3A_1446, %dma_wait3A_1456, %dma_wait3A_1457, %dma_wait3A_1458] : memref<3x16x8x64xf32, #tpu.memory_space<vmem>> -> memref<1x16x8x64xf32, #tpu.memory_space<vmem>>
      %dma_wait3A_1460 = tpu.memref_squeeze %dma_wait3A_1459 : memref<1x16x8x64xf32, #tpu.memory_space<vmem>> -> memref<16x8x64xf32, #tpu.memory_space<vmem>>
      %dma_wait3A_1461 = arith.constant 0 : i32
      %dma_wait3A_1462 = arith.constant 0 : i32
      %dma_wait3A_1463 = arith.constant 0 : i32
      %dma_wait3A_1464 = tpu.memref_slice %arg4[%dma_wait3A_1461, %dma_wait3A_1462, %dma_wait3A_1463] : memref<125000x8x64xf32, #tpu.memory_space<hbm>> -> memref<16x8x64xf32, #tpu.memory_space<hbm>>
      tpu.wait_dma2 semaphore(%arg16 : memref<!tpu.dma_semaphore, #tpu.memory_space<semaphore_mem>>) src(%dma_wait3A_1464 : memref<16x8x64xf32, #tpu.memory_space<hbm>>) dst(%dma_wait3A_1460 : memref<16x8x64xf32, #tpu.memory_space<vmem>>)
      %dma_wait3A_1465 = arith.constant 0 : i32
      %dma_wait3A_1466 = arith.constant 0 : i32
      %dma_wait3A_1467 = arith.constant 0 : i32
      %dma_wait3A_1468 = arith.constant 0 : i32
      %dma_wait3A_1469 = tpu.memref_slice %arg12[%dma_wait3A_1465, %dma_wait3A_1466, %dma_wait3A_1467, %dma_wait3A_1468] : memref<3x16x8x64xf32, #tpu.memory_space<vmem>> -> memref<1x16x8x64xf32, #tpu.memory_space<vmem>>
      %dma_wait3A_1470 = tpu.memref_squeeze %dma_wait3A_1469 : memref<1x16x8x64xf32, #tpu.memory_space<vmem>> -> memref<16x8x64xf32, #tpu.memory_space<vmem>>
      %dma_wait3A_1471 = arith.constant 0 : i32
      %dma_wait3A_1472 = arith.constant 0 : i32
      %dma_wait3A_1473 = arith.constant 0 : i32
      %dma_wait3A_1474 = tpu.memref_slice %arg6[%dma_wait3A_1471, %dma_wait3A_1472, %dma_wait3A_1473] : memref<125000x8x64xf32, #tpu.memory_space<hbm>> -> memref<16x8x64xf32, #tpu.memory_space<hbm>>
      %dma_wait3A_1475 = arith.constant 0 : i32
      %dma_wait3A_1476 = arith.constant 0 : i32
      %dma_wait3A_1477 = arith.constant 0 : i32
      %dma_wait3A_1478 = tpu.memref_slice %arg12[%dma_wait3A_1465, %dma_wait3A_1475, %dma_wait3A_1476, %dma_wait3A_1477] : memref<3x16x8x64xf32, #tpu.memory_space<vmem>> -> memref<1x16x8x64xf32, #tpu.memory_space<vmem>>
      %dma_wait3A_1479 = tpu.memref_squeeze %dma_wait3A_1478 : memref<1x16x8x64xf32, #tpu.memory_space<vmem>> -> memref<16x8x64xf32, #tpu.memory_space<vmem>>
      %dma_wait3A_1480 = arith.constant 0 : i32
      %dma_wait3A_1481 = arith.constant 0 : i32
      %dma_wait3A_1482 = arith.constant 0 : i32
      %dma_wait3A_1483 = tpu.memref_slice %arg6[%dma_wait3A_1480, %dma_wait3A_1481, %dma_wait3A_1482] : memref<125000x8x64xf32, #tpu.memory_space<hbm>> -> memref<16x8x64xf32, #tpu.memory_space<hbm>>
      tpu.wait_dma2 semaphore(%arg17 : memref<!tpu.dma_semaphore, #tpu.memory_space<semaphore_mem>>) src(%dma_wait3A_1483 : memref<16x8x64xf32, #tpu.memory_space<hbm>>) dst(%dma_wait3A_1479 : memref<16x8x64xf32, #tpu.memory_space<vmem>>)
      %add3A_1484 = arith.constant 0 : i32
      %add3A_1485 = arith.addi %mul3A_1431, %add3A_1484 : i32
      %get3A_1486 = arith.index_cast %add3A_1485 : i32 to index
      %get3A_1487 = tpu.vector_load %arg9[%get3A_1486] {strides = array<i32>} : memref<512xi32, #tpu.memory_space<vmem>>, vector<16xi32>,
      %add3A_1488 = arith.constant 0 : i32
      %add3A_1489 = arith.addi %mul3A_1431, %add3A_1488 : i32
      %get3A_1490 = arith.index_cast %add3A_1489 : i32 to index
      %get3A_1491 = tpu.vector_load %arg10[%get3A_1490] {strides = array<i32>} : memref<512xi32, #tpu.memory_space<vmem>>, vector<16xi32>,
      %and3A_1492 = arith.constant 7 : i32
      %and3A_1493 = vector.broadcast %and3A_1492 : i32 to vector<16xi32>
      %and3A_1494 = arith.andi %get3A_1487, %and3A_1493 : vector<16xi32>
      %and3A_1495 = arith.constant 7 : i32
      %and3A_1496 = vector.broadcast %and3A_1495 : i32 to vector<16xi32>
      %and3A_1497 = arith.andi %get3A_1491, %and3A_1496 : vector<16xi32>
      %add3A_1498 = arith.constant 0 : i32
      %add3A_1499 = arith.addi %mul3A_1431, %add3A_1498 : i32
      %get3A_1500 = arith.index_cast %add3A_1499 : i32 to index
      %get3A_1501 = tpu.vector_load %arg13[%get3A_1500] {strides = array<i32>} : memref<512xf32, #tpu.memory_space<vmem>>, vector<16xf32>,
      %add3A_1502 = arith.constant 0 : i32
      %add3A_1503 = arith.addi %mul3A_1431, %add3A_1502 : i32
      %get3A_1504 = arith.index_cast %add3A_1503 : i32 to index
      %get3A_1505 = tpu.vector_load %arg14[%get3A_1504] {strides = array<i32>} : memref<512xf32, #tpu.memory_space<vmem>>, vector<16xf32>,
      %add3A_1506 = arith.addf %get3A_1501, %get3A_1505 : vector<16xf32>
      %slice3A_1507 = vector.extract_strided_slice %and3A_1494 {offsets = [0], sizes = [1], strides = [1]} : vector<16xi32> to vector<1xi32>
      %squeeze3A_1508 = vector.extract %slice3A_1507[0] : i32 from vector<1xi32>
      %slice3A_1509 = vector.extract_strided_slice %and3A_1497 {offsets = [0], sizes = [1], strides = [1]} : vector<16xi32> to vector<1xi32>
      %squeeze3A_1510 = vector.extract %slice3A_1509[0] : i32 from vector<1xi32>
      %get3A_1511 = arith.constant 0 : i32
      %get3A_1512 = arith.index_cast %select_n3A_1440 : i32 to index
      %get3A_1513 = arith.index_cast %get3A_1511 : i32 to index
      %get3A_1514 = arith.index_cast %squeeze3A_1508 : i32 to index
      %get3A_1515 = arith.constant 0 : index
      %get3A_1516 = tpu.vector_load %arg11[%get3A_1512, %get3A_1513, %get3A_1514, %get3A_1515] {strides = array<i32>} : memref<3x16x8x64xf32, #tpu.memory_space<vmem>>, vector<16xf32>,
      %get3A_1517 = arith.constant 0 : i32
      %get3A_1518 = arith.index_cast %select_n3A_1440 : i32 to index
      %get3A_1519 = arith.index_cast %get3A_1517 : i32 to index
      %get3A_1520 = arith.index_cast %squeeze3A_1510 : i32 to index
      %get3A_1521 = arith.constant 0 : index
      %get3A_1522 = tpu.vector_load %arg12[%get3A_1518, %get3A_1519, %get3A_1520, %get3A_1521] {strides = array<i32>} : memref<3x16x8x64xf32, #tpu.memory_space<vmem>>, vector<16xf32>,
      %mul3A_1523 = arith.mulf %get3A_1516, %get3A_1522 : vector<16xf32>
      %get3A_1524 = arith.constant 0 : i32
      %get3A_1525 = arith.index_cast %select_n3A_1440 : i32 to index
      %get3A_1526 = arith.index_cast %get3A_1524 : i32 to index
      %get3A_1527 = arith.index_cast %squeeze3A_1508 : i32 to index
      %get3A_1528 = arith.constant 16 : index
      %get3A_1529 = tpu.vector_load %arg11[%get3A_1525, %get3A_1526, %get3A_1527, %get3A_1528] {strides = array<i32>} : memref<3x16x8x64xf32, #tpu.memory_space<vmem>>, vector<16xf32>,
      %get3A_1530 = arith.constant 0 : i32
      %get3A_1531 = arith.index_cast %select_n3A_1440 : i32 to index
      %get3A_1532 = arith.index_cast %get3A_1530 : i32 to index
      %get3A_1533 = arith.index_cast %squeeze3A_1510 : i32 to index
      %get3A_1534 = arith.constant 16 : index
      %get3A_1535 = tpu.vector_load %arg12[%get3A_1531, %get3A_1532, %get3A_1533, %get3A_1534] {strides = array<i32>} : memref<3x16x8x64xf32, #tpu.memory_space<vmem>>, vector<16xf32>,
      %mul3A_1536 = arith.mulf %get3A_1529, %get3A_1535 : vector<16xf32>
      %add3A_1537 = arith.addf %mul3A_1523, %mul3A_1536 : vector<16xf32>
      %get3A_1538 = arith.constant 0 : i32
      %get3A_1539 = arith.index_cast %select_n3A_1440 : i32 to index
      %get3A_1540 = arith.index_cast %get3A_1538 : i32 to index
      %get3A_1541 = arith.index_cast %squeeze3A_1508 : i32 to index
      %get3A_1542 = arith.constant 32 : index
      %get3A_1543 = tpu.vector_load %arg11[%get3A_1539, %get3A_1540, %get3A_1541, %get3A_1542] {strides = array<i32>} : memref<3x16x8x64xf32, #tpu.memory_space<vmem>>, vector<16xf32>,
      %get3A_1544 = arith.constant 0 : i32
      %get3A_1545 = arith.index_cast %select_n3A_1440 : i32 to index
      %get3A_1546 = arith.index_cast %get3A_1544 : i32 to index
      %get3A_1547 = arith.index_cast %squeeze3A_1510 : i32 to index
      %get3A_1548 = arith.constant 32 : index
      %get3A_1549 = tpu.vector_load %arg12[%get3A_1545, %get3A_1546, %get3A_1547, %get3A_1548] {strides = array<i32>} : memref<3x16x8x64xf32, #tpu.memory_space<vmem>>, vector<16xf32>,
      %mul3A_1550 = arith.mulf %get3A_1543, %get3A_1549 : vector<16xf32>
      %add3A_1551 = arith.addf %add3A_1537, %mul3A_1550 : vector<16xf32>
      %get3A_1552 = arith.constant 0 : i32
      %get3A_1553 = arith.index_cast %select_n3A_1440 : i32 to index
      %get3A_1554 = arith.index_cast %get3A_1552 : i32 to index
      %get3A_1555 = arith.index_cast %squeeze3A_1508 : i32 to index
      %get3A_1556 = arith.constant 48 : index
      %get3A_1557 = tpu.vector_load %arg11[%get3A_1553, %get3A_1554, %get3A_1555, %get3A_1556] {strides = array<i32>} : memref<3x16x8x64xf32, #tpu.memory_space<vmem>>, vector<16xf32>,
      %get3A_1558 = arith.constant 0 : i32
      %get3A_1559 = arith.index_cast %select_n3A_1440 : i32 to index
      %get3A_1560 = arith.index_cast %get3A_1558 : i32 to index
      %get3A_1561 = arith.index_cast %squeeze3A_1510 : i32 to index
      %get3A_1562 = arith.constant 48 : index
      %get3A_1563 = tpu.vector_load %arg12[%get3A_1559, %get3A_1560, %get3A_1561, %get3A_1562] {strides = array<i32>} : memref<3x16x8x64xf32, #tpu.memory_space<vmem>>, vector<16xf32>,
      %mul3A_1564 = arith.mulf %get3A_1557, %get3A_1563 : vector<16xf32>
      %add3A_1565 = arith.addf %add3A_1551, %mul3A_1564 : vector<16xf32>
      %eq3A_1566 = arith.constant 0 : i32
      %eq3A_1567 = vector.broadcast %eq3A_1566 : i32 to vector<16xi32>
      %eq3A_1568 = arith.cmpi eq, %iota3A, %eq3A_1567 : vector<16xi32>
      %reduce_sum3A = arith.constant true
      %reduce_sum3A_1569 = vector.broadcast %reduce_sum3A : i1 to vector<16xi1>
      %reduce_sum3A_1570 = tpu.scan <sum>, %add3A_1565 masked %reduce_sum3A_1569 : vector<16xf32>, vector<16xi1> -> vector<16xf32>
      %reduce_sum3A_1571 = vector.extract %reduce_sum3A_1570[15] : f32 from vector<16xf32>
      %add3A_1572 = vector.broadcast %reduce_sum3A_1571 : f32 to vector<16xf32>
      %add3A_1573 = arith.addf %add3A_1506, %add3A_1572 : vector<16xf32>
      %select_n3A_1574 = arith.select %eq3A_1568, %add3A_1573, %add3A_1506 : vector<16xi1>, vector<16xf32>
      %slice3A_1575 = vector.extract_strided_slice %and3A_1494 {offsets = [1], sizes = [1], strides = [1]} : vector<16xi32> to vector<1xi32>
      %squeeze3A_1576 = vector.extract %slice3A_1575[0] : i32 from vector<1xi32>
      %slice3A_1577 = vector.extract_strided_slice %and3A_1497 {offsets = [1], sizes = [1], strides = [1]} : vector<16xi32> to vector<1xi32>
      %squeeze3A_1578 = vector.extract %slice3A_1577[0] : i32 from vector<1xi32>
      %get3A_1579 = arith.constant 1 : i32
      %get3A_1580 = arith.index_cast %select_n3A_1440 : i32 to index
      %get3A_1581 = arith.index_cast %get3A_1579 : i32 to index
      %get3A_1582 = arith.index_cast %squeeze3A_1576 : i32 to index
      %get3A_1583 = arith.constant 0 : index
      %get3A_1584 = tpu.vector_load %arg11[%get3A_1580, %get3A_1581, %get3A_1582, %get3A_1583] {strides = array<i32>} : memref<3x16x8x64xf32, #tpu.memory_space<vmem>>, vector<16xf32>,
      %get3A_1585 = arith.constant 1 : i32
      %get3A_1586 = arith.index_cast %select_n3A_1440 : i32 to index
      %get3A_1587 = arith.index_cast %get3A_1585 : i32 to index
      %get3A_1588 = arith.index_cast %squeeze3A_1578 : i32 to index
      %get3A_1589 = arith.constant 0 : index
      %get3A_1590 = tpu.vector_load %arg12[%get3A_1586, %get3A_1587, %get3A_1588, %get3A_1589] {strides = array<i32>} : memref<3x16x8x64xf32, #tpu.memory_space<vmem>>, vector<16xf32>,
      %mul3A_1591 = arith.mulf %get3A_1584, %get3A_1590 : vector<16xf32>
      %get3A_1592 = arith.constant 1 : i32
      %get3A_1593 = arith.index_cast %select_n3A_1440 : i32 to index
      %get3A_1594 = arith.index_cast %get3A_1592 : i32 to index
      %get3A_1595 = arith.index_cast %squeeze3A_1576 : i32 to index
      %get3A_1596 = arith.constant 16 : index
      %get3A_1597 = tpu.vector_load %arg11[%get3A_1593, %get3A_1594, %get3A_1595, %get3A_1596] {strides = array<i32>} : memref<3x16x8x64xf32, #tpu.memory_space<vmem>>, vector<16xf32>,
      %get3A_1598 = arith.constant 1 : i32
      %get3A_1599 = arith.index_cast %select_n3A_1440 : i32 to index
      %get3A_1600 = arith.index_cast %get3A_1598 : i32 to index
      %get3A_1601 = arith.index_cast %squeeze3A_1578 : i32 to index
      %get3A_1602 = arith.constant 16 : index
      %get3A_1603 = tpu.vector_load %arg12[%get3A_1599, %get3A_1600, %get3A_1601, %get3A_1602] {strides = array<i32>} : memref<3x16x8x64xf32, #tpu.memory_space<vmem>>, vector<16xf32>,
      %mul3A_1604 = arith.mulf %get3A_1597, %get3A_1603 : vector<16xf32>
      %add3A_1605 = arith.addf %mul3A_1591, %mul3A_1604 : vector<16xf32>
      %get3A_1606 = arith.constant 1 : i32
      %get3A_1607 = arith.index_cast %select_n3A_1440 : i32 to index
      %get3A_1608 = arith.index_cast %get3A_1606 : i32 to index
      %get3A_1609 = arith.index_cast %squeeze3A_1576 : i32 to index
      %get3A_1610 = arith.constant 32 : index
      %get3A_1611 = tpu.vector_load %arg11[%get3A_1607, %get3A_1608, %get3A_1609, %get3A_1610] {strides = array<i32>} : memref<3x16x8x64xf32, #tpu.memory_space<vmem>>, vector<16xf32>,
      %get3A_1612 = arith.constant 1 : i32
      %get3A_1613 = arith.index_cast %select_n3A_1440 : i32 to index
      %get3A_1614 = arith.index_cast %get3A_1612 : i32 to index
      %get3A_1615 = arith.index_cast %squeeze3A_1578 : i32 to index
      %get3A_1616 = arith.constant 32 : index
      %get3A_1617 = tpu.vector_load %arg12[%get3A_1613, %get3A_1614, %get3A_1615, %get3A_1616] {strides = array<i32>} : memref<3x16x8x64xf32, #tpu.memory_space<vmem>>, vector<16xf32>,
      %mul3A_1618 = arith.mulf %get3A_1611, %get3A_1617 : vector<16xf32>
      %add3A_1619 = arith.addf %add3A_1605, %mul3A_1618 : vector<16xf32>
      %get3A_1620 = arith.constant 1 : i32
      %get3A_1621 = arith.index_cast %select_n3A_1440 : i32 to index
      %get3A_1622 = arith.index_cast %get3A_1620 : i32 to index
      %get3A_1623 = arith.index_cast %squeeze3A_1576 : i32 to index
      %get3A_1624 = arith.constant 48 : index
      %get3A_1625 = tpu.vector_load %arg11[%get3A_1621, %get3A_1622, %get3A_1623, %get3A_1624] {strides = array<i32>} : memref<3x16x8x64xf32, #tpu.memory_space<vmem>>, vector<16xf32>,
      %get3A_1626 = arith.constant 1 : i32
      %get3A_1627 = arith.index_cast %select_n3A_1440 : i32 to index
      %get3A_1628 = arith.index_cast %get3A_1626 : i32 to index
      %get3A_1629 = arith.index_cast %squeeze3A_1578 : i32 to index
      %get3A_1630 = arith.constant 48 : index
      %get3A_1631 = tpu.vector_load %arg12[%get3A_1627, %get3A_1628, %get3A_1629, %get3A_1630] {strides = array<i32>} : memref<3x16x8x64xf32, #tpu.memory_space<vmem>>, vector<16xf32>,
      %mul3A_1632 = arith.mulf %get3A_1625, %get3A_1631 : vector<16xf32>
      %add3A_1633 = arith.addf %add3A_1619, %mul3A_1632 : vector<16xf32>
      %eq3A_1634 = arith.constant 1 : i32
      %eq3A_1635 = vector.broadcast %eq3A_1634 : i32 to vector<16xi32>
      %eq3A_1636 = arith.cmpi eq, %iota3A, %eq3A_1635 : vector<16xi32>
      %reduce_sum3A_1637 = arith.constant true
      %reduce_sum3A_1638 = vector.broadcast %reduce_sum3A_1637 : i1 to vector<16xi1>
      %reduce_sum3A_1639 = tpu.scan <sum>, %add3A_1633 masked %reduce_sum3A_1638 : vector<16xf32>, vector<16xi1> -> vector<16xf32>
      %reduce_sum3A_1640 = vector.extract %reduce_sum3A_1639[15] : f32 from vector<16xf32>
      %add3A_1641 = vector.broadcast %reduce_sum3A_1640 : f32 to vector<16xf32>
      %add3A_1642 = arith.addf %select_n3A_1574, %add3A_1641 : vector<16xf32>
      %select_n3A_1643 = arith.select %eq3A_1636, %add3A_1642, %select_n3A_1574 : vector<16xi1>, vector<16xf32>
      %slice3A_1644 = vector.extract_strided_slice %and3A_1494 {offsets = [2], sizes = [1], strides = [1]} : vector<16xi32> to vector<1xi32>
      %squeeze3A_1645 = vector.extract %slice3A_1644[0] : i32 from vector<1xi32>
      %slice3A_1646 = vector.extract_strided_slice %and3A_1497 {offsets = [2], sizes = [1], strides = [1]} : vector<16xi32> to vector<1xi32>
      %squeeze3A_1647 = vector.extract %slice3A_1646[0] : i32 from vector<1xi32>
      %get3A_1648 = arith.constant 2 : i32
      %get3A_1649 = arith.index_cast %select_n3A_1440 : i32 to index
      %get3A_1650 = arith.index_cast %get3A_1648 : i32 to index
      %get3A_1651 = arith.index_cast %squeeze3A_1645 : i32 to index
      %get3A_1652 = arith.constant 0 : index
      %get3A_1653 = tpu.vector_load %arg11[%get3A_1649, %get3A_1650, %get3A_1651, %get3A_1652] {strides = array<i32>} : memref<3x16x8x64xf32, #tpu.memory_space<vmem>>, vector<16xf32>,
      %get3A_1654 = arith.constant 2 : i32
      %get3A_1655 = arith.index_cast %select_n3A_1440 : i32 to index
      %get3A_1656 = arith.index_cast %get3A_1654 : i32 to index
      %get3A_1657 = arith.index_cast %squeeze3A_1647 : i32 to index
      %get3A_1658 = arith.constant 0 : index
      %get3A_1659 = tpu.vector_load %arg12[%get3A_1655, %get3A_1656, %get3A_1657, %get3A_1658] {strides = array<i32>} : memref<3x16x8x64xf32, #tpu.memory_space<vmem>>, vector<16xf32>,
      %mul3A_1660 = arith.mulf %get3A_1653, %get3A_1659 : vector<16xf32>
      %get3A_1661 = arith.constant 2 : i32
      %get3A_1662 = arith.index_cast %select_n3A_1440 : i32 to index
      %get3A_1663 = arith.index_cast %get3A_1661 : i32 to index
      %get3A_1664 = arith.index_cast %squeeze3A_1645 : i32 to index
      %get3A_1665 = arith.constant 16 : index
      %get3A_1666 = tpu.vector_load %arg11[%get3A_1662, %get3A_1663, %get3A_1664, %get3A_1665] {strides = array<i32>} : memref<3x16x8x64xf32, #tpu.memory_space<vmem>>, vector<16xf32>,
      %get3A_1667 = arith.constant 2 : i32
      %get3A_1668 = arith.index_cast %select_n3A_1440 : i32 to index
      %get3A_1669 = arith.index_cast %get3A_1667 : i32 to index
      %get3A_1670 = arith.index_cast %squeeze3A_1647 : i32 to index
      %get3A_1671 = arith.constant 16 : index
      %get3A_1672 = tpu.vector_load %arg12[%get3A_1668, %get3A_1669, %get3A_1670, %get3A_1671] {strides = array<i32>} : memref<3x16x8x64xf32, #tpu.memory_space<vmem>>, vector<16xf32>,
      %mul3A_1673 = arith.mulf %get3A_1666, %get3A_1672 : vector<16xf32>
      %add3A_1674 = arith.addf %mul3A_1660, %mul3A_1673 : vector<16xf32>
      %get3A_1675 = arith.constant 2 : i32
      %get3A_1676 = arith.index_cast %select_n3A_1440 : i32 to index
      %get3A_1677 = arith.index_cast %get3A_1675 : i32 to index
      %get3A_1678 = arith.index_cast %squeeze3A_1645 : i32 to index
      %get3A_1679 = arith.constant 32 : index
      %get3A_1680 = tpu.vector_load %arg11[%get3A_1676, %get3A_1677, %get3A_1678, %get3A_1679] {strides = array<i32>} : memref<3x16x8x64xf32, #tpu.memory_space<vmem>>, vector<16xf32>,
      %get3A_1681 = arith.constant 2 : i32
      %get3A_1682 = arith.index_cast %select_n3A_1440 : i32 to index
      %get3A_1683 = arith.index_cast %get3A_1681 : i32 to index
      %get3A_1684 = arith.index_cast %squeeze3A_1647 : i32 to index
      %get3A_1685 = arith.constant 32 : index
      %get3A_1686 = tpu.vector_load %arg12[%get3A_1682, %get3A_1683, %get3A_1684, %get3A_1685] {strides = array<i32>} : memref<3x16x8x64xf32, #tpu.memory_space<vmem>>, vector<16xf32>,
      %mul3A_1687 = arith.mulf %get3A_1680, %get3A_1686 : vector<16xf32>
      %add3A_1688 = arith.addf %add3A_1674, %mul3A_1687 : vector<16xf32>
      %get3A_1689 = arith.constant 2 : i32
      %get3A_1690 = arith.index_cast %select_n3A_1440 : i32 to index
      %get3A_1691 = arith.index_cast %get3A_1689 : i32 to index
      %get3A_1692 = arith.index_cast %squeeze3A_1645 : i32 to index
      %get3A_1693 = arith.constant 48 : index
      %get3A_1694 = tpu.vector_load %arg11[%get3A_1690, %get3A_1691, %get3A_1692, %get3A_1693] {strides = array<i32>} : memref<3x16x8x64xf32, #tpu.memory_space<vmem>>, vector<16xf32>,
      %get3A_1695 = arith.constant 2 : i32
      %get3A_1696 = arith.index_cast %select_n3A_1440 : i32 to index
      %get3A_1697 = arith.index_cast %get3A_1695 : i32 to index
      %get3A_1698 = arith.index_cast %squeeze3A_1647 : i32 to index
      %get3A_1699 = arith.constant 48 : index
      %get3A_1700 = tpu.vector_load %arg12[%get3A_1696, %get3A_1697, %get3A_1698, %get3A_1699] {strides = array<i32>} : memref<3x16x8x64xf32, #tpu.memory_space<vmem>>, vector<16xf32>,
      %mul3A_1701 = arith.mulf %get3A_1694, %get3A_1700 : vector<16xf32>
      %add3A_1702 = arith.addf %add3A_1688, %mul3A_1701 : vector<16xf32>
      %eq3A_1703 = arith.constant 2 : i32
      %eq3A_1704 = vector.broadcast %eq3A_1703 : i32 to vector<16xi32>
      %eq3A_1705 = arith.cmpi eq, %iota3A, %eq3A_1704 : vector<16xi32>
      %reduce_sum3A_1706 = arith.constant true
      %reduce_sum3A_1707 = vector.broadcast %reduce_sum3A_1706 : i1 to vector<16xi1>
      %reduce_sum3A_1708 = tpu.scan <sum>, %add3A_1702 masked %reduce_sum3A_1707 : vector<16xf32>, vector<16xi1> -> vector<16xf32>
      %reduce_sum3A_1709 = vector.extract %reduce_sum3A_1708[15] : f32 from vector<16xf32>
      %add3A_1710 = vector.broadcast %reduce_sum3A_1709 : f32 to vector<16xf32>
      %add3A_1711 = arith.addf %select_n3A_1643, %add3A_1710 : vector<16xf32>
      %select_n3A_1712 = arith.select %eq3A_1705, %add3A_1711, %select_n3A_1643 : vector<16xi1>, vector<16xf32>
      %slice3A_1713 = vector.extract_strided_slice %and3A_1494 {offsets = [3], sizes = [1], strides = [1]} : vector<16xi32> to vector<1xi32>
      %squeeze3A_1714 = vector.extract %slice3A_1713[0] : i32 from vector<1xi32>
      %slice3A_1715 = vector.extract_strided_slice %and3A_1497 {offsets = [3], sizes = [1], strides = [1]} : vector<16xi32> to vector<1xi32>
      %squeeze3A_1716 = vector.extract %slice3A_1715[0] : i32 from vector<1xi32>
      %get3A_1717 = arith.constant 3 : i32
      %get3A_1718 = arith.index_cast %select_n3A_1440 : i32 to index
      %get3A_1719 = arith.index_cast %get3A_1717 : i32 to index
      %get3A_1720 = arith.index_cast %squeeze3A_1714 : i32 to index
      %get3A_1721 = arith.constant 0 : index
      %get3A_1722 = tpu.vector_load %arg11[%get3A_1718, %get3A_1719, %get3A_1720, %get3A_1721] {strides = array<i32>} : memref<3x16x8x64xf32, #tpu.memory_space<vmem>>, vector<16xf32>,
      %get3A_1723 = arith.constant 3 : i32
      %get3A_1724 = arith.index_cast %select_n3A_1440 : i32 to index
      %get3A_1725 = arith.index_cast %get3A_1723 : i32 to index
      %get3A_1726 = arith.index_cast %squeeze3A_1716 : i32 to index
      %get3A_1727 = arith.constant 0 : index
      %get3A_1728 = tpu.vector_load %arg12[%get3A_1724, %get3A_1725, %get3A_1726, %get3A_1727] {strides = array<i32>} : memref<3x16x8x64xf32, #tpu.memory_space<vmem>>, vector<16xf32>,
      %mul3A_1729 = arith.mulf %get3A_1722, %get3A_1728 : vector<16xf32>
      %get3A_1730 = arith.constant 3 : i32
      %get3A_1731 = arith.index_cast %select_n3A_1440 : i32 to index
      %get3A_1732 = arith.index_cast %get3A_1730 : i32 to index
      %get3A_1733 = arith.index_cast %squeeze3A_1714 : i32 to index
      %get3A_1734 = arith.constant 16 : index
      %get3A_1735 = tpu.vector_load %arg11[%get3A_1731, %get3A_1732, %get3A_1733, %get3A_1734] {strides = array<i32>} : memref<3x16x8x64xf32, #tpu.memory_space<vmem>>, vector<16xf32>,
      %get3A_1736 = arith.constant 3 : i32
      %get3A_1737 = arith.index_cast %select_n3A_1440 : i32 to index
      %get3A_1738 = arith.index_cast %get3A_1736 : i32 to index
      %get3A_1739 = arith.index_cast %squeeze3A_1716 : i32 to index
      %get3A_1740 = arith.constant 16 : index
      %get3A_1741 = tpu.vector_load %arg12[%get3A_1737, %get3A_1738, %get3A_1739, %get3A_1740] {strides = array<i32>} : memref<3x16x8x64xf32, #tpu.memory_space<vmem>>, vector<16xf32>,
      %mul3A_1742 = arith.mulf %get3A_1735, %get3A_1741 : vector<16xf32>
      %add3A_1743 = arith.addf %mul3A_1729, %mul3A_1742 : vector<16xf32>
      %get3A_1744 = arith.constant 3 : i32
      %get3A_1745 = arith.index_cast %select_n3A_1440 : i32 to index
      %get3A_1746 = arith.index_cast %get3A_1744 : i32 to index
      %get3A_1747 = arith.index_cast %squeeze3A_1714 : i32 to index
      %get3A_1748 = arith.constant 32 : index
      %get3A_1749 = tpu.vector_load %arg11[%get3A_1745, %get3A_1746, %get3A_1747, %get3A_1748] {strides = array<i32>} : memref<3x16x8x64xf32, #tpu.memory_space<vmem>>, vector<16xf32>,
      %get3A_1750 = arith.constant 3 : i32
      %get3A_1751 = arith.index_cast %select_n3A_1440 : i32 to index
      %get3A_1752 = arith.index_cast %get3A_1750 : i32 to index
      %get3A_1753 = arith.index_cast %squeeze3A_1716 : i32 to index
      %get3A_1754 = arith.constant 32 : index
      %get3A_1755 = tpu.vector_load %arg12[%get3A_1751, %get3A_1752, %get3A_1753, %get3A_1754] {strides = array<i32>} : memref<3x16x8x64xf32, #tpu.memory_space<vmem>>, vector<16xf32>,
      %mul3A_1756 = arith.mulf %get3A_1749, %get3A_1755 : vector<16xf32>
      %add3A_1757 = arith.addf %add3A_1743, %mul3A_1756 : vector<16xf32>
      %get3A_1758 = arith.constant 3 : i32
      %get3A_1759 = arith.index_cast %select_n3A_1440 : i32 to index
      %get3A_1760 = arith.index_cast %get3A_1758 : i32 to index
      %get3A_1761 = arith.index_cast %squeeze3A_1714 : i32 to index
      %get3A_1762 = arith.constant 48 : index
      %get3A_1763 = tpu.vector_load %arg11[%get3A_1759, %get3A_1760, %get3A_1761, %get3A_1762] {strides = array<i32>} : memref<3x16x8x64xf32, #tpu.memory_space<vmem>>, vector<16xf32>,
      %get3A_1764 = arith.constant 3 : i32
      %get3A_1765 = arith.index_cast %select_n3A_1440 : i32 to index
      %get3A_1766 = arith.index_cast %get3A_1764 : i32 to index
      %get3A_1767 = arith.index_cast %squeeze3A_1716 : i32 to index
      %get3A_1768 = arith.constant 48 : index
      %get3A_1769 = tpu.vector_load %arg12[%get3A_1765, %get3A_1766, %get3A_1767, %get3A_1768] {strides = array<i32>} : memref<3x16x8x64xf32, #tpu.memory_space<vmem>>, vector<16xf32>,
      %mul3A_1770 = arith.mulf %get3A_1763, %get3A_1769 : vector<16xf32>
      %add3A_1771 = arith.addf %add3A_1757, %mul3A_1770 : vector<16xf32>
      %eq3A_1772 = arith.constant 3 : i32
      %eq3A_1773 = vector.broadcast %eq3A_1772 : i32 to vector<16xi32>
      %eq3A_1774 = arith.cmpi eq, %iota3A, %eq3A_1773 : vector<16xi32>
      %reduce_sum3A_1775 = arith.constant true
      %reduce_sum3A_1776 = vector.broadcast %reduce_sum3A_1775 : i1 to vector<16xi1>
      %reduce_sum3A_1777 = tpu.scan <sum>, %add3A_1771 masked %reduce_sum3A_1776 : vector<16xf32>, vector<16xi1> -> vector<16xf32>
      %reduce_sum3A_1778 = vector.extract %reduce_sum3A_1777[15] : f32 from vector<16xf32>
      %add3A_1779 = vector.broadcast %reduce_sum3A_1778 : f32 to vector<16xf32>
      %add3A_1780 = arith.addf %select_n3A_1712, %add3A_1779 : vector<16xf32>
      %select_n3A_1781 = arith.select %eq3A_1774, %add3A_1780, %select_n3A_1712 : vector<16xi1>, vector<16xf32>
      %slice3A_1782 = vector.extract_strided_slice %and3A_1494 {offsets = [4], sizes = [1], strides = [1]} : vector<16xi32> to vector<1xi32>
      %squeeze3A_1783 = vector.extract %slice3A_1782[0] : i32 from vector<1xi32>
      %slice3A_1784 = vector.extract_strided_slice %and3A_1497 {offsets = [4], sizes = [1], strides = [1]} : vector<16xi32> to vector<1xi32>
      %squeeze3A_1785 = vector.extract %slice3A_1784[0] : i32 from vector<1xi32>
      %get3A_1786 = arith.constant 4 : i32
      %get3A_1787 = arith.index_cast %select_n3A_1440 : i32 to index
      %get3A_1788 = arith.index_cast %get3A_1786 : i32 to index
      %get3A_1789 = arith.index_cast %squeeze3A_1783 : i32 to index
      %get3A_1790 = arith.constant 0 : index
      %get3A_1791 = tpu.vector_load %arg11[%get3A_1787, %get3A_1788, %get3A_1789, %get3A_1790] {strides = array<i32>} : memref<3x16x8x64xf32, #tpu.memory_space<vmem>>, vector<16xf32>,
      %get3A_1792 = arith.constant 4 : i32
      %get3A_1793 = arith.index_cast %select_n3A_1440 : i32 to index
      %get3A_1794 = arith.index_cast %get3A_1792 : i32 to index
      %get3A_1795 = arith.index_cast %squeeze3A_1785 : i32 to index
      %get3A_1796 = arith.constant 0 : index
      %get3A_1797 = tpu.vector_load %arg12[%get3A_1793, %get3A_1794, %get3A_1795, %get3A_1796] {strides = array<i32>} : memref<3x16x8x64xf32, #tpu.memory_space<vmem>>, vector<16xf32>,
      %mul3A_1798 = arith.mulf %get3A_1791, %get3A_1797 : vector<16xf32>
      %get3A_1799 = arith.constant 4 : i32
      %get3A_1800 = arith.index_cast %select_n3A_1440 : i32 to index
      %get3A_1801 = arith.index_cast %get3A_1799 : i32 to index
      %get3A_1802 = arith.index_cast %squeeze3A_1783 : i32 to index
      %get3A_1803 = arith.constant 16 : index
      %get3A_1804 = tpu.vector_load %arg11[%get3A_1800, %get3A_1801, %get3A_1802, %get3A_1803] {strides = array<i32>} : memref<3x16x8x64xf32, #tpu.memory_space<vmem>>, vector<16xf32>,
      %get3A_1805 = arith.constant 4 : i32
      %get3A_1806 = arith.index_cast %select_n3A_1440 : i32 to index
      %get3A_1807 = arith.index_cast %get3A_1805 : i32 to index
      %get3A_1808 = arith.index_cast %squeeze3A_1785 : i32 to index
      %get3A_1809 = arith.constant 16 : index
      %get3A_1810 = tpu.vector_load %arg12[%get3A_1806, %get3A_1807, %get3A_1808, %get3A_1809] {strides = array<i32>} : memref<3x16x8x64xf32, #tpu.memory_space<vmem>>, vector<16xf32>,
      %mul3A_1811 = arith.mulf %get3A_1804, %get3A_1810 : vector<16xf32>
      %add3A_1812 = arith.addf %mul3A_1798, %mul3A_1811 : vector<16xf32>
      %get3A_1813 = arith.constant 4 : i32
      %get3A_1814 = arith.index_cast %select_n3A_1440 : i32 to index
      %get3A_1815 = arith.index_cast %get3A_1813 : i32 to index
      %get3A_1816 = arith.index_cast %squeeze3A_1783 : i32 to index
      %get3A_1817 = arith.constant 32 : index
      %get3A_1818 = tpu.vector_load %arg11[%get3A_1814, %get3A_1815, %get3A_1816, %get3A_1817] {strides = array<i32>} : memref<3x16x8x64xf32, #tpu.memory_space<vmem>>, vector<16xf32>,
      %get3A_1819 = arith.constant 4 : i32
      %get3A_1820 = arith.index_cast %select_n3A_1440 : i32 to index
      %get3A_1821 = arith.index_cast %get3A_1819 : i32 to index
      %get3A_1822 = arith.index_cast %squeeze3A_1785 : i32 to index
      %get3A_1823 = arith.constant 32 : index
      %get3A_1824 = tpu.vector_load %arg12[%get3A_1820, %get3A_1821, %get3A_1822, %get3A_1823] {strides = array<i32>} : memref<3x16x8x64xf32, #tpu.memory_space<vmem>>, vector<16xf32>,
      %mul3A_1825 = arith.mulf %get3A_1818, %get3A_1824 : vector<16xf32>
      %add3A_1826 = arith.addf %add3A_1812, %mul3A_1825 : vector<16xf32>
      %get3A_1827 = arith.constant 4 : i32
      %get3A_1828 = arith.index_cast %select_n3A_1440 : i32 to index
      %get3A_1829 = arith.index_cast %get3A_1827 : i32 to index
      %get3A_1830 = arith.index_cast %squeeze3A_1783 : i32 to index
      %get3A_1831 = arith.constant 48 : index
      %get3A_1832 = tpu.vector_load %arg11[%get3A_1828, %get3A_1829, %get3A_1830, %get3A_1831] {strides = array<i32>} : memref<3x16x8x64xf32, #tpu.memory_space<vmem>>, vector<16xf32>,
      %get3A_1833 = arith.constant 4 : i32
      %get3A_1834 = arith.index_cast %select_n3A_1440 : i32 to index
      %get3A_1835 = arith.index_cast %get3A_1833 : i32 to index
      %get3A_1836 = arith.index_cast %squeeze3A_1785 : i32 to index
      %get3A_1837 = arith.constant 48 : index
      %get3A_1838 = tpu.vector_load %arg12[%get3A_1834, %get3A_1835, %get3A_1836, %get3A_1837] {strides = array<i32>} : memref<3x16x8x64xf32, #tpu.memory_space<vmem>>, vector<16xf32>,
      %mul3A_1839 = arith.mulf %get3A_1832, %get3A_1838 : vector<16xf32>
      %add3A_1840 = arith.addf %add3A_1826, %mul3A_1839 : vector<16xf32>
      %eq3A_1841 = arith.constant 4 : i32
      %eq3A_1842 = vector.broadcast %eq3A_1841 : i32 to vector<16xi32>
      %eq3A_1843 = arith.cmpi eq, %iota3A, %eq3A_1842 : vector<16xi32>
      %reduce_sum3A_1844 = arith.constant true
      %reduce_sum3A_1845 = vector.broadcast %reduce_sum3A_1844 : i1 to vector<16xi1>
      %reduce_sum3A_1846 = tpu.scan <sum>, %add3A_1840 masked %reduce_sum3A_1845 : vector<16xf32>, vector<16xi1> -> vector<16xf32>
      %reduce_sum3A_1847 = vector.extract %reduce_sum3A_1846[15] : f32 from vector<16xf32>
      %add3A_1848 = vector.broadcast %reduce_sum3A_1847 : f32 to vector<16xf32>
      %add3A_1849 = arith.addf %select_n3A_1781, %add3A_1848 : vector<16xf32>
      %select_n3A_1850 = arith.select %eq3A_1843, %add3A_1849, %select_n3A_1781 : vector<16xi1>, vector<16xf32>
      %slice3A_1851 = vector.extract_strided_slice %and3A_1494 {offsets = [5], sizes = [1], strides = [1]} : vector<16xi32> to vector<1xi32>
      %squeeze3A_1852 = vector.extract %slice3A_1851[0] : i32 from vector<1xi32>
      %slice3A_1853 = vector.extract_strided_slice %and3A_1497 {offsets = [5], sizes = [1], strides = [1]} : vector<16xi32> to vector<1xi32>
      %squeeze3A_1854 = vector.extract %slice3A_1853[0] : i32 from vector<1xi32>
      %get3A_1855 = arith.constant 5 : i32
      %get3A_1856 = arith.index_cast %select_n3A_1440 : i32 to index
      %get3A_1857 = arith.index_cast %get3A_1855 : i32 to index
      %get3A_1858 = arith.index_cast %squeeze3A_1852 : i32 to index
      %get3A_1859 = arith.constant 0 : index
      %get3A_1860 = tpu.vector_load %arg11[%get3A_1856, %get3A_1857, %get3A_1858, %get3A_1859] {strides = array<i32>} : memref<3x16x8x64xf32, #tpu.memory_space<vmem>>, vector<16xf32>,
      %get3A_1861 = arith.constant 5 : i32
      %get3A_1862 = arith.index_cast %select_n3A_1440 : i32 to index
      %get3A_1863 = arith.index_cast %get3A_1861 : i32 to index
      %get3A_1864 = arith.index_cast %squeeze3A_1854 : i32 to index
      %get3A_1865 = arith.constant 0 : index
      %get3A_1866 = tpu.vector_load %arg12[%get3A_1862, %get3A_1863, %get3A_1864, %get3A_1865] {strides = array<i32>} : memref<3x16x8x64xf32, #tpu.memory_space<vmem>>, vector<16xf32>,
      %mul3A_1867 = arith.mulf %get3A_1860, %get3A_1866 : vector<16xf32>
      %get3A_1868 = arith.constant 5 : i32
      %get3A_1869 = arith.index_cast %select_n3A_1440 : i32 to index
      %get3A_1870 = arith.index_cast %get3A_1868 : i32 to index
      %get3A_1871 = arith.index_cast %squeeze3A_1852 : i32 to index
      %get3A_1872 = arith.constant 16 : index
      %get3A_1873 = tpu.vector_load %arg11[%get3A_1869, %get3A_1870, %get3A_1871, %get3A_1872] {strides = array<i32>} : memref<3x16x8x64xf32, #tpu.memory_space<vmem>>, vector<16xf32>,
      %get3A_1874 = arith.constant 5 : i32
      %get3A_1875 = arith.index_cast %select_n3A_1440 : i32 to index
      %get3A_1876 = arith.index_cast %get3A_1874 : i32 to index
      %get3A_1877 = arith.index_cast %squeeze3A_1854 : i32 to index
      %get3A_1878 = arith.constant 16 : index
      %get3A_1879 = tpu.vector_load %arg12[%get3A_1875, %get3A_1876, %get3A_1877, %get3A_1878] {strides = array<i32>} : memref<3x16x8x64xf32, #tpu.memory_space<vmem>>, vector<16xf32>,
      %mul3A_1880 = arith.mulf %get3A_1873, %get3A_1879 : vector<16xf32>
      %add3A_1881 = arith.addf %mul3A_1867, %mul3A_1880 : vector<16xf32>
      %get3A_1882 = arith.constant 5 : i32
      %get3A_1883 = arith.index_cast %select_n3A_1440 : i32 to index
      %get3A_1884 = arith.index_cast %get3A_1882 : i32 to index
      %get3A_1885 = arith.index_cast %squeeze3A_1852 : i32 to index
      %get3A_1886 = arith.constant 32 : index
      %get3A_1887 = tpu.vector_load %arg11[%get3A_1883, %get3A_1884, %get3A_1885, %get3A_1886] {strides = array<i32>} : memref<3x16x8x64xf32, #tpu.memory_space<vmem>>, vector<16xf32>,
      %get3A_1888 = arith.constant 5 : i32
      %get3A_1889 = arith.index_cast %select_n3A_1440 : i32 to index
      %get3A_1890 = arith.index_cast %get3A_1888 : i32 to index
      %get3A_1891 = arith.index_cast %squeeze3A_1854 : i32 to index
      %get3A_1892 = arith.constant 32 : index
      %get3A_1893 = tpu.vector_load %arg12[%get3A_1889, %get3A_1890, %get3A_1891, %get3A_1892] {strides = array<i32>} : memref<3x16x8x64xf32, #tpu.memory_space<vmem>>, vector<16xf32>,
      %mul3A_1894 = arith.mulf %get3A_1887, %get3A_1893 : vector<16xf32>
      %add3A_1895 = arith.addf %add3A_1881, %mul3A_1894 : vector<16xf32>
      %get3A_1896 = arith.constant 5 : i32
      %get3A_1897 = arith.index_cast %select_n3A_1440 : i32 to index
      %get3A_1898 = arith.index_cast %get3A_1896 : i32 to index
      %get3A_1899 = arith.index_cast %squeeze3A_1852 : i32 to index
      %get3A_1900 = arith.constant 48 : index
      %get3A_1901 = tpu.vector_load %arg11[%get3A_1897, %get3A_1898, %get3A_1899, %get3A_1900] {strides = array<i32>} : memref<3x16x8x64xf32, #tpu.memory_space<vmem>>, vector<16xf32>,
      %get3A_1902 = arith.constant 5 : i32
      %get3A_1903 = arith.index_cast %select_n3A_1440 : i32 to index
      %get3A_1904 = arith.index_cast %get3A_1902 : i32 to index
      %get3A_1905 = arith.index_cast %squeeze3A_1854 : i32 to index
      %get3A_1906 = arith.constant 48 : index
      %get3A_1907 = tpu.vector_load %arg12[%get3A_1903, %get3A_1904, %get3A_1905, %get3A_1906] {strides = array<i32>} : memref<3x16x8x64xf32, #tpu.memory_space<vmem>>, vector<16xf32>,
      %mul3A_1908 = arith.mulf %get3A_1901, %get3A_1907 : vector<16xf32>
      %add3A_1909 = arith.addf %add3A_1895, %mul3A_1908 : vector<16xf32>
      %eq3A_1910 = arith.constant 5 : i32
      %eq3A_1911 = vector.broadcast %eq3A_1910 : i32 to vector<16xi32>
      %eq3A_1912 = arith.cmpi eq, %iota3A, %eq3A_1911 : vector<16xi32>
      %reduce_sum3A_1913 = arith.constant true
      %reduce_sum3A_1914 = vector.broadcast %reduce_sum3A_1913 : i1 to vector<16xi1>
      %reduce_sum3A_1915 = tpu.scan <sum>, %add3A_1909 masked %reduce_sum3A_1914 : vector<16xf32>, vector<16xi1> -> vector<16xf32>
      %reduce_sum3A_1916 = vector.extract %reduce_sum3A_1915[15] : f32 from vector<16xf32>
      %add3A_1917 = vector.broadcast %reduce_sum3A_1916 : f32 to vector<16xf32>
      %add3A_1918 = arith.addf %select_n3A_1850, %add3A_1917 : vector<16xf32>
      %select_n3A_1919 = arith.select %eq3A_1912, %add3A_1918, %select_n3A_1850 : vector<16xi1>, vector<16xf32>
      %slice3A_1920 = vector.extract_strided_slice %and3A_1494 {offsets = [6], sizes = [1], strides = [1]} : vector<16xi32> to vector<1xi32>
      %squeeze3A_1921 = vector.extract %slice3A_1920[0] : i32 from vector<1xi32>
      %slice3A_1922 = vector.extract_strided_slice %and3A_1497 {offsets = [6], sizes = [1], strides = [1]} : vector<16xi32> to vector<1xi32>
      %squeeze3A_1923 = vector.extract %slice3A_1922[0] : i32 from vector<1xi32>
      %get3A_1924 = arith.constant 6 : i32
      %get3A_1925 = arith.index_cast %select_n3A_1440 : i32 to index
      %get3A_1926 = arith.index_cast %get3A_1924 : i32 to index
      %get3A_1927 = arith.index_cast %squeeze3A_1921 : i32 to index
      %get3A_1928 = arith.constant 0 : index
      %get3A_1929 = tpu.vector_load %arg11[%get3A_1925, %get3A_1926, %get3A_1927, %get3A_1928] {strides = array<i32>} : memref<3x16x8x64xf32, #tpu.memory_space<vmem>>, vector<16xf32>,
      %get3A_1930 = arith.constant 6 : i32
      %get3A_1931 = arith.index_cast %select_n3A_1440 : i32 to index
      %get3A_1932 = arith.index_cast %get3A_1930 : i32 to index
      %get3A_1933 = arith.index_cast %squeeze3A_1923 : i32 to index
      %get3A_1934 = arith.constant 0 : index
      %get3A_1935 = tpu.vector_load %arg12[%get3A_1931, %get3A_1932, %get3A_1933, %get3A_1934] {strides = array<i32>} : memref<3x16x8x64xf32, #tpu.memory_space<vmem>>, vector<16xf32>,
      %mul3A_1936 = arith.mulf %get3A_1929, %get3A_1935 : vector<16xf32>
      %get3A_1937 = arith.constant 6 : i32
      %get3A_1938 = arith.index_cast %select_n3A_1440 : i32 to index
      %get3A_1939 = arith.index_cast %get3A_1937 : i32 to index
      %get3A_1940 = arith.index_cast %squeeze3A_1921 : i32 to index
      %get3A_1941 = arith.constant 16 : index
      %get3A_1942 = tpu.vector_load %arg11[%get3A_1938, %get3A_1939, %get3A_1940, %get3A_1941] {strides = array<i32>} : memref<3x16x8x64xf32, #tpu.memory_space<vmem>>, vector<16xf32>,
      %get3A_1943 = arith.constant 6 : i32
      %get3A_1944 = arith.index_cast %select_n3A_1440 : i32 to index
      %get3A_1945 = arith.index_cast %get3A_1943 : i32 to index
      %get3A_1946 = arith.index_cast %squeeze3A_1923 : i32 to index
      %get3A_1947 = arith.constant 16 : index
      %get3A_1948 = tpu.vector_load %arg12[%get3A_1944, %get3A_1945, %get3A_1946, %get3A_1947] {strides = array<i32>} : memref<3x16x8x64xf32, #tpu.memory_space<vmem>>, vector<16xf32>,
      %mul3A_1949 = arith.mulf %get3A_1942, %get3A_1948 : vector<16xf32>
      %add3A_1950 = arith.addf %mul3A_1936, %mul3A_1949 : vector<16xf32>
      %get3A_1951 = arith.constant 6 : i32
      %get3A_1952 = arith.index_cast %select_n3A_1440 : i32 to index
      %get3A_1953 = arith.index_cast %get3A_1951 : i32 to index
      %get3A_1954 = arith.index_cast %squeeze3A_1921 : i32 to index
      %get3A_1955 = arith.constant 32 : index
      %get3A_1956 = tpu.vector_load %arg11[%get3A_1952, %get3A_1953, %get3A_1954, %get3A_1955] {strides = array<i32>} : memref<3x16x8x64xf32, #tpu.memory_space<vmem>>, vector<16xf32>,
      %get3A_1957 = arith.constant 6 : i32
      %get3A_1958 = arith.index_cast %select_n3A_1440 : i32 to index
      %get3A_1959 = arith.index_cast %get3A_1957 : i32 to index
      %get3A_1960 = arith.index_cast %squeeze3A_1923 : i32 to index
      %get3A_1961 = arith.constant 32 : index
      %get3A_1962 = tpu.vector_load %arg12[%get3A_1958, %get3A_1959, %get3A_1960, %get3A_1961] {strides = array<i32>} : memref<3x16x8x64xf32, #tpu.memory_space<vmem>>, vector<16xf32>,
      %mul3A_1963 = arith.mulf %get3A_1956, %get3A_1962 : vector<16xf32>
      %add3A_1964 = arith.addf %add3A_1950, %mul3A_1963 : vector<16xf32>
      %get3A_1965 = arith.constant 6 : i32
      %get3A_1966 = arith.index_cast %select_n3A_1440 : i32 to index
      %get3A_1967 = arith.index_cast %get3A_1965 : i32 to index
      %get3A_1968 = arith.index_cast %squeeze3A_1921 : i32 to index
      %get3A_1969 = arith.constant 48 : index
      %get3A_1970 = tpu.vector_load %arg11[%get3A_1966, %get3A_1967, %get3A_1968, %get3A_1969] {strides = array<i32>} : memref<3x16x8x64xf32, #tpu.memory_space<vmem>>, vector<16xf32>,
      %get3A_1971 = arith.constant 6 : i32
      %get3A_1972 = arith.index_cast %select_n3A_1440 : i32 to index
      %get3A_1973 = arith.index_cast %get3A_1971 : i32 to index
      %get3A_1974 = arith.index_cast %squeeze3A_1923 : i32 to index
      %get3A_1975 = arith.constant 48 : index
      %get3A_1976 = tpu.vector_load %arg12[%get3A_1972, %get3A_1973, %get3A_1974, %get3A_1975] {strides = array<i32>} : memref<3x16x8x64xf32, #tpu.memory_space<vmem>>, vector<16xf32>,
      %mul3A_1977 = arith.mulf %get3A_1970, %get3A_1976 : vector<16xf32>
      %add3A_1978 = arith.addf %add3A_1964, %mul3A_1977 : vector<16xf32>
      %eq3A_1979 = arith.constant 6 : i32
      %eq3A_1980 = vector.broadcast %eq3A_1979 : i32 to vector<16xi32>
      %eq3A_1981 = arith.cmpi eq, %iota3A, %eq3A_1980 : vector<16xi32>
      %reduce_sum3A_1982 = arith.constant true
      %reduce_sum3A_1983 = vector.broadcast %reduce_sum3A_1982 : i1 to vector<16xi1>
      %reduce_sum3A_1984 = tpu.scan <sum>, %add3A_1978 masked %reduce_sum3A_1983 : vector<16xf32>, vector<16xi1> -> vector<16xf32>
      %reduce_sum3A_1985 = vector.extract %reduce_sum3A_1984[15] : f32 from vector<16xf32>
      %add3A_1986 = vector.broadcast %reduce_sum3A_1985 : f32 to vector<16xf32>
      %add3A_1987 = arith.addf %select_n3A_1919, %add3A_1986 : vector<16xf32>
      %select_n3A_1988 = arith.select %eq3A_1981, %add3A_1987, %select_n3A_1919 : vector<16xi1>, vector<16xf32>
      %slice3A_1989 = vector.extract_strided_slice %and3A_1494 {offsets = [7], sizes = [1], strides = [1]} : vector<16xi32> to vector<1xi32>
      %squeeze3A_1990 = vector.extract %slice3A_1989[0] : i32 from vector<1xi32>
      %slice3A_1991 = vector.extract_strided_slice %and3A_1497 {offsets = [7], sizes = [1], strides = [1]} : vector<16xi32> to vector<1xi32>
      %squeeze3A_1992 = vector.extract %slice3A_1991[0] : i32 from vector<1xi32>
      %get3A_1993 = arith.constant 7 : i32
      %get3A_1994 = arith.index_cast %select_n3A_1440 : i32 to index
      %get3A_1995 = arith.index_cast %get3A_1993 : i32 to index
      %get3A_1996 = arith.index_cast %squeeze3A_1990 : i32 to index
      %get3A_1997 = arith.constant 0 : index
      %get3A_1998 = tpu.vector_load %arg11[%get3A_1994, %get3A_1995, %get3A_1996, %get3A_1997] {strides = array<i32>} : memref<3x16x8x64xf32, #tpu.memory_space<vmem>>, vector<16xf32>,
      %get3A_1999 = arith.constant 7 : i32
      %get3A_2000 = arith.index_cast %select_n3A_1440 : i32 to index
      %get3A_2001 = arith.index_cast %get3A_1999 : i32 to index
      %get3A_2002 = arith.index_cast %squeeze3A_1992 : i32 to index
      %get3A_2003 = arith.constant 0 : index
      %get3A_2004 = tpu.vector_load %arg12[%get3A_2000, %get3A_2001, %get3A_2002, %get3A_2003] {strides = array<i32>} : memref<3x16x8x64xf32, #tpu.memory_space<vmem>>, vector<16xf32>,
      %mul3A_2005 = arith.mulf %get3A_1998, %get3A_2004 : vector<16xf32>
      %get3A_2006 = arith.constant 7 : i32
      %get3A_2007 = arith.index_cast %select_n3A_1440 : i32 to index
      %get3A_2008 = arith.index_cast %get3A_2006 : i32 to index
      %get3A_2009 = arith.index_cast %squeeze3A_1990 : i32 to index
      %get3A_2010 = arith.constant 16 : index
      %get3A_2011 = tpu.vector_load %arg11[%get3A_2007, %get3A_2008, %get3A_2009, %get3A_2010] {strides = array<i32>} : memref<3x16x8x64xf32, #tpu.memory_space<vmem>>, vector<16xf32>,
      %get3A_2012 = arith.constant 7 : i32
      %get3A_2013 = arith.index_cast %select_n3A_1440 : i32 to index
      %get3A_2014 = arith.index_cast %get3A_2012 : i32 to index
      %get3A_2015 = arith.index_cast %squeeze3A_1992 : i32 to index
      %get3A_2016 = arith.constant 16 : index
      %get3A_2017 = tpu.vector_load %arg12[%get3A_2013, %get3A_2014, %get3A_2015, %get3A_2016] {strides = array<i32>} : memref<3x16x8x64xf32, #tpu.memory_space<vmem>>, vector<16xf32>,
      %mul3A_2018 = arith.mulf %get3A_2011, %get3A_2017 : vector<16xf32>
      %add3A_2019 = arith.addf %mul3A_2005, %mul3A_2018 : vector<16xf32>
      %get3A_2020 = arith.constant 7 : i32
      %get3A_2021 = arith.index_cast %select_n3A_1440 : i32 to index
      %get3A_2022 = arith.index_cast %get3A_2020 : i32 to index
      %get3A_2023 = arith.index_cast %squeeze3A_1990 : i32 to index
      %get3A_2024 = arith.constant 32 : index
      %get3A_2025 = tpu.vector_load %arg11[%get3A_2021, %get3A_2022, %get3A_2023, %get3A_2024] {strides = array<i32>} : memref<3x16x8x64xf32, #tpu.memory_space<vmem>>, vector<16xf32>,
      %get3A_2026 = arith.constant 7 : i32
      %get3A_2027 = arith.index_cast %select_n3A_1440 : i32 to index
      %get3A_2028 = arith.index_cast %get3A_2026 : i32 to index
      %get3A_2029 = arith.index_cast %squeeze3A_1992 : i32 to index
      %get3A_2030 = arith.constant 32 : index
      %get3A_2031 = tpu.vector_load %arg12[%get3A_2027, %get3A_2028, %get3A_2029, %get3A_2030] {strides = array<i32>} : memref<3x16x8x64xf32, #tpu.memory_space<vmem>>, vector<16xf32>,
      %mul3A_2032 = arith.mulf %get3A_2025, %get3A_2031 : vector<16xf32>
      %add3A_2033 = arith.addf %add3A_2019, %mul3A_2032 : vector<16xf32>
      %get3A_2034 = arith.constant 7 : i32
      %get3A_2035 = arith.index_cast %select_n3A_1440 : i32 to index
      %get3A_2036 = arith.index_cast %get3A_2034 : i32 to index
      %get3A_2037 = arith.index_cast %squeeze3A_1990 : i32 to index
      %get3A_2038 = arith.constant 48 : index
      %get3A_2039 = tpu.vector_load %arg11[%get3A_2035, %get3A_2036, %get3A_2037, %get3A_2038] {strides = array<i32>} : memref<3x16x8x64xf32, #tpu.memory_space<vmem>>, vector<16xf32>,
      %get3A_2040 = arith.constant 7 : i32
      %get3A_2041 = arith.index_cast %select_n3A_1440 : i32 to index
      %get3A_2042 = arith.index_cast %get3A_2040 : i32 to index
      %get3A_2043 = arith.index_cast %squeeze3A_1992 : i32 to index
      %get3A_2044 = arith.constant 48 : index
      %get3A_2045 = tpu.vector_load %arg12[%get3A_2041, %get3A_2042, %get3A_2043, %get3A_2044] {strides = array<i32>} : memref<3x16x8x64xf32, #tpu.memory_space<vmem>>, vector<16xf32>,
      %mul3A_2046 = arith.mulf %get3A_2039, %get3A_2045 : vector<16xf32>
      %add3A_2047 = arith.addf %add3A_2033, %mul3A_2046 : vector<16xf32>
      %eq3A_2048 = arith.constant 7 : i32
      %eq3A_2049 = vector.broadcast %eq3A_2048 : i32 to vector<16xi32>
      %eq3A_2050 = arith.cmpi eq, %iota3A, %eq3A_2049 : vector<16xi32>
      %reduce_sum3A_2051 = arith.constant true
      %reduce_sum3A_2052 = vector.broadcast %reduce_sum3A_2051 : i1 to vector<16xi1>
      %reduce_sum3A_2053 = tpu.scan <sum>, %add3A_2047 masked %reduce_sum3A_2052 : vector<16xf32>, vector<16xi1> -> vector<16xf32>
      %reduce_sum3A_2054 = vector.extract %reduce_sum3A_2053[15] : f32 from vector<16xf32>
      %add3A_2055 = vector.broadcast %reduce_sum3A_2054 : f32 to vector<16xf32>
      %add3A_2056 = arith.addf %select_n3A_1988, %add3A_2055 : vector<16xf32>
      %select_n3A_2057 = arith.select %eq3A_2050, %add3A_2056, %select_n3A_1988 : vector<16xi1>, vector<16xf32>
      %slice3A_2058 = vector.extract_strided_slice %and3A_1494 {offsets = [8], sizes = [1], strides = [1]} : vector<16xi32> to vector<1xi32>
      %squeeze3A_2059 = vector.extract %slice3A_2058[0] : i32 from vector<1xi32>
      %slice3A_2060 = vector.extract_strided_slice %and3A_1497 {offsets = [8], sizes = [1], strides = [1]} : vector<16xi32> to vector<1xi32>
      %squeeze3A_2061 = vector.extract %slice3A_2060[0] : i32 from vector<1xi32>
      %get3A_2062 = arith.constant 8 : i32
      %get3A_2063 = arith.index_cast %select_n3A_1440 : i32 to index
      %get3A_2064 = arith.index_cast %get3A_2062 : i32 to index
      %get3A_2065 = arith.index_cast %squeeze3A_2059 : i32 to index
      %get3A_2066 = arith.constant 0 : index
      %get3A_2067 = tpu.vector_load %arg11[%get3A_2063, %get3A_2064, %get3A_2065, %get3A_2066] {strides = array<i32>} : memref<3x16x8x64xf32, #tpu.memory_space<vmem>>, vector<16xf32>,
      %get3A_2068 = arith.constant 8 : i32
      %get3A_2069 = arith.index_cast %select_n3A_1440 : i32 to index
      %get3A_2070 = arith.index_cast %get3A_2068 : i32 to index
      %get3A_2071 = arith.index_cast %squeeze3A_2061 : i32 to index
      %get3A_2072 = arith.constant 0 : index
      %get3A_2073 = tpu.vector_load %arg12[%get3A_2069, %get3A_2070, %get3A_2071, %get3A_2072] {strides = array<i32>} : memref<3x16x8x64xf32, #tpu.memory_space<vmem>>, vector<16xf32>,
      %mul3A_2074 = arith.mulf %get3A_2067, %get3A_2073 : vector<16xf32>
      %get3A_2075 = arith.constant 8 : i32
      %get3A_2076 = arith.index_cast %select_n3A_1440 : i32 to index
      %get3A_2077 = arith.index_cast %get3A_2075 : i32 to index
      %get3A_2078 = arith.index_cast %squeeze3A_2059 : i32 to index
      %get3A_2079 = arith.constant 16 : index
      %get3A_2080 = tpu.vector_load %arg11[%get3A_2076, %get3A_2077, %get3A_2078, %get3A_2079] {strides = array<i32>} : memref<3x16x8x64xf32, #tpu.memory_space<vmem>>, vector<16xf32>,
      %get3A_2081 = arith.constant 8 : i32
      %get3A_2082 = arith.index_cast %select_n3A_1440 : i32 to index
      %get3A_2083 = arith.index_cast %get3A_2081 : i32 to index
      %get3A_2084 = arith.index_cast %squeeze3A_2061 : i32 to index
      %get3A_2085 = arith.constant 16 : index
      %get3A_2086 = tpu.vector_load %arg12[%get3A_2082, %get3A_2083, %get3A_2084, %get3A_2085] {strides = array<i32>} : memref<3x16x8x64xf32, #tpu.memory_space<vmem>>, vector<16xf32>,
      %mul3A_2087 = arith.mulf %get3A_2080, %get3A_2086 : vector<16xf32>
      %add3A_2088 = arith.addf %mul3A_2074, %mul3A_2087 : vector<16xf32>
      %get3A_2089 = arith.constant 8 : i32
      %get3A_2090 = arith.index_cast %select_n3A_1440 : i32 to index
      %get3A_2091 = arith.index_cast %get3A_2089 : i32 to index
      %get3A_2092 = arith.index_cast %squeeze3A_2059 : i32 to index
      %get3A_2093 = arith.constant 32 : index
      %get3A_2094 = tpu.vector_load %arg11[%get3A_2090, %get3A_2091, %get3A_2092, %get3A_2093] {strides = array<i32>} : memref<3x16x8x64xf32, #tpu.memory_space<vmem>>, vector<16xf32>,
      %get3A_2095 = arith.constant 8 : i32
      %get3A_2096 = arith.index_cast %select_n3A_1440 : i32 to index
      %get3A_2097 = arith.index_cast %get3A_2095 : i32 to index
      %get3A_2098 = arith.index_cast %squeeze3A_2061 : i32 to index
      %get3A_2099 = arith.constant 32 : index
      %get3A_2100 = tpu.vector_load %arg12[%get3A_2096, %get3A_2097, %get3A_2098, %get3A_2099] {strides = array<i32>} : memref<3x16x8x64xf32, #tpu.memory_space<vmem>>, vector<16xf32>,
      %mul3A_2101 = arith.mulf %get3A_2094, %get3A_2100 : vector<16xf32>
      %add3A_2102 = arith.addf %add3A_2088, %mul3A_2101 : vector<16xf32>
      %get3A_2103 = arith.constant 8 : i32
      %get3A_2104 = arith.index_cast %select_n3A_1440 : i32 to index
      %get3A_2105 = arith.index_cast %get3A_2103 : i32 to index
      %get3A_2106 = arith.index_cast %squeeze3A_2059 : i32 to index
      %get3A_2107 = arith.constant 48 : index
      %get3A_2108 = tpu.vector_load %arg11[%get3A_2104, %get3A_2105, %get3A_2106, %get3A_2107] {strides = array<i32>} : memref<3x16x8x64xf32, #tpu.memory_space<vmem>>, vector<16xf32>,
      %get3A_2109 = arith.constant 8 : i32
      %get3A_2110 = arith.index_cast %select_n3A_1440 : i32 to index
      %get3A_2111 = arith.index_cast %get3A_2109 : i32 to index
      %get3A_2112 = arith.index_cast %squeeze3A_2061 : i32 to index
      %get3A_2113 = arith.constant 48 : index
      %get3A_2114 = tpu.vector_load %arg12[%get3A_2110, %get3A_2111, %get3A_2112, %get3A_2113] {strides = array<i32>} : memref<3x16x8x64xf32, #tpu.memory_space<vmem>>, vector<16xf32>,
      %mul3A_2115 = arith.mulf %get3A_2108, %get3A_2114 : vector<16xf32>
      %add3A_2116 = arith.addf %add3A_2102, %mul3A_2115 : vector<16xf32>
      %eq3A_2117 = arith.constant 8 : i32
      %eq3A_2118 = vector.broadcast %eq3A_2117 : i32 to vector<16xi32>
      %eq3A_2119 = arith.cmpi eq, %iota3A, %eq3A_2118 : vector<16xi32>
      %reduce_sum3A_2120 = arith.constant true
      %reduce_sum3A_2121 = vector.broadcast %reduce_sum3A_2120 : i1 to vector<16xi1>
      %reduce_sum3A_2122 = tpu.scan <sum>, %add3A_2116 masked %reduce_sum3A_2121 : vector<16xf32>, vector<16xi1> -> vector<16xf32>
      %reduce_sum3A_2123 = vector.extract %reduce_sum3A_2122[15] : f32 from vector<16xf32>
      %add3A_2124 = vector.broadcast %reduce_sum3A_2123 : f32 to vector<16xf32>
      %add3A_2125 = arith.addf %select_n3A_2057, %add3A_2124 : vector<16xf32>
      %select_n3A_2126 = arith.select %eq3A_2119, %add3A_2125, %select_n3A_2057 : vector<16xi1>, vector<16xf32>
      %slice3A_2127 = vector.extract_strided_slice %and3A_1494 {offsets = [9], sizes = [1], strides = [1]} : vector<16xi32> to vector<1xi32>
      %squeeze3A_2128 = vector.extract %slice3A_2127[0] : i32 from vector<1xi32>
      %slice3A_2129 = vector.extract_strided_slice %and3A_1497 {offsets = [9], sizes = [1], strides = [1]} : vector<16xi32> to vector<1xi32>
      %squeeze3A_2130 = vector.extract %slice3A_2129[0] : i32 from vector<1xi32>
      %get3A_2131 = arith.constant 9 : i32
      %get3A_2132 = arith.index_cast %select_n3A_1440 : i32 to index
      %get3A_2133 = arith.index_cast %get3A_2131 : i32 to index
      %get3A_2134 = arith.index_cast %squeeze3A_2128 : i32 to index
      %get3A_2135 = arith.constant 0 : index
      %get3A_2136 = tpu.vector_load %arg11[%get3A_2132, %get3A_2133, %get3A_2134, %get3A_2135] {strides = array<i32>} : memref<3x16x8x64xf32, #tpu.memory_space<vmem>>, vector<16xf32>,
      %get3A_2137 = arith.constant 9 : i32
      %get3A_2138 = arith.index_cast %select_n3A_1440 : i32 to index
      %get3A_2139 = arith.index_cast %get3A_2137 : i32 to index
      %get3A_2140 = arith.index_cast %squeeze3A_2130 : i32 to index
      %get3A_2141 = arith.constant 0 : index
      %get3A_2142 = tpu.vector_load %arg12[%get3A_2138, %get3A_2139, %get3A_2140, %get3A_2141] {strides = array<i32>} : memref<3x16x8x64xf32, #tpu.memory_space<vmem>>, vector<16xf32>,
      %mul3A_2143 = arith.mulf %get3A_2136, %get3A_2142 : vector<16xf32>
      %get3A_2144 = arith.constant 9 : i32
      %get3A_2145 = arith.index_cast %select_n3A_1440 : i32 to index
      %get3A_2146 = arith.index_cast %get3A_2144 : i32 to index
      %get3A_2147 = arith.index_cast %squeeze3A_2128 : i32 to index
      %get3A_2148 = arith.constant 16 : index
      %get3A_2149 = tpu.vector_load %arg11[%get3A_2145, %get3A_2146, %get3A_2147, %get3A_2148] {strides = array<i32>} : memref<3x16x8x64xf32, #tpu.memory_space<vmem>>, vector<16xf32>,
      %get3A_2150 = arith.constant 9 : i32
      %get3A_2151 = arith.index_cast %select_n3A_1440 : i32 to index
      %get3A_2152 = arith.index_cast %get3A_2150 : i32 to index
      %get3A_2153 = arith.index_cast %squeeze3A_2130 : i32 to index
      %get3A_2154 = arith.constant 16 : index
      %get3A_2155 = tpu.vector_load %arg12[%get3A_2151, %get3A_2152, %get3A_2153, %get3A_2154] {strides = array<i32>} : memref<3x16x8x64xf32, #tpu.memory_space<vmem>>, vector<16xf32>,
      %mul3A_2156 = arith.mulf %get3A_2149, %get3A_2155 : vector<16xf32>
      %add3A_2157 = arith.addf %mul3A_2143, %mul3A_2156 : vector<16xf32>
      %get3A_2158 = arith.constant 9 : i32
      %get3A_2159 = arith.index_cast %select_n3A_1440 : i32 to index
      %get3A_2160 = arith.index_cast %get3A_2158 : i32 to index
      %get3A_2161 = arith.index_cast %squeeze3A_2128 : i32 to index
      %get3A_2162 = arith.constant 32 : index
      %get3A_2163 = tpu.vector_load %arg11[%get3A_2159, %get3A_2160, %get3A_2161, %get3A_2162] {strides = array<i32>} : memref<3x16x8x64xf32, #tpu.memory_space<vmem>>, vector<16xf32>,
      %get3A_2164 = arith.constant 9 : i32
      %get3A_2165 = arith.index_cast %select_n3A_1440 : i32 to index
      %get3A_2166 = arith.index_cast %get3A_2164 : i32 to index
      %get3A_2167 = arith.index_cast %squeeze3A_2130 : i32 to index
      %get3A_2168 = arith.constant 32 : index
      %get3A_2169 = tpu.vector_load %arg12[%get3A_2165, %get3A_2166, %get3A_2167, %get3A_2168] {strides = array<i32>} : memref<3x16x8x64xf32, #tpu.memory_space<vmem>>, vector<16xf32>,
      %mul3A_2170 = arith.mulf %get3A_2163, %get3A_2169 : vector<16xf32>
      %add3A_2171 = arith.addf %add3A_2157, %mul3A_2170 : vector<16xf32>
      %get3A_2172 = arith.constant 9 : i32
      %get3A_2173 = arith.index_cast %select_n3A_1440 : i32 to index
      %get3A_2174 = arith.index_cast %get3A_2172 : i32 to index
      %get3A_2175 = arith.index_cast %squeeze3A_2128 : i32 to index
      %get3A_2176 = arith.constant 48 : index
      %get3A_2177 = tpu.vector_load %arg11[%get3A_2173, %get3A_2174, %get3A_2175, %get3A_2176] {strides = array<i32>} : memref<3x16x8x64xf32, #tpu.memory_space<vmem>>, vector<16xf32>,
      %get3A_2178 = arith.constant 9 : i32
      %get3A_2179 = arith.index_cast %select_n3A_1440 : i32 to index
      %get3A_2180 = arith.index_cast %get3A_2178 : i32 to index
      %get3A_2181 = arith.index_cast %squeeze3A_2130 : i32 to index
      %get3A_2182 = arith.constant 48 : index
      %get3A_2183 = tpu.vector_load %arg12[%get3A_2179, %get3A_2180, %get3A_2181, %get3A_2182] {strides = array<i32>} : memref<3x16x8x64xf32, #tpu.memory_space<vmem>>, vector<16xf32>,
      %mul3A_2184 = arith.mulf %get3A_2177, %get3A_2183 : vector<16xf32>
      %add3A_2185 = arith.addf %add3A_2171, %mul3A_2184 : vector<16xf32>
      %eq3A_2186 = arith.constant 9 : i32
      %eq3A_2187 = vector.broadcast %eq3A_2186 : i32 to vector<16xi32>
      %eq3A_2188 = arith.cmpi eq, %iota3A, %eq3A_2187 : vector<16xi32>
      %reduce_sum3A_2189 = arith.constant true
      %reduce_sum3A_2190 = vector.broadcast %reduce_sum3A_2189 : i1 to vector<16xi1>
      %reduce_sum3A_2191 = tpu.scan <sum>, %add3A_2185 masked %reduce_sum3A_2190 : vector<16xf32>, vector<16xi1> -> vector<16xf32>
      %reduce_sum3A_2192 = vector.extract %reduce_sum3A_2191[15] : f32 from vector<16xf32>
      %add3A_2193 = vector.broadcast %reduce_sum3A_2192 : f32 to vector<16xf32>
      %add3A_2194 = arith.addf %select_n3A_2126, %add3A_2193 : vector<16xf32>
      %select_n3A_2195 = arith.select %eq3A_2188, %add3A_2194, %select_n3A_2126 : vector<16xi1>, vector<16xf32>
      %slice3A_2196 = vector.extract_strided_slice %and3A_1494 {offsets = [10], sizes = [1], strides = [1]} : vector<16xi32> to vector<1xi32>
      %squeeze3A_2197 = vector.extract %slice3A_2196[0] : i32 from vector<1xi32>
      %slice3A_2198 = vector.extract_strided_slice %and3A_1497 {offsets = [10], sizes = [1], strides = [1]} : vector<16xi32> to vector<1xi32>
      %squeeze3A_2199 = vector.extract %slice3A_2198[0] : i32 from vector<1xi32>
      %get3A_2200 = arith.constant 10 : i32
      %get3A_2201 = arith.index_cast %select_n3A_1440 : i32 to index
      %get3A_2202 = arith.index_cast %get3A_2200 : i32 to index
      %get3A_2203 = arith.index_cast %squeeze3A_2197 : i32 to index
      %get3A_2204 = arith.constant 0 : index
      %get3A_2205 = tpu.vector_load %arg11[%get3A_2201, %get3A_2202, %get3A_2203, %get3A_2204] {strides = array<i32>} : memref<3x16x8x64xf32, #tpu.memory_space<vmem>>, vector<16xf32>,
      %get3A_2206 = arith.constant 10 : i32
      %get3A_2207 = arith.index_cast %select_n3A_1440 : i32 to index
      %get3A_2208 = arith.index_cast %get3A_2206 : i32 to index
      %get3A_2209 = arith.index_cast %squeeze3A_2199 : i32 to index
      %get3A_2210 = arith.constant 0 : index
      %get3A_2211 = tpu.vector_load %arg12[%get3A_2207, %get3A_2208, %get3A_2209, %get3A_2210] {strides = array<i32>} : memref<3x16x8x64xf32, #tpu.memory_space<vmem>>, vector<16xf32>,
      %mul3A_2212 = arith.mulf %get3A_2205, %get3A_2211 : vector<16xf32>
      %get3A_2213 = arith.constant 10 : i32
      %get3A_2214 = arith.index_cast %select_n3A_1440 : i32 to index
      %get3A_2215 = arith.index_cast %get3A_2213 : i32 to index
      %get3A_2216 = arith.index_cast %squeeze3A_2197 : i32 to index
      %get3A_2217 = arith.constant 16 : index
      %get3A_2218 = tpu.vector_load %arg11[%get3A_2214, %get3A_2215, %get3A_2216, %get3A_2217] {strides = array<i32>} : memref<3x16x8x64xf32, #tpu.memory_space<vmem>>, vector<16xf32>,
      %get3A_2219 = arith.constant 10 : i32
      %get3A_2220 = arith.index_cast %select_n3A_1440 : i32 to index
      %get3A_2221 = arith.index_cast %get3A_2219 : i32 to index
      %get3A_2222 = arith.index_cast %squeeze3A_2199 : i32 to index
      %get3A_2223 = arith.constant 16 : index
      %get3A_2224 = tpu.vector_load %arg12[%get3A_2220, %get3A_2221, %get3A_2222, %get3A_2223] {strides = array<i32>} : memref<3x16x8x64xf32, #tpu.memory_space<vmem>>, vector<16xf32>,
      %mul3A_2225 = arith.mulf %get3A_2218, %get3A_2224 : vector<16xf32>
      %add3A_2226 = arith.addf %mul3A_2212, %mul3A_2225 : vector<16xf32>
      %get3A_2227 = arith.constant 10 : i32
      %get3A_2228 = arith.index_cast %select_n3A_1440 : i32 to index
      %get3A_2229 = arith.index_cast %get3A_2227 : i32 to index
      %get3A_2230 = arith.index_cast %squeeze3A_2197 : i32 to index
      %get3A_2231 = arith.constant 32 : index
      %get3A_2232 = tpu.vector_load %arg11[%get3A_2228, %get3A_2229, %get3A_2230, %get3A_2231] {strides = array<i32>} : memref<3x16x8x64xf32, #tpu.memory_space<vmem>>, vector<16xf32>,
      %get3A_2233 = arith.constant 10 : i32
      %get3A_2234 = arith.index_cast %select_n3A_1440 : i32 to index
      %get3A_2235 = arith.index_cast %get3A_2233 : i32 to index
      %get3A_2236 = arith.index_cast %squeeze3A_2199 : i32 to index
      %get3A_2237 = arith.constant 32 : index
      %get3A_2238 = tpu.vector_load %arg12[%get3A_2234, %get3A_2235, %get3A_2236, %get3A_2237] {strides = array<i32>} : memref<3x16x8x64xf32, #tpu.memory_space<vmem>>, vector<16xf32>,
      %mul3A_2239 = arith.mulf %get3A_2232, %get3A_2238 : vector<16xf32>
      %add3A_2240 = arith.addf %add3A_2226, %mul3A_2239 : vector<16xf32>
      %get3A_2241 = arith.constant 10 : i32
      %get3A_2242 = arith.index_cast %select_n3A_1440 : i32 to index
      %get3A_2243 = arith.index_cast %get3A_2241 : i32 to index
      %get3A_2244 = arith.index_cast %squeeze3A_2197 : i32 to index
      %get3A_2245 = arith.constant 48 : index
      %get3A_2246 = tpu.vector_load %arg11[%get3A_2242, %get3A_2243, %get3A_2244, %get3A_2245] {strides = array<i32>} : memref<3x16x8x64xf32, #tpu.memory_space<vmem>>, vector<16xf32>,
      %get3A_2247 = arith.constant 10 : i32
      %get3A_2248 = arith.index_cast %select_n3A_1440 : i32 to index
      %get3A_2249 = arith.index_cast %get3A_2247 : i32 to index
      %get3A_2250 = arith.index_cast %squeeze3A_2199 : i32 to index
      %get3A_2251 = arith.constant 48 : index
      %get3A_2252 = tpu.vector_load %arg12[%get3A_2248, %get3A_2249, %get3A_2250, %get3A_2251] {strides = array<i32>} : memref<3x16x8x64xf32, #tpu.memory_space<vmem>>, vector<16xf32>,
      %mul3A_2253 = arith.mulf %get3A_2246, %get3A_2252 : vector<16xf32>
      %add3A_2254 = arith.addf %add3A_2240, %mul3A_2253 : vector<16xf32>
      %eq3A_2255 = arith.constant 10 : i32
      %eq3A_2256 = vector.broadcast %eq3A_2255 : i32 to vector<16xi32>
      %eq3A_2257 = arith.cmpi eq, %iota3A, %eq3A_2256 : vector<16xi32>
      %reduce_sum3A_2258 = arith.constant true
      %reduce_sum3A_2259 = vector.broadcast %reduce_sum3A_2258 : i1 to vector<16xi1>
      %reduce_sum3A_2260 = tpu.scan <sum>, %add3A_2254 masked %reduce_sum3A_2259 : vector<16xf32>, vector<16xi1> -> vector<16xf32>
      %reduce_sum3A_2261 = vector.extract %reduce_sum3A_2260[15] : f32 from vector<16xf32>
      %add3A_2262 = vector.broadcast %reduce_sum3A_2261 : f32 to vector<16xf32>
      %add3A_2263 = arith.addf %select_n3A_2195, %add3A_2262 : vector<16xf32>
      %select_n3A_2264 = arith.select %eq3A_2257, %add3A_2263, %select_n3A_2195 : vector<16xi1>, vector<16xf32>
      %slice3A_2265 = vector.extract_strided_slice %and3A_1494 {offsets = [11], sizes = [1], strides = [1]} : vector<16xi32> to vector<1xi32>
      %squeeze3A_2266 = vector.extract %slice3A_2265[0] : i32 from vector<1xi32>
      %slice3A_2267 = vector.extract_strided_slice %and3A_1497 {offsets = [11], sizes = [1], strides = [1]} : vector<16xi32> to vector<1xi32>
      %squeeze3A_2268 = vector.extract %slice3A_2267[0] : i32 from vector<1xi32>
      %get3A_2269 = arith.constant 11 : i32
      %get3A_2270 = arith.index_cast %select_n3A_1440 : i32 to index
      %get3A_2271 = arith.index_cast %get3A_2269 : i32 to index
      %get3A_2272 = arith.index_cast %squeeze3A_2266 : i32 to index
      %get3A_2273 = arith.constant 0 : index
      %get3A_2274 = tpu.vector_load %arg11[%get3A_2270, %get3A_2271, %get3A_2272, %get3A_2273] {strides = array<i32>} : memref<3x16x8x64xf32, #tpu.memory_space<vmem>>, vector<16xf32>,
      %get3A_2275 = arith.constant 11 : i32
      %get3A_2276 = arith.index_cast %select_n3A_1440 : i32 to index
      %get3A_2277 = arith.index_cast %get3A_2275 : i32 to index
      %get3A_2278 = arith.index_cast %squeeze3A_2268 : i32 to index
      %get3A_2279 = arith.constant 0 : index
      %get3A_2280 = tpu.vector_load %arg12[%get3A_2276, %get3A_2277, %get3A_2278, %get3A_2279] {strides = array<i32>} : memref<3x16x8x64xf32, #tpu.memory_space<vmem>>, vector<16xf32>,
      %mul3A_2281 = arith.mulf %get3A_2274, %get3A_2280 : vector<16xf32>
      %get3A_2282 = arith.constant 11 : i32
      %get3A_2283 = arith.index_cast %select_n3A_1440 : i32 to index
      %get3A_2284 = arith.index_cast %get3A_2282 : i32 to index
      %get3A_2285 = arith.index_cast %squeeze3A_2266 : i32 to index
      %get3A_2286 = arith.constant 16 : index
      %get3A_2287 = tpu.vector_load %arg11[%get3A_2283, %get3A_2284, %get3A_2285, %get3A_2286] {strides = array<i32>} : memref<3x16x8x64xf32, #tpu.memory_space<vmem>>, vector<16xf32>,
      %get3A_2288 = arith.constant 11 : i32
      %get3A_2289 = arith.index_cast %select_n3A_1440 : i32 to index
      %get3A_2290 = arith.index_cast %get3A_2288 : i32 to index
      %get3A_2291 = arith.index_cast %squeeze3A_2268 : i32 to index
      %get3A_2292 = arith.constant 16 : index
      %get3A_2293 = tpu.vector_load %arg12[%get3A_2289, %get3A_2290, %get3A_2291, %get3A_2292] {strides = array<i32>} : memref<3x16x8x64xf32, #tpu.memory_space<vmem>>, vector<16xf32>,
      %mul3A_2294 = arith.mulf %get3A_2287, %get3A_2293 : vector<16xf32>
      %add3A_2295 = arith.addf %mul3A_2281, %mul3A_2294 : vector<16xf32>
      %get3A_2296 = arith.constant 11 : i32
      %get3A_2297 = arith.index_cast %select_n3A_1440 : i32 to index
      %get3A_2298 = arith.index_cast %get3A_2296 : i32 to index
      %get3A_2299 = arith.index_cast %squeeze3A_2266 : i32 to index
      %get3A_2300 = arith.constant 32 : index
      %get3A_2301 = tpu.vector_load %arg11[%get3A_2297, %get3A_2298, %get3A_2299, %get3A_2300] {strides = array<i32>} : memref<3x16x8x64xf32, #tpu.memory_space<vmem>>, vector<16xf32>,
      %get3A_2302 = arith.constant 11 : i32
      %get3A_2303 = arith.index_cast %select_n3A_1440 : i32 to index
      %get3A_2304 = arith.index_cast %get3A_2302 : i32 to index
      %get3A_2305 = arith.index_cast %squeeze3A_2268 : i32 to index
      %get3A_2306 = arith.constant 32 : index
      %get3A_2307 = tpu.vector_load %arg12[%get3A_2303, %get3A_2304, %get3A_2305, %get3A_2306] {strides = array<i32>} : memref<3x16x8x64xf32, #tpu.memory_space<vmem>>, vector<16xf32>,
      %mul3A_2308 = arith.mulf %get3A_2301, %get3A_2307 : vector<16xf32>
      %add3A_2309 = arith.addf %add3A_2295, %mul3A_2308 : vector<16xf32>
      %get3A_2310 = arith.constant 11 : i32
      %get3A_2311 = arith.index_cast %select_n3A_1440 : i32 to index
      %get3A_2312 = arith.index_cast %get3A_2310 : i32 to index
      %get3A_2313 = arith.index_cast %squeeze3A_2266 : i32 to index
      %get3A_2314 = arith.constant 48 : index
      %get3A_2315 = tpu.vector_load %arg11[%get3A_2311, %get3A_2312, %get3A_2313, %get3A_2314] {strides = array<i32>} : memref<3x16x8x64xf32, #tpu.memory_space<vmem>>, vector<16xf32>,
      %get3A_2316 = arith.constant 11 : i32
      %get3A_2317 = arith.index_cast %select_n3A_1440 : i32 to index
      %get3A_2318 = arith.index_cast %get3A_2316 : i32 to index
      %get3A_2319 = arith.index_cast %squeeze3A_2268 : i32 to index
      %get3A_2320 = arith.constant 48 : index
      %get3A_2321 = tpu.vector_load %arg12[%get3A_2317, %get3A_2318, %get3A_2319, %get3A_2320] {strides = array<i32>} : memref<3x16x8x64xf32, #tpu.memory_space<vmem>>, vector<16xf32>,
      %mul3A_2322 = arith.mulf %get3A_2315, %get3A_2321 : vector<16xf32>
      %add3A_2323 = arith.addf %add3A_2309, %mul3A_2322 : vector<16xf32>
      %eq3A_2324 = arith.constant 11 : i32
      %eq3A_2325 = vector.broadcast %eq3A_2324 : i32 to vector<16xi32>
      %eq3A_2326 = arith.cmpi eq, %iota3A, %eq3A_2325 : vector<16xi32>
      %reduce_sum3A_2327 = arith.constant true
      %reduce_sum3A_2328 = vector.broadcast %reduce_sum3A_2327 : i1 to vector<16xi1>
      %reduce_sum3A_2329 = tpu.scan <sum>, %add3A_2323 masked %reduce_sum3A_2328 : vector<16xf32>, vector<16xi1> -> vector<16xf32>
      %reduce_sum3A_2330 = vector.extract %reduce_sum3A_2329[15] : f32 from vector<16xf32>
      %add3A_2331 = vector.broadcast %reduce_sum3A_2330 : f32 to vector<16xf32>
      %add3A_2332 = arith.addf %select_n3A_2264, %add3A_2331 : vector<16xf32>
      %select_n3A_2333 = arith.select %eq3A_2326, %add3A_2332, %select_n3A_2264 : vector<16xi1>, vector<16xf32>
      %slice3A_2334 = vector.extract_strided_slice %and3A_1494 {offsets = [12], sizes = [1], strides = [1]} : vector<16xi32> to vector<1xi32>
      %squeeze3A_2335 = vector.extract %slice3A_2334[0] : i32 from vector<1xi32>
      %slice3A_2336 = vector.extract_strided_slice %and3A_1497 {offsets = [12], sizes = [1], strides = [1]} : vector<16xi32> to vector<1xi32>
      %squeeze3A_2337 = vector.extract %slice3A_2336[0] : i32 from vector<1xi32>
      %get3A_2338 = arith.constant 12 : i32
      %get3A_2339 = arith.index_cast %select_n3A_1440 : i32 to index
      %get3A_2340 = arith.index_cast %get3A_2338 : i32 to index
      %get3A_2341 = arith.index_cast %squeeze3A_2335 : i32 to index
      %get3A_2342 = arith.constant 0 : index
      %get3A_2343 = tpu.vector_load %arg11[%get3A_2339, %get3A_2340, %get3A_2341, %get3A_2342] {strides = array<i32>} : memref<3x16x8x64xf32, #tpu.memory_space<vmem>>, vector<16xf32>,
      %get3A_2344 = arith.constant 12 : i32
      %get3A_2345 = arith.index_cast %select_n3A_1440 : i32 to index
      %get3A_2346 = arith.index_cast %get3A_2344 : i32 to index
      %get3A_2347 = arith.index_cast %squeeze3A_2337 : i32 to index
      %get3A_2348 = arith.constant 0 : index
      %get3A_2349 = tpu.vector_load %arg12[%get3A_2345, %get3A_2346, %get3A_2347, %get3A_2348] {strides = array<i32>} : memref<3x16x8x64xf32, #tpu.memory_space<vmem>>, vector<16xf32>,
      %mul3A_2350 = arith.mulf %get3A_2343, %get3A_2349 : vector<16xf32>
      %get3A_2351 = arith.constant 12 : i32
      %get3A_2352 = arith.index_cast %select_n3A_1440 : i32 to index
      %get3A_2353 = arith.index_cast %get3A_2351 : i32 to index
      %get3A_2354 = arith.index_cast %squeeze3A_2335 : i32 to index
      %get3A_2355 = arith.constant 16 : index
      %get3A_2356 = tpu.vector_load %arg11[%get3A_2352, %get3A_2353, %get3A_2354, %get3A_2355] {strides = array<i32>} : memref<3x16x8x64xf32, #tpu.memory_space<vmem>>, vector<16xf32>,
      %get3A_2357 = arith.constant 12 : i32
      %get3A_2358 = arith.index_cast %select_n3A_1440 : i32 to index
      %get3A_2359 = arith.index_cast %get3A_2357 : i32 to index
      %get3A_2360 = arith.index_cast %squeeze3A_2337 : i32 to index
      %get3A_2361 = arith.constant 16 : index
      %get3A_2362 = tpu.vector_load %arg12[%get3A_2358, %get3A_2359, %get3A_2360, %get3A_2361] {strides = array<i32>} : memref<3x16x8x64xf32, #tpu.memory_space<vmem>>, vector<16xf32>,
      %mul3A_2363 = arith.mulf %get3A_2356, %get3A_2362 : vector<16xf32>
      %add3A_2364 = arith.addf %mul3A_2350, %mul3A_2363 : vector<16xf32>
      %get3A_2365 = arith.constant 12 : i32
      %get3A_2366 = arith.index_cast %select_n3A_1440 : i32 to index
      %get3A_2367 = arith.index_cast %get3A_2365 : i32 to index
      %get3A_2368 = arith.index_cast %squeeze3A_2335 : i32 to index
      %get3A_2369 = arith.constant 32 : index
      %get3A_2370 = tpu.vector_load %arg11[%get3A_2366, %get3A_2367, %get3A_2368, %get3A_2369] {strides = array<i32>} : memref<3x16x8x64xf32, #tpu.memory_space<vmem>>, vector<16xf32>,
      %get3A_2371 = arith.constant 12 : i32
      %get3A_2372 = arith.index_cast %select_n3A_1440 : i32 to index
      %get3A_2373 = arith.index_cast %get3A_2371 : i32 to index
      %get3A_2374 = arith.index_cast %squeeze3A_2337 : i32 to index
      %get3A_2375 = arith.constant 32 : index
      %get3A_2376 = tpu.vector_load %arg12[%get3A_2372, %get3A_2373, %get3A_2374, %get3A_2375] {strides = array<i32>} : memref<3x16x8x64xf32, #tpu.memory_space<vmem>>, vector<16xf32>,
      %mul3A_2377 = arith.mulf %get3A_2370, %get3A_2376 : vector<16xf32>
      %add3A_2378 = arith.addf %add3A_2364, %mul3A_2377 : vector<16xf32>
      %get3A_2379 = arith.constant 12 : i32
      %get3A_2380 = arith.index_cast %select_n3A_1440 : i32 to index
      %get3A_2381 = arith.index_cast %get3A_2379 : i32 to index
      %get3A_2382 = arith.index_cast %squeeze3A_2335 : i32 to index
      %get3A_2383 = arith.constant 48 : index
      %get3A_2384 = tpu.vector_load %arg11[%get3A_2380, %get3A_2381, %get3A_2382, %get3A_2383] {strides = array<i32>} : memref<3x16x8x64xf32, #tpu.memory_space<vmem>>, vector<16xf32>,
      %get3A_2385 = arith.constant 12 : i32
      %get3A_2386 = arith.index_cast %select_n3A_1440 : i32 to index
      %get3A_2387 = arith.index_cast %get3A_2385 : i32 to index
      %get3A_2388 = arith.index_cast %squeeze3A_2337 : i32 to index
      %get3A_2389 = arith.constant 48 : index
      %get3A_2390 = tpu.vector_load %arg12[%get3A_2386, %get3A_2387, %get3A_2388, %get3A_2389] {strides = array<i32>} : memref<3x16x8x64xf32, #tpu.memory_space<vmem>>, vector<16xf32>,
      %mul3A_2391 = arith.mulf %get3A_2384, %get3A_2390 : vector<16xf32>
      %add3A_2392 = arith.addf %add3A_2378, %mul3A_2391 : vector<16xf32>
      %eq3A_2393 = arith.constant 12 : i32
      %eq3A_2394 = vector.broadcast %eq3A_2393 : i32 to vector<16xi32>
      %eq3A_2395 = arith.cmpi eq, %iota3A, %eq3A_2394 : vector<16xi32>
      %reduce_sum3A_2396 = arith.constant true
      %reduce_sum3A_2397 = vector.broadcast %reduce_sum3A_2396 : i1 to vector<16xi1>
      %reduce_sum3A_2398 = tpu.scan <sum>, %add3A_2392 masked %reduce_sum3A_2397 : vector<16xf32>, vector<16xi1> -> vector<16xf32>
      %reduce_sum3A_2399 = vector.extract %reduce_sum3A_2398[15] : f32 from vector<16xf32>
      %add3A_2400 = vector.broadcast %reduce_sum3A_2399 : f32 to vector<16xf32>
      %add3A_2401 = arith.addf %select_n3A_2333, %add3A_2400 : vector<16xf32>
      %select_n3A_2402 = arith.select %eq3A_2395, %add3A_2401, %select_n3A_2333 : vector<16xi1>, vector<16xf32>
      %slice3A_2403 = vector.extract_strided_slice %and3A_1494 {offsets = [13], sizes = [1], strides = [1]} : vector<16xi32> to vector<1xi32>
      %squeeze3A_2404 = vector.extract %slice3A_2403[0] : i32 from vector<1xi32>
      %slice3A_2405 = vector.extract_strided_slice %and3A_1497 {offsets = [13], sizes = [1], strides = [1]} : vector<16xi32> to vector<1xi32>
      %squeeze3A_2406 = vector.extract %slice3A_2405[0] : i32 from vector<1xi32>
      %get3A_2407 = arith.constant 13 : i32
      %get3A_2408 = arith.index_cast %select_n3A_1440 : i32 to index
      %get3A_2409 = arith.index_cast %get3A_2407 : i32 to index
      %get3A_2410 = arith.index_cast %squeeze3A_2404 : i32 to index
      %get3A_2411 = arith.constant 0 : index
      %get3A_2412 = tpu.vector_load %arg11[%get3A_2408, %get3A_2409, %get3A_2410, %get3A_2411] {strides = array<i32>} : memref<3x16x8x64xf32, #tpu.memory_space<vmem>>, vector<16xf32>,
      %get3A_2413 = arith.constant 13 : i32
      %get3A_2414 = arith.index_cast %select_n3A_1440 : i32 to index
      %get3A_2415 = arith.index_cast %get3A_2413 : i32 to index
      %get3A_2416 = arith.index_cast %squeeze3A_2406 : i32 to index
      %get3A_2417 = arith.constant 0 : index
      %get3A_2418 = tpu.vector_load %arg12[%get3A_2414, %get3A_2415, %get3A_2416, %get3A_2417] {strides = array<i32>} : memref<3x16x8x64xf32, #tpu.memory_space<vmem>>, vector<16xf32>,
      %mul3A_2419 = arith.mulf %get3A_2412, %get3A_2418 : vector<16xf32>
      %get3A_2420 = arith.constant 13 : i32
      %get3A_2421 = arith.index_cast %select_n3A_1440 : i32 to index
      %get3A_2422 = arith.index_cast %get3A_2420 : i32 to index
      %get3A_2423 = arith.index_cast %squeeze3A_2404 : i32 to index
      %get3A_2424 = arith.constant 16 : index
      %get3A_2425 = tpu.vector_load %arg11[%get3A_2421, %get3A_2422, %get3A_2423, %get3A_2424] {strides = array<i32>} : memref<3x16x8x64xf32, #tpu.memory_space<vmem>>, vector<16xf32>,
      %get3A_2426 = arith.constant 13 : i32
      %get3A_2427 = arith.index_cast %select_n3A_1440 : i32 to index
      %get3A_2428 = arith.index_cast %get3A_2426 : i32 to index
      %get3A_2429 = arith.index_cast %squeeze3A_2406 : i32 to index
      %get3A_2430 = arith.constant 16 : index
      %get3A_2431 = tpu.vector_load %arg12[%get3A_2427, %get3A_2428, %get3A_2429, %get3A_2430] {strides = array<i32>} : memref<3x16x8x64xf32, #tpu.memory_space<vmem>>, vector<16xf32>,
      %mul3A_2432 = arith.mulf %get3A_2425, %get3A_2431 : vector<16xf32>
      %add3A_2433 = arith.addf %mul3A_2419, %mul3A_2432 : vector<16xf32>
      %get3A_2434 = arith.constant 13 : i32
      %get3A_2435 = arith.index_cast %select_n3A_1440 : i32 to index
      %get3A_2436 = arith.index_cast %get3A_2434 : i32 to index
      %get3A_2437 = arith.index_cast %squeeze3A_2404 : i32 to index
      %get3A_2438 = arith.constant 32 : index
      %get3A_2439 = tpu.vector_load %arg11[%get3A_2435, %get3A_2436, %get3A_2437, %get3A_2438] {strides = array<i32>} : memref<3x16x8x64xf32, #tpu.memory_space<vmem>>, vector<16xf32>,
      %get3A_2440 = arith.constant 13 : i32
      %get3A_2441 = arith.index_cast %select_n3A_1440 : i32 to index
      %get3A_2442 = arith.index_cast %get3A_2440 : i32 to index
      %get3A_2443 = arith.index_cast %squeeze3A_2406 : i32 to index
      %get3A_2444 = arith.constant 32 : index
      %get3A_2445 = tpu.vector_load %arg12[%get3A_2441, %get3A_2442, %get3A_2443, %get3A_2444] {strides = array<i32>} : memref<3x16x8x64xf32, #tpu.memory_space<vmem>>, vector<16xf32>,
      %mul3A_2446 = arith.mulf %get3A_2439, %get3A_2445 : vector<16xf32>
      %add3A_2447 = arith.addf %add3A_2433, %mul3A_2446 : vector<16xf32>
      %get3A_2448 = arith.constant 13 : i32
      %get3A_2449 = arith.index_cast %select_n3A_1440 : i32 to index
      %get3A_2450 = arith.index_cast %get3A_2448 : i32 to index
      %get3A_2451 = arith.index_cast %squeeze3A_2404 : i32 to index
      %get3A_2452 = arith.constant 48 : index
      %get3A_2453 = tpu.vector_load %arg11[%get3A_2449, %get3A_2450, %get3A_2451, %get3A_2452] {strides = array<i32>} : memref<3x16x8x64xf32, #tpu.memory_space<vmem>>, vector<16xf32>,
      %get3A_2454 = arith.constant 13 : i32
      %get3A_2455 = arith.index_cast %select_n3A_1440 : i32 to index
      %get3A_2456 = arith.index_cast %get3A_2454 : i32 to index
      %get3A_2457 = arith.index_cast %squeeze3A_2406 : i32 to index
      %get3A_2458 = arith.constant 48 : index
      %get3A_2459 = tpu.vector_load %arg12[%get3A_2455, %get3A_2456, %get3A_2457, %get3A_2458] {strides = array<i32>} : memref<3x16x8x64xf32, #tpu.memory_space<vmem>>, vector<16xf32>,
      %mul3A_2460 = arith.mulf %get3A_2453, %get3A_2459 : vector<16xf32>
      %add3A_2461 = arith.addf %add3A_2447, %mul3A_2460 : vector<16xf32>
      %eq3A_2462 = arith.constant 13 : i32
      %eq3A_2463 = vector.broadcast %eq3A_2462 : i32 to vector<16xi32>
      %eq3A_2464 = arith.cmpi eq, %iota3A, %eq3A_2463 : vector<16xi32>
      %reduce_sum3A_2465 = arith.constant true
      %reduce_sum3A_2466 = vector.broadcast %reduce_sum3A_2465 : i1 to vector<16xi1>
      %reduce_sum3A_2467 = tpu.scan <sum>, %add3A_2461 masked %reduce_sum3A_2466 : vector<16xf32>, vector<16xi1> -> vector<16xf32>
      %reduce_sum3A_2468 = vector.extract %reduce_sum3A_2467[15] : f32 from vector<16xf32>
      %add3A_2469 = vector.broadcast %reduce_sum3A_2468 : f32 to vector<16xf32>
      %add3A_2470 = arith.addf %select_n3A_2402, %add3A_2469 : vector<16xf32>
      %select_n3A_2471 = arith.select %eq3A_2464, %add3A_2470, %select_n3A_2402 : vector<16xi1>, vector<16xf32>
      %slice3A_2472 = vector.extract_strided_slice %and3A_1494 {offsets = [14], sizes = [1], strides = [1]} : vector<16xi32> to vector<1xi32>
      %squeeze3A_2473 = vector.extract %slice3A_2472[0] : i32 from vector<1xi32>
      %slice3A_2474 = vector.extract_strided_slice %and3A_1497 {offsets = [14], sizes = [1], strides = [1]} : vector<16xi32> to vector<1xi32>
      %squeeze3A_2475 = vector.extract %slice3A_2474[0] : i32 from vector<1xi32>
      %get3A_2476 = arith.constant 14 : i32
      %get3A_2477 = arith.index_cast %select_n3A_1440 : i32 to index
      %get3A_2478 = arith.index_cast %get3A_2476 : i32 to index
      %get3A_2479 = arith.index_cast %squeeze3A_2473 : i32 to index
      %get3A_2480 = arith.constant 0 : index
      %get3A_2481 = tpu.vector_load %arg11[%get3A_2477, %get3A_2478, %get3A_2479, %get3A_2480] {strides = array<i32>} : memref<3x16x8x64xf32, #tpu.memory_space<vmem>>, vector<16xf32>,
      %get3A_2482 = arith.constant 14 : i32
      %get3A_2483 = arith.index_cast %select_n3A_1440 : i32 to index
      %get3A_2484 = arith.index_cast %get3A_2482 : i32 to index
      %get3A_2485 = arith.index_cast %squeeze3A_2475 : i32 to index
      %get3A_2486 = arith.constant 0 : index
      %get3A_2487 = tpu.vector_load %arg12[%get3A_2483, %get3A_2484, %get3A_2485, %get3A_2486] {strides = array<i32>} : memref<3x16x8x64xf32, #tpu.memory_space<vmem>>, vector<16xf32>,
      %mul3A_2488 = arith.mulf %get3A_2481, %get3A_2487 : vector<16xf32>
      %get3A_2489 = arith.constant 14 : i32
      %get3A_2490 = arith.index_cast %select_n3A_1440 : i32 to index
      %get3A_2491 = arith.index_cast %get3A_2489 : i32 to index
      %get3A_2492 = arith.index_cast %squeeze3A_2473 : i32 to index
      %get3A_2493 = arith.constant 16 : index
      %get3A_2494 = tpu.vector_load %arg11[%get3A_2490, %get3A_2491, %get3A_2492, %get3A_2493] {strides = array<i32>} : memref<3x16x8x64xf32, #tpu.memory_space<vmem>>, vector<16xf32>,
      %get3A_2495 = arith.constant 14 : i32
      %get3A_2496 = arith.index_cast %select_n3A_1440 : i32 to index
      %get3A_2497 = arith.index_cast %get3A_2495 : i32 to index
      %get3A_2498 = arith.index_cast %squeeze3A_2475 : i32 to index
      %get3A_2499 = arith.constant 16 : index
      %get3A_2500 = tpu.vector_load %arg12[%get3A_2496, %get3A_2497, %get3A_2498, %get3A_2499] {strides = array<i32>} : memref<3x16x8x64xf32, #tpu.memory_space<vmem>>, vector<16xf32>,
      %mul3A_2501 = arith.mulf %get3A_2494, %get3A_2500 : vector<16xf32>
      %add3A_2502 = arith.addf %mul3A_2488, %mul3A_2501 : vector<16xf32>
      %get3A_2503 = arith.constant 14 : i32
      %get3A_2504 = arith.index_cast %select_n3A_1440 : i32 to index
      %get3A_2505 = arith.index_cast %get3A_2503 : i32 to index
      %get3A_2506 = arith.index_cast %squeeze3A_2473 : i32 to index
      %get3A_2507 = arith.constant 32 : index
      %get3A_2508 = tpu.vector_load %arg11[%get3A_2504, %get3A_2505, %get3A_2506, %get3A_2507] {strides = array<i32>} : memref<3x16x8x64xf32, #tpu.memory_space<vmem>>, vector<16xf32>,
      %get3A_2509 = arith.constant 14 : i32
      %get3A_2510 = arith.index_cast %select_n3A_1440 : i32 to index
      %get3A_2511 = arith.index_cast %get3A_2509 : i32 to index
      %get3A_2512 = arith.index_cast %squeeze3A_2475 : i32 to index
      %get3A_2513 = arith.constant 32 : index
      %get3A_2514 = tpu.vector_load %arg12[%get3A_2510, %get3A_2511, %get3A_2512, %get3A_2513] {strides = array<i32>} : memref<3x16x8x64xf32, #tpu.memory_space<vmem>>, vector<16xf32>,
      %mul3A_2515 = arith.mulf %get3A_2508, %get3A_2514 : vector<16xf32>
      %add3A_2516 = arith.addf %add3A_2502, %mul3A_2515 : vector<16xf32>
      %get3A_2517 = arith.constant 14 : i32
      %get3A_2518 = arith.index_cast %select_n3A_1440 : i32 to index
      %get3A_2519 = arith.index_cast %get3A_2517 : i32 to index
      %get3A_2520 = arith.index_cast %squeeze3A_2473 : i32 to index
      %get3A_2521 = arith.constant 48 : index
      %get3A_2522 = tpu.vector_load %arg11[%get3A_2518, %get3A_2519, %get3A_2520, %get3A_2521] {strides = array<i32>} : memref<3x16x8x64xf32, #tpu.memory_space<vmem>>, vector<16xf32>,
      %get3A_2523 = arith.constant 14 : i32
      %get3A_2524 = arith.index_cast %select_n3A_1440 : i32 to index
      %get3A_2525 = arith.index_cast %get3A_2523 : i32 to index
      %get3A_2526 = arith.index_cast %squeeze3A_2475 : i32 to index
      %get3A_2527 = arith.constant 48 : index
      %get3A_2528 = tpu.vector_load %arg12[%get3A_2524, %get3A_2525, %get3A_2526, %get3A_2527] {strides = array<i32>} : memref<3x16x8x64xf32, #tpu.memory_space<vmem>>, vector<16xf32>,
      %mul3A_2529 = arith.mulf %get3A_2522, %get3A_2528 : vector<16xf32>
      %add3A_2530 = arith.addf %add3A_2516, %mul3A_2529 : vector<16xf32>
      %eq3A_2531 = arith.constant 14 : i32
      %eq3A_2532 = vector.broadcast %eq3A_2531 : i32 to vector<16xi32>
      %eq3A_2533 = arith.cmpi eq, %iota3A, %eq3A_2532 : vector<16xi32>
      %reduce_sum3A_2534 = arith.constant true
      %reduce_sum3A_2535 = vector.broadcast %reduce_sum3A_2534 : i1 to vector<16xi1>
      %reduce_sum3A_2536 = tpu.scan <sum>, %add3A_2530 masked %reduce_sum3A_2535 : vector<16xf32>, vector<16xi1> -> vector<16xf32>
      %reduce_sum3A_2537 = vector.extract %reduce_sum3A_2536[15] : f32 from vector<16xf32>
      %add3A_2538 = vector.broadcast %reduce_sum3A_2537 : f32 to vector<16xf32>
      %add3A_2539 = arith.addf %select_n3A_2471, %add3A_2538 : vector<16xf32>
      %select_n3A_2540 = arith.select %eq3A_2533, %add3A_2539, %select_n3A_2471 : vector<16xi1>, vector<16xf32>
      %slice3A_2541 = vector.extract_strided_slice %and3A_1494 {offsets = [15], sizes = [1], strides = [1]} : vector<16xi32> to vector<1xi32>
      %squeeze3A_2542 = vector.extract %slice3A_2541[0] : i32 from vector<1xi32>
      %slice3A_2543 = vector.extract_strided_slice %and3A_1497 {offsets = [15], sizes = [1], strides = [1]} : vector<16xi32> to vector<1xi32>
      %squeeze3A_2544 = vector.extract %slice3A_2543[0] : i32 from vector<1xi32>
      %get3A_2545 = arith.constant 15 : i32
      %get3A_2546 = arith.index_cast %select_n3A_1440 : i32 to index
      %get3A_2547 = arith.index_cast %get3A_2545 : i32 to index
      %get3A_2548 = arith.index_cast %squeeze3A_2542 : i32 to index
      %get3A_2549 = arith.constant 0 : index
      %get3A_2550 = tpu.vector_load %arg11[%get3A_2546, %get3A_2547, %get3A_2548, %get3A_2549] {strides = array<i32>} : memref<3x16x8x64xf32, #tpu.memory_space<vmem>>, vector<16xf32>,
      %get3A_2551 = arith.constant 15 : i32
      %get3A_2552 = arith.index_cast %select_n3A_1440 : i32 to index
      %get3A_2553 = arith.index_cast %get3A_2551 : i32 to index
      %get3A_2554 = arith.index_cast %squeeze3A_2544 : i32 to index
      %get3A_2555 = arith.constant 0 : index
      %get3A_2556 = tpu.vector_load %arg12[%get3A_2552, %get3A_2553, %get3A_2554, %get3A_2555] {strides = array<i32>} : memref<3x16x8x64xf32, #tpu.memory_space<vmem>>, vector<16xf32>,
      %mul3A_2557 = arith.mulf %get3A_2550, %get3A_2556 : vector<16xf32>
      %get3A_2558 = arith.constant 15 : i32
      %get3A_2559 = arith.index_cast %select_n3A_1440 : i32 to index
      %get3A_2560 = arith.index_cast %get3A_2558 : i32 to index
      %get3A_2561 = arith.index_cast %squeeze3A_2542 : i32 to index
      %get3A_2562 = arith.constant 16 : index
      %get3A_2563 = tpu.vector_load %arg11[%get3A_2559, %get3A_2560, %get3A_2561, %get3A_2562] {strides = array<i32>} : memref<3x16x8x64xf32, #tpu.memory_space<vmem>>, vector<16xf32>,
      %get3A_2564 = arith.constant 15 : i32
      %get3A_2565 = arith.index_cast %select_n3A_1440 : i32 to index
      %get3A_2566 = arith.index_cast %get3A_2564 : i32 to index
      %get3A_2567 = arith.index_cast %squeeze3A_2544 : i32 to index
      %get3A_2568 = arith.constant 16 : index
      %get3A_2569 = tpu.vector_load %arg12[%get3A_2565, %get3A_2566, %get3A_2567, %get3A_2568] {strides = array<i32>} : memref<3x16x8x64xf32, #tpu.memory_space<vmem>>, vector<16xf32>,
      %mul3A_2570 = arith.mulf %get3A_2563, %get3A_2569 : vector<16xf32>
      %add3A_2571 = arith.addf %mul3A_2557, %mul3A_2570 : vector<16xf32>
      %get3A_2572 = arith.constant 15 : i32
      %get3A_2573 = arith.index_cast %select_n3A_1440 : i32 to index
      %get3A_2574 = arith.index_cast %get3A_2572 : i32 to index
      %get3A_2575 = arith.index_cast %squeeze3A_2542 : i32 to index
      %get3A_2576 = arith.constant 32 : index
      %get3A_2577 = tpu.vector_load %arg11[%get3A_2573, %get3A_2574, %get3A_2575, %get3A_2576] {strides = array<i32>} : memref<3x16x8x64xf32, #tpu.memory_space<vmem>>, vector<16xf32>,
      %get3A_2578 = arith.constant 15 : i32
      %get3A_2579 = arith.index_cast %select_n3A_1440 : i32 to index
      %get3A_2580 = arith.index_cast %get3A_2578 : i32 to index
      %get3A_2581 = arith.index_cast %squeeze3A_2544 : i32 to index
      %get3A_2582 = arith.constant 32 : index
      %get3A_2583 = tpu.vector_load %arg12[%get3A_2579, %get3A_2580, %get3A_2581, %get3A_2582] {strides = array<i32>} : memref<3x16x8x64xf32, #tpu.memory_space<vmem>>, vector<16xf32>,
      %mul3A_2584 = arith.mulf %get3A_2577, %get3A_2583 : vector<16xf32>
      %add3A_2585 = arith.addf %add3A_2571, %mul3A_2584 : vector<16xf32>
      %get3A_2586 = arith.constant 15 : i32
      %get3A_2587 = arith.index_cast %select_n3A_1440 : i32 to index
      %get3A_2588 = arith.index_cast %get3A_2586 : i32 to index
      %get3A_2589 = arith.index_cast %squeeze3A_2542 : i32 to index
      %get3A_2590 = arith.constant 48 : index
      %get3A_2591 = tpu.vector_load %arg11[%get3A_2587, %get3A_2588, %get3A_2589, %get3A_2590] {strides = array<i32>} : memref<3x16x8x64xf32, #tpu.memory_space<vmem>>, vector<16xf32>,
      %get3A_2592 = arith.constant 15 : i32
      %get3A_2593 = arith.index_cast %select_n3A_1440 : i32 to index
      %get3A_2594 = arith.index_cast %get3A_2592 : i32 to index
      %get3A_2595 = arith.index_cast %squeeze3A_2544 : i32 to index
      %get3A_2596 = arith.constant 48 : index
      %get3A_2597 = tpu.vector_load %arg12[%get3A_2593, %get3A_2594, %get3A_2595, %get3A_2596] {strides = array<i32>} : memref<3x16x8x64xf32, #tpu.memory_space<vmem>>, vector<16xf32>,
      %mul3A_2598 = arith.mulf %get3A_2591, %get3A_2597 : vector<16xf32>
      %add3A_2599 = arith.addf %add3A_2585, %mul3A_2598 : vector<16xf32>
      %eq3A_2600 = arith.constant 15 : i32
      %eq3A_2601 = vector.broadcast %eq3A_2600 : i32 to vector<16xi32>
      %eq3A_2602 = arith.cmpi eq, %iota3A, %eq3A_2601 : vector<16xi32>
      %reduce_sum3A_2603 = arith.constant true
      %reduce_sum3A_2604 = vector.broadcast %reduce_sum3A_2603 : i1 to vector<16xi1>
      %reduce_sum3A_2605 = tpu.scan <sum>, %add3A_2599 masked %reduce_sum3A_2604 : vector<16xf32>, vector<16xi1> -> vector<16xf32>
      %reduce_sum3A_2606 = vector.extract %reduce_sum3A_2605[15] : f32 from vector<16xf32>
      %add3A_2607 = vector.broadcast %reduce_sum3A_2606 : f32 to vector<16xf32>
      %add3A_2608 = arith.addf %select_n3A_2540, %add3A_2607 : vector<16xf32>
      %select_n3A_2609 = arith.select %eq3A_2602, %add3A_2608, %select_n3A_2540 : vector<16xi1>, vector<16xf32>
      %add3A_2610 = arith.constant 0 : i32
      %add3A_2611 = arith.addi %mul3A_1431, %add3A_2610 : i32
      %swap3A = arith.index_cast %add3A_2611 : i32 to index
      %swap3A_2612 = tpu.vector_load %arg15[%swap3A] {strides = array<i32>} : memref<512xf32, #tpu.memory_space<vmem>>, vector<16xf32>,
      tpu.vector_store %arg15[%swap3A], %select_n3A_2609 {strides = array<i32>} : memref<512xf32, #tpu.memory_space<vmem>>, vector<16xf32>,
    }
    %scan3A_1424 = arith.constant 32 : i32
    "tpu.region"() ({
      %run_scoped3A = tpu.sem_alloc : memref<!tpu.dma_semaphore, #tpu.memory_space<semaphore_mem>>
      %dma_start3A_1425 = tpu.memref_slice %arg8[%mul3A_2] : memref<16384xf32, #tpu.memory_space<hbm>> -> memref<512xf32, #tpu.memory_space<hbm>>
      %dma_start3A_1426 = tpu.memref_slice %arg8[%mul3A_2] : memref<16384xf32, #tpu.memory_space<hbm>> -> memref<512xf32, #tpu.memory_space<hbm>>
      tpu.enqueue_dma source(%arg15 : memref<512xf32, #tpu.memory_space<vmem>>) target(%dma_start3A_1426 : memref<512xf32, #tpu.memory_space<hbm>>) target_semaphore(%run_scoped3A : memref<!tpu.dma_semaphore, #tpu.memory_space<semaphore_mem>>)
      %dma_wait3A_1427 = tpu.memref_slice %arg8[%mul3A_2] : memref<16384xf32, #tpu.memory_space<hbm>> -> memref<512xf32, #tpu.memory_space<hbm>>
      %dma_wait3A_1428 = tpu.memref_slice %arg8[%mul3A_2] : memref<16384xf32, #tpu.memory_space<hbm>> -> memref<512xf32, #tpu.memory_space<hbm>>
      tpu.wait_dma2 semaphore(%run_scoped3A : memref<!tpu.dma_semaphore, #tpu.memory_space<semaphore_mem>>) src(%arg15 : memref<512xf32, #tpu.memory_space<vmem>>) dst(%dma_wait3A_1428 : memref<512xf32, #tpu.memory_space<hbm>>)
      tpu.yield
    }) : () -> ()
    return
  }
}

</mosaic_0001>

<sc_bundles>
// kernel: kernel.3.cloned.1.call-start
scs
__scs_entry_jumppad:
0x0: {  	(pc) =	sbr.rel $0x88, $3  }
0x1: {  	(tag) =	ssettag $0x0;
	lr =	simm.s32 $0x1  }
0x2: {  	[smem:$0x3F9B] =	sst lr;
	_ =	strace $0xD0000000  }
0x3: {  	_ = 	snop  }
0x4: {  	_ = 	snop  }
0x5: {  	_ = 	snop  }
0x6: {  	_ = 	snop  }
0x7: {  	_ = 	snop  }
__scs_overlays_trampoline_lowered:
0x8: {  	[smem:$0x3FAA] =	sst s0  }
0x9: {  	[smem:$0x3FAB] =	sst s1  }
0xa: {  	[smem:$0x3FAC] =	sst s2  }
0xb: {  	[smem:$0x3FAD] =	sst s3  }
0xc: {  	[smem:$0x3FAE] =	sst s4  }
0xd: {  	[smem:$0x3FAF] =	sst s5  }
0xe: {  	[smem:$0x3FB0] =	sst s6  }
0xf: {  	[smem:$0x3FB1] =	sst s7  }
0x10: {  	[smem:$0x3FB2] =	sst s8  }
0x11: {  	[smem:$0x3FB3] =	sst s9;
	s0 =	simm.s32 @!p0 $0x0  }
0x12: {  	s1 =	sld [smem:$0x3F99];
	s0 =	simm.s32 @p0 $0x1  }
0x13: {  	[smem:$0x3FB4] =	sst s0;
	s0 =	simm.s32 @!p1 $0x0  }
0x14: {  	s2 =	sld [smem:$0x3F98];
	s0 =	simm.s32 @p1 $0x1  }
0x15: {  	[smem:$0x3FB5] =	sst s0;
	s0 =	simm.s32 @!p2 $0x0  }
0x16: {  	s3 =	sld [smem:$0x3FDB];
	s0 =	simm.s32 @p2 $0x1  }
0x17: {  	s4 =	simm.s32 $0x1BF5;
	[smem:$0x3FB7] =	sst s0  }
0x18: {  	s0 =	sld [smem:$0x3F9A];
	_ =	swait.ge [sflag:s4], $0x0  }
0x19: {  	s7 =	sld [smem:$0x3F9B]  }
0x1a: {  	s8 =	sadd.s32 $0xFFFFE003, lr  }
0x1b: {  	s9 =	sadd.s32 $0xFFFFFEF7, lr;
	s5 =	simm.s32 $0xFFFFFFFF;
	p2 =	slt.u32 s8, $0xFFFFF086  }
0x1c: {  	p1 =	slt.u32 s9, $0xF7A;
	s5 =	simm.s32 @!p2 $0x0  }
0x1d: {  	s5 =	simm.s32 @p1 $0x1;
	p0 =	seq.s32 s7, s2  }
0x1e: {  	s7 =	smul.u32 @!p0 $0xF7A, s2;
	p2 =	seq.s32 @!p0 s5, $0x0  }
0x1f: {  	s9 =	smul.u32 $0xF7A, s1;
	s8 =	simm.s32 @!p0 $0x1BF5;
	p2 =	por !p2, p0  }
0x20: {  	[sflag:s8] =	ssyncset.s32 @!p0 $0xFFFFF086;
	s6 =	sadd.s32 @!p0 s3, s7;
	s7 =	simm.s32 @!p0 $0x108  }
0x21: {  	s3 =	sadd.s32 s3, s9;
	s6 =	sadd.s32 @!p0 $0x88, s6;
	s7 =	simm.s32 @p2 $0x1082  }
0x22: {  	[simem:s7], [sflag:s8] =	dma.local @!p0 [hbm:s6], $0xF7A  }
0x23: {  	s9 =	sor.u32 $0xD0000000, s2;
	s6 =	simm.s32 $0x108;
	_ =	swait.ge @!p0 [sflag:s8], $0x0  }
0x24: {  	s3 =	sadd.s32 $0x88, s3;
	s6 =	simm.s32 @!p1 $0x1082;
	[sflag:s4] =	ssyncset.s32 $0xFFFFF086  }
0x25: {  	[simem:s6], [sflag:s4] =	dma.local [hbm:s3], $0xF7A  }
0x26: {  	[smem:$0x3F9B] =	sst s1;
	(tag) =	ssettag s2;
	_ =	strace s9  }
0x27: {  	s1 =	sld [smem:$0x3FAB]  }
0x28: {  	s2 =	sld [smem:$0x3FAC]  }
0x29: {  	s4 =	sld [smem:$0x3FAE]  }
0x2a: {  	p0 =	seq.s32 s5, $0x0;
	s5 =	sld [smem:$0x3FAF]  }
0x2b: {  	s6 =	sld [smem:$0x3FB0]  }
0x2c: {  	s7 =	sld [smem:$0x3FB1]  }
0x2d: {  	s3 =	simm.s32 $0x108;
	s8 =	sld [smem:$0x3FB2]  }
0x2e: {  	s3 =	simm.s32 @!p0 $0x1082;
	s9 =	sld [smem:$0x3FB3]  }
0x2f: {  	lr =	sadd.s32 s0, s3;
	s0 =	sld [smem:$0x3FAA]  }
0x30: {  	s3 =	sld [smem:$0x3FAD]  }
0x31: {  	[smem:$0x3FB6] =	sst s10  }
0x32: {  	s10 =	sld [smem:$0x3FB4];
	_ =	sdelay $0x3  }
0x33: {  	p0 =	seq.s32 s10, $0x1;
	s10 =	sld [smem:$0x3FB6];
	_ =	sdelay $0x3  }
0x34: {  	[smem:$0x3FB6] =	sst s10  }
0x35: {  	s10 =	sld [smem:$0x3FB5];
	_ =	sdelay $0x3  }
0x36: {  	p1 =	seq.s32 s10, $0x1;
	s10 =	sld [smem:$0x3FB6];
	_ =	sdelay $0x3  }
0x37: {  	[smem:$0x3FB6] =	sst s10  }
0x38: {  	s10 =	sld [smem:$0x3FB7]  }
0x39: {  	_ = 	snop;
	(pc) =	sbr.ind lr, $3  }
0x3a: {  	_ = 	snop  }
0x3b: {  	_ = 	snop  }
0x3c: {  	p2 =	seq.s32 s10, $0x1;
	s10 =	sld [smem:$0x3FB6]  }
0x3d: {  	_ =	shalt  }
0x3e: {  	_ =	shalt  }
0x3f: {  	_ =	shalt  }
0x40: {  	_ =	shalt  }
0x41: {  	_ =	shalt  }
0x42: {  	_ =	shalt  }
0x43: {  	_ =	shalt  }
0x44: {  	_ =	shalt  }
0x45: {  	_ =	shalt  }
0x46: {  	_ =	shalt  }
0x47: {  	_ =	shalt  }
0x48: {  	_ =	shalt  }
0x49: {  	_ =	shalt  }
0x4a: {  	_ =	shalt  }
0x4b: {  	_ =	shalt  }
0x4c: {  	_ =	shalt  }
0x4d: {  	_ =	shalt  }
0x4e: {  	_ =	shalt  }
0x4f: {  	_ =	shalt  }
0x50: {  	_ =	shalt  }
0x51: {  	_ =	shalt  }
0x52: {  	_ =	shalt  }
0x53: {  	_ =	shalt  }
0x54: {  	_ =	shalt  }
0x55: {  	_ =	shalt  }
0x56: {  	_ =	shalt  }
0x57: {  	_ =	shalt  }
0x58: {  	_ =	shalt  }
0x59: {  	_ =	shalt  }
0x5a: {  	_ =	shalt  }
0x5b: {  	_ =	shalt  }
0x5c: {  	_ =	shalt  }
0x5d: {  	_ =	shalt  }
0x5e: {  	_ =	shalt  }
0x5f: {  	_ =	shalt  }
0x60: {  	_ =	shalt  }
0x61: {  	_ =	shalt  }
0x62: {  	_ =	shalt  }
0x63: {  	_ =	shalt  }
0x64: {  	_ =	shalt  }
0x65: {  	_ =	shalt  }
0x66: {  	_ =	shalt  }
0x67: {  	_ =	shalt  }
0x68: {  	_ =	shalt  }
0x69: {  	_ =	shalt  }
0x6a: {  	_ =	shalt  }
0x6b: {  	_ =	shalt  }
0x6c: {  	_ =	shalt  }
0x6d: {  	_ =	shalt  }
0x6e: {  	_ =	shalt  }
0x6f: {  	_ =	shalt  }
0x70: {  	_ =	shalt  }
0x71: {  	_ =	shalt  }
0x72: {  	_ =	shalt  }
0x73: {  	_ =	shalt  }
0x74: {  	_ =	shalt  }
0x75: {  	_ =	shalt  }
0x76: {  	_ =	shalt  }
0x77: {  	_ =	shalt  }
0x78: {  	_ =	shalt  }
0x79: {  	_ =	shalt  }
0x7a: {  	_ =	shalt  }
0x7b: {  	_ =	shalt  }
0x7c: {  	_ =	shalt  }
0x7d: {  	_ =	shalt  }
0x7e: {  	_ =	shalt  }
0x7f: {  	_ =	shalt  }
0x80: {  	_ =	shalt  }
0x81: {  	_ =	shalt  }
0x82: {  	_ =	shalt  }
0x83: {  	_ =	shalt  }
0x84: {  	_ =	shalt  }
0x85: {  	_ =	shalt  }
0x86: {  	_ =	shalt  }
0x87: {  	_ =	shalt  }
.Lfunc_end0:
.L_simem_size_0:
called_computation_lowered:
.L_overlay_start_0:
0x88: {  	s2 =	sld [smem:$0x3FD9]  }
0x89: {  	s3 =	sld [smem:$0x3FFE];
	_ =	sdelay $0x1  }
0x8a: {  	s1 =	srdreg.scid  }
0x8b: {  	s0 =	sand.u32 $0x1, s1  }
0x8c: {  	s17 =	sshll.u32 s0, $0xA;
	s2 =	sadd.s32 s3, s2  }
0x8d: {  	s2 =	sadd.s32 s2, s17  }
0x8e: {  	[smem:$0x3FC2] =	sst s2  }
0x8f: {  	_ = 	snop  }
0x90: {  	s2 =	sld [smem:$0x3FC9]  }
0x91: {  	s18 =	sld [smem:$0x3FC8]  }
0x92: {  	s4 =	sld [smem:$0x3FD0];
	(tm) =	ssettm $0x1  }
0x93: {  	s5 =	sld [smem:$0x3FFB];
	_ =	sdelay $0x3  }
0x94: {  	_ =	strace s5  }
0x95: {  	s5 =	sld [smem:$0x3FFC];
	_ =	sdelay $0x3  }
0x96: {  	_ =	strace s5  }
0x97: {  	s5 =	sld [smem:$0x3FFD];
	_ =	sdelay $0x3  }
0x98: {  	_ =	strace s5  }
0x99: {  	_ =	strace $0x8FFFFFFF  }
0x9a: {  	s19 =	sld [smem:$0x3FDB];
	_ =	sdelay $0x1  }
0x9b: {  	s6 =	simm.s32 $_scs_section_size  }
0x9c: {  	s7 =	simm.s32 $_size__tile_overlayer_lowered;
	s8 =	simm.s32 $_tile_overlayer_lowered  }
0x9d: {  	s22 =	simm.s32 $0x1BFF;
	s21 =	sshll.u32 s8, $0x1;
	s5 =	sadd.s32 s6, s19  }
0x9e: {  	s9 =	simm.s32 $0x0;
	s20 =	sshll.u32 s7, $0x1;
	s7 =	sadd.s32 s21, s5  }
0x9f: {  	[timem:s9], [sflag:s22] =	dma.local [hbm:s7], s20  }
0xa0: {  	_ =	swait.ge [sflag:s22], s20  }
0xa1: {  	s6 =	ssub.s32 $0x0, s20;
	[sflag:s22] =	ssyncset.done $0x0  }
0xa2: {  	[sflag:s22] =	ssyncadd.s32 s6;
	_ =	sdelay $0x1  }
0xa3: {  	s23 =	simm.s32 $0x1B8B  }
0xa4: {  	_ =	swait.ge [sflag:s23], $0x1  }
0xa5: {  	[sflag:s23] =	ssyncset.done $0x0  }
0xa6: {  	s25 =	simm.s32 $0x1B8E;
	s24 =	sld [smem:$0x3FFE];
	[sflag:s23] =	ssyncadd.s32 $0xFFFFFFFF  }
0xa7: {  	s26 =	simm.s32 $execute0_lowered;
	[smem:$0x3FD2] =	sst s25  }
0xa8: {  	s7 =	sshll.u32 s26, $0x1;
	_ =	strace $0x80000046;
	[dreg:$0x1] =	wrdreg $0xFFFFFFFF  }
0xa9: {  	s28 =	simm.s32 $_size_execute0_lowered;
	s5 =	sadd.s32 s5, s7;
	[dreg:$0x0] =	wrdreg $0x0  }
0xaa: {  	s7 =	sshll.u32 s28, $0x1;
	[dreg:$0x2] =	wrdreg s5  }
0xab: {  	[dreg:$0x3] =	wrdreg s7  }
0xac: {  	[dreg:$0x4] =	wrdreg $0xC0  }
0xad: {  	_ =	task [dreg:s9], $0x5FFFF  }
0xae: {  	[dreg:$0x1] =	wrdreg $0xFFFFFFFF  }
0xaf: {  	[dreg:$0x0] =	wrdreg $0x60  }
0xb0: {  	[dreg:$0x2] =	wrdreg s2  }
0xb1: {  	[dreg:$0x3] =	wrdreg s18  }
0xb2: {  	[dreg:$0x4] =	wrdreg s24  }
0xb3: {  	[dreg:$0x5] =	wrdreg s4  }
0xb4: {  	[dreg:$0x6] =	wrdreg $0x9  }
0xb5: {  	_ =	task.clear_ibuf [dreg:s9], $0x7FFFF;
	_ =	strace $0x90000046  }
0xb6: {  	s29 =	simm.s32 $0x9;
	_ =	strace $0x80000048  }
0xb7: {  	_ =	swait.ge [sflag:s29], $0x1  }
0xb8: {  	[sflag:s29] =	ssyncadd.s32 $0xFFFFFFFF  }
0xb9: {  	_ =	strace $0x90000048  }
0xba: {  	_ =	sfence  }
0xbb: {  	s30 =	sld [smem:$0x0];
	_ =	sdelay $0x2  }
0xbc: {  	s31 =	sshll.u32 s1, $0xD;
	s1 =	sshrl.u32 s1, $0x2  }
0xbd: {  	s3 =	sand.u32 $0x4000, s31;
	s1 =	sadd.s32 s1, s30  }
0xbe: {  	s0 =	sor.u32 s3, s0;
	s1 =	sshll.u32 s1, $0x11  }
0xbf: {  	s0 =	sor.u32 s1, s0  }
0xc0: {  	s0 =	sadd.s32 $0x8F2B, s0  }
0xc1: {  	[sflag:s0] =	ssyncadd.remote.s32 $0x1  }
0xc2: {  	_ =	sfence.sel $0xFFFF  }
0xc3: {  	[dreg:$0x0] =	wrdreg $0xFFFFFFFF;
	(pc) =	sbr.abs _section_cstart, $3  }
0xc4: {  	[dreg:$0x1] =	wrdreg $0xFFFFFFFF  }
0xc5: {  	_ =	task.clear_ibuf [dreg:s9], $0x2FFFF;
	_ =	strace $0x9FFFFFFF  }
0xc6: {  	(tm) =	ssettm $0x7FFFFFFF  }
0xc7: {  	_ =	shalt  }
tec
execute0_lowered:
.L_overlay_start_1:
0x0: {  	(tag) =	ssettag $0x1  }
0x1: {  	s0 =	rddreg [dreg:$0x0]  }
0x2: {  	s3 =	rddreg [dreg:$0x1]  }
0x3: {  	s1 =	rddreg [dreg:$0x2]  }
0x4: {  	s9 =	rddreg [dreg:$0x3];
	s2 =	simm.s32 $0x0  }
0x5: {  	s5 =	srdreg.scid;
	s6 =	stileid.u32;
	s12 =	simm.s32 $0x200  }
0x6: {  	s14 =	simm.s32 $0x13C00;
	s15 =	simm.s32 $0x8000;
	s16 =	simm.s32 $0x14000  }
0x7: {  	vm0 =	vmmov $0x1;
	s17 =	simm.s32 $0x3;
	s18 =	simm.s32 $0x4;
	s19 =	simm.s32 $0x1  }
0x8: {  	vm1 =	vcmask $0x30C;
	vm2 =	vcmask $0xF0C;
	vm3 =	vcmask $0x714;
	s20 =	simm.s32 $0x2;
	s21 =	simm.s32 $0x18800;
	s22 =	simm.s32 $0x0  }
0x9: {  	vm4 =	vcmask $0xF18;
	vm5 =	vcmask $0x131C;
	vm6 =	vcmask $0x1F1C;
	[smem:$0x7FF] =	sst s2;
	s4 =	sadd.s32 $0x3D400, s1;
	s5 =	sand.u32 $0x1, s5  }
.Ltmp0:
0xa: {  	vm7 =	vcmask $0x1724;
	vm8 =	vcmask $0x1F28;
	vm9 =	vcmask $0x232C;
	s6 =	sshll.u32 s6, $0x7;
	_ =	strace $0x80000047;
	(pc) =	sbr.rel .LBB2_1-.Ltmp0, $4  }
0xb: {  	vm10 =	vcmask $0x2F2C;
	vm11 =	vcmask $0x2734;
	vm12 =	vcmask $0x2F38;
	s7 =	ssub.s32 $0x2, s5;
	s8 =	sshll.u32 s5, $0x6;
	s5 =	sadd.s32 $0xF7F800, s1  }
0xc: {  	vm13 =	vcmask $0x333C;
	vm14 =	vmmov $0x3fff;
	vm15 =	vmmov $0x7fff;
	s10 =	sshrl.u32 s7, $0x1;
	s11 =	sor.u32 s8, s6;
	s6 =	sadd.s32 $0x1EA00, s1  }
0xd: {  	vm2 =	vmor vm3, vm2;
	vm3 =	vcmask $0xB14;
	vm6 =	vmor vm7, vm6;
	s10 =	ssub.s32 s7, s10;
	s7 =	sadd.s32 s0, s11;
	s8 =	sadd.s32 s3, s11  }
0xe: {  	vm7 =	vcmask $0x1B24;
	vm10 =	vmor vm11, vm10;
	vm11 =	vcmask $0x2B34;
	s9 =	sadd.s32 s9, s11;
	s11 =	simm.s32 $0x5;
	s10 =	smax.u32 s10, $0x1  }
.LBB2_5:
0xf: {  	s22 =	sadd.s32 $0x1, s22  }
0x10: {  	p0 =	sne.s32 s22, s10  }
.Ltmp1:
0x11: {  	_ = 	snop;
	(pc) =	sbr.rel @!p0 .LBB2_6-.Ltmp1, $4  }
0x12: {  	[hbm4b:s9+s2] =	stream.linear.scatter [tilespmem:s21], [sflag:$0x5], $0x200, $0x38;
	[tilespmem:$0x18A00] =	vst v63  }
0x13: {  	_ =	swait.ge [sflag:s11], $0x200  }
0x14: {  	[sflag:s11] =	ssyncset.done $0x0  }
0x15: {  	[sflag:s11] =	ssyncadd.s32 $0xFFFFFE00  }
.LBB2_1:
0x16: {  	[tilespmem:s2], [sflag:$0x5] =	stream.linear.gather [hbm4b:s7+s2], $0x200, $0x38;
	[tilespmem:$0x18A00] =	vst v63  }
0x17: {  	_ =	swait.ge [sflag:s11], $0x200  }
0x18: {  	[sflag:s11] =	ssyncset.done $0x0  }
0x19: {  	[sflag:s11] =	ssyncadd.s32 $0xFFFFFE00  }
0x1a: {  	[tilespmem:s12], [sflag:$0x5] =	stream.linear.gather [hbm4b:s8+s2], $0x200, $0x38;
	[tilespmem:$0x18A00] =	vst v63  }
0x1b: {  	_ =	swait.ge [sflag:s11], $0x200  }
0x1c: {  	[sflag:s11] =	ssyncset.done $0x0  }
0x1d: {  	[sflag:s11] =	ssyncadd.s32 $0xFFFFFE00  }
0x1e: {  	s23 =	simm.s32 $0x18400;
	s0 =	rddreg [dreg:$0x2]  }
0x1f: {  	[tilespmem:s23], [sflag:$0x3] =	stream.indirect.gather [hbm4b:s0+s12], $0x1, s2, s12, $0xb8;
	[tilespmem:$0x18A00] =	vst v63  }
0x20: {  	s24 =	simm.s32 $0x18600  }
0x21: {  	[tilespmem:s24], [sflag:$0x4] =	stream.indirect.gather [hbm4b:s6+s12], $0x1, s12, s12, $0xb8;
	[tilespmem:$0x18A00] =	vst v63  }
0x22: {  	v0 =	vld [tilespmem:$0x0];
	_ =	sdelay $0x1  }
0x23: {  	v2 =	vld [tilespmem:$0x200];
	_ =	sdelay $0x2  }
0x24: {  	v1 =	vshll.u32 v0, $0x4  }
0x25: {  	(v2sf) =	vpush v1, $0x0  }
0x26: {  	v59 =	vshll.u32 v2, $0x4  }
0x27: {  	(v2sf) =	vpush v59, $0x0;
	_ =	sdelay $0x1  }
0x28: {  	(v2sf) =	vpush v1, $0x1;
	_ =	sdelay $0x8  }
0x29: {  	(v2sf) =	vpush v59, $0x1;
	_ =	sdelay $0x1  }
0x2a: {  	s25 =	spop (v2sf);
	(v2sf) =	vpush v1, $0x2;
	_ =	sdelay $0x1  }
0x2b: {  	s30 =	spop (v2sf);
	(v2sf) =	vpush v59, $0x2;
	_ =	sdelay $0x1  }
0x2c: {  	s1 =	spop (v2sf);
	(v2sf) =	vpush v1, $0x3;
	_ =	sdelay $0x2  }
0x2d: {  	(v2sf) =	vpush v59, $0x3;
	_ =	sdelay $0x1  }
0x2e: {  	s25 =	sand.u32 $0x1FFFFF80, s25  }
0x2f: {  	s26 =	simm.s32 $0x400;
	s25 =	sadd.s32 s4, s25  }
0x30: {  	[tilespmem:s26], [sflag:$0x1] =	stream.linear.gather [hbm4b:s25+s2], $0x400, $0x38;
	[tilespmem:$0x18A00] =	vst v63  }
0x31: {  	s25 =	sand.u32 $0x1FFFFF80, s30  }
0x32: {  	s31 =	simm.s32 $0xC400;
	s13 =	spop (v2sf);
	s25 =	sadd.s32 s5, s25  }
0x33: {  	[tilespmem:s31], [sflag:$0x2] =	stream.linear.gather [hbm4b:s25+s2], $0x400, $0x38;
	[tilespmem:$0x18A00] =	vst v63  }
0x34: {  	s30 =	spop (v2sf);
	(v2sf) =	vpush v1, $0x4  }
0x35: {  	s25 =	sand.u32 $0x1FFFFF80, s1  }
0x36: {  	s3 =	simm.s32 $0x800;
	s25 =	sadd.s32 s4, s25;
	s1 =	spop (v2sf);
	(v2sf) =	vpush v59, $0x4  }
0x37: {  	[tilespmem:s3], [sflag:$0x1] =	stream.linear.gather [hbm4b:s25+s2], $0x400, $0x38;
	[tilespmem:$0x18A00] =	vst v63  }
0x38: {  	s25 =	sand.u32 $0x1FFFFF80, s13;
	s13 =	spop (v2sf);
	(v2sf) =	vpush v1, $0x5  }
0x39: {  	s26 =	simm.s32 $0xC800;
	s25 =	sadd.s32 s5, s25  }
0x3a: {  	[tilespmem:s26], [sflag:$0x2] =	stream.linear.gather [hbm4b:s25+s2], $0x400, $0x38;
	[tilespmem:$0x18A00] =	vst v63  }
0x3b: {  	s25 =	sand.u32 $0x1FFFFF80, s30;
	s30 =	spop (v2sf);
	(v2sf) =	vpush v59, $0x5;
	_ =	sdelay $0x2  }
0x3c: {  	s31 =	simm.s32 $0xC00;
	s25 =	sadd.s32 s4, s25  }
0x3d: {  	[tilespmem:s31], [sflag:$0x1] =	stream.linear.gather [hbm4b:s25+s2], $0x400, $0x38;
	[tilespmem:$0x18A00] =	vst v63  }
0x3e: {  	s25 =	sand.u32 $0x1FFFFF80, s1  }
0x3f: {  	s3 =	simm.s32 $0xCC00;
	s25 =	sadd.s32 s5, s25  }
0x40: {  	[tilespmem:s3], [sflag:$0x2] =	stream.linear.gather [hbm4b:s25+s2], $0x400, $0x38;
	[tilespmem:$0x18A00] =	vst v63  }
0x41: {  	s1 =	spop (v2sf);
	(v2sf) =	vpush v1, $0x6  }
0x42: {  	s25 =	sand.u32 $0x1FFFFF80, s13  }
0x43: {  	s26 =	simm.s32 $0x1000;
	s25 =	sadd.s32 s4, s25;
	s13 =	spop (v2sf);
	(v2sf) =	vpush v59, $0x6  }
0x44: {  	[tilespmem:s26], [sflag:$0x1] =	stream.linear.gather [hbm4b:s25+s2], $0x400, $0x38;
	[tilespmem:$0x18A00] =	vst v63  }
0x45: {  	s25 =	sand.u32 $0x1FFFFF80, s30;
	s30 =	spop (v2sf);
	(v2sf) =	vpush v1, $0x7  }
0x46: {  	s31 =	simm.s32 $0xD000;
	s25 =	sadd.s32 s5, s25  }
0x47: {  	[tilespmem:s31], [sflag:$0x2] =	stream.linear.gather [hbm4b:s25+s2], $0x400, $0x38;
	[tilespmem:$0x18A00] =	vst v63  }
0x48: {  	s25 =	sand.u32 $0x1FFFFF80, s1;
	s1 =	spop (v2sf);
	(v2sf) =	vpush v59, $0x7;
	_ =	sdelay $0x2  }
0x49: {  	s3 =	simm.s32 $0x1400;
	s25 =	sadd.s32 s4, s25  }
0x4a: {  	[tilespmem:s3], [sflag:$0x1] =	stream.linear.gather [hbm4b:s25+s2], $0x400, $0x38;
	[tilespmem:$0x18A00] =	vst v63  }
0x4b: {  	s25 =	sand.u32 $0x1FFFFF80, s13  }
0x4c: {  	s26 =	simm.s32 $0xD400;
	s25 =	sadd.s32 s5, s25  }
0x4d: {  	[tilespmem:s26], [sflag:$0x2] =	stream.linear.gather [hbm4b:s25+s2], $0x400, $0x38;
	[tilespmem:$0x18A00] =	vst v63  }
0x4e: {  	s13 =	spop (v2sf);
	(v2sf) =	vpush v1, $0x8  }
0x4f: {  	s25 =	sand.u32 $0x1FFFFF80, s30  }
0x50: {  	s31 =	simm.s32 $0x1800;
	s25 =	sadd.s32 s4, s25;
	s30 =	spop (v2sf);
	(v2sf) =	vpush v59, $0x8  }
0x51: {  	[tilespmem:s31], [sflag:$0x1] =	stream.linear.gather [hbm4b:s25+s2], $0x400, $0x38;
	[tilespmem:$0x18A00] =	vst v63  }
0x52: {  	s25 =	sand.u32 $0x1FFFFF80, s1;
	s1 =	spop (v2sf);
	(v2sf) =	vpush v1, $0x9  }
0x53: {  	s3 =	simm.s32 $0xD800;
	s25 =	sadd.s32 s5, s25  }
0x54: {  	[tilespmem:s3], [sflag:$0x2] =	stream.linear.gather [hbm4b:s25+s2], $0x400, $0x38;
	[tilespmem:$0x18A00] =	vst v63  }
0x55: {  	s25 =	sand.u32 $0x1FFFFF80, s13;
	s13 =	spop (v2sf);
	(v2sf) =	vpush v59, $0x9;
	_ =	sdelay $0x1  }
0x56: {  	s26 =	simm.s32 $0x1C00;
	s25 =	sadd.s32 s4, s25  }
0x57: {  	[tilespmem:s26], [sflag:$0x1] =	stream.linear.gather [hbm4b:s25+s2], $0x400, $0x38;
	[tilespmem:$0x18A00] =	vst v63  }
0x58: {  	s25 =	sand.u32 $0x1FFFFF80, s30  }
0x59: {  	s31 =	simm.s32 $0xDC00;
	s25 =	sadd.s32 s5, s25  }
0x5a: {  	[tilespmem:s31], [sflag:$0x2] =	stream.linear.gather [hbm4b:s25+s2], $0x400, $0x38;
	[tilespmem:$0x18A00] =	vst v63  }
0x5b: {  	s25 =	sand.u32 $0x1FFFFF80, s1  }
0x5c: {  	s3 =	simm.s32 $0x2000;
	s25 =	sadd.s32 s4, s25;
	s30 =	spop (v2sf);
	(v2sf) =	vpush v1, $0xA  }
0x5d: {  	[tilespmem:s3], [sflag:$0x1] =	stream.linear.gather [hbm4b:s25+s2], $0x400, $0x38;
	[tilespmem:$0x18A00] =	vst v63  }
0x5e: {  	s1 =	spop (v2sf);
	(v2sf) =	vpush v59, $0xA  }
0x5f: {  	s25 =	sand.u32 $0x1FFFFF80, s13  }
0x60: {  	s26 =	simm.s32 $0xE000;
	s25 =	sadd.s32 s5, s25;
	s13 =	spop (v2sf);
	(v2sf) =	vpush v1, $0xB  }
0x61: {  	[tilespmem:s26], [sflag:$0x2] =	stream.linear.gather [hbm4b:s25+s2], $0x400, $0x38;
	[tilespmem:$0x18A00] =	vst v63  }
0x62: {  	s25 =	sand.u32 $0x1FFFFF80, s30  }
0x63: {  	s31 =	simm.s32 $0x2400;
	s25 =	sadd.s32 s4, s25;
	s30 =	spop (v2sf);
	(v2sf) =	vpush v59, $0xB  }
0x64: {  	[tilespmem:s31], [sflag:$0x1] =	stream.linear.gather [hbm4b:s25+s2], $0x400, $0x38;
	[tilespmem:$0x18A00] =	vst v63  }
0x65: {  	s25 =	sand.u32 $0x1FFFFF80, s1  }
0x66: {  	s3 =	simm.s32 $0xE400;
	s25 =	sadd.s32 s5, s25  }
0x67: {  	[tilespmem:s3], [sflag:$0x2] =	stream.linear.gather [hbm4b:s25+s2], $0x400, $0x38;
	[tilespmem:$0x18A00] =	vst v63  }
0x68: {  	s25 =	sand.u32 $0x1FFFFF80, s13  }
0x69: {  	s26 =	simm.s32 $0x2800;
	s25 =	sadd.s32 s4, s25  }
0x6a: {  	[tilespmem:s26], [sflag:$0x1] =	stream.linear.gather [hbm4b:s25+s2], $0x400, $0x38;
	[tilespmem:$0x18A00] =	vst v63  }
0x6b: {  	s1 =	spop (v2sf);
	(v2sf) =	vpush v1, $0xC  }
0x6c: {  	s25 =	sand.u32 $0x1FFFFF80, s30  }
0x6d: {  	s31 =	simm.s32 $0xE800;
	s25 =	sadd.s32 s5, s25;
	s13 =	spop (v2sf);
	(v2sf) =	vpush v59, $0xC  }
0x6e: {  	[tilespmem:s31], [sflag:$0x2] =	stream.linear.gather [hbm4b:s25+s2], $0x400, $0x38;
	[tilespmem:$0x18A00] =	vst v63  }
0x6f: {  	s25 =	sand.u32 $0x1FFFFF80, s1;
	s30 =	spop (v2sf);
	(v2sf) =	vpush v1, $0xD  }
0x70: {  	s3 =	simm.s32 $0x2C00;
	s25 =	sadd.s32 s4, s25  }
0x71: {  	[tilespmem:s3], [sflag:$0x1] =	stream.linear.gather [hbm4b:s25+s2], $0x400, $0x38;
	[tilespmem:$0x18A00] =	vst v63  }
0x72: {  	s1 =	spop (v2sf);
	(v2sf) =	vpush v59, $0xD  }
0x73: {  	s25 =	sand.u32 $0x1FFFFF80, s13  }
0x74: {  	s26 =	simm.s32 $0xEC00;
	s25 =	sadd.s32 s5, s25  }
0x75: {  	[tilespmem:s26], [sflag:$0x2] =	stream.linear.gather [hbm4b:s25+s2], $0x400, $0x38;
	[tilespmem:$0x18A00] =	vst v63  }
0x76: {  	s25 =	sand.u32 $0x1FFFFF80, s30  }
0x77: {  	s31 =	simm.s32 $0x3000;
	s25 =	sadd.s32 s4, s25  }
0x78: {  	[tilespmem:s31], [sflag:$0x1] =	stream.linear.gather [hbm4b:s25+s2], $0x400, $0x38;
	[tilespmem:$0x18A00] =	vst v63  }
0x79: {  	s25 =	sand.u32 $0x1FFFFF80, s1  }
0x7a: {  	s3 =	simm.s32 $0xF000;
	s25 =	sadd.s32 s5, s25;
	s13 =	spop (v2sf);
	(v2sf) =	vpush v1, $0xE  }
0x7b: {  	[tilespmem:s3], [sflag:$0x2] =	stream.linear.gather [hbm4b:s25+s2], $0x400, $0x38;
	[tilespmem:$0x18A00] =	vst v63  }
0x7c: {  	s30 =	spop (v2sf);
	(v2sf) =	vpush v59, $0xE  }
0x7d: {  	s25 =	sand.u32 $0x1FFFFF80, s13  }
0x7e: {  	s26 =	simm.s32 $0x3400;
	s25 =	sadd.s32 s4, s25;
	s1 =	spop (v2sf)  }
0x7f: {  	(v2sf) =	vpush v1, $0xF;
	[tilespmem:s26], [sflag:$0x1] =	stream.linear.gather [hbm4b:s25+s2], $0x400, $0x38;
	[tilespmem:$0x18A00] =	vst v63  }
0x80: {  	s25 =	sand.u32 $0x1FFFFF80, s30  }
0x81: {  	s31 =	simm.s32 $0xF400;
	s13 =	spop (v2sf);
	s25 =	sadd.s32 s5, s25  }
0x82: {  	(v2sf) =	vpush v59, $0xF;
	[tilespmem:s31], [sflag:$0x2] =	stream.linear.gather [hbm4b:s25+s2], $0x400, $0x38;
	[tilespmem:$0x18A00] =	vst v63  }
0x83: {  	s25 =	sand.u32 $0x1FFFFF80, s1  }
0x84: {  	s3 =	simm.s32 $0x3800;
	s25 =	sadd.s32 s4, s25  }
0x85: {  	[tilespmem:s3], [sflag:$0x1] =	stream.linear.gather [hbm4b:s25+s2], $0x400, $0x38;
	[tilespmem:$0x18A00] =	vst v63  }
0x86: {  	s25 =	sand.u32 $0x1FFFFF80, s13  }
0x87: {  	s26 =	simm.s32 $0xF800;
	s25 =	sadd.s32 s5, s25  }
0x88: {  	[tilespmem:s26], [sflag:$0x2] =	stream.linear.gather [hbm4b:s25+s2], $0x400, $0x38;
	[tilespmem:$0x18A00] =	vst v63  }
0x89: {  	s30 =	spop (v2sf)  }
0x8a: {  	s25 =	sand.u32 $0x1FFFFF80, s30  }
0x8b: {  	s31 =	simm.s32 $0x3C00;
	s1 =	spop (v2sf);
	s25 =	sadd.s32 s4, s25  }
0x8c: {  	[tilespmem:s31], [sflag:$0x1] =	stream.linear.gather [hbm4b:s25+s2], $0x400, $0x38;
	[tilespmem:$0x18A00] =	vst v63  }
0x8d: {  	s25 =	sand.u32 $0x1FFFFF80, s1  }
0x8e: {  	s3 =	simm.s32 $0xFC00;
	s13 =	spop (v2sf);
	s25 =	sadd.s32 s5, s25  }
0x8f: {  	[tilespmem:s3], [sflag:$0x2] =	stream.linear.gather [hbm4b:s25+s2], $0x400, $0x38;
	[tilespmem:$0x18A00] =	vst v63  }
0x90: {  	s25 =	sand.u32 $0x1FFFFF80, s13  }
0x91: {  	s26 =	simm.s32 $0x4000;
	s30 =	spop (v2sf);
	s25 =	sadd.s32 s4, s25  }
0x92: {  	[tilespmem:s26], [sflag:$0x1] =	stream.linear.gather [hbm4b:s25+s2], $0x400, $0x38;
	[tilespmem:$0x18A00] =	vst v63  }
0x93: {  	s25 =	sand.u32 $0x1FFFFF80, s30  }
0x94: {  	s31 =	simm.s32 $0x10000;
	s25 =	sadd.s32 s5, s25  }
0x95: {  	[tilespmem:s31], [sflag:$0x2] =	stream.linear.gather [hbm4b:s25+s2], $0x400, $0x38;
	[tilespmem:$0x18A00] =	vst v63  }
0x96: {  	v60 =	vld [tilespmem:$0x10];
	_ =	sdelay $0x3  }
0x97: {  	v61 =	vld [tilespmem:$0x210]  }
0x98: {  	v62 =	vshll.u32 v60, $0x4  }
0x99: {  	(v2sf) =	vpush v62, $0x0;
	_ =	sdelay $0x2  }
0x9a: {  	v63 =	vshll.u32 v61, $0x4  }
0x9b: {  	(v2sf) =	vpush v63, $0x0  }
0x9c: {  	(v2sf) =	vpush v62, $0x1;
	_ =	sdelay $0x1  }
0x9d: {  	(v2sf) =	vpush v63, $0x1;
	_ =	sdelay $0x1  }
0x9e: {  	(v2sf) =	vpush v62, $0x2;
	_ =	sdelay $0x5  }
0x9f: {  	s1 =	spop (v2sf);
	(v2sf) =	vpush v63, $0x2;
	_ =	sdelay $0x3  }
0xa0: {  	s13 =	spop (v2sf)  }
0xa1: {  	s30 =	spop (v2sf);
	(v2sf) =	vpush v62, $0x3  }
0xa2: {  	s25 =	sand.u32 $0x1FFFFF80, s1  }
0xa3: {  	s3 =	simm.s32 $0x4400;
	s25 =	sadd.s32 s4, s25;
	s1 =	spop (v2sf);
	(v2sf) =	vpush v63, $0x3  }
0xa4: {  	[tilespmem:s3], [sflag:$0x1] =	stream.linear.gather [hbm4b:s25+s2], $0x400, $0x38;
	[tilespmem:$0x18A00] =	vst v63  }
0xa5: {  	s25 =	sand.u32 $0x1FFFFF80, s13;
	s13 =	spop (v2sf);
	(v2sf) =	vpush v62, $0x4;
	_ =	sdelay $0x2  }
0xa6: {  	s26 =	simm.s32 $0x10400;
	s25 =	sadd.s32 s5, s25  }
0xa7: {  	[tilespmem:s26], [sflag:$0x2] =	stream.linear.gather [hbm4b:s25+s2], $0x400, $0x38;
	[tilespmem:$0x18A00] =	vst v63  }
0xa8: {  	s25 =	sand.u32 $0x1FFFFF80, s30  }
0xa9: {  	s31 =	simm.s32 $0x4800;
	s25 =	sadd.s32 s4, s25;
	s30 =	spop (v2sf);
	(v2sf) =	vpush v63, $0x4  }
0xaa: {  	[tilespmem:s31], [sflag:$0x1] =	stream.linear.gather [hbm4b:s25+s2], $0x400, $0x38;
	[tilespmem:$0x18A00] =	vst v63  }
0xab: {  	s25 =	sand.u32 $0x1FFFFF80, s1  }
0xac: {  	s3 =	simm.s32 $0x10800;
	s25 =	sadd.s32 s5, s25  }
0xad: {  	[tilespmem:s3], [sflag:$0x2] =	stream.linear.gather [hbm4b:s25+s2], $0x400, $0x38;
	[tilespmem:$0x18A00] =	vst v63  }
0xae: {  	s1 =	spop (v2sf);
	(v2sf) =	vpush v62, $0x5  }
0xaf: {  	s25 =	sand.u32 $0x1FFFFF80, s13  }
0xb0: {  	s26 =	simm.s32 $0x4C00;
	s25 =	sadd.s32 s4, s25;
	s13 =	spop (v2sf);
	(v2sf) =	vpush v63, $0x5  }
0xb1: {  	[tilespmem:s26], [sflag:$0x1] =	stream.linear.gather [hbm4b:s25+s2], $0x400, $0x38;
	[tilespmem:$0x18A00] =	vst v63  }
0xb2: {  	s25 =	sand.u32 $0x1FFFFF80, s30;
	s30 =	spop (v2sf);
	(v2sf) =	vpush v62, $0x6;
	_ =	sdelay $0x2  }
0xb3: {  	s31 =	simm.s32 $0x10C00;
	s25 =	sadd.s32 s5, s25  }
0xb4: {  	[tilespmem:s31], [sflag:$0x2] =	stream.linear.gather [hbm4b:s25+s2], $0x400, $0x38;
	[tilespmem:$0x18A00] =	vst v63  }
0xb5: {  	s25 =	sand.u32 $0x1FFFFF80, s1  }
0xb6: {  	s3 =	simm.s32 $0x5000;
	s25 =	sadd.s32 s4, s25;
	s1 =	spop (v2sf);
	(v2sf) =	vpush v63, $0x6  }
0xb7: {  	[tilespmem:s3], [sflag:$0x1] =	stream.linear.gather [hbm4b:s25+s2], $0x400, $0x38;
	[tilespmem:$0x18A00] =	vst v63  }
0xb8: {  	s25 =	sand.u32 $0x1FFFFF80, s13  }
0xb9: {  	s26 =	simm.s32 $0x11000;
	s25 =	sadd.s32 s5, s25  }
0xba: {  	[tilespmem:s26], [sflag:$0x2] =	stream.linear.gather [hbm4b:s25+s2], $0x400, $0x38;
	[tilespmem:$0x18A00] =	vst v63  }
0xbb: {  	s13 =	spop (v2sf);
	(v2sf) =	vpush v62, $0x7  }
0xbc: {  	s25 =	sand.u32 $0x1FFFFF80, s30  }
0xbd: {  	s31 =	simm.s32 $0x5400;
	s25 =	sadd.s32 s4, s25;
	s30 =	spop (v2sf);
	(v2sf) =	vpush v63, $0x7  }
0xbe: {  	[tilespmem:s31], [sflag:$0x1] =	stream.linear.gather [hbm4b:s25+s2], $0x400, $0x38;
	[tilespmem:$0x18A00] =	vst v63  }
0xbf: {  	s25 =	sand.u32 $0x1FFFFF80, s1;
	s1 =	spop (v2sf);
	(v2sf) =	vpush v62, $0x8  }
0xc0: {  	s3 =	simm.s32 $0x11400;
	s25 =	sadd.s32 s5, s25  }
0xc1: {  	[tilespmem:s3], [sflag:$0x2] =	stream.linear.gather [hbm4b:s25+s2], $0x400, $0x38;
	[tilespmem:$0x18A00] =	vst v63  }
0xc2: {  	s25 =	sand.u32 $0x1FFFFF80, s13  }
0xc3: {  	s26 =	simm.s32 $0x5800;
	s25 =	sadd.s32 s4, s25  }
0xc4: {  	[tilespmem:s26], [sflag:$0x1] =	stream.linear.gather [hbm4b:s25+s2], $0x400, $0x38;
	[tilespmem:$0x18A00] =	vst v63  }
0xc5: {  	s13 =	spop (v2sf);
	(v2sf) =	vpush v63, $0x8  }
0xc6: {  	s25 =	sand.u32 $0x1FFFFF80, s30  }
0xc7: {  	s31 =	simm.s32 $0x11800;
	s25 =	sadd.s32 s5, s25  }
0xc8: {  	[tilespmem:s31], [sflag:$0x2] =	stream.linear.gather [hbm4b:s25+s2], $0x400, $0x38;
	[tilespmem:$0x18A00] =	vst v63  }
0xc9: {  	s25 =	sand.u32 $0x1FFFFF80, s1  }
0xca: {  	s3 =	simm.s32 $0x5C00;
	s25 =	sadd.s32 s4, s25;
	s30 =	spop (v2sf);
	(v2sf) =	vpush v62, $0x9  }
0xcb: {  	[tilespmem:s3], [sflag:$0x1] =	stream.linear.gather [hbm4b:s25+s2], $0x400, $0x38;
	[tilespmem:$0x18A00] =	vst v63  }
0xcc: {  	s1 =	spop (v2sf);
	(v2sf) =	vpush v63, $0x9  }
0xcd: {  	s25 =	sand.u32 $0x1FFFFF80, s13  }
0xce: {  	s26 =	simm.s32 $0x11C00;
	s25 =	sadd.s32 s5, s25;
	s13 =	spop (v2sf);
	(v2sf) =	vpush v62, $0xA  }
0xcf: {  	[tilespmem:s26], [sflag:$0x2] =	stream.linear.gather [hbm4b:s25+s2], $0x400, $0x38;
	[tilespmem:$0x18A00] =	vst v63  }
0xd0: {  	s25 =	sand.u32 $0x1FFFFF80, s30  }
0xd1: {  	s31 =	simm.s32 $0x6000;
	s25 =	sadd.s32 s4, s25  }
0xd2: {  	[tilespmem:s31], [sflag:$0x1] =	stream.linear.gather [hbm4b:s25+s2], $0x400, $0x38;
	[tilespmem:$0x18A00] =	vst v63  }
0xd3: {  	s25 =	sand.u32 $0x1FFFFF80, s1  }
0xd4: {  	s3 =	simm.s32 $0x12000;
	s25 =	sadd.s32 s5, s25;
	s30 =	spop (v2sf);
	(v2sf) =	vpush v63, $0xA  }
0xd5: {  	[tilespmem:s3], [sflag:$0x2] =	stream.linear.gather [hbm4b:s25+s2], $0x400, $0x38;
	[tilespmem:$0x18A00] =	vst v63  }
0xd6: {  	s25 =	sand.u32 $0x1FFFFF80, s13  }
0xd7: {  	s26 =	simm.s32 $0x6400;
	s25 =	sadd.s32 s4, s25  }
0xd8: {  	[tilespmem:s26], [sflag:$0x1] =	stream.linear.gather [hbm4b:s25+s2], $0x400, $0x38;
	[tilespmem:$0x18A00] =	vst v63  }
0xd9: {  	s1 =	spop (v2sf);
	(v2sf) =	vpush v62, $0xB  }
0xda: {  	s25 =	sand.u32 $0x1FFFFF80, s30  }
0xdb: {  	s31 =	simm.s32 $0x12400;
	s25 =	sadd.s32 s5, s25;
	s13 =	spop (v2sf);
	(v2sf) =	vpush v63, $0xB  }
0xdc: {  	[tilespmem:s31], [sflag:$0x2] =	stream.linear.gather [hbm4b:s25+s2], $0x400, $0x38;
	[tilespmem:$0x18A00] =	vst v63  }
0xdd: {  	s25 =	sand.u32 $0x1FFFFF80, s1;
	s30 =	spop (v2sf);
	(v2sf) =	vpush v62, $0xC  }
0xde: {  	s3 =	simm.s32 $0x6800;
	s25 =	sadd.s32 s4, s25  }
0xdf: {  	[tilespmem:s3], [sflag:$0x1] =	stream.linear.gather [hbm4b:s25+s2], $0x400, $0x38;
	[tilespmem:$0x18A00] =	vst v63  }
0xe0: {  	s25 =	sand.u32 $0x1FFFFF80, s13  }
0xe1: {  	s26 =	simm.s32 $0x12800;
	s25 =	sadd.s32 s5, s25  }
0xe2: {  	[tilespmem:s26], [sflag:$0x2] =	stream.linear.gather [hbm4b:s25+s2], $0x400, $0x38;
	[tilespmem:$0x18A00] =	vst v63  }
0xe3: {  	s1 =	spop (v2sf);
	(v2sf) =	vpush v63, $0xC  }
0xe4: {  	s25 =	sand.u32 $0x1FFFFF80, s30  }
0xe5: {  	s31 =	simm.s32 $0x6C00;
	s25 =	sadd.s32 s4, s25;
	(v2sf) =	vpush v62, $0xD  }
0xe6: {  	[tilespmem:s31], [sflag:$0x1] =	stream.linear.gather [hbm4b:s25+s2], $0x400, $0x38;
	[tilespmem:$0x18A00] =	vst v63  }
0xe7: {  	s25 =	sand.u32 $0x1FFFFF80, s1  }
0xe8: {  	s3 =	simm.s32 $0x12C00;
	s25 =	sadd.s32 s5, s25;
	s13 =	spop (v2sf)  }
0xe9: {  	(v2sf) =	vpush v63, $0xD;
	[tilespmem:s3], [sflag:$0x2] =	stream.linear.gather [hbm4b:s25+s2], $0x400, $0x38;
	[tilespmem:$0x18A00] =	vst v63  }
0xea: {  	s30 =	spop (v2sf);
	(v2sf) =	vpush v62, $0xE  }
0xeb: {  	s25 =	sand.u32 $0x1FFFFF80, s13  }
0xec: {  	s26 =	simm.s32 $0x7000;
	s25 =	sadd.s32 s4, s25;
	s1 =	spop (v2sf);
	(v2sf) =	vpush v63, $0xE  }
0xed: {  	[tilespmem:s26], [sflag:$0x1] =	stream.linear.gather [hbm4b:s25+s2], $0x400, $0x38;
	[tilespmem:$0x18A00] =	vst v63  }
0xee: {  	s25 =	sand.u32 $0x1FFFFF80, s30  }
0xef: {  	s31 =	simm.s32 $0x13000;
	s25 =	sadd.s32 s5, s25  }
0xf0: {  	[tilespmem:s31], [sflag:$0x2] =	stream.linear.gather [hbm4b:s25+s2], $0x400, $0x38;
	[tilespmem:$0x18A00] =	vst v63  }
0xf1: {  	s25 =	sand.u32 $0x1FFFFF80, s1  }
0xf2: {  	s3 =	simm.s32 $0x7400;
	s25 =	sadd.s32 s4, s25;
	s13 =	spop (v2sf);
	(v2sf) =	vpush v62, $0xF  }
0xf3: {  	[tilespmem:s3], [sflag:$0x1] =	stream.linear.gather [hbm4b:s25+s2], $0x400, $0x38;
	[tilespmem:$0x18A00] =	vst v63  }
0xf4: {  	s30 =	spop (v2sf);
	(v2sf) =	vpush v63, $0xF  }
0xf5: {  	s25 =	sand.u32 $0x1FFFFF80, s13  }
0xf6: {  	s26 =	simm.s32 $0x13400;
	s31 =	simm.s32 $0x7800;
	s25 =	sadd.s32 s5, s25  }
0xf7: {  	[tilespmem:s26], [sflag:$0x2] =	stream.linear.gather [hbm4b:s25+s2], $0x400, $0x38;
	[tilespmem:$0x18A00] =	vst v63  }
0xf8: {  	s13 =	simm.s32 $0x13800;
	s25 =	sand.u32 $0x1FFFFF80, s30;
	s26 =	spop (v2sf)  }
0xf9: {  	s25 =	sadd.s32 s4, s25;
	s1 =	sand.u32 $0x1FFFFF80, s26;
	s3 =	spop (v2sf)  }
0xfa: {  	[tilespmem:s31], [sflag:$0x1] =	stream.linear.gather [hbm4b:s25+s2], $0x400, $0x38;
	[tilespmem:$0x18A00] =	vst v63  }
0xfb: {  	s25 =	sadd.s32 s5, s1;
	s30 =	sand.u32 $0x1FFFFF80, s3;
	s31 =	spop (v2sf)  }
0xfc: {  	[tilespmem:s13], [sflag:$0x2] =	stream.linear.gather [hbm4b:s25+s2], $0x400, $0x38;
	[tilespmem:$0x18A00] =	vst v63  }
0xfd: {  	s1 =	simm.s32 $0x7C00;
	s3 =	sand.u32 $0x1FFFFF80, s31;
	s25 =	sadd.s32 s4, s30  }
0xfe: {  	[tilespmem:s1], [sflag:$0x1] =	stream.linear.gather [hbm4b:s25+s2], $0x400, $0x38;
	[tilespmem:$0x18A00] =	vst v63  }
0xff: {  	s25 =	sadd.s32 s5, s3  }
0x100: {  	[tilespmem:s14], [sflag:$0x2] =	stream.linear.gather [hbm4b:s25+s2], $0x400, $0x38;
	[tilespmem:$0x18A00] =	vst v63  }
0x101: {  	s13 =	spop (v2sf)  }
0x102: {  	s30 =	sand.u32 $0x1FFFFF80, s13  }
0x103: {  	s31 =	spop (v2sf);
	s25 =	sadd.s32 s4, s30  }
0x104: {  	[tilespmem:s15], [sflag:$0x1] =	stream.linear.gather [hbm4b:s25+s2], $0x400, $0x38;
	[tilespmem:$0x18A00] =	vst v63  }
0x105: {  	s25 =	sand.u32 $0x1FFFFF80, s31  }
0x106: {  	s25 =	sadd.s32 s5, s25  }
0x107: {  	[tilespmem:s16], [sflag:$0x2] =	stream.linear.gather [hbm4b:s25+s2], $0x400, $0x38;
	[tilespmem:$0x18A00] =	vst v63  }
0x108: {  	_ =	swait.ge [sflag:s17], $0x200  }
.Ltmp2:
0x109: {  	[sflag:s17] =	ssyncset.done $0x0;
	(pc) =	sbr.rel .LBB2_2-.Ltmp2, $4  }
0x10a: {  	[sflag:s17] =	ssyncadd.s32 $0xFFFFFE00  }
0x10b: {  	_ =	swait.ge [sflag:s18], $0x200  }
0x10c: {  	s28 =	simm.s32 $0x18800;
	s29 =	simm.s32 $0x0;
	[sflag:s18] =	ssyncset.done $0x0  }
0x10d: {  	s26 =	simm.s32 $0x220;
	s25 =	simm.s32 $0x20;
	[sflag:s18] =	ssyncadd.s32 $0xFFFFFE00  }
.LBB2_4:
0x10e: {  	_ =	swait.ge [sflag:s19], $0x4000  }
0x10f: {  	[sflag:s19] =	ssyncset.done $0x0  }
0x110: {  	[sflag:s19] =	ssyncadd.s32 $0xFFFFC000  }
0x111: {  	_ =	swait.ge [sflag:s20], $0x4000  }
0x112: {  	[sflag:s20] =	ssyncset.done $0x0  }
0x113: {  	[sflag:s20] =	ssyncadd.s32 $0xFFFFC000  }
0x114: {  	v0 =	vld [tilespmem:s25+$0xFFFFFFE0];
	_ =	sdelay $0x3  }
0x115: {  	v2 =	vld [tilespmem:s26+$0xFFFFFFE0]  }
0x116: {  	v0 =	vand.u32 $0x7, v0  }
0x117: {  	v1 =	vshll.u32 v0, $0x7  }
0x118: {  	(v2sf) =	vpush v1, $0x1  }
0x119: {  	(v2sf) =	vpush v1, $0x0  }
0x11a: {  	v37 =	vand.u32 $0x7, v2  }
0x11b: {  	v6 =	vshll.u32 v37, $0x7  }
0x11c: {  	(v2sf) =	vpush v6, $0x0;
	_ =	sdelay $0x1  }
0x11d: {  	s0 =	smul.u32 $0xAB, s29;
	_ =	sdelay $0x1  }
0x11e: {  	s0 =	sshrl.u32 s0, $0x9  }
0x11f: {  	s0 =	sand.u32 $0x7F, s0  }
0x120: {  	s0 =	smul.u32 $0x3, s0;
	_ =	sdelay $0x1  }
0x121: {  	s0 =	ssub.s32 s29, s0;
	(v2sf) =	vpush v6, $0x1  }
0x122: {  	s0 =	sand.u32 $0xFF, s0  }
0x123: {  	s30 =	sshll.u32 s0, $0xE  }
0x124: {  	v26 =	vld [tilespmem:s23+$0x0];
	s3 =	sor.u32 $0x400, s30;
	s0 =	spop (v2sf);
	(v2sf) =	vpush v1, $0x2  }
0x125: {  	v38 =	vld [tilespmem:s24+$0x0];
	s31 =	spop (v2sf);
	(v2sf) =	vpush v1, $0x3;
	s0 =	sor.u32 s0, s3  }
0x126: {  	v9 =	vld [tilespmem:s0+$0x400]  }
0x127: {  	s31 =	sor.u32 s31, s3;
	v0 =	vld [tilespmem:s0+$0x410]  }
0x128: {  	s13 =	spop (v2sf);
	v48 =	vld [tilespmem:s31+$0x0]  }
0x129: {  	s13 =	sor.u32 s13, s30;
	v51 =	vld [tilespmem:s31+$0x10]  }
0x12a: {  	v49 =	vld [tilespmem:s13+$0xC400]  }
0x12b: {  	v58 =	vld [tilespmem:s13+$0xC410]  }
0x12c: {  	(v2sf) =	vpush v6, $0x2;
	v55 =	vld [tilespmem:s31+$0x20]  }
0x12d: {  	v59 =	vld [tilespmem:s13+$0xC420]  }
0x12e: {  	v60 =	vld [tilespmem:s31+$0x30]  }
0x12f: {  	v63 =	vld [tilespmem:s13+$0xC430]  }
0x130: {  	v16 =	vld [tilespmem:s0+$0x420];
	s1 =	spop (v2sf);
	v49 =	vmul.f32 v49, v48;
	v51 =	vmul.f32 v58, v51  }
0x131: {  	v54 =	vld [tilespmem:s0+$0x430];
	(v2sf) =	vpush v6, $0x3;
	s3 =	sor.u32 s1, s3  }
0x132: {  	v5 =	vld [tilespmem:s3+$0xC400];
	v59 =	vmul.f32 v59, v55;
	v24 =	vadd.f32 v51, v49  }
0x133: {  	v3 =	vld [tilespmem:s3+$0xC410];
	s1 =	spop (v2sf);
	(v2sf) =	vpush v1, $0x4  }
0x134: {  	v12 =	vld [tilespmem:s3+$0xC420];
	v63 =	vmul.f32 v63, v60;
	v2 =	vadd.f32 v59, v24;
	s31 =	spop (v2sf);
	(v2sf) =	vpush v1, $0x5  }
0x135: {  	[tilespmem:$0x1FEC0] =	vst v38;
	s0 =	sor.u32 $0x800, s30;
	v17 =	vld [tilespmem:s3+$0xC430]  }
0x136: {  	v2 =	vadd.f32 v63, v2;
	v63 =	vld [tilespmem:$0x1FEC0];
	s3 =	sor.u32 s1, s0  }
0x137: {  	v10 =	vld [tilespmem:s3+$0x400]  }
0x138: {  	v7 =	vld [tilespmem:s3+$0x410]  }
0x139: {  	s13 =	sor.u32 $0xC00, s30;
	v13 =	vld [tilespmem:s3+$0x420]  }
0x13a: {  	v15 =	vld [tilespmem:s3+$0x430];
	s31 =	sor.u32 s31, s13  }
0x13b: {  	s1 =	spop (v2sf);
	(v2sf) =	vpush v6, $0x4;
	v39 =	vld [tilespmem:s31+$0x400]  }
0x13c: {  	v19 =	vld [tilespmem:s31+$0x410]  }
0x13d: {  	v40 =	vld [tilespmem:s31+$0x420]  }
0x13e: {  	s0 =	sor.u32 s1, s0;
	v42 =	vld [tilespmem:s31+$0x430]  }
0x13f: {  	v8 =	vld [tilespmem:s0+$0xC400]  }
0x140: {  	s1 =	spop (v2sf);
	(v2sf) =	vpush v6, $0x5;
	v4 =	vld [tilespmem:s0+$0xC410]  }
0x141: {  	v11 =	vld [tilespmem:s0+$0xC420]  }
0x142: {  	v14 =	vld [tilespmem:s0+$0xC430];
	s3 =	sor.u32 s1, s13;
	s1 =	spop (v2sf);
	(v2sf) =	vpush v1, $0x6  }
0x143: {  	v18 =	vld [tilespmem:s3+$0xC400];
	s31 =	spop (v2sf);
	(v2sf) =	vpush v1, $0x7  }
0x144: {  	v21 =	vld [tilespmem:s3+$0xC410]  }
0x145: {  	s0 =	sor.u32 $0x1000, s30;
	v41 =	vld [tilespmem:s3+$0xC420]  }
0x146: {  	v43 =	vld [tilespmem:s3+$0xC430];
	s3 =	sor.u32 s1, s0  }
0x147: {  	v44 =	vld [tilespmem:s3+$0x400]  }
0x148: {  	v46 =	vld [tilespmem:s3+$0x410]  }
0x149: {  	s13 =	sor.u32 $0x1400, s30;
	v47 =	vld [tilespmem:s3+$0x420]  }
0x14a: {  	s1 =	spop (v2sf);
	(v2sf) =	vpush v6, $0x6;
	v52 =	vld [tilespmem:s3+$0x430];
	s31 =	sor.u32 s31, s13  }
0x14b: {  	v30 =	vld [tilespmem:s31+$0x400]  }
0x14c: {  	v35 =	vld [tilespmem:s31+$0x410]  }
0x14d: {  	v56 =	vld [tilespmem:s31+$0x420]  }
0x14e: {  	s0 =	sor.u32 s1, s0;
	v61 =	vld [tilespmem:s31+$0x430]  }
0x14f: {  	s1 =	spop (v2sf);
	(v2sf) =	vpush v6, $0x7;
	v45 =	vld [tilespmem:s0+$0xC400]  }
0x150: {  	v25 =	vld [tilespmem:s0+$0xC410]  }
0x151: {  	v50 =	vld [tilespmem:s0+$0xC420];
	s3 =	sor.u32 s1, s13;
	s1 =	spop (v2sf);
	(v2sf) =	vpush v1, $0x8  }
0x152: {  	v53 =	vld [tilespmem:s0+$0xC430];
	s31 =	spop (v2sf);
	(v2sf) =	vpush v1, $0x9  }
0x153: {  	v34 =	vld [tilespmem:s3+$0xC400]  }
0x154: {  	v38 =	vld [tilespmem:s3+$0xC410]  }
0x155: {  	s0 =	sor.u32 $0x1800, s30;
	v57 =	vld [tilespmem:s3+$0xC420]  }
0x156: {  	v62 =	vld [tilespmem:s3+$0xC430];
	s3 =	sor.u32 s1, s0  }
0x157: {  	v32 =	vld [tilespmem:s3+$0x400]  }
0x158: {  	[tilespmem:$0x1FEE0] =	vst v40;
	v40 =	vld [tilespmem:s3+$0x410]  }
0x159: {  	s1 =	spop (v2sf);
	v28 =	vld [tilespmem:s3+$0x420]  }
0x15a: {  	(v2sf) =	vpush v6, $0x8;
	v20 =	vld [tilespmem:s3+$0x430];
	s0 =	sor.u32 s1, s0  }
0x15b: {  	[tilespmem:$0x1FED0] =	vst v39;
	v39 =	vld [tilespmem:s0+$0xC400]  }
0x15c: {  	[tilespmem:$0x1FF10] =	vst v43;
	v43 =	vld [tilespmem:s0+$0xC410]  }
0x15d: {  	s13 =	sor.u32 $0x1C00, s30;
	v31 =	vld [tilespmem:s0+$0xC420]  }
0x15e: {  	s1 =	spop (v2sf);
	v22 =	vld [tilespmem:s0+$0xC430];
	s0 =	sor.u32 s31, s13  }
0x15f: {  	(v2sf) =	vpush v6, $0x9;
	s3 =	sor.u32 s1, s13;
	v36 =	vld [tilespmem:s0+$0x400]  }
0x160: {  	[tilespmem:$0x1FF20] =	vst v44;
	v44 =	vld [tilespmem:s3+$0xC400];
	s13 =	spop (v2sf);
	(v2sf) =	vpush v1, $0xA  }
0x161: {  	[tilespmem:$0x1FEF0] =	vst v41;
	v41 =	vld [tilespmem:s0+$0x410];
	s1 =	spop (v2sf);
	(v2sf) =	vpush v1, $0xB  }
0x162: {  	[tilespmem:$0x1FF30] =	vst v45;
	v45 =	vld [tilespmem:s3+$0xC410]  }
0x163: {  	v23 =	vld [tilespmem:s0+$0x420]  }
0x164: {  	v27 =	vld [tilespmem:s3+$0xC420]  }
0x165: {  	s31 =	sor.u32 $0x2000, s30;
	v29 =	vld [tilespmem:s0+$0x430]  }
0x166: {  	v37 =	vld [tilespmem:s3+$0xC430];
	s0 =	sor.u32 s13, s31  }
0x167: {  	[tilespmem:$0x1FF90] =	vst v56;
	v56 =	vld [tilespmem:s0+$0x400]  }
0x168: {  	[tilespmem:$0x1FFA0] =	vst v57;
	v57 =	vld [tilespmem:s0+$0x410]  }
0x169: {  	[tilespmem:$0x1FF40] =	vst v46;
	s13 =	spop (v2sf);
	v46 =	vld [tilespmem:s0+$0x420]  }
0x16a: {  	(v2sf) =	vpush v6, $0xA;
	v33 =	vld [tilespmem:s0+$0x430];
	s3 =	sor.u32 s13, s31  }
0x16b: {  	[tilespmem:$0x1FFB0] =	vst v61;
	v61 =	vld [tilespmem:s3+$0xC400]  }
0x16c: {  	[tilespmem:$0x1FFC0] =	vst v62;
	v62 =	vld [tilespmem:s3+$0xC410]  }
0x16d: {  	[tilespmem:$0x1FF50] =	vst v47;
	s13 =	sor.u32 $0x2400, s30;
	v47 =	vld [tilespmem:s3+$0xC420]  }
0x16e: {  	v5 =	vmul.f32 v5, v9;
	v3 =	vmul.f32 v3, v0;
	[tilespmem:$0x1FF00] =	vst v42;
	s31 =	spop (v2sf);
	(v2sf) =	vpush v6, $0xB;
	s1 =	sor.u32 s1, s13;
	v42 =	vld [tilespmem:s3+$0xC430]  }
0x16f: {  	v10 =	vmul.f32 v8, v10;
	v4 =	vmul.f32 v4, v7;
	[tilespmem:$0x1FF60] =	vst v50;
	s0 =	sor.u32 s31, s13;
	v50 =	vld [tilespmem:s1+$0x400];
	s3 =	spop (v2sf);
	(v2sf) =	vpush v1, $0xC  }
0x170: {  	v16 =	vmul.f32 v12, v16;
	v3 =	vadd.f32 v3, v5;
	[tilespmem:$0x1FF70] =	vst v52;
	v52 =	vld [tilespmem:s0+$0xC400];
	s31 =	spop (v2sf);
	(v2sf) =	vpush v1, $0xD  }
0x171: {  	v24 =	vmul.f32 v11, v13;
	v4 =	vadd.f32 v4, v10;
	[tilespmem:$0x1FF80] =	vst v53;
	v53 =	vld [tilespmem:s1+$0x410]  }
0x172: {  	v3 =	vadd.f32 v16, v3;
	[tilespmem:$0x1FFE0] =	vst v22;
	v22 =	vmul.f32 v17, v54;
	v58 =	vld [tilespmem:s0+$0xC410]  }
0x173: {  	v59 =	vmul.f32 v14, v15;
	v54 =	vadd.f32 v24, v4;
	v48 =	vld [tilespmem:s1+$0x420]  }
0x174: {  	(xrf2) =	vadd.scan.msk.f32 $0xffff, v2;
	v3 =	vadd.f32 v22, v3;
	v51 =	vld [tilespmem:s0+$0xC420]  }
0x175: {  	v2 =	vadd.f32 v59, v54;
	s13 =	sor.u32 $0x2800, s30;
	v49 =	vld [tilespmem:s1+$0x430]  }
0x176: {  	(xrf2) =	vadd.scan.msk.f32 $0xffff, v3;
	v55 =	vld [tilespmem:s0+$0xC430];
	s1 =	sor.u32 s3, s13  }
0x177: {  	[tilespmem:$0x1FFF0] =	vst v23;
	(xrf2) =	vadd.scan.msk.f32 $0xffff, v2;
	v23 =	vld [tilespmem:s1+$0x400]  }
0x178: {  	v8 =	vld [tilespmem:s1+$0x410]  }
0x179: {  	s3 =	spop (v2sf);
	v10 =	vld [tilespmem:s1+$0x420]  }
0x17a: {  	v24 =	vld [tilespmem:s1+$0x430];
	s0 =	sor.u32 s3, s13  }
0x17b: {  	v12 =	vld [tilespmem:s0+$0xC400]  }
0x17c: {  	(v2sf) =	vpush v6, $0xC;
	v9 =	vld [tilespmem:s0+$0xC410]  }
0x17d: {  	s3 =	sor.u32 $0x2C00, s30;
	s1 =	spop (v2sf);
	(v2sf) =	vpush v6, $0xD;
	v7 =	vld [tilespmem:s0+$0xC420]  }
0x17e: {  	v60, _, _ =	vpop (xrf2);
	[tilespmem:$0x1FFD0] =	vst v20;
	v20 =	vld [tilespmem:s0+$0xC430];
	s0 =	sor.u32 s1, s3;
	s1 =	spop (v2sf);
	(v2sf) =	vpush v1, $0xE  }
0x17f: {  	v2 =	vadd.f32 v63, v26;
	s13 =	sor.u32 s31, s3;
	s31 =	spop (v2sf);
	(v2sf) =	vpush v1, $0xF;
	v1 =	vbroadcast v60, $0xF  }
0x180: {  	v4, _, _ =	vpop (xrf2)  }
0x181: {  	v59 =	vbroadcast v4, $0xF;
	v26, _, _ =	vpop (xrf2);
	v1 =	vadd.f32 v1, v2  }
0x182: {  	v0 =	vbroadcast v26, $0xF;
	v26 =	vld [tilespmem:$0x1FEF0]  }
0x183: {  	v59 =	vadd.f32 v59, v2;
	v2 =	vsel vm0, v1, v2;
	v1 =	vld [tilespmem:$0x1FEE0];
	_ =	sdelay $0x1  }
0x184: {  	v5 =	vld [tilespmem:$0x1FED0]  }
0x185: {  	v3 =	vld [tilespmem:$0x1FF00]  }
0x186: {  	v56 =	vmul.f32 v61, v56;
	v61 =	vld [tilespmem:$0x1FFD0]  }
0x187: {  	v1 =	vmul.f32 v26, v1;
	v26 =	vld [tilespmem:$0x1FF10]  }
0x188: {  	v57 =	vmul.f32 v62, v57;
	v62 =	vld [tilespmem:$0x1FFE0]  }
0x189: {  	v11 =	vld [tilespmem:s13+$0x400]  }
0x18a: {  	v13 =	vld [tilespmem:s0+$0xC400]  }
0x18b: {  	v14 =	vld [tilespmem:s13+$0x410]  }
0x18c: {  	v3 =	vmul.f32 v26, v3;
	v26 =	vadd.f32 v0, v2;
	v0 =	vld [tilespmem:$0x1FF20]  }
0x18d: {  	v59 =	vsel vm1, v2, v59;
	v2 =	vld [tilespmem:$0x1FF30]  }
0x18e: {  	v15 =	vld [tilespmem:s0+$0xC410]  }
0x18f: {  	v16 =	vld [tilespmem:s13+$0x420]  }
0x190: {  	v17 =	vld [tilespmem:s0+$0xC420]  }
0x191: {  	v22 =	vld [tilespmem:s13+$0x430]  }
0x192: {  	s3 =	sor.u32 $0x3000, s30;
	v0 =	vmul.f32 v2, v0;
	v2 =	vld [tilespmem:$0x1FF40]  }
0x193: {  	v54 =	vld [tilespmem:s0+$0xC430];
	s1 =	sor.u32 s1, s3  }
0x194: {  	v19 =	vmul.f32 v21, v19;
	v18 =	vmul.f32 v18, v5;
	v60 =	vld [tilespmem:s1+$0x400]  }
0x195: {  	s13 =	spop (v2sf);
	v21 =	vld [tilespmem:s1+$0x410]  }
0x196: {  	v18 =	vadd.f32 v19, v18;
	v19 =	vld [tilespmem:s1+$0x420];
	s0 =	sor.u32 s13, s3  }
0x197: {  	v63 =	vld [tilespmem:s0+$0xC400];
	v25 =	vmul.f32 v25, v2  }
0x198: {  	v1 =	vadd.f32 v1, v18;
	v18 =	vmul.f32 v34, v30;
	v30 =	vmul.f32 v38, v35;
	v38 =	vld [tilespmem:$0x1FF60]  }
0x199: {  	v0 =	vadd.f32 v25, v0;
	v25 =	vld [tilespmem:$0x1FF50]  }
0x19a: {  	s3 =	sor.u32 $0x3400, s30;
	v4 =	vld [tilespmem:s0+$0xC410]  }
0x19b: {  	(v2sf) =	vpush v6, $0xE;
	v5 =	vld [tilespmem:s0+$0xC420];
	s31 =	sor.u32 s31, s3  }
0x19c: {  	s13 =	spop (v2sf);
	(v2sf) =	vpush v6, $0xF;
	v6 =	vld [tilespmem:s31+$0x400]  }
0x19d: {  	v35 =	vld [tilespmem:$0x1FF70]  }
0x19e: {  	v25 =	vmul.f32 v38, v25;
	v38 =	vld [tilespmem:$0x1FF80]  }
0x19f: {  	v28 =	vmul.f32 v31, v28;
	v31 =	vld [tilespmem:s31+$0x420]  }
0x1a0: {  	v34 =	vld [tilespmem:s0+$0xC430]  }
0x1a1: {  	v18 =	vadd.f32 v30, v18;
	v30 =	vld [tilespmem:$0x1FF90]  }
0x1a2: {  	v2 =	vld [tilespmem:s1+$0x430]  }
0x1a3: {  	v35 =	vmul.f32 v38, v35;
	v38 =	vld [tilespmem:$0x1FFA0]  }
0x1a4: {  	s0 =	sor.u32 s13, s3;
	s13 =	sor.u32 $0x3800, s30;
	s1 =	spop (v2sf);
	v0 =	vadd.f32 v25, v0;
	v25 =	vmul.f32 v39, v32;
	v32 =	vmul.f32 v43, v40;
	v40 =	vld [tilespmem:$0x1FFB0]  }
0x1a5: {  	s1 =	sor.u32 s1, s13;
	v43 =	vld [tilespmem:$0x1FFC0]  }
0x1a6: {  	v29 =	vmul.f32 v37, v29;
	v37 =	vld [tilespmem:s1+$0x400]  }
0x1a7: {  	v39 =	vld [tilespmem:s31+$0x410];
	v25 =	vadd.f32 v32, v25  }
0x1a8: {  	v1 =	vadd.f32 v3, v1;
	v32 =	vld [tilespmem:s0+$0xC430];
	v30 =	vmul.f32 v38, v30  }
0x1a9: {  	v25 =	vadd.f32 v28, v25;
	v28 =	vadd.f32 v57, v56;
	v57 =	vmul.f32 v52, v50;
	v52 =	vld [tilespmem:s1+$0x430]  }
0x1aa: {  	v0 =	vadd.f32 v35, v0;
	v35 =	vld [tilespmem:s0+$0xC420];
	v3 =	vadd.f32 v30, v18;
	v18 =	vmul.f32 v43, v40  }
0x1ab: {  	v45 =	vmul.f32 v45, v41;
	v38 =	vld [tilespmem:s0+$0xC400]  }
0x1ac: {  	v33 =	vmul.f32 v42, v33;
	s3 =	spop (v2sf);
	v30 =	vld [tilespmem:s0+$0xC410];
	v3 =	vadd.f32 v18, v3;
	v18 =	vmul.f32 v44, v36  }
0x1ad: {  	v41 =	vmul.f32 v62, v61;
	v61 =	vmul.f32 v58, v53;
	(xrf2) =	vadd.scan.msk.f32 $0xffff, v1;
	v40 =	vld [tilespmem:s31+$0x430];
	s31 =	spop (v2sf)  }
0x1ae: {  	v62 =	vmul.f32 v51, v48;
	v12 =	vmul.f32 v12, v23;
	s31 =	sor.u32 s31, s13;
	v18 =	vadd.f32 v45, v18;
	v45 =	vld [tilespmem:$0x1FFF0]  }
0x1af: {  	v8 =	vmul.f32 v9, v8;
	v7 =	vmul.f32 v7, v10;
	v44 =	vld [tilespmem:s31+$0xC400]  }
0x1b0: {  	v51 =	vmul.f32 v15, v14;
	v4 =	vmul.f32 v4, v21;
	v36 =	vld [tilespmem:s1+$0x410]  }
0x1b1: {  	v56 =	vmul.f32 v47, v46;
	v47 =	vmul.f32 v55, v49;
	v25 =	vadd.f32 v41, v25;
	v41 =	vld [tilespmem:s31+$0xC410]  }
0x1b2: {  	v50 =	vmul.f32 v13, v11;
	v55 =	vmul.f32 v63, v60;
	s13 =	sor.u32 $0x3C00, s30;
	v48 =	vld [tilespmem:s31+$0xC420]  }
0x1b3: {  	v49 =	vadd.f32 v8, v12;
	v28 =	vadd.f32 v56, v28;
	v56 =	vld [tilespmem:s31+$0xC430];
	s31 =	sor.u32 s3, s13;
	v27 =	vmul.f32 v27, v45  }
0x1b4: {  	v5 =	vmul.f32 v5, v19;
	v58 =	vadd.f32 v51, v50;
	v4 =	vadd.f32 v4, v55;
	v60 =	vld [tilespmem:s31+$0x400]  }
0x1b5: {  	v23 =	vmul.f32 v54, v22;
	(xrf2) =	vadd.scan.msk.f32 $0xffff, v0;
	v0 =	vadd.f32 v7, v49;
	s30 =	spop (v2sf);
	v21 =	vld [tilespmem:s31+$0x410];
	v18 =	vadd.f32 v27, v18  }
0x1b6: {  	v2 =	vmul.f32 v34, v2;
	v4 =	vadd.f32 v5, v4;
	s0 =	sor.u32 s30, s13;
	v34 =	vld [tilespmem:s31+$0x430];
	(xrf2) =	vadd.scan.msk.f32 $0xffff, v3;
	v27 =	vadd.f32 v61, v57  }
0x1b7: {  	v43 =	vadd.f32 v33, v28;
	v33, _, _ =	vpop (xrf2);
	v63 =	vmul.f32 v38, v6;
	v38 =	vld [tilespmem:s0+$0xC430];
	v18 =	vadd.f32 v29, v18  }
0x1b8: {  	v6 =	vbroadcast v33, $0xF;
	(xrf2) =	vadd.scan.msk.f32 $0xffff, v25;
	v25 =	vmul.f32 v35, v31;
	v45 =	vld [tilespmem:s1+$0x420];
	v46 =	vadd.f32 v62, v27  }
0x1b9: {  	v2 =	vadd.f32 v2, v4;
	v57 =	vmul.f32 v20, v24;
	v61 =	vmul.f32 v17, v16;
	v24 =	vld [tilespmem:s0+$0xC410];
	(xrf2) =	vadd.scan.msk.f32 $0xffff, v18  }
0x1ba: {  	v32 =	vmul.f32 v32, v40;
	v20 =	vmul.f32 v30, v39;
	v62 =	vld [tilespmem:s0+$0xC400];
	v53 =	vadd.f32 v47, v46  }
0x1bb: {  	v31 =	vld [tilespmem:s0+$0xC420];
	v40 =	vmul.f32 v56, v52;
	v30 =	vmul.f32 v41, v36;
	v7 =	vadd.f32 v61, v58;
	(xrf2) =	vadd.scan.msk.f32 $0xffff, v43  }
0x1bc: {  	v0 =	vadd.f32 v57, v0;
	v3 =	vadd.f32 v20, v63;
	v27 =	vld [tilespmem:s31+$0x420];
	v29 =	vmul.f32 v44, v37;
	(xrf2) =	vadd.scan.msk.f32 $0xffff, v53  }
0x1bd: {  	v50 =	vmul.f32 v38, v34;
	v41 =	vadd.f32 v6, v59;
	v28 =	vadd.f32 v23, v7  }
0x1be: {  	v9 =	vmul.f32 v48, v45;
	v3 =	vadd.f32 v25, v3;
	v7 =	vadd.f32 v30, v29;
	(xrf2) =	vadd.scan.msk.f32 $0xffff, v0  }
0x1bf: {  	v37, _, _ =	vpop (xrf2);
	v44 =	vsel vm2, v59, v26;
	v5 =	vmul.f32 v24, v21;
	v36 =	vmul.f32 v62, v60;
	(xrf2) =	vadd.scan.msk.f32 $0xffff, v28  }
0x1c0: {  	v4 =	vbroadcast v37, $0xF;
	v43, _, _ =	vpop (xrf2);
	v35 =	vadd.f32 v32, v3;
	v39 =	vadd.f32 v9, v7  }
0x1c1: {  	v45 =	vbroadcast v43, $0xF;
	v42 =	vmul.f32 v31, v27;
	v3 =	vadd.f32 v5, v36;
	(xrf2) =	vadd.scan.msk.f32 $0xffff, v2  }
0x1c2: {  	v4 =	vadd.f32 v4, v59;
	v46, _, _ =	vpop (xrf2);
	v47 =	vadd.f32 v40, v39;
	v5 =	vsel vm3, v44, v41;
	(xrf2) =	vadd.scan.msk.f32 $0xffff, v35  }
0x1c3: {  	v49 =	vbroadcast v46, $0xF;
	v2 =	vadd.f32 v45, v5;
	v48 =	vadd.f32 v42, v3;
	v51, _, _ =	vpop (xrf2)  }
0x1c4: {  	v4 =	vsel vm4, v5, v4;
	(xrf2) =	vadd.scan.msk.f32 $0xffff, v47;
	v52 =	vbroadcast v51, $0xF  }
0x1c5: {  	v3 =	vadd.f32 v49, v4;
	v2 =	vsel vm5, v4, v2;
	v1 =	vadd.f32 v50, v48;
	v53, _, _ =	vpop (xrf2)  }
0x1c6: {  	v0 =	vbroadcast v53, $0xF;
	v55, _, _ =	vpop (xrf2);
	v54 =	vadd.f32 v52, v2  }
0x1c7: {  	v3 =	vsel vm6, v2, v3;
	(xrf2) =	vadd.scan.msk.f32 $0xffff, v1;
	v5 =	vbroadcast v55, $0xF  }
0x1c8: {  	v56, _, _ =	vpop (xrf2);
	v0 =	vadd.f32 v0, v2;
	v3 =	vsel vm7, v3, v54  }
0x1c9: {  	v57, _, _ =	vpop (xrf2);
	v1 =	vbroadcast v56, $0xF;
	v4 =	vadd.f32 v5, v3  }
0x1ca: {  	v2 =	vbroadcast v57, $0xF;
	v0 =	vsel vm8, v3, v0  }
0x1cb: {  	v58, _, _ =	vpop (xrf2);
	v4 =	vsel vm9, v0, v4;
	v0 =	vadd.f32 v1, v0  }
0x1cc: {  	v59, _, _ =	vpop (xrf2);
	v3 =	vbroadcast v58, $0xF;
	v2 =	vadd.f32 v2, v4  }
0x1cd: {  	v1 =	vbroadcast v59, $0xF;
	v0 =	vsel vm10, v4, v0  }
0x1ce: {  	v61 =	vadd.f32 v3, v4;
	v60, _, _ =	vpop (xrf2);
	v0 =	vsel vm11, v0, v2  }
0x1cf: {  	s29 =	sadd.s32 $0x1, s29;
	v62 =	vbroadcast v60, $0xF;
	v1 =	vadd.f32 v1, v0  }
0x1d0: {  	p0 =	sne.s32 s29, $0x20;
	v0 =	vsel vm12, v0, v61  }
.Ltmp3:
0x1d1: {  	v63, _, _ =	vpop (xrf2);
	v1 =	vsel vm13, v0, v1;
	v0 =	vadd.f32 v62, v0;
	(pc) =	sbr.rel @!p0 .LBB2_5-.Ltmp3, $4  }
0x1d2: {  	v2 =	vadd.f32 v63, v1  }
0x1d3: {  	v0 =	vsel vm14, v1, v0  }
0x1d4: {  	s25 =	sadd.s32 $0x10, s25;
	s26 =	sadd.s32 $0x10, s26;
	v0 =	vsel vm15, v0, v2  }
0x1d5: {  	s23 =	sadd.s32 $0x10, s23;
	s24 =	sadd.s32 $0x10, s24;
	[tilespmem:s28+$0x0] =	vst v0;
	s28 =	sadd.s32 $0x10, s28  }
.LBB2_2:
0x1d6: {  	p0 =	sgt.u32 s29, $0x1D  }
.Ltmp4:
0x1d7: {  	_ = 	snop;
	(pc) =	sbr.rel @p0 .LBB2_4-.Ltmp4, $1  }
0x1d8: {  	_ =	sdelay $0x3  }
0x1d9: {  	v0 =	vld [tilespmem:s25+$0x0];
	_ =	sdelay $0x3  }
0x1da: {  	v2 =	vld [tilespmem:s26+$0x0]  }
0x1db: {  	v1 =	vshll.u32 v0, $0x4  }
0x1dc: {  	(v2sf) =	vpush v1, $0x0;
	_ =	sdelay $0x2  }
0x1dd: {  	v63 =	vshll.u32 v2, $0x4  }
0x1de: {  	(v2sf) =	vpush v63, $0x0;
	_ =	sdelay $0x1  }
0x1df: {  	(v2sf) =	vpush v1, $0x1  }
0x1e0: {  	s30 =	sadd.s32 $0x2, s29  }
0x1e1: {  	s31 =	smul.u32 $0xAB, s30  }
0x1e2: {  	(v2sf) =	vpush v63, $0x1  }
0x1e3: {  	s31 =	sshrl.u32 s31, $0x9  }
0x1e4: {  	s31 =	sand.u32 $0x7F, s31  }
0x1e5: {  	s31 =	smul.u32 $0x3, s31;
	_ =	sdelay $0x1  }
0x1e6: {  	s30 =	ssub.s32 s30, s31  }
0x1e7: {  	s30 =	sand.u32 $0xFF, s30;
	s13 =	spop (v2sf);
	(v2sf) =	vpush v1, $0x2  }
0x1e8: {  	s30 =	sshll.u32 s30, $0xE;
	s31 =	sand.u32 $0x1FFFFF80, s13  }
0x1e9: {  	s0 =	sor.u32 $0x400, s30;
	s31 =	sadd.s32 s4, s31  }
0x1ea: {  	[tilespmem:s0], [sflag:$0x1] =	stream.linear.gather [hbm4b:s31+s2], $0x400, $0x38;
	[tilespmem:$0x18A00] =	vst v63  }
0x1eb: {  	s31 =	spop (v2sf);
	(v2sf) =	vpush v63, $0x2;
	_ =	sdelay $0x1  }
0x1ec: {  	s3 =	spop (v2sf);
	(v2sf) =	vpush v1, $0x3;
	_ =	sdelay $0x2  }
0x1ed: {  	s0 =	sand.u32 $0x1FFFFF80, s31;
	s31 =	spop (v2sf);
	(v2sf) =	vpush v63, $0x3;
	_ =	sdelay $0x3  }
0x1ee: {  	s1 =	sadd.s32 $0xC400, s30;
	s0 =	sadd.s32 s5, s0  }
0x1ef: {  	[tilespmem:s1], [sflag:$0x2] =	stream.linear.gather [hbm4b:s0+s2], $0x400, $0x38;
	[tilespmem:$0x18A00] =	vst v63  }
0x1f0: {  	s0 =	sand.u32 $0x1FFFFF80, s3;
	s3 =	spop (v2sf);
	(v2sf) =	vpush v1, $0x4  }
0x1f1: {  	s13 =	sor.u32 $0x800, s30;
	s0 =	sadd.s32 s4, s0  }
0x1f2: {  	[tilespmem:s13], [sflag:$0x1] =	stream.linear.gather [hbm4b:s0+s2], $0x400, $0x38;
	[tilespmem:$0x18A00] =	vst v63  }
0x1f3: {  	s0 =	sand.u32 $0x1FFFFF80, s31  }
0x1f4: {  	s1 =	sadd.s32 $0xC800, s30;
	s0 =	sadd.s32 s5, s0;
	s31 =	spop (v2sf);
	(v2sf) =	vpush v63, $0x4  }
0x1f5: {  	[tilespmem:s1], [sflag:$0x2] =	stream.linear.gather [hbm4b:s0+s2], $0x400, $0x38;
	[tilespmem:$0x18A00] =	vst v63  }
0x1f6: {  	s0 =	sand.u32 $0x1FFFFF80, s3;
	s3 =	spop (v2sf);
	(v2sf) =	vpush v1, $0x5  }
0x1f7: {  	s13 =	sor.u32 $0xC00, s30;
	s0 =	sadd.s32 s4, s0  }
0x1f8: {  	[tilespmem:s13], [sflag:$0x1] =	stream.linear.gather [hbm4b:s0+s2], $0x400, $0x38;
	[tilespmem:$0x18A00] =	vst v63  }
0x1f9: {  	s0 =	sand.u32 $0x1FFFFF80, s31;
	s31 =	spop (v2sf);
	(v2sf) =	vpush v63, $0x5;
	_ =	sdelay $0x3  }
0x1fa: {  	s1 =	sadd.s32 $0xCC00, s30;
	s0 =	sadd.s32 s5, s0  }
0x1fb: {  	[tilespmem:s1], [sflag:$0x2] =	stream.linear.gather [hbm4b:s0+s2], $0x400, $0x38;
	[tilespmem:$0x18A00] =	vst v63  }
0x1fc: {  	s0 =	sand.u32 $0x1FFFFF80, s3;
	s3 =	spop (v2sf);
	(v2sf) =	vpush v1, $0x6  }
0x1fd: {  	s13 =	sor.u32 $0x1000, s30;
	s0 =	sadd.s32 s4, s0  }
0x1fe: {  	[tilespmem:s13], [sflag:$0x1] =	stream.linear.gather [hbm4b:s0+s2], $0x400, $0x38;
	[tilespmem:$0x18A00] =	vst v63  }
0x1ff: {  	s0 =	sand.u32 $0x1FFFFF80, s31  }
0x200: {  	s1 =	sadd.s32 $0xD000, s30;
	s0 =	sadd.s32 s5, s0;
	s31 =	spop (v2sf);
	(v2sf) =	vpush v63, $0x6  }
0x201: {  	[tilespmem:s1], [sflag:$0x2] =	stream.linear.gather [hbm4b:s0+s2], $0x400, $0x38;
	[tilespmem:$0x18A00] =	vst v63  }
0x202: {  	s0 =	sand.u32 $0x1FFFFF80, s3;
	s3 =	spop (v2sf);
	(v2sf) =	vpush v1, $0x7  }
0x203: {  	s13 =	sor.u32 $0x1400, s30;
	s0 =	sadd.s32 s4, s0  }
0x204: {  	[tilespmem:s13], [sflag:$0x1] =	stream.linear.gather [hbm4b:s0+s2], $0x400, $0x38;
	[tilespmem:$0x18A00] =	vst v63  }
0x205: {  	s0 =	sand.u32 $0x1FFFFF80, s31;
	s31 =	spop (v2sf);
	(v2sf) =	vpush v63, $0x7;
	_ =	sdelay $0x3  }
0x206: {  	s1 =	sadd.s32 $0xD400, s30;
	s0 =	sadd.s32 s5, s0  }
0x207: {  	[tilespmem:s1], [sflag:$0x2] =	stream.linear.gather [hbm4b:s0+s2], $0x400, $0x38;
	[tilespmem:$0x18A00] =	vst v63  }
0x208: {  	s0 =	sand.u32 $0x1FFFFF80, s3;
	s3 =	spop (v2sf);
	(v2sf) =	vpush v1, $0x8  }
0x209: {  	s13 =	sor.u32 $0x1800, s30;
	s0 =	sadd.s32 s4, s0  }
0x20a: {  	[tilespmem:s13], [sflag:$0x1] =	stream.linear.gather [hbm4b:s0+s2], $0x400, $0x38;
	[tilespmem:$0x18A00] =	vst v63  }
0x20b: {  	s0 =	sand.u32 $0x1FFFFF80, s31  }
0x20c: {  	s1 =	sadd.s32 $0xD800, s30;
	s0 =	sadd.s32 s5, s0;
	s31 =	spop (v2sf);
	(v2sf) =	vpush v63, $0x8  }
0x20d: {  	[tilespmem:s1], [sflag:$0x2] =	stream.linear.gather [hbm4b:s0+s2], $0x400, $0x38;
	[tilespmem:$0x18A00] =	vst v63  }
0x20e: {  	s0 =	sand.u32 $0x1FFFFF80, s3;
	s3 =	spop (v2sf);
	(v2sf) =	vpush v1, $0x9  }
0x20f: {  	s13 =	sor.u32 $0x1C00, s30;
	s0 =	sadd.s32 s4, s0  }
0x210: {  	[tilespmem:s13], [sflag:$0x1] =	stream.linear.gather [hbm4b:s0+s2], $0x400, $0x38;
	[tilespmem:$0x18A00] =	vst v63  }
0x211: {  	s0 =	sand.u32 $0x1FFFFF80, s31;
	s31 =	spop (v2sf);
	(v2sf) =	vpush v63, $0x9;
	_ =	sdelay $0x3  }
0x212: {  	s1 =	sadd.s32 $0xDC00, s30;
	s0 =	sadd.s32 s5, s0  }
0x213: {  	[tilespmem:s1], [sflag:$0x2] =	stream.linear.gather [hbm4b:s0+s2], $0x400, $0x38;
	[tilespmem:$0x18A00] =	vst v63  }
0x214: {  	s0 =	sand.u32 $0x1FFFFF80, s3;
	s3 =	spop (v2sf);
	(v2sf) =	vpush v1, $0xA  }
0x215: {  	s13 =	sor.u32 $0x2000, s30;
	s0 =	sadd.s32 s4, s0  }
0x216: {  	[tilespmem:s13], [sflag:$0x1] =	stream.linear.gather [hbm4b:s0+s2], $0x400, $0x38;
	[tilespmem:$0x18A00] =	vst v63  }
0x217: {  	s0 =	sand.u32 $0x1FFFFF80, s31  }
0x218: {  	s1 =	sadd.s32 $0xE000, s30;
	s0 =	sadd.s32 s5, s0;
	s31 =	spop (v2sf);
	(v2sf) =	vpush v63, $0xA  }
0x219: {  	[tilespmem:s1], [sflag:$0x2] =	stream.linear.gather [hbm4b:s0+s2], $0x400, $0x38;
	[tilespmem:$0x18A00] =	vst v63  }
0x21a: {  	s0 =	sand.u32 $0x1FFFFF80, s3;
	s3 =	spop (v2sf);
	(v2sf) =	vpush v1, $0xB  }
0x21b: {  	s13 =	sor.u32 $0x2400, s30;
	s0 =	sadd.s32 s4, s0  }
0x21c: {  	[tilespmem:s13], [sflag:$0x1] =	stream.linear.gather [hbm4b:s0+s2], $0x400, $0x38;
	[tilespmem:$0x18A00] =	vst v63  }
0x21d: {  	s0 =	sand.u32 $0x1FFFFF80, s31;
	s31 =	spop (v2sf);
	(v2sf) =	vpush v63, $0xB;
	_ =	sdelay $0x3  }
0x21e: {  	s1 =	sadd.s32 $0xE400, s30;
	s0 =	sadd.s32 s5, s0  }
0x21f: {  	[tilespmem:s1], [sflag:$0x2] =	stream.linear.gather [hbm4b:s0+s2], $0x400, $0x38;
	[tilespmem:$0x18A00] =	vst v63  }
0x220: {  	s0 =	sand.u32 $0x1FFFFF80, s3;
	s3 =	spop (v2sf);
	(v2sf) =	vpush v1, $0xC  }
0x221: {  	s13 =	sor.u32 $0x2800, s30;
	s0 =	sadd.s32 s4, s0  }
0x222: {  	[tilespmem:s13], [sflag:$0x1] =	stream.linear.gather [hbm4b:s0+s2], $0x400, $0x38;
	[tilespmem:$0x18A00] =	vst v63  }
0x223: {  	s0 =	sand.u32 $0x1FFFFF80, s31  }
0x224: {  	s1 =	sadd.s32 $0xE800, s30;
	s0 =	sadd.s32 s5, s0;
	s31 =	spop (v2sf);
	(v2sf) =	vpush v63, $0xC  }
0x225: {  	[tilespmem:s1], [sflag:$0x2] =	stream.linear.gather [hbm4b:s0+s2], $0x400, $0x38;
	[tilespmem:$0x18A00] =	vst v63  }
0x226: {  	s0 =	sand.u32 $0x1FFFFF80, s3;
	s3 =	spop (v2sf);
	(v2sf) =	vpush v1, $0xD  }
0x227: {  	s13 =	sor.u32 $0x2C00, s30;
	s0 =	sadd.s32 s4, s0  }
0x228: {  	[tilespmem:s13], [sflag:$0x1] =	stream.linear.gather [hbm4b:s0+s2], $0x400, $0x38;
	[tilespmem:$0x18A00] =	vst v63  }
0x229: {  	s0 =	sand.u32 $0x1FFFFF80, s31;
	s31 =	spop (v2sf);
	(v2sf) =	vpush v63, $0xD  }
0x22a: {  	s1 =	sadd.s32 $0xEC00, s30;
	s0 =	sadd.s32 s5, s0  }
0x22b: {  	[tilespmem:s1], [sflag:$0x2] =	stream.linear.gather [hbm4b:s0+s2], $0x400, $0x38;
	[tilespmem:$0x18A00] =	vst v63  }
0x22c: {  	s0 =	sand.u32 $0x1FFFFF80, s3  }
0x22d: {  	s13 =	sor.u32 $0x3000, s30;
	s0 =	sadd.s32 s4, s0  }
0x22e: {  	[tilespmem:s13], [sflag:$0x1] =	stream.linear.gather [hbm4b:s0+s2], $0x400, $0x38;
	[tilespmem:$0x18A00] =	vst v63  }
0x22f: {  	s0 =	sand.u32 $0x1FFFFF80, s31;
	s3 =	spop (v2sf);
	(v2sf) =	vpush v1, $0xE  }
0x230: {  	s1 =	sadd.s32 $0xF000, s30;
	s0 =	sadd.s32 s5, s0  }
0x231: {  	[tilespmem:s1], [sflag:$0x2] =	stream.linear.gather [hbm4b:s0+s2], $0x400, $0x38;
	[tilespmem:$0x18A00] =	vst v63  }
0x232: {  	s0 =	sand.u32 $0x1FFFFF80, s3  }
0x233: {  	s13 =	sor.u32 $0x3400, s30;
	s0 =	sadd.s32 s4, s0;
	s31 =	spop (v2sf);
	(v2sf) =	vpush v63, $0xE  }
0x234: {  	[tilespmem:s13], [sflag:$0x1] =	stream.linear.gather [hbm4b:s0+s2], $0x400, $0x38;
	[tilespmem:$0x18A00] =	vst v63  }
0x235: {  	s0 =	sand.u32 $0x1FFFFF80, s31;
	s3 =	spop (v2sf);
	(v2sf) =	vpush v1, $0xF  }
0x236: {  	s1 =	sadd.s32 $0xF400, s30;
	s0 =	sadd.s32 s5, s0  }
0x237: {  	[tilespmem:s1], [sflag:$0x2] =	stream.linear.gather [hbm4b:s0+s2], $0x400, $0x38;
	[tilespmem:$0x18A00] =	vst v63  }
0x238: {  	s31 =	spop (v2sf);
	(v2sf) =	vpush v63, $0xF;
	s0 =	sand.u32 $0x1FFFFF80, s3  }
0x239: {  	s13 =	sor.u32 $0x3800, s30;
	s0 =	sadd.s32 s4, s0  }
0x23a: {  	[tilespmem:s13], [sflag:$0x1] =	stream.linear.gather [hbm4b:s0+s2], $0x400, $0x38;
	[tilespmem:$0x18A00] =	vst v63  }
0x23b: {  	s0 =	sand.u32 $0x1FFFFF80, s31  }
0x23c: {  	s1 =	sadd.s32 $0xF800, s30;
	s0 =	sadd.s32 s5, s0  }
0x23d: {  	[tilespmem:s1], [sflag:$0x2] =	stream.linear.gather [hbm4b:s0+s2], $0x400, $0x38;
	[tilespmem:$0x18A00] =	vst v63  }
0x23e: {  	s3 =	spop (v2sf)  }
0x23f: {  	s0 =	sand.u32 $0x1FFFFF80, s3  }
0x240: {  	s13 =	sor.u32 $0x3C00, s30;
	s0 =	sadd.s32 s4, s0  }
0x241: {  	[tilespmem:s13], [sflag:$0x1] =	stream.linear.gather [hbm4b:s0+s2], $0x400, $0x38;
	[tilespmem:$0x18A00] =	vst v63  }
0x242: {  	s31 =	spop (v2sf)  }
0x243: {  	s0 =	sand.u32 $0x1FFFFF80, s31  }
0x244: {  	s1 =	sadd.s32 $0xFC00, s30;
	s3 =	spop (v2sf);
	s0 =	sadd.s32 s5, s0  }
0x245: {  	[tilespmem:s1], [sflag:$0x2] =	stream.linear.gather [hbm4b:s0+s2], $0x400, $0x38;
	[tilespmem:$0x18A00] =	vst v63  }
0x246: {  	s13 =	sadd.s32 $0x4000, s30;
	s0 =	sand.u32 $0x1FFFFF80, s3  }
.Ltmp5:
0x247: {  	s31 =	spop (v2sf);
	s0 =	sadd.s32 s4, s0;
	(pc) =	sbr.rel .LBB2_4-.Ltmp5, $4  }
0x248: {  	[tilespmem:s13], [sflag:$0x1] =	stream.linear.gather [hbm4b:s0+s2], $0x400, $0x38;
	[tilespmem:$0x18A00] =	vst v63  }
0x249: {  	s0 =	sand.u32 $0x1FFFFF80, s31  }
0x24a: {  	s30 =	sor.u32 $0x10000, s30;
	s0 =	sadd.s32 s5, s0  }
0x24b: {  	[tilespmem:s30], [sflag:$0x2] =	stream.linear.gather [hbm4b:s0+s2], $0x400, $0x38;
	[tilespmem:$0x18A00] =	vst v63  }
.LBB2_6:
0x24c: {  	_ =	sfence.sel $0x180000  }
0x24d: {  	[bflag:$0x0] =	sbarrier.arrive $0xFFFF  }
0x24e: {  	_ =	strace $0x90000047  }
0x24f: {  	s0 =	stileid.u32;
	[bflag:$0x2] =	sbarrier.arrive $0xFFFF  }
0x250: {  	p0 =	sne.s32 s0, $0x0;
	s0 =	rddreg [dreg:$0x4]  }
0x251: {  	s0 =	sadd.s32 @!p0 $0x100000, s0  }
0x252: {  	[sflag:s0] =	ssyncadd.tile.s32 @!p0 $0x1;
	_ =	shalt  }
.Lfunc_end2:
_tile_overlayer_lowered:
.L_overlay_start_2:
0x253: {  	(tag) =	ssettag $0x2  }
0x254: {  	s0 =	rddreg [dreg:$0x0];
	s2 =	stileid.u32  }
0x255: {  	s1 =	rddreg [dreg:$0x1];
	p0 =	sne.s32 s2, $0x0  }
0x256: {  	s3 =	rddreg [dreg:$0x2];
	[bflag:$0x3] =	sbarrier.arrive $0xFFFF;
	s2 =	simm.s32 @!p0 $0x1C05  }
0x257: {  	[timem:s3], [sflag:s2] =	dma.local @!p0 [hbm:s0], s1  }
0x258: {  	s0 =	simm.s32 @!p0 $0x5  }
0x259: {  	_ =	swait.ge @!p0 [sflag:s0], s1  }
0x25a: {  	s1 =	ssub.s32 @!p0 $0x0, s1;
	[sflag:s0] =	ssyncset.done @!p0 $0x0  }
0x25b: {  	[sflag:s0] =	ssyncadd.s32 @!p0 s1  }
0x25c: {  	[bflag:$0x3] =	sbarrier.arrive $0xFFFF  }
0x25d: {  	_ =	shalt  }

</sc_bundles>
